<compile_context>
chip_gen: v7x
topology: tpu7x:2x2x1
jax: 0.10.2.dev20260603
libtpu: 0.0.44.dev20260713+nightly
codegen_flags: <defaults>
</compile_context>

<pallas_src>
import jax
import jax.numpy as jnp
from jax import lax
from jax.experimental import pallas as pl
from jax.experimental.pallas import tpu as pltpu
from jax.experimental.pallas import tpu_sc as plsc

_B, _E, _H, _W = 32, 768, 16, 16
_HW = _H * _W
_NC, _NS = 2, 16
_NW = _NC * _NS
_EC = _E // _NW


def _sc_body(row_hbm, col_hbm, out_hbm, row_v, col_v, pos_v, sem):
    wid = lax.axis_index("s") * _NC + lax.axis_index("c")
    e0 = wid * _EC
    pltpu.sync_copy(row_hbm.at[pl.ds(0, _H)], row_v)
    pltpu.sync_copy(col_hbm.at[pl.ds(0, _W)], col_v)
    lanes = lax.broadcasted_iota(jnp.int32, (16,), 0)
    for i in range(_EC):
        evec = jnp.full((16,), e0 + i, dtype=jnp.int32)
        colvec = plsc.load_gather(col_v, [lanes, evec])
        rowvec = plsc.load_gather(row_v, [lanes, evec])
        for h in range(_H):
            pos_v[i, pl.ds(h * _W, _W)] = colvec + rowvec[h]
    for b in range(_B):
        pltpu.make_async_copy(
            pos_v, out_hbm.at[b, pl.ds(e0, _EC)], sem
        ).start()
    for b in range(_B):
        pltpu.make_async_copy(
            pos_v, out_hbm.at[b, pl.ds(e0, _EC)], sem
        ).wait()


def kernel(x, row_table, col_table):
    B, E, H, W = x.shape
    mesh = plsc.VectorSubcoreMesh(
        core_axis_name="c", subcore_axis_name="s",
        num_cores=_NC, num_subcores=_NS,
    )
    out3 = pl.kernel(
        _sc_body,
        out_type=jax.ShapeDtypeStruct((_B, _E, _HW), jnp.float32),
        mesh=mesh,
        compiler_params=pltpu.CompilerParams(
            use_tc_tiling_on_sc=False, needs_layout_passes=False
        ),
        scratch_types=[
            pltpu.VMEM((_H, _E), jnp.float32),
            pltpu.VMEM((_W, _E), jnp.float32),
            pltpu.VMEM((_EC, _HW), jnp.float32),
            pltpu.SemaphoreType.DMA,
        ],
    )(row_table, col_table)
    return out3.reshape(B, E, H, W)

# --- scband reference (transcript-rebuilt; emitter-appended) ---
"""Pipeline reference for scband-image-positional-embedding-81149112091206 (READ-ONLY COPY).

The authoritative reference and input builder live on the scoring server;
editing this copy changes nothing except your own understanding.
"""

import jax, jax.numpy as jnp
import numpy as np

EMB_SIZE = 768
IMAGE_SIZE = 256

def setup_inputs(seed: int = 0) -> dict:
    key = jax.random.key(seed)
    k1, k2, k3 = jax.random.split(key, 3)
    x = jax.random.normal(k1, (32, 768, 16, 16), dtype=jnp.float32)
    # learned embedding tables (nn.Embedding default init ~ N(0,1))
    row_table = jax.random.normal(k2, (IMAGE_SIZE, EMB_SIZE), dtype=jnp.float32)
    col_table = jax.random.normal(k3, (IMAGE_SIZE, EMB_SIZE), dtype=jnp.float32)
    return {"x": x, "row_table": row_table, "col_table": col_table}

def reference(x, row_table, col_table):
    B, C, H, W = x.shape
    rows = jnp.arange(H)
    cols = jnp.arange(W)
    row_emb = jnp.take(row_table, rows, axis=0)[:, None, :]   # [H, 1, E]
    col_emb = jnp.take(col_table, cols, axis=0)[None, :, :]   # [1, W, E]
    pos_emb = row_emb + col_emb                                # [H, W, E]
    pos_emb = jnp.transpose(pos_emb, (2, 0, 1))[None, :, :, :] # [1, E, H, W]
    pos_emb = jnp.tile(pos_emb, (B, 1, 1, 1))                  # [B, E, H, W]
    return pos_emb

if __name__ == "__main__":
    import jax
    _d = setup_inputs()
    print(jax.jit(kernel)(*tuple(_d.values())))

</pallas_src>

<mosaic_0001>
#map = affine_map<(d0, d1) -> (0, 0)>
#map1 = affine_map<(d0, d1) -> (0, 0, 0)>
module attributes {stable_mosaic.version = 14 : i64} {
  func.func @_sc_body(%arg0: i32, %arg1: i32, %arg2: memref<256x768xf32, #tpu.memory_space<hbm>>, %arg3: memref<256x768xf32, #tpu.memory_space<hbm>>, %arg4: memref<32x768x256xf32, #tpu.memory_space<hbm>>, %arg5: memref<16x768xf32, #tpu.memory_space<vmem>>, %arg6: memref<16x768xf32, #tpu.memory_space<vmem>>, %arg7: memref<24x256xf32, #tpu.memory_space<vmem>>, %arg8: memref<!tpu.dma_semaphore, #tpu.memory_space<semaphore_mem>>) attributes {dimension_semantics = [#tpu.dimension_semantics<core_parallel>, #tpu.dimension_semantics<subcore_parallel>], iteration_bounds = array<i64: 2, 16>, scalar_prefetch = 0 : i64, scratch_operands = 4 : i64, tpu.core_type = #tpu.core_type<sc_vector_subcore>, window_params = [{transform_indices = #map}, {transform_indices = #map}, {transform_indices = #map1}]} {
    %mul3A = arith.constant 2 : i32
    %mul3A_0 = arith.muli %arg1, %mul3A : i32
    %add3A = arith.addi %mul3A_0, %arg0 : i32
    %mul3A_1 = arith.constant 24 : i32
    %mul3A_2 = arith.muli %add3A, %mul3A_1 : i32
    "tpu.region"() ({
      %run_scoped3A = tpu.sem_alloc : memref<!tpu.dma_semaphore, #tpu.memory_space<semaphore_mem>>
      %dma_start3A_3636 = arith.constant 0 : i32
      %dma_start3A_3637 = arith.constant 0 : i32
      %dma_start3A_3638 = tpu.memref_slice %arg2[%dma_start3A_3636, %dma_start3A_3637] : memref<256x768xf32, #tpu.memory_space<hbm>> -> memref<16x768xf32, #tpu.memory_space<hbm>>
      %dma_start3A_3639 = arith.constant 0 : i32
      %dma_start3A_3640 = arith.constant 0 : i32
      %dma_start3A_3641 = tpu.memref_slice %arg2[%dma_start3A_3639, %dma_start3A_3640] : memref<256x768xf32, #tpu.memory_space<hbm>> -> memref<16x768xf32, #tpu.memory_space<hbm>>
      tpu.enqueue_dma source(%dma_start3A_3641 : memref<16x768xf32, #tpu.memory_space<hbm>>) target(%arg5 : memref<16x768xf32, #tpu.memory_space<vmem>>) target_semaphore(%run_scoped3A : memref<!tpu.dma_semaphore, #tpu.memory_space<semaphore_mem>>)
      %dma_wait3A_3642 = arith.constant 0 : i32
      %dma_wait3A_3643 = arith.constant 0 : i32
      %dma_wait3A_3644 = tpu.memref_slice %arg2[%dma_wait3A_3642, %dma_wait3A_3643] : memref<256x768xf32, #tpu.memory_space<hbm>> -> memref<16x768xf32, #tpu.memory_space<hbm>>
      %dma_wait3A_3645 = arith.constant 0 : i32
      %dma_wait3A_3646 = arith.constant 0 : i32
      %dma_wait3A_3647 = tpu.memref_slice %arg2[%dma_wait3A_3645, %dma_wait3A_3646] : memref<256x768xf32, #tpu.memory_space<hbm>> -> memref<16x768xf32, #tpu.memory_space<hbm>>
      tpu.wait_dma2 semaphore(%run_scoped3A : memref<!tpu.dma_semaphore, #tpu.memory_space<semaphore_mem>>) src(%dma_wait3A_3647 : memref<16x768xf32, #tpu.memory_space<hbm>>) dst(%arg5 : memref<16x768xf32, #tpu.memory_space<vmem>>)
      tpu.yield
    }) : () -> ()
    "tpu.region"() ({
      %run_scoped3A = tpu.sem_alloc : memref<!tpu.dma_semaphore, #tpu.memory_space<semaphore_mem>>
      %dma_start3A_3636 = arith.constant 0 : i32
      %dma_start3A_3637 = arith.constant 0 : i32
      %dma_start3A_3638 = tpu.memref_slice %arg3[%dma_start3A_3636, %dma_start3A_3637] : memref<256x768xf32, #tpu.memory_space<hbm>> -> memref<16x768xf32, #tpu.memory_space<hbm>>
      %dma_start3A_3639 = arith.constant 0 : i32
      %dma_start3A_3640 = arith.constant 0 : i32
      %dma_start3A_3641 = tpu.memref_slice %arg3[%dma_start3A_3639, %dma_start3A_3640] : memref<256x768xf32, #tpu.memory_space<hbm>> -> memref<16x768xf32, #tpu.memory_space<hbm>>
      tpu.enqueue_dma source(%dma_start3A_3641 : memref<16x768xf32, #tpu.memory_space<hbm>>) target(%arg6 : memref<16x768xf32, #tpu.memory_space<vmem>>) target_semaphore(%run_scoped3A : memref<!tpu.dma_semaphore, #tpu.memory_space<semaphore_mem>>)
      %dma_wait3A_3642 = arith.constant 0 : i32
      %dma_wait3A_3643 = arith.constant 0 : i32
      %dma_wait3A_3644 = tpu.memref_slice %arg3[%dma_wait3A_3642, %dma_wait3A_3643] : memref<256x768xf32, #tpu.memory_space<hbm>> -> memref<16x768xf32, #tpu.memory_space<hbm>>
      %dma_wait3A_3645 = arith.constant 0 : i32
      %dma_wait3A_3646 = arith.constant 0 : i32
      %dma_wait3A_3647 = tpu.memref_slice %arg3[%dma_wait3A_3645, %dma_wait3A_3646] : memref<256x768xf32, #tpu.memory_space<hbm>> -> memref<16x768xf32, #tpu.memory_space<hbm>>
      tpu.wait_dma2 semaphore(%run_scoped3A : memref<!tpu.dma_semaphore, #tpu.memory_space<semaphore_mem>>) src(%dma_wait3A_3647 : memref<16x768xf32, #tpu.memory_space<hbm>>) dst(%arg6 : memref<16x768xf32, #tpu.memory_space<vmem>>)
      tpu.yield
    }) : () -> ()
    %iota3A = tpu.iota {dimensions = array<i32: 0>} : vector<16xi32>
    %add3A_3 = arith.constant 0 : i32
    %add3A_4 = arith.addi %mul3A_2, %add3A_3 : i32
    %broadcast_in_dim3A = vector.broadcast %add3A_4 : i32 to vector<16xi32>
    %gather3A = tpu.vector_load_idx %arg6[%iota3A, %broadcast_in_dim3A] : memref<16x768xf32, #tpu.memory_space<vmem>>[vector<16xi32>, vector<16xi32>], vector<16xf32>,
    %gather3A_5 = tpu.vector_load_idx %arg5[%iota3A, %broadcast_in_dim3A] : memref<16x768xf32, #tpu.memory_space<vmem>>[vector<16xi32>, vector<16xi32>], vector<16xf32>,
    %slice3A = vector.extract_strided_slice %gather3A_5 {offsets = [0], sizes = [1], strides = [1]} : vector<16xf32> to vector<1xf32>
    %squeeze3A = vector.extract %slice3A[0] : f32 from vector<1xf32>
    %add3A_6 = vector.broadcast %squeeze3A : f32 to vector<16xf32>
    %add3A_7 = arith.addf %gather3A, %add3A_6 : vector<16xf32>
    %swap3A = arith.constant 0 : i32
    %swap3A_8 = arith.index_cast %swap3A : i32 to index
    %swap3A_9 = arith.constant 0 : index
    %swap3A_10 = tpu.vector_load %arg7[%swap3A_8, %swap3A_9] {strides = array<i32>} : memref<24x256xf32, #tpu.memory_space<vmem>>, vector<16xf32>,
    tpu.vector_store %arg7[%swap3A_8, %swap3A_9], %add3A_7 {strides = array<i32>} : memref<24x256xf32, #tpu.memory_space<vmem>>, vector<16xf32>,
    %slice3A_11 = vector.extract_strided_slice %gather3A_5 {offsets = [1], sizes = [1], strides = [1]} : vector<16xf32> to vector<1xf32>
    %squeeze3A_12 = vector.extract %slice3A_11[0] : f32 from vector<1xf32>
    %add3A_13 = vector.broadcast %squeeze3A_12 : f32 to vector<16xf32>
    %add3A_14 = arith.addf %gather3A, %add3A_13 : vector<16xf32>
    %swap3A_15 = arith.constant 0 : i32
    %swap3A_16 = arith.index_cast %swap3A_15 : i32 to index
    %swap3A_17 = arith.constant 16 : index
    %swap3A_18 = tpu.vector_load %arg7[%swap3A_16, %swap3A_17] {strides = array<i32>} : memref<24x256xf32, #tpu.memory_space<vmem>>, vector<16xf32>,
    tpu.vector_store %arg7[%swap3A_16, %swap3A_17], %add3A_14 {strides = array<i32>} : memref<24x256xf32, #tpu.memory_space<vmem>>, vector<16xf32>,
    %slice3A_19 = vector.extract_strided_slice %gather3A_5 {offsets = [2], sizes = [1], strides = [1]} : vector<16xf32> to vector<1xf32>
    %squeeze3A_20 = vector.extract %slice3A_19[0] : f32 from vector<1xf32>
    %add3A_21 = vector.broadcast %squeeze3A_20 : f32 to vector<16xf32>
    %add3A_22 = arith.addf %gather3A, %add3A_21 : vector<16xf32>
    %swap3A_23 = arith.constant 0 : i32
    %swap3A_24 = arith.index_cast %swap3A_23 : i32 to index
    %swap3A_25 = arith.constant 32 : index
    %swap3A_26 = tpu.vector_load %arg7[%swap3A_24, %swap3A_25] {strides = array<i32>} : memref<24x256xf32, #tpu.memory_space<vmem>>, vector<16xf32>,
    tpu.vector_store %arg7[%swap3A_24, %swap3A_25], %add3A_22 {strides = array<i32>} : memref<24x256xf32, #tpu.memory_space<vmem>>, vector<16xf32>,
    %slice3A_27 = vector.extract_strided_slice %gather3A_5 {offsets = [3], sizes = [1], strides = [1]} : vector<16xf32> to vector<1xf32>
    %squeeze3A_28 = vector.extract %slice3A_27[0] : f32 from vector<1xf32>
    %add3A_29 = vector.broadcast %squeeze3A_28 : f32 to vector<16xf32>
    %add3A_30 = arith.addf %gather3A, %add3A_29 : vector<16xf32>
    %swap3A_31 = arith.constant 0 : i32
    %swap3A_32 = arith.index_cast %swap3A_31 : i32 to index
    %swap3A_33 = arith.constant 48 : index
    %swap3A_34 = tpu.vector_load %arg7[%swap3A_32, %swap3A_33] {strides = array<i32>} : memref<24x256xf32, #tpu.memory_space<vmem>>, vector<16xf32>,
    tpu.vector_store %arg7[%swap3A_32, %swap3A_33], %add3A_30 {strides = array<i32>} : memref<24x256xf32, #tpu.memory_space<vmem>>, vector<16xf32>,
    %slice3A_35 = vector.extract_strided_slice %gather3A_5 {offsets = [4], sizes = [1], strides = [1]} : vector<16xf32> to vector<1xf32>
    %squeeze3A_36 = vector.extract %slice3A_35[0] : f32 from vector<1xf32>
    %add3A_37 = vector.broadcast %squeeze3A_36 : f32 to vector<16xf32>
    %add3A_38 = arith.addf %gather3A, %add3A_37 : vector<16xf32>
    %swap3A_39 = arith.constant 0 : i32
    %swap3A_40 = arith.index_cast %swap3A_39 : i32 to index
    %swap3A_41 = arith.constant 64 : index
    %swap3A_42 = tpu.vector_load %arg7[%swap3A_40, %swap3A_41] {strides = array<i32>} : memref<24x256xf32, #tpu.memory_space<vmem>>, vector<16xf32>,
    tpu.vector_store %arg7[%swap3A_40, %swap3A_41], %add3A_38 {strides = array<i32>} : memref<24x256xf32, #tpu.memory_space<vmem>>, vector<16xf32>,
    %slice3A_43 = vector.extract_strided_slice %gather3A_5 {offsets = [5], sizes = [1], strides = [1]} : vector<16xf32> to vector<1xf32>
    %squeeze3A_44 = vector.extract %slice3A_43[0] : f32 from vector<1xf32>
    %add3A_45 = vector.broadcast %squeeze3A_44 : f32 to vector<16xf32>
    %add3A_46 = arith.addf %gather3A, %add3A_45 : vector<16xf32>
    %swap3A_47 = arith.constant 0 : i32
    %swap3A_48 = arith.index_cast %swap3A_47 : i32 to index
    %swap3A_49 = arith.constant 80 : index
    %swap3A_50 = tpu.vector_load %arg7[%swap3A_48, %swap3A_49] {strides = array<i32>} : memref<24x256xf32, #tpu.memory_space<vmem>>, vector<16xf32>,
    tpu.vector_store %arg7[%swap3A_48, %swap3A_49], %add3A_46 {strides = array<i32>} : memref<24x256xf32, #tpu.memory_space<vmem>>, vector<16xf32>,
    %slice3A_51 = vector.extract_strided_slice %gather3A_5 {offsets = [6], sizes = [1], strides = [1]} : vector<16xf32> to vector<1xf32>
    %squeeze3A_52 = vector.extract %slice3A_51[0] : f32 from vector<1xf32>
    %add3A_53 = vector.broadcast %squeeze3A_52 : f32 to vector<16xf32>
    %add3A_54 = arith.addf %gather3A, %add3A_53 : vector<16xf32>
    %swap3A_55 = arith.constant 0 : i32
    %swap3A_56 = arith.index_cast %swap3A_55 : i32 to index
    %swap3A_57 = arith.constant 96 : index
    %swap3A_58 = tpu.vector_load %arg7[%swap3A_56, %swap3A_57] {strides = array<i32>} : memref<24x256xf32, #tpu.memory_space<vmem>>, vector<16xf32>,
    tpu.vector_store %arg7[%swap3A_56, %swap3A_57], %add3A_54 {strides = array<i32>} : memref<24x256xf32, #tpu.memory_space<vmem>>, vector<16xf32>,
    %slice3A_59 = vector.extract_strided_slice %gather3A_5 {offsets = [7], sizes = [1], strides = [1]} : vector<16xf32> to vector<1xf32>
    %squeeze3A_60 = vector.extract %slice3A_59[0] : f32 from vector<1xf32>
    %add3A_61 = vector.broadcast %squeeze3A_60 : f32 to vector<16xf32>
    %add3A_62 = arith.addf %gather3A, %add3A_61 : vector<16xf32>
    %swap3A_63 = arith.constant 0 : i32
    %swap3A_64 = arith.index_cast %swap3A_63 : i32 to index
    %swap3A_65 = arith.constant 112 : index
    %swap3A_66 = tpu.vector_load %arg7[%swap3A_64, %swap3A_65] {strides = array<i32>} : memref<24x256xf32, #tpu.memory_space<vmem>>, vector<16xf32>,
    tpu.vector_store %arg7[%swap3A_64, %swap3A_65], %add3A_62 {strides = array<i32>} : memref<24x256xf32, #tpu.memory_space<vmem>>, vector<16xf32>,
    %slice3A_67 = vector.extract_strided_slice %gather3A_5 {offsets = [8], sizes = [1], strides = [1]} : vector<16xf32> to vector<1xf32>
    %squeeze3A_68 = vector.extract %slice3A_67[0] : f32 from vector<1xf32>
    %add3A_69 = vector.broadcast %squeeze3A_68 : f32 to vector<16xf32>
    %add3A_70 = arith.addf %gather3A, %add3A_69 : vector<16xf32>
    %swap3A_71 = arith.constant 0 : i32
    %swap3A_72 = arith.index_cast %swap3A_71 : i32 to index
    %swap3A_73 = arith.constant 128 : index
    %swap3A_74 = tpu.vector_load %arg7[%swap3A_72, %swap3A_73] {strides = array<i32>} : memref<24x256xf32, #tpu.memory_space<vmem>>, vector<16xf32>,
    tpu.vector_store %arg7[%swap3A_72, %swap3A_73], %add3A_70 {strides = array<i32>} : memref<24x256xf32, #tpu.memory_space<vmem>>, vector<16xf32>,
    %slice3A_75 = vector.extract_strided_slice %gather3A_5 {offsets = [9], sizes = [1], strides = [1]} : vector<16xf32> to vector<1xf32>
    %squeeze3A_76 = vector.extract %slice3A_75[0] : f32 from vector<1xf32>
    %add3A_77 = vector.broadcast %squeeze3A_76 : f32 to vector<16xf32>
    %add3A_78 = arith.addf %gather3A, %add3A_77 : vector<16xf32>
    %swap3A_79 = arith.constant 0 : i32
    %swap3A_80 = arith.index_cast %swap3A_79 : i32 to index
    %swap3A_81 = arith.constant 144 : index
    %swap3A_82 = tpu.vector_load %arg7[%swap3A_80, %swap3A_81] {strides = array<i32>} : memref<24x256xf32, #tpu.memory_space<vmem>>, vector<16xf32>,
    tpu.vector_store %arg7[%swap3A_80, %swap3A_81], %add3A_78 {strides = array<i32>} : memref<24x256xf32, #tpu.memory_space<vmem>>, vector<16xf32>,
    %slice3A_83 = vector.extract_strided_slice %gather3A_5 {offsets = [10], sizes = [1], strides = [1]} : vector<16xf32> to vector<1xf32>
    %squeeze3A_84 = vector.extract %slice3A_83[0] : f32 from vector<1xf32>
    %add3A_85 = vector.broadcast %squeeze3A_84 : f32 to vector<16xf32>
    %add3A_86 = arith.addf %gather3A, %add3A_85 : vector<16xf32>
    %swap3A_87 = arith.constant 0 : i32
    %swap3A_88 = arith.index_cast %swap3A_87 : i32 to index
    %swap3A_89 = arith.constant 160 : index
    %swap3A_90 = tpu.vector_load %arg7[%swap3A_88, %swap3A_89] {strides = array<i32>} : memref<24x256xf32, #tpu.memory_space<vmem>>, vector<16xf32>,
    tpu.vector_store %arg7[%swap3A_88, %swap3A_89], %add3A_86 {strides = array<i32>} : memref<24x256xf32, #tpu.memory_space<vmem>>, vector<16xf32>,
    %slice3A_91 = vector.extract_strided_slice %gather3A_5 {offsets = [11], sizes = [1], strides = [1]} : vector<16xf32> to vector<1xf32>
    %squeeze3A_92 = vector.extract %slice3A_91[0] : f32 from vector<1xf32>
    %add3A_93 = vector.broadcast %squeeze3A_92 : f32 to vector<16xf32>
    %add3A_94 = arith.addf %gather3A, %add3A_93 : vector<16xf32>
    %swap3A_95 = arith.constant 0 : i32
    %swap3A_96 = arith.index_cast %swap3A_95 : i32 to index
    %swap3A_97 = arith.constant 176 : index
    %swap3A_98 = tpu.vector_load %arg7[%swap3A_96, %swap3A_97] {strides = array<i32>} : memref<24x256xf32, #tpu.memory_space<vmem>>, vector<16xf32>,
    tpu.vector_store %arg7[%swap3A_96, %swap3A_97], %add3A_94 {strides = array<i32>} : memref<24x256xf32, #tpu.memory_space<vmem>>, vector<16xf32>,
    %slice3A_99 = vector.extract_strided_slice %gather3A_5 {offsets = [12], sizes = [1], strides = [1]} : vector<16xf32> to vector<1xf32>
    %squeeze3A_100 = vector.extract %slice3A_99[0] : f32 from vector<1xf32>
    %add3A_101 = vector.broadcast %squeeze3A_100 : f32 to vector<16xf32>
    %add3A_102 = arith.addf %gather3A, %add3A_101 : vector<16xf32>
    %swap3A_103 = arith.constant 0 : i32
    %swap3A_104 = arith.index_cast %swap3A_103 : i32 to index
    %swap3A_105 = arith.constant 192 : index
    %swap3A_106 = tpu.vector_load %arg7[%swap3A_104, %swap3A_105] {strides = array<i32>} : memref<24x256xf32, #tpu.memory_space<vmem>>, vector<16xf32>,
    tpu.vector_store %arg7[%swap3A_104, %swap3A_105], %add3A_102 {strides = array<i32>} : memref<24x256xf32, #tpu.memory_space<vmem>>, vector<16xf32>,
    %slice3A_107 = vector.extract_strided_slice %gather3A_5 {offsets = [13], sizes = [1], strides = [1]} : vector<16xf32> to vector<1xf32>
    %squeeze3A_108 = vector.extract %slice3A_107[0] : f32 from vector<1xf32>
    %add3A_109 = vector.broadcast %squeeze3A_108 : f32 to vector<16xf32>
    %add3A_110 = arith.addf %gather3A, %add3A_109 : vector<16xf32>
    %swap3A_111 = arith.constant 0 : i32
    %swap3A_112 = arith.index_cast %swap3A_111 : i32 to index
    %swap3A_113 = arith.constant 208 : index
    %swap3A_114 = tpu.vector_load %arg7[%swap3A_112, %swap3A_113] {strides = array<i32>} : memref<24x256xf32, #tpu.memory_space<vmem>>, vector<16xf32>,
    tpu.vector_store %arg7[%swap3A_112, %swap3A_113], %add3A_110 {strides = array<i32>} : memref<24x256xf32, #tpu.memory_space<vmem>>, vector<16xf32>,
    %slice3A_115 = vector.extract_strided_slice %gather3A_5 {offsets = [14], sizes = [1], strides = [1]} : vector<16xf32> to vector<1xf32>
    %squeeze3A_116 = vector.extract %slice3A_115[0] : f32 from vector<1xf32>
    %add3A_117 = vector.broadcast %squeeze3A_116 : f32 to vector<16xf32>
    %add3A_118 = arith.addf %gather3A, %add3A_117 : vector<16xf32>
    %swap3A_119 = arith.constant 0 : i32
    %swap3A_120 = arith.index_cast %swap3A_119 : i32 to index
    %swap3A_121 = arith.constant 224 : index
    %swap3A_122 = tpu.vector_load %arg7[%swap3A_120, %swap3A_121] {strides = array<i32>} : memref<24x256xf32, #tpu.memory_space<vmem>>, vector<16xf32>,
    tpu.vector_store %arg7[%swap3A_120, %swap3A_121], %add3A_118 {strides = array<i32>} : memref<24x256xf32, #tpu.memory_space<vmem>>, vector<16xf32>,
    %slice3A_123 = vector.extract_strided_slice %gather3A_5 {offsets = [15], sizes = [1], strides = [1]} : vector<16xf32> to vector<1xf32>
    %squeeze3A_124 = vector.extract %slice3A_123[0] : f32 from vector<1xf32>
    %add3A_125 = vector.broadcast %squeeze3A_124 : f32 to vector<16xf32>
    %add3A_126 = arith.addf %gather3A, %add3A_125 : vector<16xf32>
    %swap3A_127 = arith.constant 0 : i32
    %swap3A_128 = arith.index_cast %swap3A_127 : i32 to index
    %swap3A_129 = arith.constant 240 : index
    %swap3A_130 = tpu.vector_load %arg7[%swap3A_128, %swap3A_129] {strides = array<i32>} : memref<24x256xf32, #tpu.memory_space<vmem>>, vector<16xf32>,
    tpu.vector_store %arg7[%swap3A_128, %swap3A_129], %add3A_126 {strides = array<i32>} : memref<24x256xf32, #tpu.memory_space<vmem>>, vector<16xf32>,
    %add3A_131 = arith.constant 1 : i32
    %add3A_132 = arith.addi %mul3A_2, %add3A_131 : i32
    %broadcast_in_dim3A_133 = vector.broadcast %add3A_132 : i32 to vector<16xi32>
    %gather3A_134 = tpu.vector_load_idx %arg6[%iota3A, %broadcast_in_dim3A_133] : memref<16x768xf32, #tpu.memory_space<vmem>>[vector<16xi32>, vector<16xi32>], vector<16xf32>,
    %gather3A_135 = tpu.vector_load_idx %arg5[%iota3A, %broadcast_in_dim3A_133] : memref<16x768xf32, #tpu.memory_space<vmem>>[vector<16xi32>, vector<16xi32>], vector<16xf32>,
    %slice3A_136 = vector.extract_strided_slice %gather3A_135 {offsets = [0], sizes = [1], strides = [1]} : vector<16xf32> to vector<1xf32>
    %squeeze3A_137 = vector.extract %slice3A_136[0] : f32 from vector<1xf32>
    %add3A_138 = vector.broadcast %squeeze3A_137 : f32 to vector<16xf32>
    %add3A_139 = arith.addf %gather3A_134, %add3A_138 : vector<16xf32>
    %swap3A_140 = arith.constant 1 : i32
    %swap3A_141 = arith.index_cast %swap3A_140 : i32 to index
    %swap3A_142 = arith.constant 0 : index
    %swap3A_143 = tpu.vector_load %arg7[%swap3A_141, %swap3A_142] {strides = array<i32>} : memref<24x256xf32, #tpu.memory_space<vmem>>, vector<16xf32>,
    tpu.vector_store %arg7[%swap3A_141, %swap3A_142], %add3A_139 {strides = array<i32>} : memref<24x256xf32, #tpu.memory_space<vmem>>, vector<16xf32>,
    %slice3A_144 = vector.extract_strided_slice %gather3A_135 {offsets = [1], sizes = [1], strides = [1]} : vector<16xf32> to vector<1xf32>
    %squeeze3A_145 = vector.extract %slice3A_144[0] : f32 from vector<1xf32>
    %add3A_146 = vector.broadcast %squeeze3A_145 : f32 to vector<16xf32>
    %add3A_147 = arith.addf %gather3A_134, %add3A_146 : vector<16xf32>
    %swap3A_148 = arith.constant 1 : i32
    %swap3A_149 = arith.index_cast %swap3A_148 : i32 to index
    %swap3A_150 = arith.constant 16 : index
    %swap3A_151 = tpu.vector_load %arg7[%swap3A_149, %swap3A_150] {strides = array<i32>} : memref<24x256xf32, #tpu.memory_space<vmem>>, vector<16xf32>,
    tpu.vector_store %arg7[%swap3A_149, %swap3A_150], %add3A_147 {strides = array<i32>} : memref<24x256xf32, #tpu.memory_space<vmem>>, vector<16xf32>,
    %slice3A_152 = vector.extract_strided_slice %gather3A_135 {offsets = [2], sizes = [1], strides = [1]} : vector<16xf32> to vector<1xf32>
    %squeeze3A_153 = vector.extract %slice3A_152[0] : f32 from vector<1xf32>
    %add3A_154 = vector.broadcast %squeeze3A_153 : f32 to vector<16xf32>
    %add3A_155 = arith.addf %gather3A_134, %add3A_154 : vector<16xf32>
    %swap3A_156 = arith.constant 1 : i32
    %swap3A_157 = arith.index_cast %swap3A_156 : i32 to index
    %swap3A_158 = arith.constant 32 : index
    %swap3A_159 = tpu.vector_load %arg7[%swap3A_157, %swap3A_158] {strides = array<i32>} : memref<24x256xf32, #tpu.memory_space<vmem>>, vector<16xf32>,
    tpu.vector_store %arg7[%swap3A_157, %swap3A_158], %add3A_155 {strides = array<i32>} : memref<24x256xf32, #tpu.memory_space<vmem>>, vector<16xf32>,
    %slice3A_160 = vector.extract_strided_slice %gather3A_135 {offsets = [3], sizes = [1], strides = [1]} : vector<16xf32> to vector<1xf32>
    %squeeze3A_161 = vector.extract %slice3A_160[0] : f32 from vector<1xf32>
    %add3A_162 = vector.broadcast %squeeze3A_161 : f32 to vector<16xf32>
    %add3A_163 = arith.addf %gather3A_134, %add3A_162 : vector<16xf32>
    %swap3A_164 = arith.constant 1 : i32
    %swap3A_165 = arith.index_cast %swap3A_164 : i32 to index
    %swap3A_166 = arith.constant 48 : index
    %swap3A_167 = tpu.vector_load %arg7[%swap3A_165, %swap3A_166] {strides = array<i32>} : memref<24x256xf32, #tpu.memory_space<vmem>>, vector<16xf32>,
    tpu.vector_store %arg7[%swap3A_165, %swap3A_166], %add3A_163 {strides = array<i32>} : memref<24x256xf32, #tpu.memory_space<vmem>>, vector<16xf32>,
    %slice3A_168 = vector.extract_strided_slice %gather3A_135 {offsets = [4], sizes = [1], strides = [1]} : vector<16xf32> to vector<1xf32>
    %squeeze3A_169 = vector.extract %slice3A_168[0] : f32 from vector<1xf32>
    %add3A_170 = vector.broadcast %squeeze3A_169 : f32 to vector<16xf32>
    %add3A_171 = arith.addf %gather3A_134, %add3A_170 : vector<16xf32>
    %swap3A_172 = arith.constant 1 : i32
    %swap3A_173 = arith.index_cast %swap3A_172 : i32 to index
    %swap3A_174 = arith.constant 64 : index
    %swap3A_175 = tpu.vector_load %arg7[%swap3A_173, %swap3A_174] {strides = array<i32>} : memref<24x256xf32, #tpu.memory_space<vmem>>, vector<16xf32>,
    tpu.vector_store %arg7[%swap3A_173, %swap3A_174], %add3A_171 {strides = array<i32>} : memref<24x256xf32, #tpu.memory_space<vmem>>, vector<16xf32>,
    %slice3A_176 = vector.extract_strided_slice %gather3A_135 {offsets = [5], sizes = [1], strides = [1]} : vector<16xf32> to vector<1xf32>
    %squeeze3A_177 = vector.extract %slice3A_176[0] : f32 from vector<1xf32>
    %add3A_178 = vector.broadcast %squeeze3A_177 : f32 to vector<16xf32>
    %add3A_179 = arith.addf %gather3A_134, %add3A_178 : vector<16xf32>
    %swap3A_180 = arith.constant 1 : i32
    %swap3A_181 = arith.index_cast %swap3A_180 : i32 to index
    %swap3A_182 = arith.constant 80 : index
    %swap3A_183 = tpu.vector_load %arg7[%swap3A_181, %swap3A_182] {strides = array<i32>} : memref<24x256xf32, #tpu.memory_space<vmem>>, vector<16xf32>,
    tpu.vector_store %arg7[%swap3A_181, %swap3A_182], %add3A_179 {strides = array<i32>} : memref<24x256xf32, #tpu.memory_space<vmem>>, vector<16xf32>,
    %slice3A_184 = vector.extract_strided_slice %gather3A_135 {offsets = [6], sizes = [1], strides = [1]} : vector<16xf32> to vector<1xf32>
    %squeeze3A_185 = vector.extract %slice3A_184[0] : f32 from vector<1xf32>
    %add3A_186 = vector.broadcast %squeeze3A_185 : f32 to vector<16xf32>
    %add3A_187 = arith.addf %gather3A_134, %add3A_186 : vector<16xf32>
    %swap3A_188 = arith.constant 1 : i32
    %swap3A_189 = arith.index_cast %swap3A_188 : i32 to index
    %swap3A_190 = arith.constant 96 : index
    %swap3A_191 = tpu.vector_load %arg7[%swap3A_189, %swap3A_190] {strides = array<i32>} : memref<24x256xf32, #tpu.memory_space<vmem>>, vector<16xf32>,
    tpu.vector_store %arg7[%swap3A_189, %swap3A_190], %add3A_187 {strides = array<i32>} : memref<24x256xf32, #tpu.memory_space<vmem>>, vector<16xf32>,
    %slice3A_192 = vector.extract_strided_slice %gather3A_135 {offsets = [7], sizes = [1], strides = [1]} : vector<16xf32> to vector<1xf32>
    %squeeze3A_193 = vector.extract %slice3A_192[0] : f32 from vector<1xf32>
    %add3A_194 = vector.broadcast %squeeze3A_193 : f32 to vector<16xf32>
    %add3A_195 = arith.addf %gather3A_134, %add3A_194 : vector<16xf32>
    %swap3A_196 = arith.constant 1 : i32
    %swap3A_197 = arith.index_cast %swap3A_196 : i32 to index
    %swap3A_198 = arith.constant 112 : index
    %swap3A_199 = tpu.vector_load %arg7[%swap3A_197, %swap3A_198] {strides = array<i32>} : memref<24x256xf32, #tpu.memory_space<vmem>>, vector<16xf32>,
    tpu.vector_store %arg7[%swap3A_197, %swap3A_198], %add3A_195 {strides = array<i32>} : memref<24x256xf32, #tpu.memory_space<vmem>>, vector<16xf32>,
    %slice3A_200 = vector.extract_strided_slice %gather3A_135 {offsets = [8], sizes = [1], strides = [1]} : vector<16xf32> to vector<1xf32>
    %squeeze3A_201 = vector.extract %slice3A_200[0] : f32 from vector<1xf32>
    %add3A_202 = vector.broadcast %squeeze3A_201 : f32 to vector<16xf32>
    %add3A_203 = arith.addf %gather3A_134, %add3A_202 : vector<16xf32>
    %swap3A_204 = arith.constant 1 : i32
    %swap3A_205 = arith.index_cast %swap3A_204 : i32 to index
    %swap3A_206 = arith.constant 128 : index
    %swap3A_207 = tpu.vector_load %arg7[%swap3A_205, %swap3A_206] {strides = array<i32>} : memref<24x256xf32, #tpu.memory_space<vmem>>, vector<16xf32>,
    tpu.vector_store %arg7[%swap3A_205, %swap3A_206], %add3A_203 {strides = array<i32>} : memref<24x256xf32, #tpu.memory_space<vmem>>, vector<16xf32>,
    %slice3A_208 = vector.extract_strided_slice %gather3A_135 {offsets = [9], sizes = [1], strides = [1]} : vector<16xf32> to vector<1xf32>
    %squeeze3A_209 = vector.extract %slice3A_208[0] : f32 from vector<1xf32>
    %add3A_210 = vector.broadcast %squeeze3A_209 : f32 to vector<16xf32>
    %add3A_211 = arith.addf %gather3A_134, %add3A_210 : vector<16xf32>
    %swap3A_212 = arith.constant 1 : i32
    %swap3A_213 = arith.index_cast %swap3A_212 : i32 to index
    %swap3A_214 = arith.constant 144 : index
    %swap3A_215 = tpu.vector_load %arg7[%swap3A_213, %swap3A_214] {strides = array<i32>} : memref<24x256xf32, #tpu.memory_space<vmem>>, vector<16xf32>,
    tpu.vector_store %arg7[%swap3A_213, %swap3A_214], %add3A_211 {strides = array<i32>} : memref<24x256xf32, #tpu.memory_space<vmem>>, vector<16xf32>,
    %slice3A_216 = vector.extract_strided_slice %gather3A_135 {offsets = [10], sizes = [1], strides = [1]} : vector<16xf32> to vector<1xf32>
    %squeeze3A_217 = vector.extract %slice3A_216[0] : f32 from vector<1xf32>
    %add3A_218 = vector.broadcast %squeeze3A_217 : f32 to vector<16xf32>
    %add3A_219 = arith.addf %gather3A_134, %add3A_218 : vector<16xf32>
    %swap3A_220 = arith.constant 1 : i32
    %swap3A_221 = arith.index_cast %swap3A_220 : i32 to index
    %swap3A_222 = arith.constant 160 : index
    %swap3A_223 = tpu.vector_load %arg7[%swap3A_221, %swap3A_222] {strides = array<i32>} : memref<24x256xf32, #tpu.memory_space<vmem>>, vector<16xf32>,
    tpu.vector_store %arg7[%swap3A_221, %swap3A_222], %add3A_219 {strides = array<i32>} : memref<24x256xf32, #tpu.memory_space<vmem>>, vector<16xf32>,
    %slice3A_224 = vector.extract_strided_slice %gather3A_135 {offsets = [11], sizes = [1], strides = [1]} : vector<16xf32> to vector<1xf32>
    %squeeze3A_225 = vector.extract %slice3A_224[0] : f32 from vector<1xf32>
    %add3A_226 = vector.broadcast %squeeze3A_225 : f32 to vector<16xf32>
    %add3A_227 = arith.addf %gather3A_134, %add3A_226 : vector<16xf32>
    %swap3A_228 = arith.constant 1 : i32
    %swap3A_229 = arith.index_cast %swap3A_228 : i32 to index
    %swap3A_230 = arith.constant 176 : index
    %swap3A_231 = tpu.vector_load %arg7[%swap3A_229, %swap3A_230] {strides = array<i32>} : memref<24x256xf32, #tpu.memory_space<vmem>>, vector<16xf32>,
    tpu.vector_store %arg7[%swap3A_229, %swap3A_230], %add3A_227 {strides = array<i32>} : memref<24x256xf32, #tpu.memory_space<vmem>>, vector<16xf32>,
    %slice3A_232 = vector.extract_strided_slice %gather3A_135 {offsets = [12], sizes = [1], strides = [1]} : vector<16xf32> to vector<1xf32>
    %squeeze3A_233 = vector.extract %slice3A_232[0] : f32 from vector<1xf32>
    %add3A_234 = vector.broadcast %squeeze3A_233 : f32 to vector<16xf32>
    %add3A_235 = arith.addf %gather3A_134, %add3A_234 : vector<16xf32>
    %swap3A_236 = arith.constant 1 : i32
    %swap3A_237 = arith.index_cast %swap3A_236 : i32 to index
    %swap3A_238 = arith.constant 192 : index
    %swap3A_239 = tpu.vector_load %arg7[%swap3A_237, %swap3A_238] {strides = array<i32>} : memref<24x256xf32, #tpu.memory_space<vmem>>, vector<16xf32>,
    tpu.vector_store %arg7[%swap3A_237, %swap3A_238], %add3A_235 {strides = array<i32>} : memref<24x256xf32, #tpu.memory_space<vmem>>, vector<16xf32>,
    %slice3A_240 = vector.extract_strided_slice %gather3A_135 {offsets = [13], sizes = [1], strides = [1]} : vector<16xf32> to vector<1xf32>
    %squeeze3A_241 = vector.extract %slice3A_240[0] : f32 from vector<1xf32>
    %add3A_242 = vector.broadcast %squeeze3A_241 : f32 to vector<16xf32>
    %add3A_243 = arith.addf %gather3A_134, %add3A_242 : vector<16xf32>
    %swap3A_244 = arith.constant 1 : i32
    %swap3A_245 = arith.index_cast %swap3A_244 : i32 to index
    %swap3A_246 = arith.constant 208 : index
    %swap3A_247 = tpu.vector_load %arg7[%swap3A_245, %swap3A_246] {strides = array<i32>} : memref<24x256xf32, #tpu.memory_space<vmem>>, vector<16xf32>,
    tpu.vector_store %arg7[%swap3A_245, %swap3A_246], %add3A_243 {strides = array<i32>} : memref<24x256xf32, #tpu.memory_space<vmem>>, vector<16xf32>,
    %slice3A_248 = vector.extract_strided_slice %gather3A_135 {offsets = [14], sizes = [1], strides = [1]} : vector<16xf32> to vector<1xf32>
    %squeeze3A_249 = vector.extract %slice3A_248[0] : f32 from vector<1xf32>
    %add3A_250 = vector.broadcast %squeeze3A_249 : f32 to vector<16xf32>
    %add3A_251 = arith.addf %gather3A_134, %add3A_250 : vector<16xf32>
    %swap3A_252 = arith.constant 1 : i32
    %swap3A_253 = arith.index_cast %swap3A_252 : i32 to index
    %swap3A_254 = arith.constant 224 : index
    %swap3A_255 = tpu.vector_load %arg7[%swap3A_253, %swap3A_254] {strides = array<i32>} : memref<24x256xf32, #tpu.memory_space<vmem>>, vector<16xf32>,
    tpu.vector_store %arg7[%swap3A_253, %swap3A_254], %add3A_251 {strides = array<i32>} : memref<24x256xf32, #tpu.memory_space<vmem>>, vector<16xf32>,
    %slice3A_256 = vector.extract_strided_slice %gather3A_135 {offsets = [15], sizes = [1], strides = [1]} : vector<16xf32> to vector<1xf32>
    %squeeze3A_257 = vector.extract %slice3A_256[0] : f32 from vector<1xf32>
    %add3A_258 = vector.broadcast %squeeze3A_257 : f32 to vector<16xf32>
    %add3A_259 = arith.addf %gather3A_134, %add3A_258 : vector<16xf32>
    %swap3A_260 = arith.constant 1 : i32
    %swap3A_261 = arith.index_cast %swap3A_260 : i32 to index
    %swap3A_262 = arith.constant 240 : index
    %swap3A_263 = tpu.vector_load %arg7[%swap3A_261, %swap3A_262] {strides = array<i32>} : memref<24x256xf32, #tpu.memory_space<vmem>>, vector<16xf32>,
    tpu.vector_store %arg7[%swap3A_261, %swap3A_262], %add3A_259 {strides = array<i32>} : memref<24x256xf32, #tpu.memory_space<vmem>>, vector<16xf32>,
    %add3A_264 = arith.constant 2 : i32
    %add3A_265 = arith.addi %mul3A_2, %add3A_264 : i32
    %broadcast_in_dim3A_266 = vector.broadcast %add3A_265 : i32 to vector<16xi32>
    %gather3A_267 = tpu.vector_load_idx %arg6[%iota3A, %broadcast_in_dim3A_266] : memref<16x768xf32, #tpu.memory_space<vmem>>[vector<16xi32>, vector<16xi32>], vector<16xf32>,
    %gather3A_268 = tpu.vector_load_idx %arg5[%iota3A, %broadcast_in_dim3A_266] : memref<16x768xf32, #tpu.memory_space<vmem>>[vector<16xi32>, vector<16xi32>], vector<16xf32>,
    %slice3A_269 = vector.extract_strided_slice %gather3A_268 {offsets = [0], sizes = [1], strides = [1]} : vector<16xf32> to vector<1xf32>
    %squeeze3A_270 = vector.extract %slice3A_269[0] : f32 from vector<1xf32>
    %add3A_271 = vector.broadcast %squeeze3A_270 : f32 to vector<16xf32>
    %add3A_272 = arith.addf %gather3A_267, %add3A_271 : vector<16xf32>
    %swap3A_273 = arith.constant 2 : i32
    %swap3A_274 = arith.index_cast %swap3A_273 : i32 to index
    %swap3A_275 = arith.constant 0 : index
    %swap3A_276 = tpu.vector_load %arg7[%swap3A_274, %swap3A_275] {strides = array<i32>} : memref<24x256xf32, #tpu.memory_space<vmem>>, vector<16xf32>,
    tpu.vector_store %arg7[%swap3A_274, %swap3A_275], %add3A_272 {strides = array<i32>} : memref<24x256xf32, #tpu.memory_space<vmem>>, vector<16xf32>,
    %slice3A_277 = vector.extract_strided_slice %gather3A_268 {offsets = [1], sizes = [1], strides = [1]} : vector<16xf32> to vector<1xf32>
    %squeeze3A_278 = vector.extract %slice3A_277[0] : f32 from vector<1xf32>
    %add3A_279 = vector.broadcast %squeeze3A_278 : f32 to vector<16xf32>
    %add3A_280 = arith.addf %gather3A_267, %add3A_279 : vector<16xf32>
    %swap3A_281 = arith.constant 2 : i32
    %swap3A_282 = arith.index_cast %swap3A_281 : i32 to index
    %swap3A_283 = arith.constant 16 : index
    %swap3A_284 = tpu.vector_load %arg7[%swap3A_282, %swap3A_283] {strides = array<i32>} : memref<24x256xf32, #tpu.memory_space<vmem>>, vector<16xf32>,
    tpu.vector_store %arg7[%swap3A_282, %swap3A_283], %add3A_280 {strides = array<i32>} : memref<24x256xf32, #tpu.memory_space<vmem>>, vector<16xf32>,
    %slice3A_285 = vector.extract_strided_slice %gather3A_268 {offsets = [2], sizes = [1], strides = [1]} : vector<16xf32> to vector<1xf32>
    %squeeze3A_286 = vector.extract %slice3A_285[0] : f32 from vector<1xf32>
    %add3A_287 = vector.broadcast %squeeze3A_286 : f32 to vector<16xf32>
    %add3A_288 = arith.addf %gather3A_267, %add3A_287 : vector<16xf32>
    %swap3A_289 = arith.constant 2 : i32
    %swap3A_290 = arith.index_cast %swap3A_289 : i32 to index
    %swap3A_291 = arith.constant 32 : index
    %swap3A_292 = tpu.vector_load %arg7[%swap3A_290, %swap3A_291] {strides = array<i32>} : memref<24x256xf32, #tpu.memory_space<vmem>>, vector<16xf32>,
    tpu.vector_store %arg7[%swap3A_290, %swap3A_291], %add3A_288 {strides = array<i32>} : memref<24x256xf32, #tpu.memory_space<vmem>>, vector<16xf32>,
    %slice3A_293 = vector.extract_strided_slice %gather3A_268 {offsets = [3], sizes = [1], strides = [1]} : vector<16xf32> to vector<1xf32>
    %squeeze3A_294 = vector.extract %slice3A_293[0] : f32 from vector<1xf32>
    %add3A_295 = vector.broadcast %squeeze3A_294 : f32 to vector<16xf32>
    %add3A_296 = arith.addf %gather3A_267, %add3A_295 : vector<16xf32>
    %swap3A_297 = arith.constant 2 : i32
    %swap3A_298 = arith.index_cast %swap3A_297 : i32 to index
    %swap3A_299 = arith.constant 48 : index
    %swap3A_300 = tpu.vector_load %arg7[%swap3A_298, %swap3A_299] {strides = array<i32>} : memref<24x256xf32, #tpu.memory_space<vmem>>, vector<16xf32>,
    tpu.vector_store %arg7[%swap3A_298, %swap3A_299], %add3A_296 {strides = array<i32>} : memref<24x256xf32, #tpu.memory_space<vmem>>, vector<16xf32>,
    %slice3A_301 = vector.extract_strided_slice %gather3A_268 {offsets = [4], sizes = [1], strides = [1]} : vector<16xf32> to vector<1xf32>
    %squeeze3A_302 = vector.extract %slice3A_301[0] : f32 from vector<1xf32>
    %add3A_303 = vector.broadcast %squeeze3A_302 : f32 to vector<16xf32>
    %add3A_304 = arith.addf %gather3A_267, %add3A_303 : vector<16xf32>
    %swap3A_305 = arith.constant 2 : i32
    %swap3A_306 = arith.index_cast %swap3A_305 : i32 to index
    %swap3A_307 = arith.constant 64 : index
    %swap3A_308 = tpu.vector_load %arg7[%swap3A_306, %swap3A_307] {strides = array<i32>} : memref<24x256xf32, #tpu.memory_space<vmem>>, vector<16xf32>,
    tpu.vector_store %arg7[%swap3A_306, %swap3A_307], %add3A_304 {strides = array<i32>} : memref<24x256xf32, #tpu.memory_space<vmem>>, vector<16xf32>,
    %slice3A_309 = vector.extract_strided_slice %gather3A_268 {offsets = [5], sizes = [1], strides = [1]} : vector<16xf32> to vector<1xf32>
    %squeeze3A_310 = vector.extract %slice3A_309[0] : f32 from vector<1xf32>
    %add3A_311 = vector.broadcast %squeeze3A_310 : f32 to vector<16xf32>
    %add3A_312 = arith.addf %gather3A_267, %add3A_311 : vector<16xf32>
    %swap3A_313 = arith.constant 2 : i32
    %swap3A_314 = arith.index_cast %swap3A_313 : i32 to index
    %swap3A_315 = arith.constant 80 : index
    %swap3A_316 = tpu.vector_load %arg7[%swap3A_314, %swap3A_315] {strides = array<i32>} : memref<24x256xf32, #tpu.memory_space<vmem>>, vector<16xf32>,
    tpu.vector_store %arg7[%swap3A_314, %swap3A_315], %add3A_312 {strides = array<i32>} : memref<24x256xf32, #tpu.memory_space<vmem>>, vector<16xf32>,
    %slice3A_317 = vector.extract_strided_slice %gather3A_268 {offsets = [6], sizes = [1], strides = [1]} : vector<16xf32> to vector<1xf32>
    %squeeze3A_318 = vector.extract %slice3A_317[0] : f32 from vector<1xf32>
    %add3A_319 = vector.broadcast %squeeze3A_318 : f32 to vector<16xf32>
    %add3A_320 = arith.addf %gather3A_267, %add3A_319 : vector<16xf32>
    %swap3A_321 = arith.constant 2 : i32
    %swap3A_322 = arith.index_cast %swap3A_321 : i32 to index
    %swap3A_323 = arith.constant 96 : index
    %swap3A_324 = tpu.vector_load %arg7[%swap3A_322, %swap3A_323] {strides = array<i32>} : memref<24x256xf32, #tpu.memory_space<vmem>>, vector<16xf32>,
    tpu.vector_store %arg7[%swap3A_322, %swap3A_323], %add3A_320 {strides = array<i32>} : memref<24x256xf32, #tpu.memory_space<vmem>>, vector<16xf32>,
    %slice3A_325 = vector.extract_strided_slice %gather3A_268 {offsets = [7], sizes = [1], strides = [1]} : vector<16xf32> to vector<1xf32>
    %squeeze3A_326 = vector.extract %slice3A_325[0] : f32 from vector<1xf32>
    %add3A_327 = vector.broadcast %squeeze3A_326 : f32 to vector<16xf32>
    %add3A_328 = arith.addf %gather3A_267, %add3A_327 : vector<16xf32>
    %swap3A_329 = arith.constant 2 : i32
    %swap3A_330 = arith.index_cast %swap3A_329 : i32 to index
    %swap3A_331 = arith.constant 112 : index
    %swap3A_332 = tpu.vector_load %arg7[%swap3A_330, %swap3A_331] {strides = array<i32>} : memref<24x256xf32, #tpu.memory_space<vmem>>, vector<16xf32>,
    tpu.vector_store %arg7[%swap3A_330, %swap3A_331], %add3A_328 {strides = array<i32>} : memref<24x256xf32, #tpu.memory_space<vmem>>, vector<16xf32>,
    %slice3A_333 = vector.extract_strided_slice %gather3A_268 {offsets = [8], sizes = [1], strides = [1]} : vector<16xf32> to vector<1xf32>
    %squeeze3A_334 = vector.extract %slice3A_333[0] : f32 from vector<1xf32>
    %add3A_335 = vector.broadcast %squeeze3A_334 : f32 to vector<16xf32>
    %add3A_336 = arith.addf %gather3A_267, %add3A_335 : vector<16xf32>
    %swap3A_337 = arith.constant 2 : i32
    %swap3A_338 = arith.index_cast %swap3A_337 : i32 to index
    %swap3A_339 = arith.constant 128 : index
    %swap3A_340 = tpu.vector_load %arg7[%swap3A_338, %swap3A_339] {strides = array<i32>} : memref<24x256xf32, #tpu.memory_space<vmem>>, vector<16xf32>,
    tpu.vector_store %arg7[%swap3A_338, %swap3A_339], %add3A_336 {strides = array<i32>} : memref<24x256xf32, #tpu.memory_space<vmem>>, vector<16xf32>,
    %slice3A_341 = vector.extract_strided_slice %gather3A_268 {offsets = [9], sizes = [1], strides = [1]} : vector<16xf32> to vector<1xf32>
    %squeeze3A_342 = vector.extract %slice3A_341[0] : f32 from vector<1xf32>
    %add3A_343 = vector.broadcast %squeeze3A_342 : f32 to vector<16xf32>
    %add3A_344 = arith.addf %gather3A_267, %add3A_343 : vector<16xf32>
    %swap3A_345 = arith.constant 2 : i32
    %swap3A_346 = arith.index_cast %swap3A_345 : i32 to index
    %swap3A_347 = arith.constant 144 : index
    %swap3A_348 = tpu.vector_load %arg7[%swap3A_346, %swap3A_347] {strides = array<i32>} : memref<24x256xf32, #tpu.memory_space<vmem>>, vector<16xf32>,
    tpu.vector_store %arg7[%swap3A_346, %swap3A_347], %add3A_344 {strides = array<i32>} : memref<24x256xf32, #tpu.memory_space<vmem>>, vector<16xf32>,
    %slice3A_349 = vector.extract_strided_slice %gather3A_268 {offsets = [10], sizes = [1], strides = [1]} : vector<16xf32> to vector<1xf32>
    %squeeze3A_350 = vector.extract %slice3A_349[0] : f32 from vector<1xf32>
    %add3A_351 = vector.broadcast %squeeze3A_350 : f32 to vector<16xf32>
    %add3A_352 = arith.addf %gather3A_267, %add3A_351 : vector<16xf32>
    %swap3A_353 = arith.constant 2 : i32
    %swap3A_354 = arith.index_cast %swap3A_353 : i32 to index
    %swap3A_355 = arith.constant 160 : index
    %swap3A_356 = tpu.vector_load %arg7[%swap3A_354, %swap3A_355] {strides = array<i32>} : memref<24x256xf32, #tpu.memory_space<vmem>>, vector<16xf32>,
    tpu.vector_store %arg7[%swap3A_354, %swap3A_355], %add3A_352 {strides = array<i32>} : memref<24x256xf32, #tpu.memory_space<vmem>>, vector<16xf32>,
    %slice3A_357 = vector.extract_strided_slice %gather3A_268 {offsets = [11], sizes = [1], strides = [1]} : vector<16xf32> to vector<1xf32>
    %squeeze3A_358 = vector.extract %slice3A_357[0] : f32 from vector<1xf32>
    %add3A_359 = vector.broadcast %squeeze3A_358 : f32 to vector<16xf32>
    %add3A_360 = arith.addf %gather3A_267, %add3A_359 : vector<16xf32>
    %swap3A_361 = arith.constant 2 : i32
    %swap3A_362 = arith.index_cast %swap3A_361 : i32 to index
    %swap3A_363 = arith.constant 176 : index
    %swap3A_364 = tpu.vector_load %arg7[%swap3A_362, %swap3A_363] {strides = array<i32>} : memref<24x256xf32, #tpu.memory_space<vmem>>, vector<16xf32>,
    tpu.vector_store %arg7[%swap3A_362, %swap3A_363], %add3A_360 {strides = array<i32>} : memref<24x256xf32, #tpu.memory_space<vmem>>, vector<16xf32>,
    %slice3A_365 = vector.extract_strided_slice %gather3A_268 {offsets = [12], sizes = [1], strides = [1]} : vector<16xf32> to vector<1xf32>
    %squeeze3A_366 = vector.extract %slice3A_365[0] : f32 from vector<1xf32>
    %add3A_367 = vector.broadcast %squeeze3A_366 : f32 to vector<16xf32>
    %add3A_368 = arith.addf %gather3A_267, %add3A_367 : vector<16xf32>
    %swap3A_369 = arith.constant 2 : i32
    %swap3A_370 = arith.index_cast %swap3A_369 : i32 to index
    %swap3A_371 = arith.constant 192 : index
    %swap3A_372 = tpu.vector_load %arg7[%swap3A_370, %swap3A_371] {strides = array<i32>} : memref<24x256xf32, #tpu.memory_space<vmem>>, vector<16xf32>,
    tpu.vector_store %arg7[%swap3A_370, %swap3A_371], %add3A_368 {strides = array<i32>} : memref<24x256xf32, #tpu.memory_space<vmem>>, vector<16xf32>,
    %slice3A_373 = vector.extract_strided_slice %gather3A_268 {offsets = [13], sizes = [1], strides = [1]} : vector<16xf32> to vector<1xf32>
    %squeeze3A_374 = vector.extract %slice3A_373[0] : f32 from vector<1xf32>
    %add3A_375 = vector.broadcast %squeeze3A_374 : f32 to vector<16xf32>
    %add3A_376 = arith.addf %gather3A_267, %add3A_375 : vector<16xf32>
    %swap3A_377 = arith.constant 2 : i32
    %swap3A_378 = arith.index_cast %swap3A_377 : i32 to index
    %swap3A_379 = arith.constant 208 : index
    %swap3A_380 = tpu.vector_load %arg7[%swap3A_378, %swap3A_379] {strides = array<i32>} : memref<24x256xf32, #tpu.memory_space<vmem>>, vector<16xf32>,
    tpu.vector_store %arg7[%swap3A_378, %swap3A_379], %add3A_376 {strides = array<i32>} : memref<24x256xf32, #tpu.memory_space<vmem>>, vector<16xf32>,
    %slice3A_381 = vector.extract_strided_slice %gather3A_268 {offsets = [14], sizes = [1], strides = [1]} : vector<16xf32> to vector<1xf32>
    %squeeze3A_382 = vector.extract %slice3A_381[0] : f32 from vector<1xf32>
    %add3A_383 = vector.broadcast %squeeze3A_382 : f32 to vector<16xf32>
    %add3A_384 = arith.addf %gather3A_267, %add3A_383 : vector<16xf32>
    %swap3A_385 = arith.constant 2 : i32
    %swap3A_386 = arith.index_cast %swap3A_385 : i32 to index
    %swap3A_387 = arith.constant 224 : index
    %swap3A_388 = tpu.vector_load %arg7[%swap3A_386, %swap3A_387] {strides = array<i32>} : memref<24x256xf32, #tpu.memory_space<vmem>>, vector<16xf32>,
    tpu.vector_store %arg7[%swap3A_386, %swap3A_387], %add3A_384 {strides = array<i32>} : memref<24x256xf32, #tpu.memory_space<vmem>>, vector<16xf32>,
    %slice3A_389 = vector.extract_strided_slice %gather3A_268 {offsets = [15], sizes = [1], strides = [1]} : vector<16xf32> to vector<1xf32>
    %squeeze3A_390 = vector.extract %slice3A_389[0] : f32 from vector<1xf32>
    %add3A_391 = vector.broadcast %squeeze3A_390 : f32 to vector<16xf32>
    %add3A_392 = arith.addf %gather3A_267, %add3A_391 : vector<16xf32>
    %swap3A_393 = arith.constant 2 : i32
    %swap3A_394 = arith.index_cast %swap3A_393 : i32 to index
    %swap3A_395 = arith.constant 240 : index
    %swap3A_396 = tpu.vector_load %arg7[%swap3A_394, %swap3A_395] {strides = array<i32>} : memref<24x256xf32, #tpu.memory_space<vmem>>, vector<16xf32>,
    tpu.vector_store %arg7[%swap3A_394, %swap3A_395], %add3A_392 {strides = array<i32>} : memref<24x256xf32, #tpu.memory_space<vmem>>, vector<16xf32>,
    %add3A_397 = arith.constant 3 : i32
    %add3A_398 = arith.addi %mul3A_2, %add3A_397 : i32
    %broadcast_in_dim3A_399 = vector.broadcast %add3A_398 : i32 to vector<16xi32>
    %gather3A_400 = tpu.vector_load_idx %arg6[%iota3A, %broadcast_in_dim3A_399] : memref<16x768xf32, #tpu.memory_space<vmem>>[vector<16xi32>, vector<16xi32>], vector<16xf32>,
    %gather3A_401 = tpu.vector_load_idx %arg5[%iota3A, %broadcast_in_dim3A_399] : memref<16x768xf32, #tpu.memory_space<vmem>>[vector<16xi32>, vector<16xi32>], vector<16xf32>,
    %slice3A_402 = vector.extract_strided_slice %gather3A_401 {offsets = [0], sizes = [1], strides = [1]} : vector<16xf32> to vector<1xf32>
    %squeeze3A_403 = vector.extract %slice3A_402[0] : f32 from vector<1xf32>
    %add3A_404 = vector.broadcast %squeeze3A_403 : f32 to vector<16xf32>
    %add3A_405 = arith.addf %gather3A_400, %add3A_404 : vector<16xf32>
    %swap3A_406 = arith.constant 3 : i32
    %swap3A_407 = arith.index_cast %swap3A_406 : i32 to index
    %swap3A_408 = arith.constant 0 : index
    %swap3A_409 = tpu.vector_load %arg7[%swap3A_407, %swap3A_408] {strides = array<i32>} : memref<24x256xf32, #tpu.memory_space<vmem>>, vector<16xf32>,
    tpu.vector_store %arg7[%swap3A_407, %swap3A_408], %add3A_405 {strides = array<i32>} : memref<24x256xf32, #tpu.memory_space<vmem>>, vector<16xf32>,
    %slice3A_410 = vector.extract_strided_slice %gather3A_401 {offsets = [1], sizes = [1], strides = [1]} : vector<16xf32> to vector<1xf32>
    %squeeze3A_411 = vector.extract %slice3A_410[0] : f32 from vector<1xf32>
    %add3A_412 = vector.broadcast %squeeze3A_411 : f32 to vector<16xf32>
    %add3A_413 = arith.addf %gather3A_400, %add3A_412 : vector<16xf32>
    %swap3A_414 = arith.constant 3 : i32
    %swap3A_415 = arith.index_cast %swap3A_414 : i32 to index
    %swap3A_416 = arith.constant 16 : index
    %swap3A_417 = tpu.vector_load %arg7[%swap3A_415, %swap3A_416] {strides = array<i32>} : memref<24x256xf32, #tpu.memory_space<vmem>>, vector<16xf32>,
    tpu.vector_store %arg7[%swap3A_415, %swap3A_416], %add3A_413 {strides = array<i32>} : memref<24x256xf32, #tpu.memory_space<vmem>>, vector<16xf32>,
    %slice3A_418 = vector.extract_strided_slice %gather3A_401 {offsets = [2], sizes = [1], strides = [1]} : vector<16xf32> to vector<1xf32>
    %squeeze3A_419 = vector.extract %slice3A_418[0] : f32 from vector<1xf32>
    %add3A_420 = vector.broadcast %squeeze3A_419 : f32 to vector<16xf32>
    %add3A_421 = arith.addf %gather3A_400, %add3A_420 : vector<16xf32>
    %swap3A_422 = arith.constant 3 : i32
    %swap3A_423 = arith.index_cast %swap3A_422 : i32 to index
    %swap3A_424 = arith.constant 32 : index
    %swap3A_425 = tpu.vector_load %arg7[%swap3A_423, %swap3A_424] {strides = array<i32>} : memref<24x256xf32, #tpu.memory_space<vmem>>, vector<16xf32>,
    tpu.vector_store %arg7[%swap3A_423, %swap3A_424], %add3A_421 {strides = array<i32>} : memref<24x256xf32, #tpu.memory_space<vmem>>, vector<16xf32>,
    %slice3A_426 = vector.extract_strided_slice %gather3A_401 {offsets = [3], sizes = [1], strides = [1]} : vector<16xf32> to vector<1xf32>
    %squeeze3A_427 = vector.extract %slice3A_426[0] : f32 from vector<1xf32>
    %add3A_428 = vector.broadcast %squeeze3A_427 : f32 to vector<16xf32>
    %add3A_429 = arith.addf %gather3A_400, %add3A_428 : vector<16xf32>
    %swap3A_430 = arith.constant 3 : i32
    %swap3A_431 = arith.index_cast %swap3A_430 : i32 to index
    %swap3A_432 = arith.constant 48 : index
    %swap3A_433 = tpu.vector_load %arg7[%swap3A_431, %swap3A_432] {strides = array<i32>} : memref<24x256xf32, #tpu.memory_space<vmem>>, vector<16xf32>,
    tpu.vector_store %arg7[%swap3A_431, %swap3A_432], %add3A_429 {strides = array<i32>} : memref<24x256xf32, #tpu.memory_space<vmem>>, vector<16xf32>,
    %slice3A_434 = vector.extract_strided_slice %gather3A_401 {offsets = [4], sizes = [1], strides = [1]} : vector<16xf32> to vector<1xf32>
    %squeeze3A_435 = vector.extract %slice3A_434[0] : f32 from vector<1xf32>
    %add3A_436 = vector.broadcast %squeeze3A_435 : f32 to vector<16xf32>
    %add3A_437 = arith.addf %gather3A_400, %add3A_436 : vector<16xf32>
    %swap3A_438 = arith.constant 3 : i32
    %swap3A_439 = arith.index_cast %swap3A_438 : i32 to index
    %swap3A_440 = arith.constant 64 : index
    %swap3A_441 = tpu.vector_load %arg7[%swap3A_439, %swap3A_440] {strides = array<i32>} : memref<24x256xf32, #tpu.memory_space<vmem>>, vector<16xf32>,
    tpu.vector_store %arg7[%swap3A_439, %swap3A_440], %add3A_437 {strides = array<i32>} : memref<24x256xf32, #tpu.memory_space<vmem>>, vector<16xf32>,
    %slice3A_442 = vector.extract_strided_slice %gather3A_401 {offsets = [5], sizes = [1], strides = [1]} : vector<16xf32> to vector<1xf32>
    %squeeze3A_443 = vector.extract %slice3A_442[0] : f32 from vector<1xf32>
    %add3A_444 = vector.broadcast %squeeze3A_443 : f32 to vector<16xf32>
    %add3A_445 = arith.addf %gather3A_400, %add3A_444 : vector<16xf32>
    %swap3A_446 = arith.constant 3 : i32
    %swap3A_447 = arith.index_cast %swap3A_446 : i32 to index
    %swap3A_448 = arith.constant 80 : index
    %swap3A_449 = tpu.vector_load %arg7[%swap3A_447, %swap3A_448] {strides = array<i32>} : memref<24x256xf32, #tpu.memory_space<vmem>>, vector<16xf32>,
    tpu.vector_store %arg7[%swap3A_447, %swap3A_448], %add3A_445 {strides = array<i32>} : memref<24x256xf32, #tpu.memory_space<vmem>>, vector<16xf32>,
    %slice3A_450 = vector.extract_strided_slice %gather3A_401 {offsets = [6], sizes = [1], strides = [1]} : vector<16xf32> to vector<1xf32>
    %squeeze3A_451 = vector.extract %slice3A_450[0] : f32 from vector<1xf32>
    %add3A_452 = vector.broadcast %squeeze3A_451 : f32 to vector<16xf32>
    %add3A_453 = arith.addf %gather3A_400, %add3A_452 : vector<16xf32>
    %swap3A_454 = arith.constant 3 : i32
    %swap3A_455 = arith.index_cast %swap3A_454 : i32 to index
    %swap3A_456 = arith.constant 96 : index
    %swap3A_457 = tpu.vector_load %arg7[%swap3A_455, %swap3A_456] {strides = array<i32>} : memref<24x256xf32, #tpu.memory_space<vmem>>, vector<16xf32>,
    tpu.vector_store %arg7[%swap3A_455, %swap3A_456], %add3A_453 {strides = array<i32>} : memref<24x256xf32, #tpu.memory_space<vmem>>, vector<16xf32>,
    %slice3A_458 = vector.extract_strided_slice %gather3A_401 {offsets = [7], sizes = [1], strides = [1]} : vector<16xf32> to vector<1xf32>
    %squeeze3A_459 = vector.extract %slice3A_458[0] : f32 from vector<1xf32>
    %add3A_460 = vector.broadcast %squeeze3A_459 : f32 to vector<16xf32>
    %add3A_461 = arith.addf %gather3A_400, %add3A_460 : vector<16xf32>
    %swap3A_462 = arith.constant 3 : i32
    %swap3A_463 = arith.index_cast %swap3A_462 : i32 to index
    %swap3A_464 = arith.constant 112 : index
    %swap3A_465 = tpu.vector_load %arg7[%swap3A_463, %swap3A_464] {strides = array<i32>} : memref<24x256xf32, #tpu.memory_space<vmem>>, vector<16xf32>,
    tpu.vector_store %arg7[%swap3A_463, %swap3A_464], %add3A_461 {strides = array<i32>} : memref<24x256xf32, #tpu.memory_space<vmem>>, vector<16xf32>,
    %slice3A_466 = vector.extract_strided_slice %gather3A_401 {offsets = [8], sizes = [1], strides = [1]} : vector<16xf32> to vector<1xf32>
    %squeeze3A_467 = vector.extract %slice3A_466[0] : f32 from vector<1xf32>
    %add3A_468 = vector.broadcast %squeeze3A_467 : f32 to vector<16xf32>
    %add3A_469 = arith.addf %gather3A_400, %add3A_468 : vector<16xf32>
    %swap3A_470 = arith.constant 3 : i32
    %swap3A_471 = arith.index_cast %swap3A_470 : i32 to index
    %swap3A_472 = arith.constant 128 : index
    %swap3A_473 = tpu.vector_load %arg7[%swap3A_471, %swap3A_472] {strides = array<i32>} : memref<24x256xf32, #tpu.memory_space<vmem>>, vector<16xf32>,
    tpu.vector_store %arg7[%swap3A_471, %swap3A_472], %add3A_469 {strides = array<i32>} : memref<24x256xf32, #tpu.memory_space<vmem>>, vector<16xf32>,
    %slice3A_474 = vector.extract_strided_slice %gather3A_401 {offsets = [9], sizes = [1], strides = [1]} : vector<16xf32> to vector<1xf32>
    %squeeze3A_475 = vector.extract %slice3A_474[0] : f32 from vector<1xf32>
    %add3A_476 = vector.broadcast %squeeze3A_475 : f32 to vector<16xf32>
    %add3A_477 = arith.addf %gather3A_400, %add3A_476 : vector<16xf32>
    %swap3A_478 = arith.constant 3 : i32
    %swap3A_479 = arith.index_cast %swap3A_478 : i32 to index
    %swap3A_480 = arith.constant 144 : index
    %swap3A_481 = tpu.vector_load %arg7[%swap3A_479, %swap3A_480] {strides = array<i32>} : memref<24x256xf32, #tpu.memory_space<vmem>>, vector<16xf32>,
    tpu.vector_store %arg7[%swap3A_479, %swap3A_480], %add3A_477 {strides = array<i32>} : memref<24x256xf32, #tpu.memory_space<vmem>>, vector<16xf32>,
    %slice3A_482 = vector.extract_strided_slice %gather3A_401 {offsets = [10], sizes = [1], strides = [1]} : vector<16xf32> to vector<1xf32>
    %squeeze3A_483 = vector.extract %slice3A_482[0] : f32 from vector<1xf32>
    %add3A_484 = vector.broadcast %squeeze3A_483 : f32 to vector<16xf32>
    %add3A_485 = arith.addf %gather3A_400, %add3A_484 : vector<16xf32>
    %swap3A_486 = arith.constant 3 : i32
    %swap3A_487 = arith.index_cast %swap3A_486 : i32 to index
    %swap3A_488 = arith.constant 160 : index
    %swap3A_489 = tpu.vector_load %arg7[%swap3A_487, %swap3A_488] {strides = array<i32>} : memref<24x256xf32, #tpu.memory_space<vmem>>, vector<16xf32>,
    tpu.vector_store %arg7[%swap3A_487, %swap3A_488], %add3A_485 {strides = array<i32>} : memref<24x256xf32, #tpu.memory_space<vmem>>, vector<16xf32>,
    %slice3A_490 = vector.extract_strided_slice %gather3A_401 {offsets = [11], sizes = [1], strides = [1]} : vector<16xf32> to vector<1xf32>
    %squeeze3A_491 = vector.extract %slice3A_490[0] : f32 from vector<1xf32>
    %add3A_492 = vector.broadcast %squeeze3A_491 : f32 to vector<16xf32>
    %add3A_493 = arith.addf %gather3A_400, %add3A_492 : vector<16xf32>
    %swap3A_494 = arith.constant 3 : i32
    %swap3A_495 = arith.index_cast %swap3A_494 : i32 to index
    %swap3A_496 = arith.constant 176 : index
    %swap3A_497 = tpu.vector_load %arg7[%swap3A_495, %swap3A_496] {strides = array<i32>} : memref<24x256xf32, #tpu.memory_space<vmem>>, vector<16xf32>,
    tpu.vector_store %arg7[%swap3A_495, %swap3A_496], %add3A_493 {strides = array<i32>} : memref<24x256xf32, #tpu.memory_space<vmem>>, vector<16xf32>,
    %slice3A_498 = vector.extract_strided_slice %gather3A_401 {offsets = [12], sizes = [1], strides = [1]} : vector<16xf32> to vector<1xf32>
    %squeeze3A_499 = vector.extract %slice3A_498[0] : f32 from vector<1xf32>
    %add3A_500 = vector.broadcast %squeeze3A_499 : f32 to vector<16xf32>
    %add3A_501 = arith.addf %gather3A_400, %add3A_500 : vector<16xf32>
    %swap3A_502 = arith.constant 3 : i32
    %swap3A_503 = arith.index_cast %swap3A_502 : i32 to index
    %swap3A_504 = arith.constant 192 : index
    %swap3A_505 = tpu.vector_load %arg7[%swap3A_503, %swap3A_504] {strides = array<i32>} : memref<24x256xf32, #tpu.memory_space<vmem>>, vector<16xf32>,
    tpu.vector_store %arg7[%swap3A_503, %swap3A_504], %add3A_501 {strides = array<i32>} : memref<24x256xf32, #tpu.memory_space<vmem>>, vector<16xf32>,
    %slice3A_506 = vector.extract_strided_slice %gather3A_401 {offsets = [13], sizes = [1], strides = [1]} : vector<16xf32> to vector<1xf32>
    %squeeze3A_507 = vector.extract %slice3A_506[0] : f32 from vector<1xf32>
    %add3A_508 = vector.broadcast %squeeze3A_507 : f32 to vector<16xf32>
    %add3A_509 = arith.addf %gather3A_400, %add3A_508 : vector<16xf32>
    %swap3A_510 = arith.constant 3 : i32
    %swap3A_511 = arith.index_cast %swap3A_510 : i32 to index
    %swap3A_512 = arith.constant 208 : index
    %swap3A_513 = tpu.vector_load %arg7[%swap3A_511, %swap3A_512] {strides = array<i32>} : memref<24x256xf32, #tpu.memory_space<vmem>>, vector<16xf32>,
    tpu.vector_store %arg7[%swap3A_511, %swap3A_512], %add3A_509 {strides = array<i32>} : memref<24x256xf32, #tpu.memory_space<vmem>>, vector<16xf32>,
    %slice3A_514 = vector.extract_strided_slice %gather3A_401 {offsets = [14], sizes = [1], strides = [1]} : vector<16xf32> to vector<1xf32>
    %squeeze3A_515 = vector.extract %slice3A_514[0] : f32 from vector<1xf32>
    %add3A_516 = vector.broadcast %squeeze3A_515 : f32 to vector<16xf32>
    %add3A_517 = arith.addf %gather3A_400, %add3A_516 : vector<16xf32>
    %swap3A_518 = arith.constant 3 : i32
    %swap3A_519 = arith.index_cast %swap3A_518 : i32 to index
    %swap3A_520 = arith.constant 224 : index
    %swap3A_521 = tpu.vector_load %arg7[%swap3A_519, %swap3A_520] {strides = array<i32>} : memref<24x256xf32, #tpu.memory_space<vmem>>, vector<16xf32>,
    tpu.vector_store %arg7[%swap3A_519, %swap3A_520], %add3A_517 {strides = array<i32>} : memref<24x256xf32, #tpu.memory_space<vmem>>, vector<16xf32>,
    %slice3A_522 = vector.extract_strided_slice %gather3A_401 {offsets = [15], sizes = [1], strides = [1]} : vector<16xf32> to vector<1xf32>
    %squeeze3A_523 = vector.extract %slice3A_522[0] : f32 from vector<1xf32>
    %add3A_524 = vector.broadcast %squeeze3A_523 : f32 to vector<16xf32>
    %add3A_525 = arith.addf %gather3A_400, %add3A_524 : vector<16xf32>
    %swap3A_526 = arith.constant 3 : i32
    %swap3A_527 = arith.index_cast %swap3A_526 : i32 to index
    %swap3A_528 = arith.constant 240 : index
    %swap3A_529 = tpu.vector_load %arg7[%swap3A_527, %swap3A_528] {strides = array<i32>} : memref<24x256xf32, #tpu.memory_space<vmem>>, vector<16xf32>,
    tpu.vector_store %arg7[%swap3A_527, %swap3A_528], %add3A_525 {strides = array<i32>} : memref<24x256xf32, #tpu.memory_space<vmem>>, vector<16xf32>,
    %add3A_530 = arith.constant 4 : i32
    %add3A_531 = arith.addi %mul3A_2, %add3A_530 : i32
    %broadcast_in_dim3A_532 = vector.broadcast %add3A_531 : i32 to vector<16xi32>
    %gather3A_533 = tpu.vector_load_idx %arg6[%iota3A, %broadcast_in_dim3A_532] : memref<16x768xf32, #tpu.memory_space<vmem>>[vector<16xi32>, vector<16xi32>], vector<16xf32>,
    %gather3A_534 = tpu.vector_load_idx %arg5[%iota3A, %broadcast_in_dim3A_532] : memref<16x768xf32, #tpu.memory_space<vmem>>[vector<16xi32>, vector<16xi32>], vector<16xf32>,
    %slice3A_535 = vector.extract_strided_slice %gather3A_534 {offsets = [0], sizes = [1], strides = [1]} : vector<16xf32> to vector<1xf32>
    %squeeze3A_536 = vector.extract %slice3A_535[0] : f32 from vector<1xf32>
    %add3A_537 = vector.broadcast %squeeze3A_536 : f32 to vector<16xf32>
    %add3A_538 = arith.addf %gather3A_533, %add3A_537 : vector<16xf32>
    %swap3A_539 = arith.constant 4 : i32
    %swap3A_540 = arith.index_cast %swap3A_539 : i32 to index
    %swap3A_541 = arith.constant 0 : index
    %swap3A_542 = tpu.vector_load %arg7[%swap3A_540, %swap3A_541] {strides = array<i32>} : memref<24x256xf32, #tpu.memory_space<vmem>>, vector<16xf32>,
    tpu.vector_store %arg7[%swap3A_540, %swap3A_541], %add3A_538 {strides = array<i32>} : memref<24x256xf32, #tpu.memory_space<vmem>>, vector<16xf32>,
    %slice3A_543 = vector.extract_strided_slice %gather3A_534 {offsets = [1], sizes = [1], strides = [1]} : vector<16xf32> to vector<1xf32>
    %squeeze3A_544 = vector.extract %slice3A_543[0] : f32 from vector<1xf32>
    %add3A_545 = vector.broadcast %squeeze3A_544 : f32 to vector<16xf32>
    %add3A_546 = arith.addf %gather3A_533, %add3A_545 : vector<16xf32>
    %swap3A_547 = arith.constant 4 : i32
    %swap3A_548 = arith.index_cast %swap3A_547 : i32 to index
    %swap3A_549 = arith.constant 16 : index
    %swap3A_550 = tpu.vector_load %arg7[%swap3A_548, %swap3A_549] {strides = array<i32>} : memref<24x256xf32, #tpu.memory_space<vmem>>, vector<16xf32>,
    tpu.vector_store %arg7[%swap3A_548, %swap3A_549], %add3A_546 {strides = array<i32>} : memref<24x256xf32, #tpu.memory_space<vmem>>, vector<16xf32>,
    %slice3A_551 = vector.extract_strided_slice %gather3A_534 {offsets = [2], sizes = [1], strides = [1]} : vector<16xf32> to vector<1xf32>
    %squeeze3A_552 = vector.extract %slice3A_551[0] : f32 from vector<1xf32>
    %add3A_553 = vector.broadcast %squeeze3A_552 : f32 to vector<16xf32>
    %add3A_554 = arith.addf %gather3A_533, %add3A_553 : vector<16xf32>
    %swap3A_555 = arith.constant 4 : i32
    %swap3A_556 = arith.index_cast %swap3A_555 : i32 to index
    %swap3A_557 = arith.constant 32 : index
    %swap3A_558 = tpu.vector_load %arg7[%swap3A_556, %swap3A_557] {strides = array<i32>} : memref<24x256xf32, #tpu.memory_space<vmem>>, vector<16xf32>,
    tpu.vector_store %arg7[%swap3A_556, %swap3A_557], %add3A_554 {strides = array<i32>} : memref<24x256xf32, #tpu.memory_space<vmem>>, vector<16xf32>,
    %slice3A_559 = vector.extract_strided_slice %gather3A_534 {offsets = [3], sizes = [1], strides = [1]} : vector<16xf32> to vector<1xf32>
    %squeeze3A_560 = vector.extract %slice3A_559[0] : f32 from vector<1xf32>
    %add3A_561 = vector.broadcast %squeeze3A_560 : f32 to vector<16xf32>
    %add3A_562 = arith.addf %gather3A_533, %add3A_561 : vector<16xf32>
    %swap3A_563 = arith.constant 4 : i32
    %swap3A_564 = arith.index_cast %swap3A_563 : i32 to index
    %swap3A_565 = arith.constant 48 : index
    %swap3A_566 = tpu.vector_load %arg7[%swap3A_564, %swap3A_565] {strides = array<i32>} : memref<24x256xf32, #tpu.memory_space<vmem>>, vector<16xf32>,
    tpu.vector_store %arg7[%swap3A_564, %swap3A_565], %add3A_562 {strides = array<i32>} : memref<24x256xf32, #tpu.memory_space<vmem>>, vector<16xf32>,
    %slice3A_567 = vector.extract_strided_slice %gather3A_534 {offsets = [4], sizes = [1], strides = [1]} : vector<16xf32> to vector<1xf32>
    %squeeze3A_568 = vector.extract %slice3A_567[0] : f32 from vector<1xf32>
    %add3A_569 = vector.broadcast %squeeze3A_568 : f32 to vector<16xf32>
    %add3A_570 = arith.addf %gather3A_533, %add3A_569 : vector<16xf32>
    %swap3A_571 = arith.constant 4 : i32
    %swap3A_572 = arith.index_cast %swap3A_571 : i32 to index
    %swap3A_573 = arith.constant 64 : index
    %swap3A_574 = tpu.vector_load %arg7[%swap3A_572, %swap3A_573] {strides = array<i32>} : memref<24x256xf32, #tpu.memory_space<vmem>>, vector<16xf32>,
    tpu.vector_store %arg7[%swap3A_572, %swap3A_573], %add3A_570 {strides = array<i32>} : memref<24x256xf32, #tpu.memory_space<vmem>>, vector<16xf32>,
    %slice3A_575 = vector.extract_strided_slice %gather3A_534 {offsets = [5], sizes = [1], strides = [1]} : vector<16xf32> to vector<1xf32>
    %squeeze3A_576 = vector.extract %slice3A_575[0] : f32 from vector<1xf32>
    %add3A_577 = vector.broadcast %squeeze3A_576 : f32 to vector<16xf32>
    %add3A_578 = arith.addf %gather3A_533, %add3A_577 : vector<16xf32>
    %swap3A_579 = arith.constant 4 : i32
    %swap3A_580 = arith.index_cast %swap3A_579 : i32 to index
    %swap3A_581 = arith.constant 80 : index
    %swap3A_582 = tpu.vector_load %arg7[%swap3A_580, %swap3A_581] {strides = array<i32>} : memref<24x256xf32, #tpu.memory_space<vmem>>, vector<16xf32>,
    tpu.vector_store %arg7[%swap3A_580, %swap3A_581], %add3A_578 {strides = array<i32>} : memref<24x256xf32, #tpu.memory_space<vmem>>, vector<16xf32>,
    %slice3A_583 = vector.extract_strided_slice %gather3A_534 {offsets = [6], sizes = [1], strides = [1]} : vector<16xf32> to vector<1xf32>
    %squeeze3A_584 = vector.extract %slice3A_583[0] : f32 from vector<1xf32>
    %add3A_585 = vector.broadcast %squeeze3A_584 : f32 to vector<16xf32>
    %add3A_586 = arith.addf %gather3A_533, %add3A_585 : vector<16xf32>
    %swap3A_587 = arith.constant 4 : i32
    %swap3A_588 = arith.index_cast %swap3A_587 : i32 to index
    %swap3A_589 = arith.constant 96 : index
    %swap3A_590 = tpu.vector_load %arg7[%swap3A_588, %swap3A_589] {strides = array<i32>} : memref<24x256xf32, #tpu.memory_space<vmem>>, vector<16xf32>,
    tpu.vector_store %arg7[%swap3A_588, %swap3A_589], %add3A_586 {strides = array<i32>} : memref<24x256xf32, #tpu.memory_space<vmem>>, vector<16xf32>,
    %slice3A_591 = vector.extract_strided_slice %gather3A_534 {offsets = [7], sizes = [1], strides = [1]} : vector<16xf32> to vector<1xf32>
    %squeeze3A_592 = vector.extract %slice3A_591[0] : f32 from vector<1xf32>
    %add3A_593 = vector.broadcast %squeeze3A_592 : f32 to vector<16xf32>
    %add3A_594 = arith.addf %gather3A_533, %add3A_593 : vector<16xf32>
    %swap3A_595 = arith.constant 4 : i32
    %swap3A_596 = arith.index_cast %swap3A_595 : i32 to index
    %swap3A_597 = arith.constant 112 : index
    %swap3A_598 = tpu.vector_load %arg7[%swap3A_596, %swap3A_597] {strides = array<i32>} : memref<24x256xf32, #tpu.memory_space<vmem>>, vector<16xf32>,
    tpu.vector_store %arg7[%swap3A_596, %swap3A_597], %add3A_594 {strides = array<i32>} : memref<24x256xf32, #tpu.memory_space<vmem>>, vector<16xf32>,
    %slice3A_599 = vector.extract_strided_slice %gather3A_534 {offsets = [8], sizes = [1], strides = [1]} : vector<16xf32> to vector<1xf32>
    %squeeze3A_600 = vector.extract %slice3A_599[0] : f32 from vector<1xf32>
    %add3A_601 = vector.broadcast %squeeze3A_600 : f32 to vector<16xf32>
    %add3A_602 = arith.addf %gather3A_533, %add3A_601 : vector<16xf32>
    %swap3A_603 = arith.constant 4 : i32
    %swap3A_604 = arith.index_cast %swap3A_603 : i32 to index
    %swap3A_605 = arith.constant 128 : index
    %swap3A_606 = tpu.vector_load %arg7[%swap3A_604, %swap3A_605] {strides = array<i32>} : memref<24x256xf32, #tpu.memory_space<vmem>>, vector<16xf32>,
    tpu.vector_store %arg7[%swap3A_604, %swap3A_605], %add3A_602 {strides = array<i32>} : memref<24x256xf32, #tpu.memory_space<vmem>>, vector<16xf32>,
    %slice3A_607 = vector.extract_strided_slice %gather3A_534 {offsets = [9], sizes = [1], strides = [1]} : vector<16xf32> to vector<1xf32>
    %squeeze3A_608 = vector.extract %slice3A_607[0] : f32 from vector<1xf32>
    %add3A_609 = vector.broadcast %squeeze3A_608 : f32 to vector<16xf32>
    %add3A_610 = arith.addf %gather3A_533, %add3A_609 : vector<16xf32>
    %swap3A_611 = arith.constant 4 : i32
    %swap3A_612 = arith.index_cast %swap3A_611 : i32 to index
    %swap3A_613 = arith.constant 144 : index
    %swap3A_614 = tpu.vector_load %arg7[%swap3A_612, %swap3A_613] {strides = array<i32>} : memref<24x256xf32, #tpu.memory_space<vmem>>, vector<16xf32>,
    tpu.vector_store %arg7[%swap3A_612, %swap3A_613], %add3A_610 {strides = array<i32>} : memref<24x256xf32, #tpu.memory_space<vmem>>, vector<16xf32>,
    %slice3A_615 = vector.extract_strided_slice %gather3A_534 {offsets = [10], sizes = [1], strides = [1]} : vector<16xf32> to vector<1xf32>
    %squeeze3A_616 = vector.extract %slice3A_615[0] : f32 from vector<1xf32>
    %add3A_617 = vector.broadcast %squeeze3A_616 : f32 to vector<16xf32>
    %add3A_618 = arith.addf %gather3A_533, %add3A_617 : vector<16xf32>
    %swap3A_619 = arith.constant 4 : i32
    %swap3A_620 = arith.index_cast %swap3A_619 : i32 to index
    %swap3A_621 = arith.constant 160 : index
    %swap3A_622 = tpu.vector_load %arg7[%swap3A_620, %swap3A_621] {strides = array<i32>} : memref<24x256xf32, #tpu.memory_space<vmem>>, vector<16xf32>,
    tpu.vector_store %arg7[%swap3A_620, %swap3A_621], %add3A_618 {strides = array<i32>} : memref<24x256xf32, #tpu.memory_space<vmem>>, vector<16xf32>,
    %slice3A_623 = vector.extract_strided_slice %gather3A_534 {offsets = [11], sizes = [1], strides = [1]} : vector<16xf32> to vector<1xf32>
    %squeeze3A_624 = vector.extract %slice3A_623[0] : f32 from vector<1xf32>
    %add3A_625 = vector.broadcast %squeeze3A_624 : f32 to vector<16xf32>
    %add3A_626 = arith.addf %gather3A_533, %add3A_625 : vector<16xf32>
    %swap3A_627 = arith.constant 4 : i32
    %swap3A_628 = arith.index_cast %swap3A_627 : i32 to index
    %swap3A_629 = arith.constant 176 : index
    %swap3A_630 = tpu.vector_load %arg7[%swap3A_628, %swap3A_629] {strides = array<i32>} : memref<24x256xf32, #tpu.memory_space<vmem>>, vector<16xf32>,
    tpu.vector_store %arg7[%swap3A_628, %swap3A_629], %add3A_626 {strides = array<i32>} : memref<24x256xf32, #tpu.memory_space<vmem>>, vector<16xf32>,
    %slice3A_631 = vector.extract_strided_slice %gather3A_534 {offsets = [12], sizes = [1], strides = [1]} : vector<16xf32> to vector<1xf32>
    %squeeze3A_632 = vector.extract %slice3A_631[0] : f32 from vector<1xf32>
    %add3A_633 = vector.broadcast %squeeze3A_632 : f32 to vector<16xf32>
    %add3A_634 = arith.addf %gather3A_533, %add3A_633 : vector<16xf32>
    %swap3A_635 = arith.constant 4 : i32
    %swap3A_636 = arith.index_cast %swap3A_635 : i32 to index
    %swap3A_637 = arith.constant 192 : index
    %swap3A_638 = tpu.vector_load %arg7[%swap3A_636, %swap3A_637] {strides = array<i32>} : memref<24x256xf32, #tpu.memory_space<vmem>>, vector<16xf32>,
    tpu.vector_store %arg7[%swap3A_636, %swap3A_637], %add3A_634 {strides = array<i32>} : memref<24x256xf32, #tpu.memory_space<vmem>>, vector<16xf32>,
    %slice3A_639 = vector.extract_strided_slice %gather3A_534 {offsets = [13], sizes = [1], strides = [1]} : vector<16xf32> to vector<1xf32>
    %squeeze3A_640 = vector.extract %slice3A_639[0] : f32 from vector<1xf32>
    %add3A_641 = vector.broadcast %squeeze3A_640 : f32 to vector<16xf32>
    %add3A_642 = arith.addf %gather3A_533, %add3A_641 : vector<16xf32>
    %swap3A_643 = arith.constant 4 : i32
    %swap3A_644 = arith.index_cast %swap3A_643 : i32 to index
    %swap3A_645 = arith.constant 208 : index
    %swap3A_646 = tpu.vector_load %arg7[%swap3A_644, %swap3A_645] {strides = array<i32>} : memref<24x256xf32, #tpu.memory_space<vmem>>, vector<16xf32>,
    tpu.vector_store %arg7[%swap3A_644, %swap3A_645], %add3A_642 {strides = array<i32>} : memref<24x256xf32, #tpu.memory_space<vmem>>, vector<16xf32>,
    %slice3A_647 = vector.extract_strided_slice %gather3A_534 {offsets = [14], sizes = [1], strides = [1]} : vector<16xf32> to vector<1xf32>
    %squeeze3A_648 = vector.extract %slice3A_647[0] : f32 from vector<1xf32>
    %add3A_649 = vector.broadcast %squeeze3A_648 : f32 to vector<16xf32>
    %add3A_650 = arith.addf %gather3A_533, %add3A_649 : vector<16xf32>
    %swap3A_651 = arith.constant 4 : i32
    %swap3A_652 = arith.index_cast %swap3A_651 : i32 to index
    %swap3A_653 = arith.constant 224 : index
    %swap3A_654 = tpu.vector_load %arg7[%swap3A_652, %swap3A_653] {strides = array<i32>} : memref<24x256xf32, #tpu.memory_space<vmem>>, vector<16xf32>,
    tpu.vector_store %arg7[%swap3A_652, %swap3A_653], %add3A_650 {strides = array<i32>} : memref<24x256xf32, #tpu.memory_space<vmem>>, vector<16xf32>,
    %slice3A_655 = vector.extract_strided_slice %gather3A_534 {offsets = [15], sizes = [1], strides = [1]} : vector<16xf32> to vector<1xf32>
    %squeeze3A_656 = vector.extract %slice3A_655[0] : f32 from vector<1xf32>
    %add3A_657 = vector.broadcast %squeeze3A_656 : f32 to vector<16xf32>
    %add3A_658 = arith.addf %gather3A_533, %add3A_657 : vector<16xf32>
    %swap3A_659 = arith.constant 4 : i32
    %swap3A_660 = arith.index_cast %swap3A_659 : i32 to index
    %swap3A_661 = arith.constant 240 : index
    %swap3A_662 = tpu.vector_load %arg7[%swap3A_660, %swap3A_661] {strides = array<i32>} : memref<24x256xf32, #tpu.memory_space<vmem>>, vector<16xf32>,
    tpu.vector_store %arg7[%swap3A_660, %swap3A_661], %add3A_658 {strides = array<i32>} : memref<24x256xf32, #tpu.memory_space<vmem>>, vector<16xf32>,
    %add3A_663 = arith.constant 5 : i32
    %add3A_664 = arith.addi %mul3A_2, %add3A_663 : i32
    %broadcast_in_dim3A_665 = vector.broadcast %add3A_664 : i32 to vector<16xi32>
    %gather3A_666 = tpu.vector_load_idx %arg6[%iota3A, %broadcast_in_dim3A_665] : memref<16x768xf32, #tpu.memory_space<vmem>>[vector<16xi32>, vector<16xi32>], vector<16xf32>,
    %gather3A_667 = tpu.vector_load_idx %arg5[%iota3A, %broadcast_in_dim3A_665] : memref<16x768xf32, #tpu.memory_space<vmem>>[vector<16xi32>, vector<16xi32>], vector<16xf32>,
    %slice3A_668 = vector.extract_strided_slice %gather3A_667 {offsets = [0], sizes = [1], strides = [1]} : vector<16xf32> to vector<1xf32>
    %squeeze3A_669 = vector.extract %slice3A_668[0] : f32 from vector<1xf32>
    %add3A_670 = vector.broadcast %squeeze3A_669 : f32 to vector<16xf32>
    %add3A_671 = arith.addf %gather3A_666, %add3A_670 : vector<16xf32>
    %swap3A_672 = arith.constant 5 : i32
    %swap3A_673 = arith.index_cast %swap3A_672 : i32 to index
    %swap3A_674 = arith.constant 0 : index
    %swap3A_675 = tpu.vector_load %arg7[%swap3A_673, %swap3A_674] {strides = array<i32>} : memref<24x256xf32, #tpu.memory_space<vmem>>, vector<16xf32>,
    tpu.vector_store %arg7[%swap3A_673, %swap3A_674], %add3A_671 {strides = array<i32>} : memref<24x256xf32, #tpu.memory_space<vmem>>, vector<16xf32>,
    %slice3A_676 = vector.extract_strided_slice %gather3A_667 {offsets = [1], sizes = [1], strides = [1]} : vector<16xf32> to vector<1xf32>
    %squeeze3A_677 = vector.extract %slice3A_676[0] : f32 from vector<1xf32>
    %add3A_678 = vector.broadcast %squeeze3A_677 : f32 to vector<16xf32>
    %add3A_679 = arith.addf %gather3A_666, %add3A_678 : vector<16xf32>
    %swap3A_680 = arith.constant 5 : i32
    %swap3A_681 = arith.index_cast %swap3A_680 : i32 to index
    %swap3A_682 = arith.constant 16 : index
    %swap3A_683 = tpu.vector_load %arg7[%swap3A_681, %swap3A_682] {strides = array<i32>} : memref<24x256xf32, #tpu.memory_space<vmem>>, vector<16xf32>,
    tpu.vector_store %arg7[%swap3A_681, %swap3A_682], %add3A_679 {strides = array<i32>} : memref<24x256xf32, #tpu.memory_space<vmem>>, vector<16xf32>,
    %slice3A_684 = vector.extract_strided_slice %gather3A_667 {offsets = [2], sizes = [1], strides = [1]} : vector<16xf32> to vector<1xf32>
    %squeeze3A_685 = vector.extract %slice3A_684[0] : f32 from vector<1xf32>
    %add3A_686 = vector.broadcast %squeeze3A_685 : f32 to vector<16xf32>
    %add3A_687 = arith.addf %gather3A_666, %add3A_686 : vector<16xf32>
    %swap3A_688 = arith.constant 5 : i32
    %swap3A_689 = arith.index_cast %swap3A_688 : i32 to index
    %swap3A_690 = arith.constant 32 : index
    %swap3A_691 = tpu.vector_load %arg7[%swap3A_689, %swap3A_690] {strides = array<i32>} : memref<24x256xf32, #tpu.memory_space<vmem>>, vector<16xf32>,
    tpu.vector_store %arg7[%swap3A_689, %swap3A_690], %add3A_687 {strides = array<i32>} : memref<24x256xf32, #tpu.memory_space<vmem>>, vector<16xf32>,
    %slice3A_692 = vector.extract_strided_slice %gather3A_667 {offsets = [3], sizes = [1], strides = [1]} : vector<16xf32> to vector<1xf32>
    %squeeze3A_693 = vector.extract %slice3A_692[0] : f32 from vector<1xf32>
    %add3A_694 = vector.broadcast %squeeze3A_693 : f32 to vector<16xf32>
    %add3A_695 = arith.addf %gather3A_666, %add3A_694 : vector<16xf32>
    %swap3A_696 = arith.constant 5 : i32
    %swap3A_697 = arith.index_cast %swap3A_696 : i32 to index
    %swap3A_698 = arith.constant 48 : index
    %swap3A_699 = tpu.vector_load %arg7[%swap3A_697, %swap3A_698] {strides = array<i32>} : memref<24x256xf32, #tpu.memory_space<vmem>>, vector<16xf32>,
    tpu.vector_store %arg7[%swap3A_697, %swap3A_698], %add3A_695 {strides = array<i32>} : memref<24x256xf32, #tpu.memory_space<vmem>>, vector<16xf32>,
    %slice3A_700 = vector.extract_strided_slice %gather3A_667 {offsets = [4], sizes = [1], strides = [1]} : vector<16xf32> to vector<1xf32>
    %squeeze3A_701 = vector.extract %slice3A_700[0] : f32 from vector<1xf32>
    %add3A_702 = vector.broadcast %squeeze3A_701 : f32 to vector<16xf32>
    %add3A_703 = arith.addf %gather3A_666, %add3A_702 : vector<16xf32>
    %swap3A_704 = arith.constant 5 : i32
    %swap3A_705 = arith.index_cast %swap3A_704 : i32 to index
    %swap3A_706 = arith.constant 64 : index
    %swap3A_707 = tpu.vector_load %arg7[%swap3A_705, %swap3A_706] {strides = array<i32>} : memref<24x256xf32, #tpu.memory_space<vmem>>, vector<16xf32>,
    tpu.vector_store %arg7[%swap3A_705, %swap3A_706], %add3A_703 {strides = array<i32>} : memref<24x256xf32, #tpu.memory_space<vmem>>, vector<16xf32>,
    %slice3A_708 = vector.extract_strided_slice %gather3A_667 {offsets = [5], sizes = [1], strides = [1]} : vector<16xf32> to vector<1xf32>
    %squeeze3A_709 = vector.extract %slice3A_708[0] : f32 from vector<1xf32>
    %add3A_710 = vector.broadcast %squeeze3A_709 : f32 to vector<16xf32>
    %add3A_711 = arith.addf %gather3A_666, %add3A_710 : vector<16xf32>
    %swap3A_712 = arith.constant 5 : i32
    %swap3A_713 = arith.index_cast %swap3A_712 : i32 to index
    %swap3A_714 = arith.constant 80 : index
    %swap3A_715 = tpu.vector_load %arg7[%swap3A_713, %swap3A_714] {strides = array<i32>} : memref<24x256xf32, #tpu.memory_space<vmem>>, vector<16xf32>,
    tpu.vector_store %arg7[%swap3A_713, %swap3A_714], %add3A_711 {strides = array<i32>} : memref<24x256xf32, #tpu.memory_space<vmem>>, vector<16xf32>,
    %slice3A_716 = vector.extract_strided_slice %gather3A_667 {offsets = [6], sizes = [1], strides = [1]} : vector<16xf32> to vector<1xf32>
    %squeeze3A_717 = vector.extract %slice3A_716[0] : f32 from vector<1xf32>
    %add3A_718 = vector.broadcast %squeeze3A_717 : f32 to vector<16xf32>
    %add3A_719 = arith.addf %gather3A_666, %add3A_718 : vector<16xf32>
    %swap3A_720 = arith.constant 5 : i32
    %swap3A_721 = arith.index_cast %swap3A_720 : i32 to index
    %swap3A_722 = arith.constant 96 : index
    %swap3A_723 = tpu.vector_load %arg7[%swap3A_721, %swap3A_722] {strides = array<i32>} : memref<24x256xf32, #tpu.memory_space<vmem>>, vector<16xf32>,
    tpu.vector_store %arg7[%swap3A_721, %swap3A_722], %add3A_719 {strides = array<i32>} : memref<24x256xf32, #tpu.memory_space<vmem>>, vector<16xf32>,
    %slice3A_724 = vector.extract_strided_slice %gather3A_667 {offsets = [7], sizes = [1], strides = [1]} : vector<16xf32> to vector<1xf32>
    %squeeze3A_725 = vector.extract %slice3A_724[0] : f32 from vector<1xf32>
    %add3A_726 = vector.broadcast %squeeze3A_725 : f32 to vector<16xf32>
    %add3A_727 = arith.addf %gather3A_666, %add3A_726 : vector<16xf32>
    %swap3A_728 = arith.constant 5 : i32
    %swap3A_729 = arith.index_cast %swap3A_728 : i32 to index
    %swap3A_730 = arith.constant 112 : index
    %swap3A_731 = tpu.vector_load %arg7[%swap3A_729, %swap3A_730] {strides = array<i32>} : memref<24x256xf32, #tpu.memory_space<vmem>>, vector<16xf32>,
    tpu.vector_store %arg7[%swap3A_729, %swap3A_730], %add3A_727 {strides = array<i32>} : memref<24x256xf32, #tpu.memory_space<vmem>>, vector<16xf32>,
    %slice3A_732 = vector.extract_strided_slice %gather3A_667 {offsets = [8], sizes = [1], strides = [1]} : vector<16xf32> to vector<1xf32>
    %squeeze3A_733 = vector.extract %slice3A_732[0] : f32 from vector<1xf32>
    %add3A_734 = vector.broadcast %squeeze3A_733 : f32 to vector<16xf32>
    %add3A_735 = arith.addf %gather3A_666, %add3A_734 : vector<16xf32>
    %swap3A_736 = arith.constant 5 : i32
    %swap3A_737 = arith.index_cast %swap3A_736 : i32 to index
    %swap3A_738 = arith.constant 128 : index
    %swap3A_739 = tpu.vector_load %arg7[%swap3A_737, %swap3A_738] {strides = array<i32>} : memref<24x256xf32, #tpu.memory_space<vmem>>, vector<16xf32>,
    tpu.vector_store %arg7[%swap3A_737, %swap3A_738], %add3A_735 {strides = array<i32>} : memref<24x256xf32, #tpu.memory_space<vmem>>, vector<16xf32>,
    %slice3A_740 = vector.extract_strided_slice %gather3A_667 {offsets = [9], sizes = [1], strides = [1]} : vector<16xf32> to vector<1xf32>
    %squeeze3A_741 = vector.extract %slice3A_740[0] : f32 from vector<1xf32>
    %add3A_742 = vector.broadcast %squeeze3A_741 : f32 to vector<16xf32>
    %add3A_743 = arith.addf %gather3A_666, %add3A_742 : vector<16xf32>
    %swap3A_744 = arith.constant 5 : i32
    %swap3A_745 = arith.index_cast %swap3A_744 : i32 to index
    %swap3A_746 = arith.constant 144 : index
    %swap3A_747 = tpu.vector_load %arg7[%swap3A_745, %swap3A_746] {strides = array<i32>} : memref<24x256xf32, #tpu.memory_space<vmem>>, vector<16xf32>,
    tpu.vector_store %arg7[%swap3A_745, %swap3A_746], %add3A_743 {strides = array<i32>} : memref<24x256xf32, #tpu.memory_space<vmem>>, vector<16xf32>,
    %slice3A_748 = vector.extract_strided_slice %gather3A_667 {offsets = [10], sizes = [1], strides = [1]} : vector<16xf32> to vector<1xf32>
    %squeeze3A_749 = vector.extract %slice3A_748[0] : f32 from vector<1xf32>
    %add3A_750 = vector.broadcast %squeeze3A_749 : f32 to vector<16xf32>
    %add3A_751 = arith.addf %gather3A_666, %add3A_750 : vector<16xf32>
    %swap3A_752 = arith.constant 5 : i32
    %swap3A_753 = arith.index_cast %swap3A_752 : i32 to index
    %swap3A_754 = arith.constant 160 : index
    %swap3A_755 = tpu.vector_load %arg7[%swap3A_753, %swap3A_754] {strides = array<i32>} : memref<24x256xf32, #tpu.memory_space<vmem>>, vector<16xf32>,
    tpu.vector_store %arg7[%swap3A_753, %swap3A_754], %add3A_751 {strides = array<i32>} : memref<24x256xf32, #tpu.memory_space<vmem>>, vector<16xf32>,
    %slice3A_756 = vector.extract_strided_slice %gather3A_667 {offsets = [11], sizes = [1], strides = [1]} : vector<16xf32> to vector<1xf32>
    %squeeze3A_757 = vector.extract %slice3A_756[0] : f32 from vector<1xf32>
    %add3A_758 = vector.broadcast %squeeze3A_757 : f32 to vector<16xf32>
    %add3A_759 = arith.addf %gather3A_666, %add3A_758 : vector<16xf32>
    %swap3A_760 = arith.constant 5 : i32
    %swap3A_761 = arith.index_cast %swap3A_760 : i32 to index
    %swap3A_762 = arith.constant 176 : index
    %swap3A_763 = tpu.vector_load %arg7[%swap3A_761, %swap3A_762] {strides = array<i32>} : memref<24x256xf32, #tpu.memory_space<vmem>>, vector<16xf32>,
    tpu.vector_store %arg7[%swap3A_761, %swap3A_762], %add3A_759 {strides = array<i32>} : memref<24x256xf32, #tpu.memory_space<vmem>>, vector<16xf32>,
    %slice3A_764 = vector.extract_strided_slice %gather3A_667 {offsets = [12], sizes = [1], strides = [1]} : vector<16xf32> to vector<1xf32>
    %squeeze3A_765 = vector.extract %slice3A_764[0] : f32 from vector<1xf32>
    %add3A_766 = vector.broadcast %squeeze3A_765 : f32 to vector<16xf32>
    %add3A_767 = arith.addf %gather3A_666, %add3A_766 : vector<16xf32>
    %swap3A_768 = arith.constant 5 : i32
    %swap3A_769 = arith.index_cast %swap3A_768 : i32 to index
    %swap3A_770 = arith.constant 192 : index
    %swap3A_771 = tpu.vector_load %arg7[%swap3A_769, %swap3A_770] {strides = array<i32>} : memref<24x256xf32, #tpu.memory_space<vmem>>, vector<16xf32>,
    tpu.vector_store %arg7[%swap3A_769, %swap3A_770], %add3A_767 {strides = array<i32>} : memref<24x256xf32, #tpu.memory_space<vmem>>, vector<16xf32>,
    %slice3A_772 = vector.extract_strided_slice %gather3A_667 {offsets = [13], sizes = [1], strides = [1]} : vector<16xf32> to vector<1xf32>
    %squeeze3A_773 = vector.extract %slice3A_772[0] : f32 from vector<1xf32>
    %add3A_774 = vector.broadcast %squeeze3A_773 : f32 to vector<16xf32>
    %add3A_775 = arith.addf %gather3A_666, %add3A_774 : vector<16xf32>
    %swap3A_776 = arith.constant 5 : i32
    %swap3A_777 = arith.index_cast %swap3A_776 : i32 to index
    %swap3A_778 = arith.constant 208 : index
    %swap3A_779 = tpu.vector_load %arg7[%swap3A_777, %swap3A_778] {strides = array<i32>} : memref<24x256xf32, #tpu.memory_space<vmem>>, vector<16xf32>,
    tpu.vector_store %arg7[%swap3A_777, %swap3A_778], %add3A_775 {strides = array<i32>} : memref<24x256xf32, #tpu.memory_space<vmem>>, vector<16xf32>,
    %slice3A_780 = vector.extract_strided_slice %gather3A_667 {offsets = [14], sizes = [1], strides = [1]} : vector<16xf32> to vector<1xf32>
    %squeeze3A_781 = vector.extract %slice3A_780[0] : f32 from vector<1xf32>
    %add3A_782 = vector.broadcast %squeeze3A_781 : f32 to vector<16xf32>
    %add3A_783 = arith.addf %gather3A_666, %add3A_782 : vector<16xf32>
    %swap3A_784 = arith.constant 5 : i32
    %swap3A_785 = arith.index_cast %swap3A_784 : i32 to index
    %swap3A_786 = arith.constant 224 : index
    %swap3A_787 = tpu.vector_load %arg7[%swap3A_785, %swap3A_786] {strides = array<i32>} : memref<24x256xf32, #tpu.memory_space<vmem>>, vector<16xf32>,
    tpu.vector_store %arg7[%swap3A_785, %swap3A_786], %add3A_783 {strides = array<i32>} : memref<24x256xf32, #tpu.memory_space<vmem>>, vector<16xf32>,
    %slice3A_788 = vector.extract_strided_slice %gather3A_667 {offsets = [15], sizes = [1], strides = [1]} : vector<16xf32> to vector<1xf32>
    %squeeze3A_789 = vector.extract %slice3A_788[0] : f32 from vector<1xf32>
    %add3A_790 = vector.broadcast %squeeze3A_789 : f32 to vector<16xf32>
    %add3A_791 = arith.addf %gather3A_666, %add3A_790 : vector<16xf32>
    %swap3A_792 = arith.constant 5 : i32
    %swap3A_793 = arith.index_cast %swap3A_792 : i32 to index
    %swap3A_794 = arith.constant 240 : index
    %swap3A_795 = tpu.vector_load %arg7[%swap3A_793, %swap3A_794] {strides = array<i32>} : memref<24x256xf32, #tpu.memory_space<vmem>>, vector<16xf32>,
    tpu.vector_store %arg7[%swap3A_793, %swap3A_794], %add3A_791 {strides = array<i32>} : memref<24x256xf32, #tpu.memory_space<vmem>>, vector<16xf32>,
    %add3A_796 = arith.constant 6 : i32
    %add3A_797 = arith.addi %mul3A_2, %add3A_796 : i32
    %broadcast_in_dim3A_798 = vector.broadcast %add3A_797 : i32 to vector<16xi32>
    %gather3A_799 = tpu.vector_load_idx %arg6[%iota3A, %broadcast_in_dim3A_798] : memref<16x768xf32, #tpu.memory_space<vmem>>[vector<16xi32>, vector<16xi32>], vector<16xf32>,
    %gather3A_800 = tpu.vector_load_idx %arg5[%iota3A, %broadcast_in_dim3A_798] : memref<16x768xf32, #tpu.memory_space<vmem>>[vector<16xi32>, vector<16xi32>], vector<16xf32>,
    %slice3A_801 = vector.extract_strided_slice %gather3A_800 {offsets = [0], sizes = [1], strides = [1]} : vector<16xf32> to vector<1xf32>
    %squeeze3A_802 = vector.extract %slice3A_801[0] : f32 from vector<1xf32>
    %add3A_803 = vector.broadcast %squeeze3A_802 : f32 to vector<16xf32>
    %add3A_804 = arith.addf %gather3A_799, %add3A_803 : vector<16xf32>
    %swap3A_805 = arith.constant 6 : i32
    %swap3A_806 = arith.index_cast %swap3A_805 : i32 to index
    %swap3A_807 = arith.constant 0 : index
    %swap3A_808 = tpu.vector_load %arg7[%swap3A_806, %swap3A_807] {strides = array<i32>} : memref<24x256xf32, #tpu.memory_space<vmem>>, vector<16xf32>,
    tpu.vector_store %arg7[%swap3A_806, %swap3A_807], %add3A_804 {strides = array<i32>} : memref<24x256xf32, #tpu.memory_space<vmem>>, vector<16xf32>,
    %slice3A_809 = vector.extract_strided_slice %gather3A_800 {offsets = [1], sizes = [1], strides = [1]} : vector<16xf32> to vector<1xf32>
    %squeeze3A_810 = vector.extract %slice3A_809[0] : f32 from vector<1xf32>
    %add3A_811 = vector.broadcast %squeeze3A_810 : f32 to vector<16xf32>
    %add3A_812 = arith.addf %gather3A_799, %add3A_811 : vector<16xf32>
    %swap3A_813 = arith.constant 6 : i32
    %swap3A_814 = arith.index_cast %swap3A_813 : i32 to index
    %swap3A_815 = arith.constant 16 : index
    %swap3A_816 = tpu.vector_load %arg7[%swap3A_814, %swap3A_815] {strides = array<i32>} : memref<24x256xf32, #tpu.memory_space<vmem>>, vector<16xf32>,
    tpu.vector_store %arg7[%swap3A_814, %swap3A_815], %add3A_812 {strides = array<i32>} : memref<24x256xf32, #tpu.memory_space<vmem>>, vector<16xf32>,
    %slice3A_817 = vector.extract_strided_slice %gather3A_800 {offsets = [2], sizes = [1], strides = [1]} : vector<16xf32> to vector<1xf32>
    %squeeze3A_818 = vector.extract %slice3A_817[0] : f32 from vector<1xf32>
    %add3A_819 = vector.broadcast %squeeze3A_818 : f32 to vector<16xf32>
    %add3A_820 = arith.addf %gather3A_799, %add3A_819 : vector<16xf32>
    %swap3A_821 = arith.constant 6 : i32
    %swap3A_822 = arith.index_cast %swap3A_821 : i32 to index
    %swap3A_823 = arith.constant 32 : index
    %swap3A_824 = tpu.vector_load %arg7[%swap3A_822, %swap3A_823] {strides = array<i32>} : memref<24x256xf32, #tpu.memory_space<vmem>>, vector<16xf32>,
    tpu.vector_store %arg7[%swap3A_822, %swap3A_823], %add3A_820 {strides = array<i32>} : memref<24x256xf32, #tpu.memory_space<vmem>>, vector<16xf32>,
    %slice3A_825 = vector.extract_strided_slice %gather3A_800 {offsets = [3], sizes = [1], strides = [1]} : vector<16xf32> to vector<1xf32>
    %squeeze3A_826 = vector.extract %slice3A_825[0] : f32 from vector<1xf32>
    %add3A_827 = vector.broadcast %squeeze3A_826 : f32 to vector<16xf32>
    %add3A_828 = arith.addf %gather3A_799, %add3A_827 : vector<16xf32>
    %swap3A_829 = arith.constant 6 : i32
    %swap3A_830 = arith.index_cast %swap3A_829 : i32 to index
    %swap3A_831 = arith.constant 48 : index
    %swap3A_832 = tpu.vector_load %arg7[%swap3A_830, %swap3A_831] {strides = array<i32>} : memref<24x256xf32, #tpu.memory_space<vmem>>, vector<16xf32>,
    tpu.vector_store %arg7[%swap3A_830, %swap3A_831], %add3A_828 {strides = array<i32>} : memref<24x256xf32, #tpu.memory_space<vmem>>, vector<16xf32>,
    %slice3A_833 = vector.extract_strided_slice %gather3A_800 {offsets = [4], sizes = [1], strides = [1]} : vector<16xf32> to vector<1xf32>
    %squeeze3A_834 = vector.extract %slice3A_833[0] : f32 from vector<1xf32>
    %add3A_835 = vector.broadcast %squeeze3A_834 : f32 to vector<16xf32>
    %add3A_836 = arith.addf %gather3A_799, %add3A_835 : vector<16xf32>
    %swap3A_837 = arith.constant 6 : i32
    %swap3A_838 = arith.index_cast %swap3A_837 : i32 to index
    %swap3A_839 = arith.constant 64 : index
    %swap3A_840 = tpu.vector_load %arg7[%swap3A_838, %swap3A_839] {strides = array<i32>} : memref<24x256xf32, #tpu.memory_space<vmem>>, vector<16xf32>,
    tpu.vector_store %arg7[%swap3A_838, %swap3A_839], %add3A_836 {strides = array<i32>} : memref<24x256xf32, #tpu.memory_space<vmem>>, vector<16xf32>,
    %slice3A_841 = vector.extract_strided_slice %gather3A_800 {offsets = [5], sizes = [1], strides = [1]} : vector<16xf32> to vector<1xf32>
    %squeeze3A_842 = vector.extract %slice3A_841[0] : f32 from vector<1xf32>
    %add3A_843 = vector.broadcast %squeeze3A_842 : f32 to vector<16xf32>
    %add3A_844 = arith.addf %gather3A_799, %add3A_843 : vector<16xf32>
    %swap3A_845 = arith.constant 6 : i32
    %swap3A_846 = arith.index_cast %swap3A_845 : i32 to index
    %swap3A_847 = arith.constant 80 : index
    %swap3A_848 = tpu.vector_load %arg7[%swap3A_846, %swap3A_847] {strides = array<i32>} : memref<24x256xf32, #tpu.memory_space<vmem>>, vector<16xf32>,
    tpu.vector_store %arg7[%swap3A_846, %swap3A_847], %add3A_844 {strides = array<i32>} : memref<24x256xf32, #tpu.memory_space<vmem>>, vector<16xf32>,
    %slice3A_849 = vector.extract_strided_slice %gather3A_800 {offsets = [6], sizes = [1], strides = [1]} : vector<16xf32> to vector<1xf32>
    %squeeze3A_850 = vector.extract %slice3A_849[0] : f32 from vector<1xf32>
    %add3A_851 = vector.broadcast %squeeze3A_850 : f32 to vector<16xf32>
    %add3A_852 = arith.addf %gather3A_799, %add3A_851 : vector<16xf32>
    %swap3A_853 = arith.constant 6 : i32
    %swap3A_854 = arith.index_cast %swap3A_853 : i32 to index
    %swap3A_855 = arith.constant 96 : index
    %swap3A_856 = tpu.vector_load %arg7[%swap3A_854, %swap3A_855] {strides = array<i32>} : memref<24x256xf32, #tpu.memory_space<vmem>>, vector<16xf32>,
    tpu.vector_store %arg7[%swap3A_854, %swap3A_855], %add3A_852 {strides = array<i32>} : memref<24x256xf32, #tpu.memory_space<vmem>>, vector<16xf32>,
    %slice3A_857 = vector.extract_strided_slice %gather3A_800 {offsets = [7], sizes = [1], strides = [1]} : vector<16xf32> to vector<1xf32>
    %squeeze3A_858 = vector.extract %slice3A_857[0] : f32 from vector<1xf32>
    %add3A_859 = vector.broadcast %squeeze3A_858 : f32 to vector<16xf32>
    %add3A_860 = arith.addf %gather3A_799, %add3A_859 : vector<16xf32>
    %swap3A_861 = arith.constant 6 : i32
    %swap3A_862 = arith.index_cast %swap3A_861 : i32 to index
    %swap3A_863 = arith.constant 112 : index
    %swap3A_864 = tpu.vector_load %arg7[%swap3A_862, %swap3A_863] {strides = array<i32>} : memref<24x256xf32, #tpu.memory_space<vmem>>, vector<16xf32>,
    tpu.vector_store %arg7[%swap3A_862, %swap3A_863], %add3A_860 {strides = array<i32>} : memref<24x256xf32, #tpu.memory_space<vmem>>, vector<16xf32>,
    %slice3A_865 = vector.extract_strided_slice %gather3A_800 {offsets = [8], sizes = [1], strides = [1]} : vector<16xf32> to vector<1xf32>
    %squeeze3A_866 = vector.extract %slice3A_865[0] : f32 from vector<1xf32>
    %add3A_867 = vector.broadcast %squeeze3A_866 : f32 to vector<16xf32>
    %add3A_868 = arith.addf %gather3A_799, %add3A_867 : vector<16xf32>
    %swap3A_869 = arith.constant 6 : i32
    %swap3A_870 = arith.index_cast %swap3A_869 : i32 to index
    %swap3A_871 = arith.constant 128 : index
    %swap3A_872 = tpu.vector_load %arg7[%swap3A_870, %swap3A_871] {strides = array<i32>} : memref<24x256xf32, #tpu.memory_space<vmem>>, vector<16xf32>,
    tpu.vector_store %arg7[%swap3A_870, %swap3A_871], %add3A_868 {strides = array<i32>} : memref<24x256xf32, #tpu.memory_space<vmem>>, vector<16xf32>,
    %slice3A_873 = vector.extract_strided_slice %gather3A_800 {offsets = [9], sizes = [1], strides = [1]} : vector<16xf32> to vector<1xf32>
    %squeeze3A_874 = vector.extract %slice3A_873[0] : f32 from vector<1xf32>
    %add3A_875 = vector.broadcast %squeeze3A_874 : f32 to vector<16xf32>
    %add3A_876 = arith.addf %gather3A_799, %add3A_875 : vector<16xf32>
    %swap3A_877 = arith.constant 6 : i32
    %swap3A_878 = arith.index_cast %swap3A_877 : i32 to index
    %swap3A_879 = arith.constant 144 : index
    %swap3A_880 = tpu.vector_load %arg7[%swap3A_878, %swap3A_879] {strides = array<i32>} : memref<24x256xf32, #tpu.memory_space<vmem>>, vector<16xf32>,
    tpu.vector_store %arg7[%swap3A_878, %swap3A_879], %add3A_876 {strides = array<i32>} : memref<24x256xf32, #tpu.memory_space<vmem>>, vector<16xf32>,
    %slice3A_881 = vector.extract_strided_slice %gather3A_800 {offsets = [10], sizes = [1], strides = [1]} : vector<16xf32> to vector<1xf32>
    %squeeze3A_882 = vector.extract %slice3A_881[0] : f32 from vector<1xf32>
    %add3A_883 = vector.broadcast %squeeze3A_882 : f32 to vector<16xf32>
    %add3A_884 = arith.addf %gather3A_799, %add3A_883 : vector<16xf32>
    %swap3A_885 = arith.constant 6 : i32
    %swap3A_886 = arith.index_cast %swap3A_885 : i32 to index
    %swap3A_887 = arith.constant 160 : index
    %swap3A_888 = tpu.vector_load %arg7[%swap3A_886, %swap3A_887] {strides = array<i32>} : memref<24x256xf32, #tpu.memory_space<vmem>>, vector<16xf32>,
    tpu.vector_store %arg7[%swap3A_886, %swap3A_887], %add3A_884 {strides = array<i32>} : memref<24x256xf32, #tpu.memory_space<vmem>>, vector<16xf32>,
    %slice3A_889 = vector.extract_strided_slice %gather3A_800 {offsets = [11], sizes = [1], strides = [1]} : vector<16xf32> to vector<1xf32>
    %squeeze3A_890 = vector.extract %slice3A_889[0] : f32 from vector<1xf32>
    %add3A_891 = vector.broadcast %squeeze3A_890 : f32 to vector<16xf32>
    %add3A_892 = arith.addf %gather3A_799, %add3A_891 : vector<16xf32>
    %swap3A_893 = arith.constant 6 : i32
    %swap3A_894 = arith.index_cast %swap3A_893 : i32 to index
    %swap3A_895 = arith.constant 176 : index
    %swap3A_896 = tpu.vector_load %arg7[%swap3A_894, %swap3A_895] {strides = array<i32>} : memref<24x256xf32, #tpu.memory_space<vmem>>, vector<16xf32>,
    tpu.vector_store %arg7[%swap3A_894, %swap3A_895], %add3A_892 {strides = array<i32>} : memref<24x256xf32, #tpu.memory_space<vmem>>, vector<16xf32>,
    %slice3A_897 = vector.extract_strided_slice %gather3A_800 {offsets = [12], sizes = [1], strides = [1]} : vector<16xf32> to vector<1xf32>
    %squeeze3A_898 = vector.extract %slice3A_897[0] : f32 from vector<1xf32>
    %add3A_899 = vector.broadcast %squeeze3A_898 : f32 to vector<16xf32>
    %add3A_900 = arith.addf %gather3A_799, %add3A_899 : vector<16xf32>
    %swap3A_901 = arith.constant 6 : i32
    %swap3A_902 = arith.index_cast %swap3A_901 : i32 to index
    %swap3A_903 = arith.constant 192 : index
    %swap3A_904 = tpu.vector_load %arg7[%swap3A_902, %swap3A_903] {strides = array<i32>} : memref<24x256xf32, #tpu.memory_space<vmem>>, vector<16xf32>,
    tpu.vector_store %arg7[%swap3A_902, %swap3A_903], %add3A_900 {strides = array<i32>} : memref<24x256xf32, #tpu.memory_space<vmem>>, vector<16xf32>,
    %slice3A_905 = vector.extract_strided_slice %gather3A_800 {offsets = [13], sizes = [1], strides = [1]} : vector<16xf32> to vector<1xf32>
    %squeeze3A_906 = vector.extract %slice3A_905[0] : f32 from vector<1xf32>
    %add3A_907 = vector.broadcast %squeeze3A_906 : f32 to vector<16xf32>
    %add3A_908 = arith.addf %gather3A_799, %add3A_907 : vector<16xf32>
    %swap3A_909 = arith.constant 6 : i32
    %swap3A_910 = arith.index_cast %swap3A_909 : i32 to index
    %swap3A_911 = arith.constant 208 : index
    %swap3A_912 = tpu.vector_load %arg7[%swap3A_910, %swap3A_911] {strides = array<i32>} : memref<24x256xf32, #tpu.memory_space<vmem>>, vector<16xf32>,
    tpu.vector_store %arg7[%swap3A_910, %swap3A_911], %add3A_908 {strides = array<i32>} : memref<24x256xf32, #tpu.memory_space<vmem>>, vector<16xf32>,
    %slice3A_913 = vector.extract_strided_slice %gather3A_800 {offsets = [14], sizes = [1], strides = [1]} : vector<16xf32> to vector<1xf32>
    %squeeze3A_914 = vector.extract %slice3A_913[0] : f32 from vector<1xf32>
    %add3A_915 = vector.broadcast %squeeze3A_914 : f32 to vector<16xf32>
    %add3A_916 = arith.addf %gather3A_799, %add3A_915 : vector<16xf32>
    %swap3A_917 = arith.constant 6 : i32
    %swap3A_918 = arith.index_cast %swap3A_917 : i32 to index
    %swap3A_919 = arith.constant 224 : index
    %swap3A_920 = tpu.vector_load %arg7[%swap3A_918, %swap3A_919] {strides = array<i32>} : memref<24x256xf32, #tpu.memory_space<vmem>>, vector<16xf32>,
    tpu.vector_store %arg7[%swap3A_918, %swap3A_919], %add3A_916 {strides = array<i32>} : memref<24x256xf32, #tpu.memory_space<vmem>>, vector<16xf32>,
    %slice3A_921 = vector.extract_strided_slice %gather3A_800 {offsets = [15], sizes = [1], strides = [1]} : vector<16xf32> to vector<1xf32>
    %squeeze3A_922 = vector.extract %slice3A_921[0] : f32 from vector<1xf32>
    %add3A_923 = vector.broadcast %squeeze3A_922 : f32 to vector<16xf32>
    %add3A_924 = arith.addf %gather3A_799, %add3A_923 : vector<16xf32>
    %swap3A_925 = arith.constant 6 : i32
    %swap3A_926 = arith.index_cast %swap3A_925 : i32 to index
    %swap3A_927 = arith.constant 240 : index
    %swap3A_928 = tpu.vector_load %arg7[%swap3A_926, %swap3A_927] {strides = array<i32>} : memref<24x256xf32, #tpu.memory_space<vmem>>, vector<16xf32>,
    tpu.vector_store %arg7[%swap3A_926, %swap3A_927], %add3A_924 {strides = array<i32>} : memref<24x256xf32, #tpu.memory_space<vmem>>, vector<16xf32>,
    %add3A_929 = arith.constant 7 : i32
    %add3A_930 = arith.addi %mul3A_2, %add3A_929 : i32
    %broadcast_in_dim3A_931 = vector.broadcast %add3A_930 : i32 to vector<16xi32>
    %gather3A_932 = tpu.vector_load_idx %arg6[%iota3A, %broadcast_in_dim3A_931] : memref<16x768xf32, #tpu.memory_space<vmem>>[vector<16xi32>, vector<16xi32>], vector<16xf32>,
    %gather3A_933 = tpu.vector_load_idx %arg5[%iota3A, %broadcast_in_dim3A_931] : memref<16x768xf32, #tpu.memory_space<vmem>>[vector<16xi32>, vector<16xi32>], vector<16xf32>,
    %slice3A_934 = vector.extract_strided_slice %gather3A_933 {offsets = [0], sizes = [1], strides = [1]} : vector<16xf32> to vector<1xf32>
    %squeeze3A_935 = vector.extract %slice3A_934[0] : f32 from vector<1xf32>
    %add3A_936 = vector.broadcast %squeeze3A_935 : f32 to vector<16xf32>
    %add3A_937 = arith.addf %gather3A_932, %add3A_936 : vector<16xf32>
    %swap3A_938 = arith.constant 7 : i32
    %swap3A_939 = arith.index_cast %swap3A_938 : i32 to index
    %swap3A_940 = arith.constant 0 : index
    %swap3A_941 = tpu.vector_load %arg7[%swap3A_939, %swap3A_940] {strides = array<i32>} : memref<24x256xf32, #tpu.memory_space<vmem>>, vector<16xf32>,
    tpu.vector_store %arg7[%swap3A_939, %swap3A_940], %add3A_937 {strides = array<i32>} : memref<24x256xf32, #tpu.memory_space<vmem>>, vector<16xf32>,
    %slice3A_942 = vector.extract_strided_slice %gather3A_933 {offsets = [1], sizes = [1], strides = [1]} : vector<16xf32> to vector<1xf32>
    %squeeze3A_943 = vector.extract %slice3A_942[0] : f32 from vector<1xf32>
    %add3A_944 = vector.broadcast %squeeze3A_943 : f32 to vector<16xf32>
    %add3A_945 = arith.addf %gather3A_932, %add3A_944 : vector<16xf32>
    %swap3A_946 = arith.constant 7 : i32
    %swap3A_947 = arith.index_cast %swap3A_946 : i32 to index
    %swap3A_948 = arith.constant 16 : index
    %swap3A_949 = tpu.vector_load %arg7[%swap3A_947, %swap3A_948] {strides = array<i32>} : memref<24x256xf32, #tpu.memory_space<vmem>>, vector<16xf32>,
    tpu.vector_store %arg7[%swap3A_947, %swap3A_948], %add3A_945 {strides = array<i32>} : memref<24x256xf32, #tpu.memory_space<vmem>>, vector<16xf32>,
    %slice3A_950 = vector.extract_strided_slice %gather3A_933 {offsets = [2], sizes = [1], strides = [1]} : vector<16xf32> to vector<1xf32>
    %squeeze3A_951 = vector.extract %slice3A_950[0] : f32 from vector<1xf32>
    %add3A_952 = vector.broadcast %squeeze3A_951 : f32 to vector<16xf32>
    %add3A_953 = arith.addf %gather3A_932, %add3A_952 : vector<16xf32>
    %swap3A_954 = arith.constant 7 : i32
    %swap3A_955 = arith.index_cast %swap3A_954 : i32 to index
    %swap3A_956 = arith.constant 32 : index
    %swap3A_957 = tpu.vector_load %arg7[%swap3A_955, %swap3A_956] {strides = array<i32>} : memref<24x256xf32, #tpu.memory_space<vmem>>, vector<16xf32>,
    tpu.vector_store %arg7[%swap3A_955, %swap3A_956], %add3A_953 {strides = array<i32>} : memref<24x256xf32, #tpu.memory_space<vmem>>, vector<16xf32>,
    %slice3A_958 = vector.extract_strided_slice %gather3A_933 {offsets = [3], sizes = [1], strides = [1]} : vector<16xf32> to vector<1xf32>
    %squeeze3A_959 = vector.extract %slice3A_958[0] : f32 from vector<1xf32>
    %add3A_960 = vector.broadcast %squeeze3A_959 : f32 to vector<16xf32>
    %add3A_961 = arith.addf %gather3A_932, %add3A_960 : vector<16xf32>
    %swap3A_962 = arith.constant 7 : i32
    %swap3A_963 = arith.index_cast %swap3A_962 : i32 to index
    %swap3A_964 = arith.constant 48 : index
    %swap3A_965 = tpu.vector_load %arg7[%swap3A_963, %swap3A_964] {strides = array<i32>} : memref<24x256xf32, #tpu.memory_space<vmem>>, vector<16xf32>,
    tpu.vector_store %arg7[%swap3A_963, %swap3A_964], %add3A_961 {strides = array<i32>} : memref<24x256xf32, #tpu.memory_space<vmem>>, vector<16xf32>,
    %slice3A_966 = vector.extract_strided_slice %gather3A_933 {offsets = [4], sizes = [1], strides = [1]} : vector<16xf32> to vector<1xf32>
    %squeeze3A_967 = vector.extract %slice3A_966[0] : f32 from vector<1xf32>
    %add3A_968 = vector.broadcast %squeeze3A_967 : f32 to vector<16xf32>
    %add3A_969 = arith.addf %gather3A_932, %add3A_968 : vector<16xf32>
    %swap3A_970 = arith.constant 7 : i32
    %swap3A_971 = arith.index_cast %swap3A_970 : i32 to index
    %swap3A_972 = arith.constant 64 : index
    %swap3A_973 = tpu.vector_load %arg7[%swap3A_971, %swap3A_972] {strides = array<i32>} : memref<24x256xf32, #tpu.memory_space<vmem>>, vector<16xf32>,
    tpu.vector_store %arg7[%swap3A_971, %swap3A_972], %add3A_969 {strides = array<i32>} : memref<24x256xf32, #tpu.memory_space<vmem>>, vector<16xf32>,
    %slice3A_974 = vector.extract_strided_slice %gather3A_933 {offsets = [5], sizes = [1], strides = [1]} : vector<16xf32> to vector<1xf32>
    %squeeze3A_975 = vector.extract %slice3A_974[0] : f32 from vector<1xf32>
    %add3A_976 = vector.broadcast %squeeze3A_975 : f32 to vector<16xf32>
    %add3A_977 = arith.addf %gather3A_932, %add3A_976 : vector<16xf32>
    %swap3A_978 = arith.constant 7 : i32
    %swap3A_979 = arith.index_cast %swap3A_978 : i32 to index
    %swap3A_980 = arith.constant 80 : index
    %swap3A_981 = tpu.vector_load %arg7[%swap3A_979, %swap3A_980] {strides = array<i32>} : memref<24x256xf32, #tpu.memory_space<vmem>>, vector<16xf32>,
    tpu.vector_store %arg7[%swap3A_979, %swap3A_980], %add3A_977 {strides = array<i32>} : memref<24x256xf32, #tpu.memory_space<vmem>>, vector<16xf32>,
    %slice3A_982 = vector.extract_strided_slice %gather3A_933 {offsets = [6], sizes = [1], strides = [1]} : vector<16xf32> to vector<1xf32>
    %squeeze3A_983 = vector.extract %slice3A_982[0] : f32 from vector<1xf32>
    %add3A_984 = vector.broadcast %squeeze3A_983 : f32 to vector<16xf32>
    %add3A_985 = arith.addf %gather3A_932, %add3A_984 : vector<16xf32>
    %swap3A_986 = arith.constant 7 : i32
    %swap3A_987 = arith.index_cast %swap3A_986 : i32 to index
    %swap3A_988 = arith.constant 96 : index
    %swap3A_989 = tpu.vector_load %arg7[%swap3A_987, %swap3A_988] {strides = array<i32>} : memref<24x256xf32, #tpu.memory_space<vmem>>, vector<16xf32>,
    tpu.vector_store %arg7[%swap3A_987, %swap3A_988], %add3A_985 {strides = array<i32>} : memref<24x256xf32, #tpu.memory_space<vmem>>, vector<16xf32>,
    %slice3A_990 = vector.extract_strided_slice %gather3A_933 {offsets = [7], sizes = [1], strides = [1]} : vector<16xf32> to vector<1xf32>
    %squeeze3A_991 = vector.extract %slice3A_990[0] : f32 from vector<1xf32>
    %add3A_992 = vector.broadcast %squeeze3A_991 : f32 to vector<16xf32>
    %add3A_993 = arith.addf %gather3A_932, %add3A_992 : vector<16xf32>
    %swap3A_994 = arith.constant 7 : i32
    %swap3A_995 = arith.index_cast %swap3A_994 : i32 to index
    %swap3A_996 = arith.constant 112 : index
    %swap3A_997 = tpu.vector_load %arg7[%swap3A_995, %swap3A_996] {strides = array<i32>} : memref<24x256xf32, #tpu.memory_space<vmem>>, vector<16xf32>,
    tpu.vector_store %arg7[%swap3A_995, %swap3A_996], %add3A_993 {strides = array<i32>} : memref<24x256xf32, #tpu.memory_space<vmem>>, vector<16xf32>,
    %slice3A_998 = vector.extract_strided_slice %gather3A_933 {offsets = [8], sizes = [1], strides = [1]} : vector<16xf32> to vector<1xf32>
    %squeeze3A_999 = vector.extract %slice3A_998[0] : f32 from vector<1xf32>
    %add3A_1000 = vector.broadcast %squeeze3A_999 : f32 to vector<16xf32>
    %add3A_1001 = arith.addf %gather3A_932, %add3A_1000 : vector<16xf32>
    %swap3A_1002 = arith.constant 7 : i32
    %swap3A_1003 = arith.index_cast %swap3A_1002 : i32 to index
    %swap3A_1004 = arith.constant 128 : index
    %swap3A_1005 = tpu.vector_load %arg7[%swap3A_1003, %swap3A_1004] {strides = array<i32>} : memref<24x256xf32, #tpu.memory_space<vmem>>, vector<16xf32>,
    tpu.vector_store %arg7[%swap3A_1003, %swap3A_1004], %add3A_1001 {strides = array<i32>} : memref<24x256xf32, #tpu.memory_space<vmem>>, vector<16xf32>,
    %slice3A_1006 = vector.extract_strided_slice %gather3A_933 {offsets = [9], sizes = [1], strides = [1]} : vector<16xf32> to vector<1xf32>
    %squeeze3A_1007 = vector.extract %slice3A_1006[0] : f32 from vector<1xf32>
    %add3A_1008 = vector.broadcast %squeeze3A_1007 : f32 to vector<16xf32>
    %add3A_1009 = arith.addf %gather3A_932, %add3A_1008 : vector<16xf32>
    %swap3A_1010 = arith.constant 7 : i32
    %swap3A_1011 = arith.index_cast %swap3A_1010 : i32 to index
    %swap3A_1012 = arith.constant 144 : index
    %swap3A_1013 = tpu.vector_load %arg7[%swap3A_1011, %swap3A_1012] {strides = array<i32>} : memref<24x256xf32, #tpu.memory_space<vmem>>, vector<16xf32>,
    tpu.vector_store %arg7[%swap3A_1011, %swap3A_1012], %add3A_1009 {strides = array<i32>} : memref<24x256xf32, #tpu.memory_space<vmem>>, vector<16xf32>,
    %slice3A_1014 = vector.extract_strided_slice %gather3A_933 {offsets = [10], sizes = [1], strides = [1]} : vector<16xf32> to vector<1xf32>
    %squeeze3A_1015 = vector.extract %slice3A_1014[0] : f32 from vector<1xf32>
    %add3A_1016 = vector.broadcast %squeeze3A_1015 : f32 to vector<16xf32>
    %add3A_1017 = arith.addf %gather3A_932, %add3A_1016 : vector<16xf32>
    %swap3A_1018 = arith.constant 7 : i32
    %swap3A_1019 = arith.index_cast %swap3A_1018 : i32 to index
    %swap3A_1020 = arith.constant 160 : index
    %swap3A_1021 = tpu.vector_load %arg7[%swap3A_1019, %swap3A_1020] {strides = array<i32>} : memref<24x256xf32, #tpu.memory_space<vmem>>, vector<16xf32>,
    tpu.vector_store %arg7[%swap3A_1019, %swap3A_1020], %add3A_1017 {strides = array<i32>} : memref<24x256xf32, #tpu.memory_space<vmem>>, vector<16xf32>,
    %slice3A_1022 = vector.extract_strided_slice %gather3A_933 {offsets = [11], sizes = [1], strides = [1]} : vector<16xf32> to vector<1xf32>
    %squeeze3A_1023 = vector.extract %slice3A_1022[0] : f32 from vector<1xf32>
    %add3A_1024 = vector.broadcast %squeeze3A_1023 : f32 to vector<16xf32>
    %add3A_1025 = arith.addf %gather3A_932, %add3A_1024 : vector<16xf32>
    %swap3A_1026 = arith.constant 7 : i32
    %swap3A_1027 = arith.index_cast %swap3A_1026 : i32 to index
    %swap3A_1028 = arith.constant 176 : index
    %swap3A_1029 = tpu.vector_load %arg7[%swap3A_1027, %swap3A_1028] {strides = array<i32>} : memref<24x256xf32, #tpu.memory_space<vmem>>, vector<16xf32>,
    tpu.vector_store %arg7[%swap3A_1027, %swap3A_1028], %add3A_1025 {strides = array<i32>} : memref<24x256xf32, #tpu.memory_space<vmem>>, vector<16xf32>,
    %slice3A_1030 = vector.extract_strided_slice %gather3A_933 {offsets = [12], sizes = [1], strides = [1]} : vector<16xf32> to vector<1xf32>
    %squeeze3A_1031 = vector.extract %slice3A_1030[0] : f32 from vector<1xf32>
    %add3A_1032 = vector.broadcast %squeeze3A_1031 : f32 to vector<16xf32>
    %add3A_1033 = arith.addf %gather3A_932, %add3A_1032 : vector<16xf32>
    %swap3A_1034 = arith.constant 7 : i32
    %swap3A_1035 = arith.index_cast %swap3A_1034 : i32 to index
    %swap3A_1036 = arith.constant 192 : index
    %swap3A_1037 = tpu.vector_load %arg7[%swap3A_1035, %swap3A_1036] {strides = array<i32>} : memref<24x256xf32, #tpu.memory_space<vmem>>, vector<16xf32>,
    tpu.vector_store %arg7[%swap3A_1035, %swap3A_1036], %add3A_1033 {strides = array<i32>} : memref<24x256xf32, #tpu.memory_space<vmem>>, vector<16xf32>,
    %slice3A_1038 = vector.extract_strided_slice %gather3A_933 {offsets = [13], sizes = [1], strides = [1]} : vector<16xf32> to vector<1xf32>
    %squeeze3A_1039 = vector.extract %slice3A_1038[0] : f32 from vector<1xf32>
    %add3A_1040 = vector.broadcast %squeeze3A_1039 : f32 to vector<16xf32>
    %add3A_1041 = arith.addf %gather3A_932, %add3A_1040 : vector<16xf32>
    %swap3A_1042 = arith.constant 7 : i32
    %swap3A_1043 = arith.index_cast %swap3A_1042 : i32 to index
    %swap3A_1044 = arith.constant 208 : index
    %swap3A_1045 = tpu.vector_load %arg7[%swap3A_1043, %swap3A_1044] {strides = array<i32>} : memref<24x256xf32, #tpu.memory_space<vmem>>, vector<16xf32>,
    tpu.vector_store %arg7[%swap3A_1043, %swap3A_1044], %add3A_1041 {strides = array<i32>} : memref<24x256xf32, #tpu.memory_space<vmem>>, vector<16xf32>,
    %slice3A_1046 = vector.extract_strided_slice %gather3A_933 {offsets = [14], sizes = [1], strides = [1]} : vector<16xf32> to vector<1xf32>
    %squeeze3A_1047 = vector.extract %slice3A_1046[0] : f32 from vector<1xf32>
    %add3A_1048 = vector.broadcast %squeeze3A_1047 : f32 to vector<16xf32>
    %add3A_1049 = arith.addf %gather3A_932, %add3A_1048 : vector<16xf32>
    %swap3A_1050 = arith.constant 7 : i32
    %swap3A_1051 = arith.index_cast %swap3A_1050 : i32 to index
    %swap3A_1052 = arith.constant 224 : index
    %swap3A_1053 = tpu.vector_load %arg7[%swap3A_1051, %swap3A_1052] {strides = array<i32>} : memref<24x256xf32, #tpu.memory_space<vmem>>, vector<16xf32>,
    tpu.vector_store %arg7[%swap3A_1051, %swap3A_1052], %add3A_1049 {strides = array<i32>} : memref<24x256xf32, #tpu.memory_space<vmem>>, vector<16xf32>,
    %slice3A_1054 = vector.extract_strided_slice %gather3A_933 {offsets = [15], sizes = [1], strides = [1]} : vector<16xf32> to vector<1xf32>
    %squeeze3A_1055 = vector.extract %slice3A_1054[0] : f32 from vector<1xf32>
    %add3A_1056 = vector.broadcast %squeeze3A_1055 : f32 to vector<16xf32>
    %add3A_1057 = arith.addf %gather3A_932, %add3A_1056 : vector<16xf32>
    %swap3A_1058 = arith.constant 7 : i32
    %swap3A_1059 = arith.index_cast %swap3A_1058 : i32 to index
    %swap3A_1060 = arith.constant 240 : index
    %swap3A_1061 = tpu.vector_load %arg7[%swap3A_1059, %swap3A_1060] {strides = array<i32>} : memref<24x256xf32, #tpu.memory_space<vmem>>, vector<16xf32>,
    tpu.vector_store %arg7[%swap3A_1059, %swap3A_1060], %add3A_1057 {strides = array<i32>} : memref<24x256xf32, #tpu.memory_space<vmem>>, vector<16xf32>,
    %add3A_1062 = arith.constant 8 : i32
    %add3A_1063 = arith.addi %mul3A_2, %add3A_1062 : i32
    %broadcast_in_dim3A_1064 = vector.broadcast %add3A_1063 : i32 to vector<16xi32>
    %gather3A_1065 = tpu.vector_load_idx %arg6[%iota3A, %broadcast_in_dim3A_1064] : memref<16x768xf32, #tpu.memory_space<vmem>>[vector<16xi32>, vector<16xi32>], vector<16xf32>,
    %gather3A_1066 = tpu.vector_load_idx %arg5[%iota3A, %broadcast_in_dim3A_1064] : memref<16x768xf32, #tpu.memory_space<vmem>>[vector<16xi32>, vector<16xi32>], vector<16xf32>,
    %slice3A_1067 = vector.extract_strided_slice %gather3A_1066 {offsets = [0], sizes = [1], strides = [1]} : vector<16xf32> to vector<1xf32>
    %squeeze3A_1068 = vector.extract %slice3A_1067[0] : f32 from vector<1xf32>
    %add3A_1069 = vector.broadcast %squeeze3A_1068 : f32 to vector<16xf32>
    %add3A_1070 = arith.addf %gather3A_1065, %add3A_1069 : vector<16xf32>
    %swap3A_1071 = arith.constant 8 : i32
    %swap3A_1072 = arith.index_cast %swap3A_1071 : i32 to index
    %swap3A_1073 = arith.constant 0 : index
    %swap3A_1074 = tpu.vector_load %arg7[%swap3A_1072, %swap3A_1073] {strides = array<i32>} : memref<24x256xf32, #tpu.memory_space<vmem>>, vector<16xf32>,
    tpu.vector_store %arg7[%swap3A_1072, %swap3A_1073], %add3A_1070 {strides = array<i32>} : memref<24x256xf32, #tpu.memory_space<vmem>>, vector<16xf32>,
    %slice3A_1075 = vector.extract_strided_slice %gather3A_1066 {offsets = [1], sizes = [1], strides = [1]} : vector<16xf32> to vector<1xf32>
    %squeeze3A_1076 = vector.extract %slice3A_1075[0] : f32 from vector<1xf32>
    %add3A_1077 = vector.broadcast %squeeze3A_1076 : f32 to vector<16xf32>
    %add3A_1078 = arith.addf %gather3A_1065, %add3A_1077 : vector<16xf32>
    %swap3A_1079 = arith.constant 8 : i32
    %swap3A_1080 = arith.index_cast %swap3A_1079 : i32 to index
    %swap3A_1081 = arith.constant 16 : index
    %swap3A_1082 = tpu.vector_load %arg7[%swap3A_1080, %swap3A_1081] {strides = array<i32>} : memref<24x256xf32, #tpu.memory_space<vmem>>, vector<16xf32>,
    tpu.vector_store %arg7[%swap3A_1080, %swap3A_1081], %add3A_1078 {strides = array<i32>} : memref<24x256xf32, #tpu.memory_space<vmem>>, vector<16xf32>,
    %slice3A_1083 = vector.extract_strided_slice %gather3A_1066 {offsets = [2], sizes = [1], strides = [1]} : vector<16xf32> to vector<1xf32>
    %squeeze3A_1084 = vector.extract %slice3A_1083[0] : f32 from vector<1xf32>
    %add3A_1085 = vector.broadcast %squeeze3A_1084 : f32 to vector<16xf32>
    %add3A_1086 = arith.addf %gather3A_1065, %add3A_1085 : vector<16xf32>
    %swap3A_1087 = arith.constant 8 : i32
    %swap3A_1088 = arith.index_cast %swap3A_1087 : i32 to index
    %swap3A_1089 = arith.constant 32 : index
    %swap3A_1090 = tpu.vector_load %arg7[%swap3A_1088, %swap3A_1089] {strides = array<i32>} : memref<24x256xf32, #tpu.memory_space<vmem>>, vector<16xf32>,
    tpu.vector_store %arg7[%swap3A_1088, %swap3A_1089], %add3A_1086 {strides = array<i32>} : memref<24x256xf32, #tpu.memory_space<vmem>>, vector<16xf32>,
    %slice3A_1091 = vector.extract_strided_slice %gather3A_1066 {offsets = [3], sizes = [1], strides = [1]} : vector<16xf32> to vector<1xf32>
    %squeeze3A_1092 = vector.extract %slice3A_1091[0] : f32 from vector<1xf32>
    %add3A_1093 = vector.broadcast %squeeze3A_1092 : f32 to vector<16xf32>
    %add3A_1094 = arith.addf %gather3A_1065, %add3A_1093 : vector<16xf32>
    %swap3A_1095 = arith.constant 8 : i32
    %swap3A_1096 = arith.index_cast %swap3A_1095 : i32 to index
    %swap3A_1097 = arith.constant 48 : index
    %swap3A_1098 = tpu.vector_load %arg7[%swap3A_1096, %swap3A_1097] {strides = array<i32>} : memref<24x256xf32, #tpu.memory_space<vmem>>, vector<16xf32>,
    tpu.vector_store %arg7[%swap3A_1096, %swap3A_1097], %add3A_1094 {strides = array<i32>} : memref<24x256xf32, #tpu.memory_space<vmem>>, vector<16xf32>,
    %slice3A_1099 = vector.extract_strided_slice %gather3A_1066 {offsets = [4], sizes = [1], strides = [1]} : vector<16xf32> to vector<1xf32>
    %squeeze3A_1100 = vector.extract %slice3A_1099[0] : f32 from vector<1xf32>
    %add3A_1101 = vector.broadcast %squeeze3A_1100 : f32 to vector<16xf32>
    %add3A_1102 = arith.addf %gather3A_1065, %add3A_1101 : vector<16xf32>
    %swap3A_1103 = arith.constant 8 : i32
    %swap3A_1104 = arith.index_cast %swap3A_1103 : i32 to index
    %swap3A_1105 = arith.constant 64 : index
    %swap3A_1106 = tpu.vector_load %arg7[%swap3A_1104, %swap3A_1105] {strides = array<i32>} : memref<24x256xf32, #tpu.memory_space<vmem>>, vector<16xf32>,
    tpu.vector_store %arg7[%swap3A_1104, %swap3A_1105], %add3A_1102 {strides = array<i32>} : memref<24x256xf32, #tpu.memory_space<vmem>>, vector<16xf32>,
    %slice3A_1107 = vector.extract_strided_slice %gather3A_1066 {offsets = [5], sizes = [1], strides = [1]} : vector<16xf32> to vector<1xf32>
    %squeeze3A_1108 = vector.extract %slice3A_1107[0] : f32 from vector<1xf32>
    %add3A_1109 = vector.broadcast %squeeze3A_1108 : f32 to vector<16xf32>
    %add3A_1110 = arith.addf %gather3A_1065, %add3A_1109 : vector<16xf32>
    %swap3A_1111 = arith.constant 8 : i32
    %swap3A_1112 = arith.index_cast %swap3A_1111 : i32 to index
    %swap3A_1113 = arith.constant 80 : index
    %swap3A_1114 = tpu.vector_load %arg7[%swap3A_1112, %swap3A_1113] {strides = array<i32>} : memref<24x256xf32, #tpu.memory_space<vmem>>, vector<16xf32>,
    tpu.vector_store %arg7[%swap3A_1112, %swap3A_1113], %add3A_1110 {strides = array<i32>} : memref<24x256xf32, #tpu.memory_space<vmem>>, vector<16xf32>,
    %slice3A_1115 = vector.extract_strided_slice %gather3A_1066 {offsets = [6], sizes = [1], strides = [1]} : vector<16xf32> to vector<1xf32>
    %squeeze3A_1116 = vector.extract %slice3A_1115[0] : f32 from vector<1xf32>
    %add3A_1117 = vector.broadcast %squeeze3A_1116 : f32 to vector<16xf32>
    %add3A_1118 = arith.addf %gather3A_1065, %add3A_1117 : vector<16xf32>
    %swap3A_1119 = arith.constant 8 : i32
    %swap3A_1120 = arith.index_cast %swap3A_1119 : i32 to index
    %swap3A_1121 = arith.constant 96 : index
    %swap3A_1122 = tpu.vector_load %arg7[%swap3A_1120, %swap3A_1121] {strides = array<i32>} : memref<24x256xf32, #tpu.memory_space<vmem>>, vector<16xf32>,
    tpu.vector_store %arg7[%swap3A_1120, %swap3A_1121], %add3A_1118 {strides = array<i32>} : memref<24x256xf32, #tpu.memory_space<vmem>>, vector<16xf32>,
    %slice3A_1123 = vector.extract_strided_slice %gather3A_1066 {offsets = [7], sizes = [1], strides = [1]} : vector<16xf32> to vector<1xf32>
    %squeeze3A_1124 = vector.extract %slice3A_1123[0] : f32 from vector<1xf32>
    %add3A_1125 = vector.broadcast %squeeze3A_1124 : f32 to vector<16xf32>
    %add3A_1126 = arith.addf %gather3A_1065, %add3A_1125 : vector<16xf32>
    %swap3A_1127 = arith.constant 8 : i32
    %swap3A_1128 = arith.index_cast %swap3A_1127 : i32 to index
    %swap3A_1129 = arith.constant 112 : index
    %swap3A_1130 = tpu.vector_load %arg7[%swap3A_1128, %swap3A_1129] {strides = array<i32>} : memref<24x256xf32, #tpu.memory_space<vmem>>, vector<16xf32>,
    tpu.vector_store %arg7[%swap3A_1128, %swap3A_1129], %add3A_1126 {strides = array<i32>} : memref<24x256xf32, #tpu.memory_space<vmem>>, vector<16xf32>,
    %slice3A_1131 = vector.extract_strided_slice %gather3A_1066 {offsets = [8], sizes = [1], strides = [1]} : vector<16xf32> to vector<1xf32>
    %squeeze3A_1132 = vector.extract %slice3A_1131[0] : f32 from vector<1xf32>
    %add3A_1133 = vector.broadcast %squeeze3A_1132 : f32 to vector<16xf32>
    %add3A_1134 = arith.addf %gather3A_1065, %add3A_1133 : vector<16xf32>
    %swap3A_1135 = arith.constant 8 : i32
    %swap3A_1136 = arith.index_cast %swap3A_1135 : i32 to index
    %swap3A_1137 = arith.constant 128 : index
    %swap3A_1138 = tpu.vector_load %arg7[%swap3A_1136, %swap3A_1137] {strides = array<i32>} : memref<24x256xf32, #tpu.memory_space<vmem>>, vector<16xf32>,
    tpu.vector_store %arg7[%swap3A_1136, %swap3A_1137], %add3A_1134 {strides = array<i32>} : memref<24x256xf32, #tpu.memory_space<vmem>>, vector<16xf32>,
    %slice3A_1139 = vector.extract_strided_slice %gather3A_1066 {offsets = [9], sizes = [1], strides = [1]} : vector<16xf32> to vector<1xf32>
    %squeeze3A_1140 = vector.extract %slice3A_1139[0] : f32 from vector<1xf32>
    %add3A_1141 = vector.broadcast %squeeze3A_1140 : f32 to vector<16xf32>
    %add3A_1142 = arith.addf %gather3A_1065, %add3A_1141 : vector<16xf32>
    %swap3A_1143 = arith.constant 8 : i32
    %swap3A_1144 = arith.index_cast %swap3A_1143 : i32 to index
    %swap3A_1145 = arith.constant 144 : index
    %swap3A_1146 = tpu.vector_load %arg7[%swap3A_1144, %swap3A_1145] {strides = array<i32>} : memref<24x256xf32, #tpu.memory_space<vmem>>, vector<16xf32>,
    tpu.vector_store %arg7[%swap3A_1144, %swap3A_1145], %add3A_1142 {strides = array<i32>} : memref<24x256xf32, #tpu.memory_space<vmem>>, vector<16xf32>,
    %slice3A_1147 = vector.extract_strided_slice %gather3A_1066 {offsets = [10], sizes = [1], strides = [1]} : vector<16xf32> to vector<1xf32>
    %squeeze3A_1148 = vector.extract %slice3A_1147[0] : f32 from vector<1xf32>
    %add3A_1149 = vector.broadcast %squeeze3A_1148 : f32 to vector<16xf32>
    %add3A_1150 = arith.addf %gather3A_1065, %add3A_1149 : vector<16xf32>
    %swap3A_1151 = arith.constant 8 : i32
    %swap3A_1152 = arith.index_cast %swap3A_1151 : i32 to index
    %swap3A_1153 = arith.constant 160 : index
    %swap3A_1154 = tpu.vector_load %arg7[%swap3A_1152, %swap3A_1153] {strides = array<i32>} : memref<24x256xf32, #tpu.memory_space<vmem>>, vector<16xf32>,
    tpu.vector_store %arg7[%swap3A_1152, %swap3A_1153], %add3A_1150 {strides = array<i32>} : memref<24x256xf32, #tpu.memory_space<vmem>>, vector<16xf32>,
    %slice3A_1155 = vector.extract_strided_slice %gather3A_1066 {offsets = [11], sizes = [1], strides = [1]} : vector<16xf32> to vector<1xf32>
    %squeeze3A_1156 = vector.extract %slice3A_1155[0] : f32 from vector<1xf32>
    %add3A_1157 = vector.broadcast %squeeze3A_1156 : f32 to vector<16xf32>
    %add3A_1158 = arith.addf %gather3A_1065, %add3A_1157 : vector<16xf32>
    %swap3A_1159 = arith.constant 8 : i32
    %swap3A_1160 = arith.index_cast %swap3A_1159 : i32 to index
    %swap3A_1161 = arith.constant 176 : index
    %swap3A_1162 = tpu.vector_load %arg7[%swap3A_1160, %swap3A_1161] {strides = array<i32>} : memref<24x256xf32, #tpu.memory_space<vmem>>, vector<16xf32>,
    tpu.vector_store %arg7[%swap3A_1160, %swap3A_1161], %add3A_1158 {strides = array<i32>} : memref<24x256xf32, #tpu.memory_space<vmem>>, vector<16xf32>,
    %slice3A_1163 = vector.extract_strided_slice %gather3A_1066 {offsets = [12], sizes = [1], strides = [1]} : vector<16xf32> to vector<1xf32>
    %squeeze3A_1164 = vector.extract %slice3A_1163[0] : f32 from vector<1xf32>
    %add3A_1165 = vector.broadcast %squeeze3A_1164 : f32 to vector<16xf32>
    %add3A_1166 = arith.addf %gather3A_1065, %add3A_1165 : vector<16xf32>
    %swap3A_1167 = arith.constant 8 : i32
    %swap3A_1168 = arith.index_cast %swap3A_1167 : i32 to index
    %swap3A_1169 = arith.constant 192 : index
    %swap3A_1170 = tpu.vector_load %arg7[%swap3A_1168, %swap3A_1169] {strides = array<i32>} : memref<24x256xf32, #tpu.memory_space<vmem>>, vector<16xf32>,
    tpu.vector_store %arg7[%swap3A_1168, %swap3A_1169], %add3A_1166 {strides = array<i32>} : memref<24x256xf32, #tpu.memory_space<vmem>>, vector<16xf32>,
    %slice3A_1171 = vector.extract_strided_slice %gather3A_1066 {offsets = [13], sizes = [1], strides = [1]} : vector<16xf32> to vector<1xf32>
    %squeeze3A_1172 = vector.extract %slice3A_1171[0] : f32 from vector<1xf32>
    %add3A_1173 = vector.broadcast %squeeze3A_1172 : f32 to vector<16xf32>
    %add3A_1174 = arith.addf %gather3A_1065, %add3A_1173 : vector<16xf32>
    %swap3A_1175 = arith.constant 8 : i32
    %swap3A_1176 = arith.index_cast %swap3A_1175 : i32 to index
    %swap3A_1177 = arith.constant 208 : index
    %swap3A_1178 = tpu.vector_load %arg7[%swap3A_1176, %swap3A_1177] {strides = array<i32>} : memref<24x256xf32, #tpu.memory_space<vmem>>, vector<16xf32>,
    tpu.vector_store %arg7[%swap3A_1176, %swap3A_1177], %add3A_1174 {strides = array<i32>} : memref<24x256xf32, #tpu.memory_space<vmem>>, vector<16xf32>,
    %slice3A_1179 = vector.extract_strided_slice %gather3A_1066 {offsets = [14], sizes = [1], strides = [1]} : vector<16xf32> to vector<1xf32>
    %squeeze3A_1180 = vector.extract %slice3A_1179[0] : f32 from vector<1xf32>
    %add3A_1181 = vector.broadcast %squeeze3A_1180 : f32 to vector<16xf32>
    %add3A_1182 = arith.addf %gather3A_1065, %add3A_1181 : vector<16xf32>
    %swap3A_1183 = arith.constant 8 : i32
    %swap3A_1184 = arith.index_cast %swap3A_1183 : i32 to index
    %swap3A_1185 = arith.constant 224 : index
    %swap3A_1186 = tpu.vector_load %arg7[%swap3A_1184, %swap3A_1185] {strides = array<i32>} : memref<24x256xf32, #tpu.memory_space<vmem>>, vector<16xf32>,
    tpu.vector_store %arg7[%swap3A_1184, %swap3A_1185], %add3A_1182 {strides = array<i32>} : memref<24x256xf32, #tpu.memory_space<vmem>>, vector<16xf32>,
    %slice3A_1187 = vector.extract_strided_slice %gather3A_1066 {offsets = [15], sizes = [1], strides = [1]} : vector<16xf32> to vector<1xf32>
    %squeeze3A_1188 = vector.extract %slice3A_1187[0] : f32 from vector<1xf32>
    %add3A_1189 = vector.broadcast %squeeze3A_1188 : f32 to vector<16xf32>
    %add3A_1190 = arith.addf %gather3A_1065, %add3A_1189 : vector<16xf32>
    %swap3A_1191 = arith.constant 8 : i32
    %swap3A_1192 = arith.index_cast %swap3A_1191 : i32 to index
    %swap3A_1193 = arith.constant 240 : index
    %swap3A_1194 = tpu.vector_load %arg7[%swap3A_1192, %swap3A_1193] {strides = array<i32>} : memref<24x256xf32, #tpu.memory_space<vmem>>, vector<16xf32>,
    tpu.vector_store %arg7[%swap3A_1192, %swap3A_1193], %add3A_1190 {strides = array<i32>} : memref<24x256xf32, #tpu.memory_space<vmem>>, vector<16xf32>,
    %add3A_1195 = arith.constant 9 : i32
    %add3A_1196 = arith.addi %mul3A_2, %add3A_1195 : i32
    %broadcast_in_dim3A_1197 = vector.broadcast %add3A_1196 : i32 to vector<16xi32>
    %gather3A_1198 = tpu.vector_load_idx %arg6[%iota3A, %broadcast_in_dim3A_1197] : memref<16x768xf32, #tpu.memory_space<vmem>>[vector<16xi32>, vector<16xi32>], vector<16xf32>,
    %gather3A_1199 = tpu.vector_load_idx %arg5[%iota3A, %broadcast_in_dim3A_1197] : memref<16x768xf32, #tpu.memory_space<vmem>>[vector<16xi32>, vector<16xi32>], vector<16xf32>,
    %slice3A_1200 = vector.extract_strided_slice %gather3A_1199 {offsets = [0], sizes = [1], strides = [1]} : vector<16xf32> to vector<1xf32>
    %squeeze3A_1201 = vector.extract %slice3A_1200[0] : f32 from vector<1xf32>
    %add3A_1202 = vector.broadcast %squeeze3A_1201 : f32 to vector<16xf32>
    %add3A_1203 = arith.addf %gather3A_1198, %add3A_1202 : vector<16xf32>
    %swap3A_1204 = arith.constant 9 : i32
    %swap3A_1205 = arith.index_cast %swap3A_1204 : i32 to index
    %swap3A_1206 = arith.constant 0 : index
    %swap3A_1207 = tpu.vector_load %arg7[%swap3A_1205, %swap3A_1206] {strides = array<i32>} : memref<24x256xf32, #tpu.memory_space<vmem>>, vector<16xf32>,
    tpu.vector_store %arg7[%swap3A_1205, %swap3A_1206], %add3A_1203 {strides = array<i32>} : memref<24x256xf32, #tpu.memory_space<vmem>>, vector<16xf32>,
    %slice3A_1208 = vector.extract_strided_slice %gather3A_1199 {offsets = [1], sizes = [1], strides = [1]} : vector<16xf32> to vector<1xf32>
    %squeeze3A_1209 = vector.extract %slice3A_1208[0] : f32 from vector<1xf32>
    %add3A_1210 = vector.broadcast %squeeze3A_1209 : f32 to vector<16xf32>
    %add3A_1211 = arith.addf %gather3A_1198, %add3A_1210 : vector<16xf32>
    %swap3A_1212 = arith.constant 9 : i32
    %swap3A_1213 = arith.index_cast %swap3A_1212 : i32 to index
    %swap3A_1214 = arith.constant 16 : index
    %swap3A_1215 = tpu.vector_load %arg7[%swap3A_1213, %swap3A_1214] {strides = array<i32>} : memref<24x256xf32, #tpu.memory_space<vmem>>, vector<16xf32>,
    tpu.vector_store %arg7[%swap3A_1213, %swap3A_1214], %add3A_1211 {strides = array<i32>} : memref<24x256xf32, #tpu.memory_space<vmem>>, vector<16xf32>,
    %slice3A_1216 = vector.extract_strided_slice %gather3A_1199 {offsets = [2], sizes = [1], strides = [1]} : vector<16xf32> to vector<1xf32>
    %squeeze3A_1217 = vector.extract %slice3A_1216[0] : f32 from vector<1xf32>
    %add3A_1218 = vector.broadcast %squeeze3A_1217 : f32 to vector<16xf32>
    %add3A_1219 = arith.addf %gather3A_1198, %add3A_1218 : vector<16xf32>
    %swap3A_1220 = arith.constant 9 : i32
    %swap3A_1221 = arith.index_cast %swap3A_1220 : i32 to index
    %swap3A_1222 = arith.constant 32 : index
    %swap3A_1223 = tpu.vector_load %arg7[%swap3A_1221, %swap3A_1222] {strides = array<i32>} : memref<24x256xf32, #tpu.memory_space<vmem>>, vector<16xf32>,
    tpu.vector_store %arg7[%swap3A_1221, %swap3A_1222], %add3A_1219 {strides = array<i32>} : memref<24x256xf32, #tpu.memory_space<vmem>>, vector<16xf32>,
    %slice3A_1224 = vector.extract_strided_slice %gather3A_1199 {offsets = [3], sizes = [1], strides = [1]} : vector<16xf32> to vector<1xf32>
    %squeeze3A_1225 = vector.extract %slice3A_1224[0] : f32 from vector<1xf32>
    %add3A_1226 = vector.broadcast %squeeze3A_1225 : f32 to vector<16xf32>
    %add3A_1227 = arith.addf %gather3A_1198, %add3A_1226 : vector<16xf32>
    %swap3A_1228 = arith.constant 9 : i32
    %swap3A_1229 = arith.index_cast %swap3A_1228 : i32 to index
    %swap3A_1230 = arith.constant 48 : index
    %swap3A_1231 = tpu.vector_load %arg7[%swap3A_1229, %swap3A_1230] {strides = array<i32>} : memref<24x256xf32, #tpu.memory_space<vmem>>, vector<16xf32>,
    tpu.vector_store %arg7[%swap3A_1229, %swap3A_1230], %add3A_1227 {strides = array<i32>} : memref<24x256xf32, #tpu.memory_space<vmem>>, vector<16xf32>,
    %slice3A_1232 = vector.extract_strided_slice %gather3A_1199 {offsets = [4], sizes = [1], strides = [1]} : vector<16xf32> to vector<1xf32>
    %squeeze3A_1233 = vector.extract %slice3A_1232[0] : f32 from vector<1xf32>
    %add3A_1234 = vector.broadcast %squeeze3A_1233 : f32 to vector<16xf32>
    %add3A_1235 = arith.addf %gather3A_1198, %add3A_1234 : vector<16xf32>
    %swap3A_1236 = arith.constant 9 : i32
    %swap3A_1237 = arith.index_cast %swap3A_1236 : i32 to index
    %swap3A_1238 = arith.constant 64 : index
    %swap3A_1239 = tpu.vector_load %arg7[%swap3A_1237, %swap3A_1238] {strides = array<i32>} : memref<24x256xf32, #tpu.memory_space<vmem>>, vector<16xf32>,
    tpu.vector_store %arg7[%swap3A_1237, %swap3A_1238], %add3A_1235 {strides = array<i32>} : memref<24x256xf32, #tpu.memory_space<vmem>>, vector<16xf32>,
    %slice3A_1240 = vector.extract_strided_slice %gather3A_1199 {offsets = [5], sizes = [1], strides = [1]} : vector<16xf32> to vector<1xf32>
    %squeeze3A_1241 = vector.extract %slice3A_1240[0] : f32 from vector<1xf32>
    %add3A_1242 = vector.broadcast %squeeze3A_1241 : f32 to vector<16xf32>
    %add3A_1243 = arith.addf %gather3A_1198, %add3A_1242 : vector<16xf32>
    %swap3A_1244 = arith.constant 9 : i32
    %swap3A_1245 = arith.index_cast %swap3A_1244 : i32 to index
    %swap3A_1246 = arith.constant 80 : index
    %swap3A_1247 = tpu.vector_load %arg7[%swap3A_1245, %swap3A_1246] {strides = array<i32>} : memref<24x256xf32, #tpu.memory_space<vmem>>, vector<16xf32>,
    tpu.vector_store %arg7[%swap3A_1245, %swap3A_1246], %add3A_1243 {strides = array<i32>} : memref<24x256xf32, #tpu.memory_space<vmem>>, vector<16xf32>,
    %slice3A_1248 = vector.extract_strided_slice %gather3A_1199 {offsets = [6], sizes = [1], strides = [1]} : vector<16xf32> to vector<1xf32>
    %squeeze3A_1249 = vector.extract %slice3A_1248[0] : f32 from vector<1xf32>
    %add3A_1250 = vector.broadcast %squeeze3A_1249 : f32 to vector<16xf32>
    %add3A_1251 = arith.addf %gather3A_1198, %add3A_1250 : vector<16xf32>
    %swap3A_1252 = arith.constant 9 : i32
    %swap3A_1253 = arith.index_cast %swap3A_1252 : i32 to index
    %swap3A_1254 = arith.constant 96 : index
    %swap3A_1255 = tpu.vector_load %arg7[%swap3A_1253, %swap3A_1254] {strides = array<i32>} : memref<24x256xf32, #tpu.memory_space<vmem>>, vector<16xf32>,
    tpu.vector_store %arg7[%swap3A_1253, %swap3A_1254], %add3A_1251 {strides = array<i32>} : memref<24x256xf32, #tpu.memory_space<vmem>>, vector<16xf32>,
    %slice3A_1256 = vector.extract_strided_slice %gather3A_1199 {offsets = [7], sizes = [1], strides = [1]} : vector<16xf32> to vector<1xf32>
    %squeeze3A_1257 = vector.extract %slice3A_1256[0] : f32 from vector<1xf32>
    %add3A_1258 = vector.broadcast %squeeze3A_1257 : f32 to vector<16xf32>
    %add3A_1259 = arith.addf %gather3A_1198, %add3A_1258 : vector<16xf32>
    %swap3A_1260 = arith.constant 9 : i32
    %swap3A_1261 = arith.index_cast %swap3A_1260 : i32 to index
    %swap3A_1262 = arith.constant 112 : index
    %swap3A_1263 = tpu.vector_load %arg7[%swap3A_1261, %swap3A_1262] {strides = array<i32>} : memref<24x256xf32, #tpu.memory_space<vmem>>, vector<16xf32>,
    tpu.vector_store %arg7[%swap3A_1261, %swap3A_1262], %add3A_1259 {strides = array<i32>} : memref<24x256xf32, #tpu.memory_space<vmem>>, vector<16xf32>,
    %slice3A_1264 = vector.extract_strided_slice %gather3A_1199 {offsets = [8], sizes = [1], strides = [1]} : vector<16xf32> to vector<1xf32>
    %squeeze3A_1265 = vector.extract %slice3A_1264[0] : f32 from vector<1xf32>
    %add3A_1266 = vector.broadcast %squeeze3A_1265 : f32 to vector<16xf32>
    %add3A_1267 = arith.addf %gather3A_1198, %add3A_1266 : vector<16xf32>
    %swap3A_1268 = arith.constant 9 : i32
    %swap3A_1269 = arith.index_cast %swap3A_1268 : i32 to index
    %swap3A_1270 = arith.constant 128 : index
    %swap3A_1271 = tpu.vector_load %arg7[%swap3A_1269, %swap3A_1270] {strides = array<i32>} : memref<24x256xf32, #tpu.memory_space<vmem>>, vector<16xf32>,
    tpu.vector_store %arg7[%swap3A_1269, %swap3A_1270], %add3A_1267 {strides = array<i32>} : memref<24x256xf32, #tpu.memory_space<vmem>>, vector<16xf32>,
    %slice3A_1272 = vector.extract_strided_slice %gather3A_1199 {offsets = [9], sizes = [1], strides = [1]} : vector<16xf32> to vector<1xf32>
    %squeeze3A_1273 = vector.extract %slice3A_1272[0] : f32 from vector<1xf32>
    %add3A_1274 = vector.broadcast %squeeze3A_1273 : f32 to vector<16xf32>
    %add3A_1275 = arith.addf %gather3A_1198, %add3A_1274 : vector<16xf32>
    %swap3A_1276 = arith.constant 9 : i32
    %swap3A_1277 = arith.index_cast %swap3A_1276 : i32 to index
    %swap3A_1278 = arith.constant 144 : index
    %swap3A_1279 = tpu.vector_load %arg7[%swap3A_1277, %swap3A_1278] {strides = array<i32>} : memref<24x256xf32, #tpu.memory_space<vmem>>, vector<16xf32>,
    tpu.vector_store %arg7[%swap3A_1277, %swap3A_1278], %add3A_1275 {strides = array<i32>} : memref<24x256xf32, #tpu.memory_space<vmem>>, vector<16xf32>,
    %slice3A_1280 = vector.extract_strided_slice %gather3A_1199 {offsets = [10], sizes = [1], strides = [1]} : vector<16xf32> to vector<1xf32>
    %squeeze3A_1281 = vector.extract %slice3A_1280[0] : f32 from vector<1xf32>
    %add3A_1282 = vector.broadcast %squeeze3A_1281 : f32 to vector<16xf32>
    %add3A_1283 = arith.addf %gather3A_1198, %add3A_1282 : vector<16xf32>
    %swap3A_1284 = arith.constant 9 : i32
    %swap3A_1285 = arith.index_cast %swap3A_1284 : i32 to index
    %swap3A_1286 = arith.constant 160 : index
    %swap3A_1287 = tpu.vector_load %arg7[%swap3A_1285, %swap3A_1286] {strides = array<i32>} : memref<24x256xf32, #tpu.memory_space<vmem>>, vector<16xf32>,
    tpu.vector_store %arg7[%swap3A_1285, %swap3A_1286], %add3A_1283 {strides = array<i32>} : memref<24x256xf32, #tpu.memory_space<vmem>>, vector<16xf32>,
    %slice3A_1288 = vector.extract_strided_slice %gather3A_1199 {offsets = [11], sizes = [1], strides = [1]} : vector<16xf32> to vector<1xf32>
    %squeeze3A_1289 = vector.extract %slice3A_1288[0] : f32 from vector<1xf32>
    %add3A_1290 = vector.broadcast %squeeze3A_1289 : f32 to vector<16xf32>
    %add3A_1291 = arith.addf %gather3A_1198, %add3A_1290 : vector<16xf32>
    %swap3A_1292 = arith.constant 9 : i32
    %swap3A_1293 = arith.index_cast %swap3A_1292 : i32 to index
    %swap3A_1294 = arith.constant 176 : index
    %swap3A_1295 = tpu.vector_load %arg7[%swap3A_1293, %swap3A_1294] {strides = array<i32>} : memref<24x256xf32, #tpu.memory_space<vmem>>, vector<16xf32>,
    tpu.vector_store %arg7[%swap3A_1293, %swap3A_1294], %add3A_1291 {strides = array<i32>} : memref<24x256xf32, #tpu.memory_space<vmem>>, vector<16xf32>,
    %slice3A_1296 = vector.extract_strided_slice %gather3A_1199 {offsets = [12], sizes = [1], strides = [1]} : vector<16xf32> to vector<1xf32>
    %squeeze3A_1297 = vector.extract %slice3A_1296[0] : f32 from vector<1xf32>
    %add3A_1298 = vector.broadcast %squeeze3A_1297 : f32 to vector<16xf32>
    %add3A_1299 = arith.addf %gather3A_1198, %add3A_1298 : vector<16xf32>
    %swap3A_1300 = arith.constant 9 : i32
    %swap3A_1301 = arith.index_cast %swap3A_1300 : i32 to index
    %swap3A_1302 = arith.constant 192 : index
    %swap3A_1303 = tpu.vector_load %arg7[%swap3A_1301, %swap3A_1302] {strides = array<i32>} : memref<24x256xf32, #tpu.memory_space<vmem>>, vector<16xf32>,
    tpu.vector_store %arg7[%swap3A_1301, %swap3A_1302], %add3A_1299 {strides = array<i32>} : memref<24x256xf32, #tpu.memory_space<vmem>>, vector<16xf32>,
    %slice3A_1304 = vector.extract_strided_slice %gather3A_1199 {offsets = [13], sizes = [1], strides = [1]} : vector<16xf32> to vector<1xf32>
    %squeeze3A_1305 = vector.extract %slice3A_1304[0] : f32 from vector<1xf32>
    %add3A_1306 = vector.broadcast %squeeze3A_1305 : f32 to vector<16xf32>
    %add3A_1307 = arith.addf %gather3A_1198, %add3A_1306 : vector<16xf32>
    %swap3A_1308 = arith.constant 9 : i32
    %swap3A_1309 = arith.index_cast %swap3A_1308 : i32 to index
    %swap3A_1310 = arith.constant 208 : index
    %swap3A_1311 = tpu.vector_load %arg7[%swap3A_1309, %swap3A_1310] {strides = array<i32>} : memref<24x256xf32, #tpu.memory_space<vmem>>, vector<16xf32>,
    tpu.vector_store %arg7[%swap3A_1309, %swap3A_1310], %add3A_1307 {strides = array<i32>} : memref<24x256xf32, #tpu.memory_space<vmem>>, vector<16xf32>,
    %slice3A_1312 = vector.extract_strided_slice %gather3A_1199 {offsets = [14], sizes = [1], strides = [1]} : vector<16xf32> to vector<1xf32>
    %squeeze3A_1313 = vector.extract %slice3A_1312[0] : f32 from vector<1xf32>
    %add3A_1314 = vector.broadcast %squeeze3A_1313 : f32 to vector<16xf32>
    %add3A_1315 = arith.addf %gather3A_1198, %add3A_1314 : vector<16xf32>
    %swap3A_1316 = arith.constant 9 : i32
    %swap3A_1317 = arith.index_cast %swap3A_1316 : i32 to index
    %swap3A_1318 = arith.constant 224 : index
    %swap3A_1319 = tpu.vector_load %arg7[%swap3A_1317, %swap3A_1318] {strides = array<i32>} : memref<24x256xf32, #tpu.memory_space<vmem>>, vector<16xf32>,
    tpu.vector_store %arg7[%swap3A_1317, %swap3A_1318], %add3A_1315 {strides = array<i32>} : memref<24x256xf32, #tpu.memory_space<vmem>>, vector<16xf32>,
    %slice3A_1320 = vector.extract_strided_slice %gather3A_1199 {offsets = [15], sizes = [1], strides = [1]} : vector<16xf32> to vector<1xf32>
    %squeeze3A_1321 = vector.extract %slice3A_1320[0] : f32 from vector<1xf32>
    %add3A_1322 = vector.broadcast %squeeze3A_1321 : f32 to vector<16xf32>
    %add3A_1323 = arith.addf %gather3A_1198, %add3A_1322 : vector<16xf32>
    %swap3A_1324 = arith.constant 9 : i32
    %swap3A_1325 = arith.index_cast %swap3A_1324 : i32 to index
    %swap3A_1326 = arith.constant 240 : index
    %swap3A_1327 = tpu.vector_load %arg7[%swap3A_1325, %swap3A_1326] {strides = array<i32>} : memref<24x256xf32, #tpu.memory_space<vmem>>, vector<16xf32>,
    tpu.vector_store %arg7[%swap3A_1325, %swap3A_1326], %add3A_1323 {strides = array<i32>} : memref<24x256xf32, #tpu.memory_space<vmem>>, vector<16xf32>,
    %add3A_1328 = arith.constant 10 : i32
    %add3A_1329 = arith.addi %mul3A_2, %add3A_1328 : i32
    %broadcast_in_dim3A_1330 = vector.broadcast %add3A_1329 : i32 to vector<16xi32>
    %gather3A_1331 = tpu.vector_load_idx %arg6[%iota3A, %broadcast_in_dim3A_1330] : memref<16x768xf32, #tpu.memory_space<vmem>>[vector<16xi32>, vector<16xi32>], vector<16xf32>,
    %gather3A_1332 = tpu.vector_load_idx %arg5[%iota3A, %broadcast_in_dim3A_1330] : memref<16x768xf32, #tpu.memory_space<vmem>>[vector<16xi32>, vector<16xi32>], vector<16xf32>,
    %slice3A_1333 = vector.extract_strided_slice %gather3A_1332 {offsets = [0], sizes = [1], strides = [1]} : vector<16xf32> to vector<1xf32>
    %squeeze3A_1334 = vector.extract %slice3A_1333[0] : f32 from vector<1xf32>
    %add3A_1335 = vector.broadcast %squeeze3A_1334 : f32 to vector<16xf32>
    %add3A_1336 = arith.addf %gather3A_1331, %add3A_1335 : vector<16xf32>
    %swap3A_1337 = arith.constant 10 : i32
    %swap3A_1338 = arith.index_cast %swap3A_1337 : i32 to index
    %swap3A_1339 = arith.constant 0 : index
    %swap3A_1340 = tpu.vector_load %arg7[%swap3A_1338, %swap3A_1339] {strides = array<i32>} : memref<24x256xf32, #tpu.memory_space<vmem>>, vector<16xf32>,
    tpu.vector_store %arg7[%swap3A_1338, %swap3A_1339], %add3A_1336 {strides = array<i32>} : memref<24x256xf32, #tpu.memory_space<vmem>>, vector<16xf32>,
    %slice3A_1341 = vector.extract_strided_slice %gather3A_1332 {offsets = [1], sizes = [1], strides = [1]} : vector<16xf32> to vector<1xf32>
    %squeeze3A_1342 = vector.extract %slice3A_1341[0] : f32 from vector<1xf32>
    %add3A_1343 = vector.broadcast %squeeze3A_1342 : f32 to vector<16xf32>
    %add3A_1344 = arith.addf %gather3A_1331, %add3A_1343 : vector<16xf32>
    %swap3A_1345 = arith.constant 10 : i32
    %swap3A_1346 = arith.index_cast %swap3A_1345 : i32 to index
    %swap3A_1347 = arith.constant 16 : index
    %swap3A_1348 = tpu.vector_load %arg7[%swap3A_1346, %swap3A_1347] {strides = array<i32>} : memref<24x256xf32, #tpu.memory_space<vmem>>, vector<16xf32>,
    tpu.vector_store %arg7[%swap3A_1346, %swap3A_1347], %add3A_1344 {strides = array<i32>} : memref<24x256xf32, #tpu.memory_space<vmem>>, vector<16xf32>,
    %slice3A_1349 = vector.extract_strided_slice %gather3A_1332 {offsets = [2], sizes = [1], strides = [1]} : vector<16xf32> to vector<1xf32>
    %squeeze3A_1350 = vector.extract %slice3A_1349[0] : f32 from vector<1xf32>
    %add3A_1351 = vector.broadcast %squeeze3A_1350 : f32 to vector<16xf32>
    %add3A_1352 = arith.addf %gather3A_1331, %add3A_1351 : vector<16xf32>
    %swap3A_1353 = arith.constant 10 : i32
    %swap3A_1354 = arith.index_cast %swap3A_1353 : i32 to index
    %swap3A_1355 = arith.constant 32 : index
    %swap3A_1356 = tpu.vector_load %arg7[%swap3A_1354, %swap3A_1355] {strides = array<i32>} : memref<24x256xf32, #tpu.memory_space<vmem>>, vector<16xf32>,
    tpu.vector_store %arg7[%swap3A_1354, %swap3A_1355], %add3A_1352 {strides = array<i32>} : memref<24x256xf32, #tpu.memory_space<vmem>>, vector<16xf32>,
    %slice3A_1357 = vector.extract_strided_slice %gather3A_1332 {offsets = [3], sizes = [1], strides = [1]} : vector<16xf32> to vector<1xf32>
    %squeeze3A_1358 = vector.extract %slice3A_1357[0] : f32 from vector<1xf32>
    %add3A_1359 = vector.broadcast %squeeze3A_1358 : f32 to vector<16xf32>
    %add3A_1360 = arith.addf %gather3A_1331, %add3A_1359 : vector<16xf32>
    %swap3A_1361 = arith.constant 10 : i32
    %swap3A_1362 = arith.index_cast %swap3A_1361 : i32 to index
    %swap3A_1363 = arith.constant 48 : index
    %swap3A_1364 = tpu.vector_load %arg7[%swap3A_1362, %swap3A_1363] {strides = array<i32>} : memref<24x256xf32, #tpu.memory_space<vmem>>, vector<16xf32>,
    tpu.vector_store %arg7[%swap3A_1362, %swap3A_1363], %add3A_1360 {strides = array<i32>} : memref<24x256xf32, #tpu.memory_space<vmem>>, vector<16xf32>,
    %slice3A_1365 = vector.extract_strided_slice %gather3A_1332 {offsets = [4], sizes = [1], strides = [1]} : vector<16xf32> to vector<1xf32>
    %squeeze3A_1366 = vector.extract %slice3A_1365[0] : f32 from vector<1xf32>
    %add3A_1367 = vector.broadcast %squeeze3A_1366 : f32 to vector<16xf32>
    %add3A_1368 = arith.addf %gather3A_1331, %add3A_1367 : vector<16xf32>
    %swap3A_1369 = arith.constant 10 : i32
    %swap3A_1370 = arith.index_cast %swap3A_1369 : i32 to index
    %swap3A_1371 = arith.constant 64 : index
    %swap3A_1372 = tpu.vector_load %arg7[%swap3A_1370, %swap3A_1371] {strides = array<i32>} : memref<24x256xf32, #tpu.memory_space<vmem>>, vector<16xf32>,
    tpu.vector_store %arg7[%swap3A_1370, %swap3A_1371], %add3A_1368 {strides = array<i32>} : memref<24x256xf32, #tpu.memory_space<vmem>>, vector<16xf32>,
    %slice3A_1373 = vector.extract_strided_slice %gather3A_1332 {offsets = [5], sizes = [1], strides = [1]} : vector<16xf32> to vector<1xf32>
    %squeeze3A_1374 = vector.extract %slice3A_1373[0] : f32 from vector<1xf32>
    %add3A_1375 = vector.broadcast %squeeze3A_1374 : f32 to vector<16xf32>
    %add3A_1376 = arith.addf %gather3A_1331, %add3A_1375 : vector<16xf32>
    %swap3A_1377 = arith.constant 10 : i32
    %swap3A_1378 = arith.index_cast %swap3A_1377 : i32 to index
    %swap3A_1379 = arith.constant 80 : index
    %swap3A_1380 = tpu.vector_load %arg7[%swap3A_1378, %swap3A_1379] {strides = array<i32>} : memref<24x256xf32, #tpu.memory_space<vmem>>, vector<16xf32>,
    tpu.vector_store %arg7[%swap3A_1378, %swap3A_1379], %add3A_1376 {strides = array<i32>} : memref<24x256xf32, #tpu.memory_space<vmem>>, vector<16xf32>,
    %slice3A_1381 = vector.extract_strided_slice %gather3A_1332 {offsets = [6], sizes = [1], strides = [1]} : vector<16xf32> to vector<1xf32>
    %squeeze3A_1382 = vector.extract %slice3A_1381[0] : f32 from vector<1xf32>
    %add3A_1383 = vector.broadcast %squeeze3A_1382 : f32 to vector<16xf32>
    %add3A_1384 = arith.addf %gather3A_1331, %add3A_1383 : vector<16xf32>
    %swap3A_1385 = arith.constant 10 : i32
    %swap3A_1386 = arith.index_cast %swap3A_1385 : i32 to index
    %swap3A_1387 = arith.constant 96 : index
    %swap3A_1388 = tpu.vector_load %arg7[%swap3A_1386, %swap3A_1387] {strides = array<i32>} : memref<24x256xf32, #tpu.memory_space<vmem>>, vector<16xf32>,
    tpu.vector_store %arg7[%swap3A_1386, %swap3A_1387], %add3A_1384 {strides = array<i32>} : memref<24x256xf32, #tpu.memory_space<vmem>>, vector<16xf32>,
    %slice3A_1389 = vector.extract_strided_slice %gather3A_1332 {offsets = [7], sizes = [1], strides = [1]} : vector<16xf32> to vector<1xf32>
    %squeeze3A_1390 = vector.extract %slice3A_1389[0] : f32 from vector<1xf32>
    %add3A_1391 = vector.broadcast %squeeze3A_1390 : f32 to vector<16xf32>
    %add3A_1392 = arith.addf %gather3A_1331, %add3A_1391 : vector<16xf32>
    %swap3A_1393 = arith.constant 10 : i32
    %swap3A_1394 = arith.index_cast %swap3A_1393 : i32 to index
    %swap3A_1395 = arith.constant 112 : index
    %swap3A_1396 = tpu.vector_load %arg7[%swap3A_1394, %swap3A_1395] {strides = array<i32>} : memref<24x256xf32, #tpu.memory_space<vmem>>, vector<16xf32>,
    tpu.vector_store %arg7[%swap3A_1394, %swap3A_1395], %add3A_1392 {strides = array<i32>} : memref<24x256xf32, #tpu.memory_space<vmem>>, vector<16xf32>,
    %slice3A_1397 = vector.extract_strided_slice %gather3A_1332 {offsets = [8], sizes = [1], strides = [1]} : vector<16xf32> to vector<1xf32>
    %squeeze3A_1398 = vector.extract %slice3A_1397[0] : f32 from vector<1xf32>
    %add3A_1399 = vector.broadcast %squeeze3A_1398 : f32 to vector<16xf32>
    %add3A_1400 = arith.addf %gather3A_1331, %add3A_1399 : vector<16xf32>
    %swap3A_1401 = arith.constant 10 : i32
    %swap3A_1402 = arith.index_cast %swap3A_1401 : i32 to index
    %swap3A_1403 = arith.constant 128 : index
    %swap3A_1404 = tpu.vector_load %arg7[%swap3A_1402, %swap3A_1403] {strides = array<i32>} : memref<24x256xf32, #tpu.memory_space<vmem>>, vector<16xf32>,
    tpu.vector_store %arg7[%swap3A_1402, %swap3A_1403], %add3A_1400 {strides = array<i32>} : memref<24x256xf32, #tpu.memory_space<vmem>>, vector<16xf32>,
    %slice3A_1405 = vector.extract_strided_slice %gather3A_1332 {offsets = [9], sizes = [1], strides = [1]} : vector<16xf32> to vector<1xf32>
    %squeeze3A_1406 = vector.extract %slice3A_1405[0] : f32 from vector<1xf32>
    %add3A_1407 = vector.broadcast %squeeze3A_1406 : f32 to vector<16xf32>
    %add3A_1408 = arith.addf %gather3A_1331, %add3A_1407 : vector<16xf32>
    %swap3A_1409 = arith.constant 10 : i32
    %swap3A_1410 = arith.index_cast %swap3A_1409 : i32 to index
    %swap3A_1411 = arith.constant 144 : index
    %swap3A_1412 = tpu.vector_load %arg7[%swap3A_1410, %swap3A_1411] {strides = array<i32>} : memref<24x256xf32, #tpu.memory_space<vmem>>, vector<16xf32>,
    tpu.vector_store %arg7[%swap3A_1410, %swap3A_1411], %add3A_1408 {strides = array<i32>} : memref<24x256xf32, #tpu.memory_space<vmem>>, vector<16xf32>,
    %slice3A_1413 = vector.extract_strided_slice %gather3A_1332 {offsets = [10], sizes = [1], strides = [1]} : vector<16xf32> to vector<1xf32>
    %squeeze3A_1414 = vector.extract %slice3A_1413[0] : f32 from vector<1xf32>
    %add3A_1415 = vector.broadcast %squeeze3A_1414 : f32 to vector<16xf32>
    %add3A_1416 = arith.addf %gather3A_1331, %add3A_1415 : vector<16xf32>
    %swap3A_1417 = arith.constant 10 : i32
    %swap3A_1418 = arith.index_cast %swap3A_1417 : i32 to index
    %swap3A_1419 = arith.constant 160 : index
    %swap3A_1420 = tpu.vector_load %arg7[%swap3A_1418, %swap3A_1419] {strides = array<i32>} : memref<24x256xf32, #tpu.memory_space<vmem>>, vector<16xf32>,
    tpu.vector_store %arg7[%swap3A_1418, %swap3A_1419], %add3A_1416 {strides = array<i32>} : memref<24x256xf32, #tpu.memory_space<vmem>>, vector<16xf32>,
    %slice3A_1421 = vector.extract_strided_slice %gather3A_1332 {offsets = [11], sizes = [1], strides = [1]} : vector<16xf32> to vector<1xf32>
    %squeeze3A_1422 = vector.extract %slice3A_1421[0] : f32 from vector<1xf32>
    %add3A_1423 = vector.broadcast %squeeze3A_1422 : f32 to vector<16xf32>
    %add3A_1424 = arith.addf %gather3A_1331, %add3A_1423 : vector<16xf32>
    %swap3A_1425 = arith.constant 10 : i32
    %swap3A_1426 = arith.index_cast %swap3A_1425 : i32 to index
    %swap3A_1427 = arith.constant 176 : index
    %swap3A_1428 = tpu.vector_load %arg7[%swap3A_1426, %swap3A_1427] {strides = array<i32>} : memref<24x256xf32, #tpu.memory_space<vmem>>, vector<16xf32>,
    tpu.vector_store %arg7[%swap3A_1426, %swap3A_1427], %add3A_1424 {strides = array<i32>} : memref<24x256xf32, #tpu.memory_space<vmem>>, vector<16xf32>,
    %slice3A_1429 = vector.extract_strided_slice %gather3A_1332 {offsets = [12], sizes = [1], strides = [1]} : vector<16xf32> to vector<1xf32>
    %squeeze3A_1430 = vector.extract %slice3A_1429[0] : f32 from vector<1xf32>
    %add3A_1431 = vector.broadcast %squeeze3A_1430 : f32 to vector<16xf32>
    %add3A_1432 = arith.addf %gather3A_1331, %add3A_1431 : vector<16xf32>
    %swap3A_1433 = arith.constant 10 : i32
    %swap3A_1434 = arith.index_cast %swap3A_1433 : i32 to index
    %swap3A_1435 = arith.constant 192 : index
    %swap3A_1436 = tpu.vector_load %arg7[%swap3A_1434, %swap3A_1435] {strides = array<i32>} : memref<24x256xf32, #tpu.memory_space<vmem>>, vector<16xf32>,
    tpu.vector_store %arg7[%swap3A_1434, %swap3A_1435], %add3A_1432 {strides = array<i32>} : memref<24x256xf32, #tpu.memory_space<vmem>>, vector<16xf32>,
    %slice3A_1437 = vector.extract_strided_slice %gather3A_1332 {offsets = [13], sizes = [1], strides = [1]} : vector<16xf32> to vector<1xf32>
    %squeeze3A_1438 = vector.extract %slice3A_1437[0] : f32 from vector<1xf32>
    %add3A_1439 = vector.broadcast %squeeze3A_1438 : f32 to vector<16xf32>
    %add3A_1440 = arith.addf %gather3A_1331, %add3A_1439 : vector<16xf32>
    %swap3A_1441 = arith.constant 10 : i32
    %swap3A_1442 = arith.index_cast %swap3A_1441 : i32 to index
    %swap3A_1443 = arith.constant 208 : index
    %swap3A_1444 = tpu.vector_load %arg7[%swap3A_1442, %swap3A_1443] {strides = array<i32>} : memref<24x256xf32, #tpu.memory_space<vmem>>, vector<16xf32>,
    tpu.vector_store %arg7[%swap3A_1442, %swap3A_1443], %add3A_1440 {strides = array<i32>} : memref<24x256xf32, #tpu.memory_space<vmem>>, vector<16xf32>,
    %slice3A_1445 = vector.extract_strided_slice %gather3A_1332 {offsets = [14], sizes = [1], strides = [1]} : vector<16xf32> to vector<1xf32>
    %squeeze3A_1446 = vector.extract %slice3A_1445[0] : f32 from vector<1xf32>
    %add3A_1447 = vector.broadcast %squeeze3A_1446 : f32 to vector<16xf32>
    %add3A_1448 = arith.addf %gather3A_1331, %add3A_1447 : vector<16xf32>
    %swap3A_1449 = arith.constant 10 : i32
    %swap3A_1450 = arith.index_cast %swap3A_1449 : i32 to index
    %swap3A_1451 = arith.constant 224 : index
    %swap3A_1452 = tpu.vector_load %arg7[%swap3A_1450, %swap3A_1451] {strides = array<i32>} : memref<24x256xf32, #tpu.memory_space<vmem>>, vector<16xf32>,
    tpu.vector_store %arg7[%swap3A_1450, %swap3A_1451], %add3A_1448 {strides = array<i32>} : memref<24x256xf32, #tpu.memory_space<vmem>>, vector<16xf32>,
    %slice3A_1453 = vector.extract_strided_slice %gather3A_1332 {offsets = [15], sizes = [1], strides = [1]} : vector<16xf32> to vector<1xf32>
    %squeeze3A_1454 = vector.extract %slice3A_1453[0] : f32 from vector<1xf32>
    %add3A_1455 = vector.broadcast %squeeze3A_1454 : f32 to vector<16xf32>
    %add3A_1456 = arith.addf %gather3A_1331, %add3A_1455 : vector<16xf32>
    %swap3A_1457 = arith.constant 10 : i32
    %swap3A_1458 = arith.index_cast %swap3A_1457 : i32 to index
    %swap3A_1459 = arith.constant 240 : index
    %swap3A_1460 = tpu.vector_load %arg7[%swap3A_1458, %swap3A_1459] {strides = array<i32>} : memref<24x256xf32, #tpu.memory_space<vmem>>, vector<16xf32>,
    tpu.vector_store %arg7[%swap3A_1458, %swap3A_1459], %add3A_1456 {strides = array<i32>} : memref<24x256xf32, #tpu.memory_space<vmem>>, vector<16xf32>,
    %add3A_1461 = arith.constant 11 : i32
    %add3A_1462 = arith.addi %mul3A_2, %add3A_1461 : i32
    %broadcast_in_dim3A_1463 = vector.broadcast %add3A_1462 : i32 to vector<16xi32>
    %gather3A_1464 = tpu.vector_load_idx %arg6[%iota3A, %broadcast_in_dim3A_1463] : memref<16x768xf32, #tpu.memory_space<vmem>>[vector<16xi32>, vector<16xi32>], vector<16xf32>,
    %gather3A_1465 = tpu.vector_load_idx %arg5[%iota3A, %broadcast_in_dim3A_1463] : memref<16x768xf32, #tpu.memory_space<vmem>>[vector<16xi32>, vector<16xi32>], vector<16xf32>,
    %slice3A_1466 = vector.extract_strided_slice %gather3A_1465 {offsets = [0], sizes = [1], strides = [1]} : vector<16xf32> to vector<1xf32>
    %squeeze3A_1467 = vector.extract %slice3A_1466[0] : f32 from vector<1xf32>
    %add3A_1468 = vector.broadcast %squeeze3A_1467 : f32 to vector<16xf32>
    %add3A_1469 = arith.addf %gather3A_1464, %add3A_1468 : vector<16xf32>
    %swap3A_1470 = arith.constant 11 : i32
    %swap3A_1471 = arith.index_cast %swap3A_1470 : i32 to index
    %swap3A_1472 = arith.constant 0 : index
    %swap3A_1473 = tpu.vector_load %arg7[%swap3A_1471, %swap3A_1472] {strides = array<i32>} : memref<24x256xf32, #tpu.memory_space<vmem>>, vector<16xf32>,
    tpu.vector_store %arg7[%swap3A_1471, %swap3A_1472], %add3A_1469 {strides = array<i32>} : memref<24x256xf32, #tpu.memory_space<vmem>>, vector<16xf32>,
    %slice3A_1474 = vector.extract_strided_slice %gather3A_1465 {offsets = [1], sizes = [1], strides = [1]} : vector<16xf32> to vector<1xf32>
    %squeeze3A_1475 = vector.extract %slice3A_1474[0] : f32 from vector<1xf32>
    %add3A_1476 = vector.broadcast %squeeze3A_1475 : f32 to vector<16xf32>
    %add3A_1477 = arith.addf %gather3A_1464, %add3A_1476 : vector<16xf32>
    %swap3A_1478 = arith.constant 11 : i32
    %swap3A_1479 = arith.index_cast %swap3A_1478 : i32 to index
    %swap3A_1480 = arith.constant 16 : index
    %swap3A_1481 = tpu.vector_load %arg7[%swap3A_1479, %swap3A_1480] {strides = array<i32>} : memref<24x256xf32, #tpu.memory_space<vmem>>, vector<16xf32>,
    tpu.vector_store %arg7[%swap3A_1479, %swap3A_1480], %add3A_1477 {strides = array<i32>} : memref<24x256xf32, #tpu.memory_space<vmem>>, vector<16xf32>,
    %slice3A_1482 = vector.extract_strided_slice %gather3A_1465 {offsets = [2], sizes = [1], strides = [1]} : vector<16xf32> to vector<1xf32>
    %squeeze3A_1483 = vector.extract %slice3A_1482[0] : f32 from vector<1xf32>
    %add3A_1484 = vector.broadcast %squeeze3A_1483 : f32 to vector<16xf32>
    %add3A_1485 = arith.addf %gather3A_1464, %add3A_1484 : vector<16xf32>
    %swap3A_1486 = arith.constant 11 : i32
    %swap3A_1487 = arith.index_cast %swap3A_1486 : i32 to index
    %swap3A_1488 = arith.constant 32 : index
    %swap3A_1489 = tpu.vector_load %arg7[%swap3A_1487, %swap3A_1488] {strides = array<i32>} : memref<24x256xf32, #tpu.memory_space<vmem>>, vector<16xf32>,
    tpu.vector_store %arg7[%swap3A_1487, %swap3A_1488], %add3A_1485 {strides = array<i32>} : memref<24x256xf32, #tpu.memory_space<vmem>>, vector<16xf32>,
    %slice3A_1490 = vector.extract_strided_slice %gather3A_1465 {offsets = [3], sizes = [1], strides = [1]} : vector<16xf32> to vector<1xf32>
    %squeeze3A_1491 = vector.extract %slice3A_1490[0] : f32 from vector<1xf32>
    %add3A_1492 = vector.broadcast %squeeze3A_1491 : f32 to vector<16xf32>
    %add3A_1493 = arith.addf %gather3A_1464, %add3A_1492 : vector<16xf32>
    %swap3A_1494 = arith.constant 11 : i32
    %swap3A_1495 = arith.index_cast %swap3A_1494 : i32 to index
    %swap3A_1496 = arith.constant 48 : index
    %swap3A_1497 = tpu.vector_load %arg7[%swap3A_1495, %swap3A_1496] {strides = array<i32>} : memref<24x256xf32, #tpu.memory_space<vmem>>, vector<16xf32>,
    tpu.vector_store %arg7[%swap3A_1495, %swap3A_1496], %add3A_1493 {strides = array<i32>} : memref<24x256xf32, #tpu.memory_space<vmem>>, vector<16xf32>,
    %slice3A_1498 = vector.extract_strided_slice %gather3A_1465 {offsets = [4], sizes = [1], strides = [1]} : vector<16xf32> to vector<1xf32>
    %squeeze3A_1499 = vector.extract %slice3A_1498[0] : f32 from vector<1xf32>
    %add3A_1500 = vector.broadcast %squeeze3A_1499 : f32 to vector<16xf32>
    %add3A_1501 = arith.addf %gather3A_1464, %add3A_1500 : vector<16xf32>
    %swap3A_1502 = arith.constant 11 : i32
    %swap3A_1503 = arith.index_cast %swap3A_1502 : i32 to index
    %swap3A_1504 = arith.constant 64 : index
    %swap3A_1505 = tpu.vector_load %arg7[%swap3A_1503, %swap3A_1504] {strides = array<i32>} : memref<24x256xf32, #tpu.memory_space<vmem>>, vector<16xf32>,
    tpu.vector_store %arg7[%swap3A_1503, %swap3A_1504], %add3A_1501 {strides = array<i32>} : memref<24x256xf32, #tpu.memory_space<vmem>>, vector<16xf32>,
    %slice3A_1506 = vector.extract_strided_slice %gather3A_1465 {offsets = [5], sizes = [1], strides = [1]} : vector<16xf32> to vector<1xf32>
    %squeeze3A_1507 = vector.extract %slice3A_1506[0] : f32 from vector<1xf32>
    %add3A_1508 = vector.broadcast %squeeze3A_1507 : f32 to vector<16xf32>
    %add3A_1509 = arith.addf %gather3A_1464, %add3A_1508 : vector<16xf32>
    %swap3A_1510 = arith.constant 11 : i32
    %swap3A_1511 = arith.index_cast %swap3A_1510 : i32 to index
    %swap3A_1512 = arith.constant 80 : index
    %swap3A_1513 = tpu.vector_load %arg7[%swap3A_1511, %swap3A_1512] {strides = array<i32>} : memref<24x256xf32, #tpu.memory_space<vmem>>, vector<16xf32>,
    tpu.vector_store %arg7[%swap3A_1511, %swap3A_1512], %add3A_1509 {strides = array<i32>} : memref<24x256xf32, #tpu.memory_space<vmem>>, vector<16xf32>,
    %slice3A_1514 = vector.extract_strided_slice %gather3A_1465 {offsets = [6], sizes = [1], strides = [1]} : vector<16xf32> to vector<1xf32>
    %squeeze3A_1515 = vector.extract %slice3A_1514[0] : f32 from vector<1xf32>
    %add3A_1516 = vector.broadcast %squeeze3A_1515 : f32 to vector<16xf32>
    %add3A_1517 = arith.addf %gather3A_1464, %add3A_1516 : vector<16xf32>
    %swap3A_1518 = arith.constant 11 : i32
    %swap3A_1519 = arith.index_cast %swap3A_1518 : i32 to index
    %swap3A_1520 = arith.constant 96 : index
    %swap3A_1521 = tpu.vector_load %arg7[%swap3A_1519, %swap3A_1520] {strides = array<i32>} : memref<24x256xf32, #tpu.memory_space<vmem>>, vector<16xf32>,
    tpu.vector_store %arg7[%swap3A_1519, %swap3A_1520], %add3A_1517 {strides = array<i32>} : memref<24x256xf32, #tpu.memory_space<vmem>>, vector<16xf32>,
    %slice3A_1522 = vector.extract_strided_slice %gather3A_1465 {offsets = [7], sizes = [1], strides = [1]} : vector<16xf32> to vector<1xf32>
    %squeeze3A_1523 = vector.extract %slice3A_1522[0] : f32 from vector<1xf32>
    %add3A_1524 = vector.broadcast %squeeze3A_1523 : f32 to vector<16xf32>
    %add3A_1525 = arith.addf %gather3A_1464, %add3A_1524 : vector<16xf32>
    %swap3A_1526 = arith.constant 11 : i32
    %swap3A_1527 = arith.index_cast %swap3A_1526 : i32 to index
    %swap3A_1528 = arith.constant 112 : index
    %swap3A_1529 = tpu.vector_load %arg7[%swap3A_1527, %swap3A_1528] {strides = array<i32>} : memref<24x256xf32, #tpu.memory_space<vmem>>, vector<16xf32>,
    tpu.vector_store %arg7[%swap3A_1527, %swap3A_1528], %add3A_1525 {strides = array<i32>} : memref<24x256xf32, #tpu.memory_space<vmem>>, vector<16xf32>,
    %slice3A_1530 = vector.extract_strided_slice %gather3A_1465 {offsets = [8], sizes = [1], strides = [1]} : vector<16xf32> to vector<1xf32>
    %squeeze3A_1531 = vector.extract %slice3A_1530[0] : f32 from vector<1xf32>
    %add3A_1532 = vector.broadcast %squeeze3A_1531 : f32 to vector<16xf32>
    %add3A_1533 = arith.addf %gather3A_1464, %add3A_1532 : vector<16xf32>
    %swap3A_1534 = arith.constant 11 : i32
    %swap3A_1535 = arith.index_cast %swap3A_1534 : i32 to index
    %swap3A_1536 = arith.constant 128 : index
    %swap3A_1537 = tpu.vector_load %arg7[%swap3A_1535, %swap3A_1536] {strides = array<i32>} : memref<24x256xf32, #tpu.memory_space<vmem>>, vector<16xf32>,
    tpu.vector_store %arg7[%swap3A_1535, %swap3A_1536], %add3A_1533 {strides = array<i32>} : memref<24x256xf32, #tpu.memory_space<vmem>>, vector<16xf32>,
    %slice3A_1538 = vector.extract_strided_slice %gather3A_1465 {offsets = [9], sizes = [1], strides = [1]} : vector<16xf32> to vector<1xf32>
    %squeeze3A_1539 = vector.extract %slice3A_1538[0] : f32 from vector<1xf32>
    %add3A_1540 = vector.broadcast %squeeze3A_1539 : f32 to vector<16xf32>
    %add3A_1541 = arith.addf %gather3A_1464, %add3A_1540 : vector<16xf32>
    %swap3A_1542 = arith.constant 11 : i32
    %swap3A_1543 = arith.index_cast %swap3A_1542 : i32 to index
    %swap3A_1544 = arith.constant 144 : index
    %swap3A_1545 = tpu.vector_load %arg7[%swap3A_1543, %swap3A_1544] {strides = array<i32>} : memref<24x256xf32, #tpu.memory_space<vmem>>, vector<16xf32>,
    tpu.vector_store %arg7[%swap3A_1543, %swap3A_1544], %add3A_1541 {strides = array<i32>} : memref<24x256xf32, #tpu.memory_space<vmem>>, vector<16xf32>,
    %slice3A_1546 = vector.extract_strided_slice %gather3A_1465 {offsets = [10], sizes = [1], strides = [1]} : vector<16xf32> to vector<1xf32>
    %squeeze3A_1547 = vector.extract %slice3A_1546[0] : f32 from vector<1xf32>
    %add3A_1548 = vector.broadcast %squeeze3A_1547 : f32 to vector<16xf32>
    %add3A_1549 = arith.addf %gather3A_1464, %add3A_1548 : vector<16xf32>
    %swap3A_1550 = arith.constant 11 : i32
    %swap3A_1551 = arith.index_cast %swap3A_1550 : i32 to index
    %swap3A_1552 = arith.constant 160 : index
    %swap3A_1553 = tpu.vector_load %arg7[%swap3A_1551, %swap3A_1552] {strides = array<i32>} : memref<24x256xf32, #tpu.memory_space<vmem>>, vector<16xf32>,
    tpu.vector_store %arg7[%swap3A_1551, %swap3A_1552], %add3A_1549 {strides = array<i32>} : memref<24x256xf32, #tpu.memory_space<vmem>>, vector<16xf32>,
    %slice3A_1554 = vector.extract_strided_slice %gather3A_1465 {offsets = [11], sizes = [1], strides = [1]} : vector<16xf32> to vector<1xf32>
    %squeeze3A_1555 = vector.extract %slice3A_1554[0] : f32 from vector<1xf32>
    %add3A_1556 = vector.broadcast %squeeze3A_1555 : f32 to vector<16xf32>
    %add3A_1557 = arith.addf %gather3A_1464, %add3A_1556 : vector<16xf32>
    %swap3A_1558 = arith.constant 11 : i32
    %swap3A_1559 = arith.index_cast %swap3A_1558 : i32 to index
    %swap3A_1560 = arith.constant 176 : index
    %swap3A_1561 = tpu.vector_load %arg7[%swap3A_1559, %swap3A_1560] {strides = array<i32>} : memref<24x256xf32, #tpu.memory_space<vmem>>, vector<16xf32>,
    tpu.vector_store %arg7[%swap3A_1559, %swap3A_1560], %add3A_1557 {strides = array<i32>} : memref<24x256xf32, #tpu.memory_space<vmem>>, vector<16xf32>,
    %slice3A_1562 = vector.extract_strided_slice %gather3A_1465 {offsets = [12], sizes = [1], strides = [1]} : vector<16xf32> to vector<1xf32>
    %squeeze3A_1563 = vector.extract %slice3A_1562[0] : f32 from vector<1xf32>
    %add3A_1564 = vector.broadcast %squeeze3A_1563 : f32 to vector<16xf32>
    %add3A_1565 = arith.addf %gather3A_1464, %add3A_1564 : vector<16xf32>
    %swap3A_1566 = arith.constant 11 : i32
    %swap3A_1567 = arith.index_cast %swap3A_1566 : i32 to index
    %swap3A_1568 = arith.constant 192 : index
    %swap3A_1569 = tpu.vector_load %arg7[%swap3A_1567, %swap3A_1568] {strides = array<i32>} : memref<24x256xf32, #tpu.memory_space<vmem>>, vector<16xf32>,
    tpu.vector_store %arg7[%swap3A_1567, %swap3A_1568], %add3A_1565 {strides = array<i32>} : memref<24x256xf32, #tpu.memory_space<vmem>>, vector<16xf32>,
    %slice3A_1570 = vector.extract_strided_slice %gather3A_1465 {offsets = [13], sizes = [1], strides = [1]} : vector<16xf32> to vector<1xf32>
    %squeeze3A_1571 = vector.extract %slice3A_1570[0] : f32 from vector<1xf32>
    %add3A_1572 = vector.broadcast %squeeze3A_1571 : f32 to vector<16xf32>
    %add3A_1573 = arith.addf %gather3A_1464, %add3A_1572 : vector<16xf32>
    %swap3A_1574 = arith.constant 11 : i32
    %swap3A_1575 = arith.index_cast %swap3A_1574 : i32 to index
    %swap3A_1576 = arith.constant 208 : index
    %swap3A_1577 = tpu.vector_load %arg7[%swap3A_1575, %swap3A_1576] {strides = array<i32>} : memref<24x256xf32, #tpu.memory_space<vmem>>, vector<16xf32>,
    tpu.vector_store %arg7[%swap3A_1575, %swap3A_1576], %add3A_1573 {strides = array<i32>} : memref<24x256xf32, #tpu.memory_space<vmem>>, vector<16xf32>,
    %slice3A_1578 = vector.extract_strided_slice %gather3A_1465 {offsets = [14], sizes = [1], strides = [1]} : vector<16xf32> to vector<1xf32>
    %squeeze3A_1579 = vector.extract %slice3A_1578[0] : f32 from vector<1xf32>
    %add3A_1580 = vector.broadcast %squeeze3A_1579 : f32 to vector<16xf32>
    %add3A_1581 = arith.addf %gather3A_1464, %add3A_1580 : vector<16xf32>
    %swap3A_1582 = arith.constant 11 : i32
    %swap3A_1583 = arith.index_cast %swap3A_1582 : i32 to index
    %swap3A_1584 = arith.constant 224 : index
    %swap3A_1585 = tpu.vector_load %arg7[%swap3A_1583, %swap3A_1584] {strides = array<i32>} : memref<24x256xf32, #tpu.memory_space<vmem>>, vector<16xf32>,
    tpu.vector_store %arg7[%swap3A_1583, %swap3A_1584], %add3A_1581 {strides = array<i32>} : memref<24x256xf32, #tpu.memory_space<vmem>>, vector<16xf32>,
    %slice3A_1586 = vector.extract_strided_slice %gather3A_1465 {offsets = [15], sizes = [1], strides = [1]} : vector<16xf32> to vector<1xf32>
    %squeeze3A_1587 = vector.extract %slice3A_1586[0] : f32 from vector<1xf32>
    %add3A_1588 = vector.broadcast %squeeze3A_1587 : f32 to vector<16xf32>
    %add3A_1589 = arith.addf %gather3A_1464, %add3A_1588 : vector<16xf32>
    %swap3A_1590 = arith.constant 11 : i32
    %swap3A_1591 = arith.index_cast %swap3A_1590 : i32 to index
    %swap3A_1592 = arith.constant 240 : index
    %swap3A_1593 = tpu.vector_load %arg7[%swap3A_1591, %swap3A_1592] {strides = array<i32>} : memref<24x256xf32, #tpu.memory_space<vmem>>, vector<16xf32>,
    tpu.vector_store %arg7[%swap3A_1591, %swap3A_1592], %add3A_1589 {strides = array<i32>} : memref<24x256xf32, #tpu.memory_space<vmem>>, vector<16xf32>,
    %add3A_1594 = arith.constant 12 : i32
    %add3A_1595 = arith.addi %mul3A_2, %add3A_1594 : i32
    %broadcast_in_dim3A_1596 = vector.broadcast %add3A_1595 : i32 to vector<16xi32>
    %gather3A_1597 = tpu.vector_load_idx %arg6[%iota3A, %broadcast_in_dim3A_1596] : memref<16x768xf32, #tpu.memory_space<vmem>>[vector<16xi32>, vector<16xi32>], vector<16xf32>,
    %gather3A_1598 = tpu.vector_load_idx %arg5[%iota3A, %broadcast_in_dim3A_1596] : memref<16x768xf32, #tpu.memory_space<vmem>>[vector<16xi32>, vector<16xi32>], vector<16xf32>,
    %slice3A_1599 = vector.extract_strided_slice %gather3A_1598 {offsets = [0], sizes = [1], strides = [1]} : vector<16xf32> to vector<1xf32>
    %squeeze3A_1600 = vector.extract %slice3A_1599[0] : f32 from vector<1xf32>
    %add3A_1601 = vector.broadcast %squeeze3A_1600 : f32 to vector<16xf32>
    %add3A_1602 = arith.addf %gather3A_1597, %add3A_1601 : vector<16xf32>
    %swap3A_1603 = arith.constant 12 : i32
    %swap3A_1604 = arith.index_cast %swap3A_1603 : i32 to index
    %swap3A_1605 = arith.constant 0 : index
    %swap3A_1606 = tpu.vector_load %arg7[%swap3A_1604, %swap3A_1605] {strides = array<i32>} : memref<24x256xf32, #tpu.memory_space<vmem>>, vector<16xf32>,
    tpu.vector_store %arg7[%swap3A_1604, %swap3A_1605], %add3A_1602 {strides = array<i32>} : memref<24x256xf32, #tpu.memory_space<vmem>>, vector<16xf32>,
    %slice3A_1607 = vector.extract_strided_slice %gather3A_1598 {offsets = [1], sizes = [1], strides = [1]} : vector<16xf32> to vector<1xf32>
    %squeeze3A_1608 = vector.extract %slice3A_1607[0] : f32 from vector<1xf32>
    %add3A_1609 = vector.broadcast %squeeze3A_1608 : f32 to vector<16xf32>
    %add3A_1610 = arith.addf %gather3A_1597, %add3A_1609 : vector<16xf32>
    %swap3A_1611 = arith.constant 12 : i32
    %swap3A_1612 = arith.index_cast %swap3A_1611 : i32 to index
    %swap3A_1613 = arith.constant 16 : index
    %swap3A_1614 = tpu.vector_load %arg7[%swap3A_1612, %swap3A_1613] {strides = array<i32>} : memref<24x256xf32, #tpu.memory_space<vmem>>, vector<16xf32>,
    tpu.vector_store %arg7[%swap3A_1612, %swap3A_1613], %add3A_1610 {strides = array<i32>} : memref<24x256xf32, #tpu.memory_space<vmem>>, vector<16xf32>,
    %slice3A_1615 = vector.extract_strided_slice %gather3A_1598 {offsets = [2], sizes = [1], strides = [1]} : vector<16xf32> to vector<1xf32>
    %squeeze3A_1616 = vector.extract %slice3A_1615[0] : f32 from vector<1xf32>
    %add3A_1617 = vector.broadcast %squeeze3A_1616 : f32 to vector<16xf32>
    %add3A_1618 = arith.addf %gather3A_1597, %add3A_1617 : vector<16xf32>
    %swap3A_1619 = arith.constant 12 : i32
    %swap3A_1620 = arith.index_cast %swap3A_1619 : i32 to index
    %swap3A_1621 = arith.constant 32 : index
    %swap3A_1622 = tpu.vector_load %arg7[%swap3A_1620, %swap3A_1621] {strides = array<i32>} : memref<24x256xf32, #tpu.memory_space<vmem>>, vector<16xf32>,
    tpu.vector_store %arg7[%swap3A_1620, %swap3A_1621], %add3A_1618 {strides = array<i32>} : memref<24x256xf32, #tpu.memory_space<vmem>>, vector<16xf32>,
    %slice3A_1623 = vector.extract_strided_slice %gather3A_1598 {offsets = [3], sizes = [1], strides = [1]} : vector<16xf32> to vector<1xf32>
    %squeeze3A_1624 = vector.extract %slice3A_1623[0] : f32 from vector<1xf32>
    %add3A_1625 = vector.broadcast %squeeze3A_1624 : f32 to vector<16xf32>
    %add3A_1626 = arith.addf %gather3A_1597, %add3A_1625 : vector<16xf32>
    %swap3A_1627 = arith.constant 12 : i32
    %swap3A_1628 = arith.index_cast %swap3A_1627 : i32 to index
    %swap3A_1629 = arith.constant 48 : index
    %swap3A_1630 = tpu.vector_load %arg7[%swap3A_1628, %swap3A_1629] {strides = array<i32>} : memref<24x256xf32, #tpu.memory_space<vmem>>, vector<16xf32>,
    tpu.vector_store %arg7[%swap3A_1628, %swap3A_1629], %add3A_1626 {strides = array<i32>} : memref<24x256xf32, #tpu.memory_space<vmem>>, vector<16xf32>,
    %slice3A_1631 = vector.extract_strided_slice %gather3A_1598 {offsets = [4], sizes = [1], strides = [1]} : vector<16xf32> to vector<1xf32>
    %squeeze3A_1632 = vector.extract %slice3A_1631[0] : f32 from vector<1xf32>
    %add3A_1633 = vector.broadcast %squeeze3A_1632 : f32 to vector<16xf32>
    %add3A_1634 = arith.addf %gather3A_1597, %add3A_1633 : vector<16xf32>
    %swap3A_1635 = arith.constant 12 : i32
    %swap3A_1636 = arith.index_cast %swap3A_1635 : i32 to index
    %swap3A_1637 = arith.constant 64 : index
    %swap3A_1638 = tpu.vector_load %arg7[%swap3A_1636, %swap3A_1637] {strides = array<i32>} : memref<24x256xf32, #tpu.memory_space<vmem>>, vector<16xf32>,
    tpu.vector_store %arg7[%swap3A_1636, %swap3A_1637], %add3A_1634 {strides = array<i32>} : memref<24x256xf32, #tpu.memory_space<vmem>>, vector<16xf32>,
    %slice3A_1639 = vector.extract_strided_slice %gather3A_1598 {offsets = [5], sizes = [1], strides = [1]} : vector<16xf32> to vector<1xf32>
    %squeeze3A_1640 = vector.extract %slice3A_1639[0] : f32 from vector<1xf32>
    %add3A_1641 = vector.broadcast %squeeze3A_1640 : f32 to vector<16xf32>
    %add3A_1642 = arith.addf %gather3A_1597, %add3A_1641 : vector<16xf32>
    %swap3A_1643 = arith.constant 12 : i32
    %swap3A_1644 = arith.index_cast %swap3A_1643 : i32 to index
    %swap3A_1645 = arith.constant 80 : index
    %swap3A_1646 = tpu.vector_load %arg7[%swap3A_1644, %swap3A_1645] {strides = array<i32>} : memref<24x256xf32, #tpu.memory_space<vmem>>, vector<16xf32>,
    tpu.vector_store %arg7[%swap3A_1644, %swap3A_1645], %add3A_1642 {strides = array<i32>} : memref<24x256xf32, #tpu.memory_space<vmem>>, vector<16xf32>,
    %slice3A_1647 = vector.extract_strided_slice %gather3A_1598 {offsets = [6], sizes = [1], strides = [1]} : vector<16xf32> to vector<1xf32>
    %squeeze3A_1648 = vector.extract %slice3A_1647[0] : f32 from vector<1xf32>
    %add3A_1649 = vector.broadcast %squeeze3A_1648 : f32 to vector<16xf32>
    %add3A_1650 = arith.addf %gather3A_1597, %add3A_1649 : vector<16xf32>
    %swap3A_1651 = arith.constant 12 : i32
    %swap3A_1652 = arith.index_cast %swap3A_1651 : i32 to index
    %swap3A_1653 = arith.constant 96 : index
    %swap3A_1654 = tpu.vector_load %arg7[%swap3A_1652, %swap3A_1653] {strides = array<i32>} : memref<24x256xf32, #tpu.memory_space<vmem>>, vector<16xf32>,
    tpu.vector_store %arg7[%swap3A_1652, %swap3A_1653], %add3A_1650 {strides = array<i32>} : memref<24x256xf32, #tpu.memory_space<vmem>>, vector<16xf32>,
    %slice3A_1655 = vector.extract_strided_slice %gather3A_1598 {offsets = [7], sizes = [1], strides = [1]} : vector<16xf32> to vector<1xf32>
    %squeeze3A_1656 = vector.extract %slice3A_1655[0] : f32 from vector<1xf32>
    %add3A_1657 = vector.broadcast %squeeze3A_1656 : f32 to vector<16xf32>
    %add3A_1658 = arith.addf %gather3A_1597, %add3A_1657 : vector<16xf32>
    %swap3A_1659 = arith.constant 12 : i32
    %swap3A_1660 = arith.index_cast %swap3A_1659 : i32 to index
    %swap3A_1661 = arith.constant 112 : index
    %swap3A_1662 = tpu.vector_load %arg7[%swap3A_1660, %swap3A_1661] {strides = array<i32>} : memref<24x256xf32, #tpu.memory_space<vmem>>, vector<16xf32>,
    tpu.vector_store %arg7[%swap3A_1660, %swap3A_1661], %add3A_1658 {strides = array<i32>} : memref<24x256xf32, #tpu.memory_space<vmem>>, vector<16xf32>,
    %slice3A_1663 = vector.extract_strided_slice %gather3A_1598 {offsets = [8], sizes = [1], strides = [1]} : vector<16xf32> to vector<1xf32>
    %squeeze3A_1664 = vector.extract %slice3A_1663[0] : f32 from vector<1xf32>
    %add3A_1665 = vector.broadcast %squeeze3A_1664 : f32 to vector<16xf32>
    %add3A_1666 = arith.addf %gather3A_1597, %add3A_1665 : vector<16xf32>
    %swap3A_1667 = arith.constant 12 : i32
    %swap3A_1668 = arith.index_cast %swap3A_1667 : i32 to index
    %swap3A_1669 = arith.constant 128 : index
    %swap3A_1670 = tpu.vector_load %arg7[%swap3A_1668, %swap3A_1669] {strides = array<i32>} : memref<24x256xf32, #tpu.memory_space<vmem>>, vector<16xf32>,
    tpu.vector_store %arg7[%swap3A_1668, %swap3A_1669], %add3A_1666 {strides = array<i32>} : memref<24x256xf32, #tpu.memory_space<vmem>>, vector<16xf32>,
    %slice3A_1671 = vector.extract_strided_slice %gather3A_1598 {offsets = [9], sizes = [1], strides = [1]} : vector<16xf32> to vector<1xf32>
    %squeeze3A_1672 = vector.extract %slice3A_1671[0] : f32 from vector<1xf32>
    %add3A_1673 = vector.broadcast %squeeze3A_1672 : f32 to vector<16xf32>
    %add3A_1674 = arith.addf %gather3A_1597, %add3A_1673 : vector<16xf32>
    %swap3A_1675 = arith.constant 12 : i32
    %swap3A_1676 = arith.index_cast %swap3A_1675 : i32 to index
    %swap3A_1677 = arith.constant 144 : index
    %swap3A_1678 = tpu.vector_load %arg7[%swap3A_1676, %swap3A_1677] {strides = array<i32>} : memref<24x256xf32, #tpu.memory_space<vmem>>, vector<16xf32>,
    tpu.vector_store %arg7[%swap3A_1676, %swap3A_1677], %add3A_1674 {strides = array<i32>} : memref<24x256xf32, #tpu.memory_space<vmem>>, vector<16xf32>,
    %slice3A_1679 = vector.extract_strided_slice %gather3A_1598 {offsets = [10], sizes = [1], strides = [1]} : vector<16xf32> to vector<1xf32>
    %squeeze3A_1680 = vector.extract %slice3A_1679[0] : f32 from vector<1xf32>
    %add3A_1681 = vector.broadcast %squeeze3A_1680 : f32 to vector<16xf32>
    %add3A_1682 = arith.addf %gather3A_1597, %add3A_1681 : vector<16xf32>
    %swap3A_1683 = arith.constant 12 : i32
    %swap3A_1684 = arith.index_cast %swap3A_1683 : i32 to index
    %swap3A_1685 = arith.constant 160 : index
    %swap3A_1686 = tpu.vector_load %arg7[%swap3A_1684, %swap3A_1685] {strides = array<i32>} : memref<24x256xf32, #tpu.memory_space<vmem>>, vector<16xf32>,
    tpu.vector_store %arg7[%swap3A_1684, %swap3A_1685], %add3A_1682 {strides = array<i32>} : memref<24x256xf32, #tpu.memory_space<vmem>>, vector<16xf32>,
    %slice3A_1687 = vector.extract_strided_slice %gather3A_1598 {offsets = [11], sizes = [1], strides = [1]} : vector<16xf32> to vector<1xf32>
    %squeeze3A_1688 = vector.extract %slice3A_1687[0] : f32 from vector<1xf32>
    %add3A_1689 = vector.broadcast %squeeze3A_1688 : f32 to vector<16xf32>
    %add3A_1690 = arith.addf %gather3A_1597, %add3A_1689 : vector<16xf32>
    %swap3A_1691 = arith.constant 12 : i32
    %swap3A_1692 = arith.index_cast %swap3A_1691 : i32 to index
    %swap3A_1693 = arith.constant 176 : index
    %swap3A_1694 = tpu.vector_load %arg7[%swap3A_1692, %swap3A_1693] {strides = array<i32>} : memref<24x256xf32, #tpu.memory_space<vmem>>, vector<16xf32>,
    tpu.vector_store %arg7[%swap3A_1692, %swap3A_1693], %add3A_1690 {strides = array<i32>} : memref<24x256xf32, #tpu.memory_space<vmem>>, vector<16xf32>,
    %slice3A_1695 = vector.extract_strided_slice %gather3A_1598 {offsets = [12], sizes = [1], strides = [1]} : vector<16xf32> to vector<1xf32>
    %squeeze3A_1696 = vector.extract %slice3A_1695[0] : f32 from vector<1xf32>
    %add3A_1697 = vector.broadcast %squeeze3A_1696 : f32 to vector<16xf32>
    %add3A_1698 = arith.addf %gather3A_1597, %add3A_1697 : vector<16xf32>
    %swap3A_1699 = arith.constant 12 : i32
    %swap3A_1700 = arith.index_cast %swap3A_1699 : i32 to index
    %swap3A_1701 = arith.constant 192 : index
    %swap3A_1702 = tpu.vector_load %arg7[%swap3A_1700, %swap3A_1701] {strides = array<i32>} : memref<24x256xf32, #tpu.memory_space<vmem>>, vector<16xf32>,
    tpu.vector_store %arg7[%swap3A_1700, %swap3A_1701], %add3A_1698 {strides = array<i32>} : memref<24x256xf32, #tpu.memory_space<vmem>>, vector<16xf32>,
    %slice3A_1703 = vector.extract_strided_slice %gather3A_1598 {offsets = [13], sizes = [1], strides = [1]} : vector<16xf32> to vector<1xf32>
    %squeeze3A_1704 = vector.extract %slice3A_1703[0] : f32 from vector<1xf32>
    %add3A_1705 = vector.broadcast %squeeze3A_1704 : f32 to vector<16xf32>
    %add3A_1706 = arith.addf %gather3A_1597, %add3A_1705 : vector<16xf32>
    %swap3A_1707 = arith.constant 12 : i32
    %swap3A_1708 = arith.index_cast %swap3A_1707 : i32 to index
    %swap3A_1709 = arith.constant 208 : index
    %swap3A_1710 = tpu.vector_load %arg7[%swap3A_1708, %swap3A_1709] {strides = array<i32>} : memref<24x256xf32, #tpu.memory_space<vmem>>, vector<16xf32>,
    tpu.vector_store %arg7[%swap3A_1708, %swap3A_1709], %add3A_1706 {strides = array<i32>} : memref<24x256xf32, #tpu.memory_space<vmem>>, vector<16xf32>,
    %slice3A_1711 = vector.extract_strided_slice %gather3A_1598 {offsets = [14], sizes = [1], strides = [1]} : vector<16xf32> to vector<1xf32>
    %squeeze3A_1712 = vector.extract %slice3A_1711[0] : f32 from vector<1xf32>
    %add3A_1713 = vector.broadcast %squeeze3A_1712 : f32 to vector<16xf32>
    %add3A_1714 = arith.addf %gather3A_1597, %add3A_1713 : vector<16xf32>
    %swap3A_1715 = arith.constant 12 : i32
    %swap3A_1716 = arith.index_cast %swap3A_1715 : i32 to index
    %swap3A_1717 = arith.constant 224 : index
    %swap3A_1718 = tpu.vector_load %arg7[%swap3A_1716, %swap3A_1717] {strides = array<i32>} : memref<24x256xf32, #tpu.memory_space<vmem>>, vector<16xf32>,
    tpu.vector_store %arg7[%swap3A_1716, %swap3A_1717], %add3A_1714 {strides = array<i32>} : memref<24x256xf32, #tpu.memory_space<vmem>>, vector<16xf32>,
    %slice3A_1719 = vector.extract_strided_slice %gather3A_1598 {offsets = [15], sizes = [1], strides = [1]} : vector<16xf32> to vector<1xf32>
    %squeeze3A_1720 = vector.extract %slice3A_1719[0] : f32 from vector<1xf32>
    %add3A_1721 = vector.broadcast %squeeze3A_1720 : f32 to vector<16xf32>
    %add3A_1722 = arith.addf %gather3A_1597, %add3A_1721 : vector<16xf32>
    %swap3A_1723 = arith.constant 12 : i32
    %swap3A_1724 = arith.index_cast %swap3A_1723 : i32 to index
    %swap3A_1725 = arith.constant 240 : index
    %swap3A_1726 = tpu.vector_load %arg7[%swap3A_1724, %swap3A_1725] {strides = array<i32>} : memref<24x256xf32, #tpu.memory_space<vmem>>, vector<16xf32>,
    tpu.vector_store %arg7[%swap3A_1724, %swap3A_1725], %add3A_1722 {strides = array<i32>} : memref<24x256xf32, #tpu.memory_space<vmem>>, vector<16xf32>,
    %add3A_1727 = arith.constant 13 : i32
    %add3A_1728 = arith.addi %mul3A_2, %add3A_1727 : i32
    %broadcast_in_dim3A_1729 = vector.broadcast %add3A_1728 : i32 to vector<16xi32>
    %gather3A_1730 = tpu.vector_load_idx %arg6[%iota3A, %broadcast_in_dim3A_1729] : memref<16x768xf32, #tpu.memory_space<vmem>>[vector<16xi32>, vector<16xi32>], vector<16xf32>,
    %gather3A_1731 = tpu.vector_load_idx %arg5[%iota3A, %broadcast_in_dim3A_1729] : memref<16x768xf32, #tpu.memory_space<vmem>>[vector<16xi32>, vector<16xi32>], vector<16xf32>,
    %slice3A_1732 = vector.extract_strided_slice %gather3A_1731 {offsets = [0], sizes = [1], strides = [1]} : vector<16xf32> to vector<1xf32>
    %squeeze3A_1733 = vector.extract %slice3A_1732[0] : f32 from vector<1xf32>
    %add3A_1734 = vector.broadcast %squeeze3A_1733 : f32 to vector<16xf32>
    %add3A_1735 = arith.addf %gather3A_1730, %add3A_1734 : vector<16xf32>
    %swap3A_1736 = arith.constant 13 : i32
    %swap3A_1737 = arith.index_cast %swap3A_1736 : i32 to index
    %swap3A_1738 = arith.constant 0 : index
    %swap3A_1739 = tpu.vector_load %arg7[%swap3A_1737, %swap3A_1738] {strides = array<i32>} : memref<24x256xf32, #tpu.memory_space<vmem>>, vector<16xf32>,
    tpu.vector_store %arg7[%swap3A_1737, %swap3A_1738], %add3A_1735 {strides = array<i32>} : memref<24x256xf32, #tpu.memory_space<vmem>>, vector<16xf32>,
    %slice3A_1740 = vector.extract_strided_slice %gather3A_1731 {offsets = [1], sizes = [1], strides = [1]} : vector<16xf32> to vector<1xf32>
    %squeeze3A_1741 = vector.extract %slice3A_1740[0] : f32 from vector<1xf32>
    %add3A_1742 = vector.broadcast %squeeze3A_1741 : f32 to vector<16xf32>
    %add3A_1743 = arith.addf %gather3A_1730, %add3A_1742 : vector<16xf32>
    %swap3A_1744 = arith.constant 13 : i32
    %swap3A_1745 = arith.index_cast %swap3A_1744 : i32 to index
    %swap3A_1746 = arith.constant 16 : index
    %swap3A_1747 = tpu.vector_load %arg7[%swap3A_1745, %swap3A_1746] {strides = array<i32>} : memref<24x256xf32, #tpu.memory_space<vmem>>, vector<16xf32>,
    tpu.vector_store %arg7[%swap3A_1745, %swap3A_1746], %add3A_1743 {strides = array<i32>} : memref<24x256xf32, #tpu.memory_space<vmem>>, vector<16xf32>,
    %slice3A_1748 = vector.extract_strided_slice %gather3A_1731 {offsets = [2], sizes = [1], strides = [1]} : vector<16xf32> to vector<1xf32>
    %squeeze3A_1749 = vector.extract %slice3A_1748[0] : f32 from vector<1xf32>
    %add3A_1750 = vector.broadcast %squeeze3A_1749 : f32 to vector<16xf32>
    %add3A_1751 = arith.addf %gather3A_1730, %add3A_1750 : vector<16xf32>
    %swap3A_1752 = arith.constant 13 : i32
    %swap3A_1753 = arith.index_cast %swap3A_1752 : i32 to index
    %swap3A_1754 = arith.constant 32 : index
    %swap3A_1755 = tpu.vector_load %arg7[%swap3A_1753, %swap3A_1754] {strides = array<i32>} : memref<24x256xf32, #tpu.memory_space<vmem>>, vector<16xf32>,
    tpu.vector_store %arg7[%swap3A_1753, %swap3A_1754], %add3A_1751 {strides = array<i32>} : memref<24x256xf32, #tpu.memory_space<vmem>>, vector<16xf32>,
    %slice3A_1756 = vector.extract_strided_slice %gather3A_1731 {offsets = [3], sizes = [1], strides = [1]} : vector<16xf32> to vector<1xf32>
    %squeeze3A_1757 = vector.extract %slice3A_1756[0] : f32 from vector<1xf32>
    %add3A_1758 = vector.broadcast %squeeze3A_1757 : f32 to vector<16xf32>
    %add3A_1759 = arith.addf %gather3A_1730, %add3A_1758 : vector<16xf32>
    %swap3A_1760 = arith.constant 13 : i32
    %swap3A_1761 = arith.index_cast %swap3A_1760 : i32 to index
    %swap3A_1762 = arith.constant 48 : index
    %swap3A_1763 = tpu.vector_load %arg7[%swap3A_1761, %swap3A_1762] {strides = array<i32>} : memref<24x256xf32, #tpu.memory_space<vmem>>, vector<16xf32>,
    tpu.vector_store %arg7[%swap3A_1761, %swap3A_1762], %add3A_1759 {strides = array<i32>} : memref<24x256xf32, #tpu.memory_space<vmem>>, vector<16xf32>,
    %slice3A_1764 = vector.extract_strided_slice %gather3A_1731 {offsets = [4], sizes = [1], strides = [1]} : vector<16xf32> to vector<1xf32>
    %squeeze3A_1765 = vector.extract %slice3A_1764[0] : f32 from vector<1xf32>
    %add3A_1766 = vector.broadcast %squeeze3A_1765 : f32 to vector<16xf32>
    %add3A_1767 = arith.addf %gather3A_1730, %add3A_1766 : vector<16xf32>
    %swap3A_1768 = arith.constant 13 : i32
    %swap3A_1769 = arith.index_cast %swap3A_1768 : i32 to index
    %swap3A_1770 = arith.constant 64 : index
    %swap3A_1771 = tpu.vector_load %arg7[%swap3A_1769, %swap3A_1770] {strides = array<i32>} : memref<24x256xf32, #tpu.memory_space<vmem>>, vector<16xf32>,
    tpu.vector_store %arg7[%swap3A_1769, %swap3A_1770], %add3A_1767 {strides = array<i32>} : memref<24x256xf32, #tpu.memory_space<vmem>>, vector<16xf32>,
    %slice3A_1772 = vector.extract_strided_slice %gather3A_1731 {offsets = [5], sizes = [1], strides = [1]} : vector<16xf32> to vector<1xf32>
    %squeeze3A_1773 = vector.extract %slice3A_1772[0] : f32 from vector<1xf32>
    %add3A_1774 = vector.broadcast %squeeze3A_1773 : f32 to vector<16xf32>
    %add3A_1775 = arith.addf %gather3A_1730, %add3A_1774 : vector<16xf32>
    %swap3A_1776 = arith.constant 13 : i32
    %swap3A_1777 = arith.index_cast %swap3A_1776 : i32 to index
    %swap3A_1778 = arith.constant 80 : index
    %swap3A_1779 = tpu.vector_load %arg7[%swap3A_1777, %swap3A_1778] {strides = array<i32>} : memref<24x256xf32, #tpu.memory_space<vmem>>, vector<16xf32>,
    tpu.vector_store %arg7[%swap3A_1777, %swap3A_1778], %add3A_1775 {strides = array<i32>} : memref<24x256xf32, #tpu.memory_space<vmem>>, vector<16xf32>,
    %slice3A_1780 = vector.extract_strided_slice %gather3A_1731 {offsets = [6], sizes = [1], strides = [1]} : vector<16xf32> to vector<1xf32>
    %squeeze3A_1781 = vector.extract %slice3A_1780[0] : f32 from vector<1xf32>
    %add3A_1782 = vector.broadcast %squeeze3A_1781 : f32 to vector<16xf32>
    %add3A_1783 = arith.addf %gather3A_1730, %add3A_1782 : vector<16xf32>
    %swap3A_1784 = arith.constant 13 : i32
    %swap3A_1785 = arith.index_cast %swap3A_1784 : i32 to index
    %swap3A_1786 = arith.constant 96 : index
    %swap3A_1787 = tpu.vector_load %arg7[%swap3A_1785, %swap3A_1786] {strides = array<i32>} : memref<24x256xf32, #tpu.memory_space<vmem>>, vector<16xf32>,
    tpu.vector_store %arg7[%swap3A_1785, %swap3A_1786], %add3A_1783 {strides = array<i32>} : memref<24x256xf32, #tpu.memory_space<vmem>>, vector<16xf32>,
    %slice3A_1788 = vector.extract_strided_slice %gather3A_1731 {offsets = [7], sizes = [1], strides = [1]} : vector<16xf32> to vector<1xf32>
    %squeeze3A_1789 = vector.extract %slice3A_1788[0] : f32 from vector<1xf32>
    %add3A_1790 = vector.broadcast %squeeze3A_1789 : f32 to vector<16xf32>
    %add3A_1791 = arith.addf %gather3A_1730, %add3A_1790 : vector<16xf32>
    %swap3A_1792 = arith.constant 13 : i32
    %swap3A_1793 = arith.index_cast %swap3A_1792 : i32 to index
    %swap3A_1794 = arith.constant 112 : index
    %swap3A_1795 = tpu.vector_load %arg7[%swap3A_1793, %swap3A_1794] {strides = array<i32>} : memref<24x256xf32, #tpu.memory_space<vmem>>, vector<16xf32>,
    tpu.vector_store %arg7[%swap3A_1793, %swap3A_1794], %add3A_1791 {strides = array<i32>} : memref<24x256xf32, #tpu.memory_space<vmem>>, vector<16xf32>,
    %slice3A_1796 = vector.extract_strided_slice %gather3A_1731 {offsets = [8], sizes = [1], strides = [1]} : vector<16xf32> to vector<1xf32>
    %squeeze3A_1797 = vector.extract %slice3A_1796[0] : f32 from vector<1xf32>
    %add3A_1798 = vector.broadcast %squeeze3A_1797 : f32 to vector<16xf32>
    %add3A_1799 = arith.addf %gather3A_1730, %add3A_1798 : vector<16xf32>
    %swap3A_1800 = arith.constant 13 : i32
    %swap3A_1801 = arith.index_cast %swap3A_1800 : i32 to index
    %swap3A_1802 = arith.constant 128 : index
    %swap3A_1803 = tpu.vector_load %arg7[%swap3A_1801, %swap3A_1802] {strides = array<i32>} : memref<24x256xf32, #tpu.memory_space<vmem>>, vector<16xf32>,
    tpu.vector_store %arg7[%swap3A_1801, %swap3A_1802], %add3A_1799 {strides = array<i32>} : memref<24x256xf32, #tpu.memory_space<vmem>>, vector<16xf32>,
    %slice3A_1804 = vector.extract_strided_slice %gather3A_1731 {offsets = [9], sizes = [1], strides = [1]} : vector<16xf32> to vector<1xf32>
    %squeeze3A_1805 = vector.extract %slice3A_1804[0] : f32 from vector<1xf32>
    %add3A_1806 = vector.broadcast %squeeze3A_1805 : f32 to vector<16xf32>
    %add3A_1807 = arith.addf %gather3A_1730, %add3A_1806 : vector<16xf32>
    %swap3A_1808 = arith.constant 13 : i32
    %swap3A_1809 = arith.index_cast %swap3A_1808 : i32 to index
    %swap3A_1810 = arith.constant 144 : index
    %swap3A_1811 = tpu.vector_load %arg7[%swap3A_1809, %swap3A_1810] {strides = array<i32>} : memref<24x256xf32, #tpu.memory_space<vmem>>, vector<16xf32>,
    tpu.vector_store %arg7[%swap3A_1809, %swap3A_1810], %add3A_1807 {strides = array<i32>} : memref<24x256xf32, #tpu.memory_space<vmem>>, vector<16xf32>,
    %slice3A_1812 = vector.extract_strided_slice %gather3A_1731 {offsets = [10], sizes = [1], strides = [1]} : vector<16xf32> to vector<1xf32>
    %squeeze3A_1813 = vector.extract %slice3A_1812[0] : f32 from vector<1xf32>
    %add3A_1814 = vector.broadcast %squeeze3A_1813 : f32 to vector<16xf32>
    %add3A_1815 = arith.addf %gather3A_1730, %add3A_1814 : vector<16xf32>
    %swap3A_1816 = arith.constant 13 : i32
    %swap3A_1817 = arith.index_cast %swap3A_1816 : i32 to index
    %swap3A_1818 = arith.constant 160 : index
    %swap3A_1819 = tpu.vector_load %arg7[%swap3A_1817, %swap3A_1818] {strides = array<i32>} : memref<24x256xf32, #tpu.memory_space<vmem>>, vector<16xf32>,
    tpu.vector_store %arg7[%swap3A_1817, %swap3A_1818], %add3A_1815 {strides = array<i32>} : memref<24x256xf32, #tpu.memory_space<vmem>>, vector<16xf32>,
    %slice3A_1820 = vector.extract_strided_slice %gather3A_1731 {offsets = [11], sizes = [1], strides = [1]} : vector<16xf32> to vector<1xf32>
    %squeeze3A_1821 = vector.extract %slice3A_1820[0] : f32 from vector<1xf32>
    %add3A_1822 = vector.broadcast %squeeze3A_1821 : f32 to vector<16xf32>
    %add3A_1823 = arith.addf %gather3A_1730, %add3A_1822 : vector<16xf32>
    %swap3A_1824 = arith.constant 13 : i32
    %swap3A_1825 = arith.index_cast %swap3A_1824 : i32 to index
    %swap3A_1826 = arith.constant 176 : index
    %swap3A_1827 = tpu.vector_load %arg7[%swap3A_1825, %swap3A_1826] {strides = array<i32>} : memref<24x256xf32, #tpu.memory_space<vmem>>, vector<16xf32>,
    tpu.vector_store %arg7[%swap3A_1825, %swap3A_1826], %add3A_1823 {strides = array<i32>} : memref<24x256xf32, #tpu.memory_space<vmem>>, vector<16xf32>,
    %slice3A_1828 = vector.extract_strided_slice %gather3A_1731 {offsets = [12], sizes = [1], strides = [1]} : vector<16xf32> to vector<1xf32>
    %squeeze3A_1829 = vector.extract %slice3A_1828[0] : f32 from vector<1xf32>
    %add3A_1830 = vector.broadcast %squeeze3A_1829 : f32 to vector<16xf32>
    %add3A_1831 = arith.addf %gather3A_1730, %add3A_1830 : vector<16xf32>
    %swap3A_1832 = arith.constant 13 : i32
    %swap3A_1833 = arith.index_cast %swap3A_1832 : i32 to index
    %swap3A_1834 = arith.constant 192 : index
    %swap3A_1835 = tpu.vector_load %arg7[%swap3A_1833, %swap3A_1834] {strides = array<i32>} : memref<24x256xf32, #tpu.memory_space<vmem>>, vector<16xf32>,
    tpu.vector_store %arg7[%swap3A_1833, %swap3A_1834], %add3A_1831 {strides = array<i32>} : memref<24x256xf32, #tpu.memory_space<vmem>>, vector<16xf32>,
    %slice3A_1836 = vector.extract_strided_slice %gather3A_1731 {offsets = [13], sizes = [1], strides = [1]} : vector<16xf32> to vector<1xf32>
    %squeeze3A_1837 = vector.extract %slice3A_1836[0] : f32 from vector<1xf32>
    %add3A_1838 = vector.broadcast %squeeze3A_1837 : f32 to vector<16xf32>
    %add3A_1839 = arith.addf %gather3A_1730, %add3A_1838 : vector<16xf32>
    %swap3A_1840 = arith.constant 13 : i32
    %swap3A_1841 = arith.index_cast %swap3A_1840 : i32 to index
    %swap3A_1842 = arith.constant 208 : index
    %swap3A_1843 = tpu.vector_load %arg7[%swap3A_1841, %swap3A_1842] {strides = array<i32>} : memref<24x256xf32, #tpu.memory_space<vmem>>, vector<16xf32>,
    tpu.vector_store %arg7[%swap3A_1841, %swap3A_1842], %add3A_1839 {strides = array<i32>} : memref<24x256xf32, #tpu.memory_space<vmem>>, vector<16xf32>,
    %slice3A_1844 = vector.extract_strided_slice %gather3A_1731 {offsets = [14], sizes = [1], strides = [1]} : vector<16xf32> to vector<1xf32>
    %squeeze3A_1845 = vector.extract %slice3A_1844[0] : f32 from vector<1xf32>
    %add3A_1846 = vector.broadcast %squeeze3A_1845 : f32 to vector<16xf32>
    %add3A_1847 = arith.addf %gather3A_1730, %add3A_1846 : vector<16xf32>
    %swap3A_1848 = arith.constant 13 : i32
    %swap3A_1849 = arith.index_cast %swap3A_1848 : i32 to index
    %swap3A_1850 = arith.constant 224 : index
    %swap3A_1851 = tpu.vector_load %arg7[%swap3A_1849, %swap3A_1850] {strides = array<i32>} : memref<24x256xf32, #tpu.memory_space<vmem>>, vector<16xf32>,
    tpu.vector_store %arg7[%swap3A_1849, %swap3A_1850], %add3A_1847 {strides = array<i32>} : memref<24x256xf32, #tpu.memory_space<vmem>>, vector<16xf32>,
    %slice3A_1852 = vector.extract_strided_slice %gather3A_1731 {offsets = [15], sizes = [1], strides = [1]} : vector<16xf32> to vector<1xf32>
    %squeeze3A_1853 = vector.extract %slice3A_1852[0] : f32 from vector<1xf32>
    %add3A_1854 = vector.broadcast %squeeze3A_1853 : f32 to vector<16xf32>
    %add3A_1855 = arith.addf %gather3A_1730, %add3A_1854 : vector<16xf32>
    %swap3A_1856 = arith.constant 13 : i32
    %swap3A_1857 = arith.index_cast %swap3A_1856 : i32 to index
    %swap3A_1858 = arith.constant 240 : index
    %swap3A_1859 = tpu.vector_load %arg7[%swap3A_1857, %swap3A_1858] {strides = array<i32>} : memref<24x256xf32, #tpu.memory_space<vmem>>, vector<16xf32>,
    tpu.vector_store %arg7[%swap3A_1857, %swap3A_1858], %add3A_1855 {strides = array<i32>} : memref<24x256xf32, #tpu.memory_space<vmem>>, vector<16xf32>,
    %add3A_1860 = arith.constant 14 : i32
    %add3A_1861 = arith.addi %mul3A_2, %add3A_1860 : i32
    %broadcast_in_dim3A_1862 = vector.broadcast %add3A_1861 : i32 to vector<16xi32>
    %gather3A_1863 = tpu.vector_load_idx %arg6[%iota3A, %broadcast_in_dim3A_1862] : memref<16x768xf32, #tpu.memory_space<vmem>>[vector<16xi32>, vector<16xi32>], vector<16xf32>,
    %gather3A_1864 = tpu.vector_load_idx %arg5[%iota3A, %broadcast_in_dim3A_1862] : memref<16x768xf32, #tpu.memory_space<vmem>>[vector<16xi32>, vector<16xi32>], vector<16xf32>,
    %slice3A_1865 = vector.extract_strided_slice %gather3A_1864 {offsets = [0], sizes = [1], strides = [1]} : vector<16xf32> to vector<1xf32>
    %squeeze3A_1866 = vector.extract %slice3A_1865[0] : f32 from vector<1xf32>
    %add3A_1867 = vector.broadcast %squeeze3A_1866 : f32 to vector<16xf32>
    %add3A_1868 = arith.addf %gather3A_1863, %add3A_1867 : vector<16xf32>
    %swap3A_1869 = arith.constant 14 : i32
    %swap3A_1870 = arith.index_cast %swap3A_1869 : i32 to index
    %swap3A_1871 = arith.constant 0 : index
    %swap3A_1872 = tpu.vector_load %arg7[%swap3A_1870, %swap3A_1871] {strides = array<i32>} : memref<24x256xf32, #tpu.memory_space<vmem>>, vector<16xf32>,
    tpu.vector_store %arg7[%swap3A_1870, %swap3A_1871], %add3A_1868 {strides = array<i32>} : memref<24x256xf32, #tpu.memory_space<vmem>>, vector<16xf32>,
    %slice3A_1873 = vector.extract_strided_slice %gather3A_1864 {offsets = [1], sizes = [1], strides = [1]} : vector<16xf32> to vector<1xf32>
    %squeeze3A_1874 = vector.extract %slice3A_1873[0] : f32 from vector<1xf32>
    %add3A_1875 = vector.broadcast %squeeze3A_1874 : f32 to vector<16xf32>
    %add3A_1876 = arith.addf %gather3A_1863, %add3A_1875 : vector<16xf32>
    %swap3A_1877 = arith.constant 14 : i32
    %swap3A_1878 = arith.index_cast %swap3A_1877 : i32 to index
    %swap3A_1879 = arith.constant 16 : index
    %swap3A_1880 = tpu.vector_load %arg7[%swap3A_1878, %swap3A_1879] {strides = array<i32>} : memref<24x256xf32, #tpu.memory_space<vmem>>, vector<16xf32>,
    tpu.vector_store %arg7[%swap3A_1878, %swap3A_1879], %add3A_1876 {strides = array<i32>} : memref<24x256xf32, #tpu.memory_space<vmem>>, vector<16xf32>,
    %slice3A_1881 = vector.extract_strided_slice %gather3A_1864 {offsets = [2], sizes = [1], strides = [1]} : vector<16xf32> to vector<1xf32>
    %squeeze3A_1882 = vector.extract %slice3A_1881[0] : f32 from vector<1xf32>
    %add3A_1883 = vector.broadcast %squeeze3A_1882 : f32 to vector<16xf32>
    %add3A_1884 = arith.addf %gather3A_1863, %add3A_1883 : vector<16xf32>
    %swap3A_1885 = arith.constant 14 : i32
    %swap3A_1886 = arith.index_cast %swap3A_1885 : i32 to index
    %swap3A_1887 = arith.constant 32 : index
    %swap3A_1888 = tpu.vector_load %arg7[%swap3A_1886, %swap3A_1887] {strides = array<i32>} : memref<24x256xf32, #tpu.memory_space<vmem>>, vector<16xf32>,
    tpu.vector_store %arg7[%swap3A_1886, %swap3A_1887], %add3A_1884 {strides = array<i32>} : memref<24x256xf32, #tpu.memory_space<vmem>>, vector<16xf32>,
    %slice3A_1889 = vector.extract_strided_slice %gather3A_1864 {offsets = [3], sizes = [1], strides = [1]} : vector<16xf32> to vector<1xf32>
    %squeeze3A_1890 = vector.extract %slice3A_1889[0] : f32 from vector<1xf32>
    %add3A_1891 = vector.broadcast %squeeze3A_1890 : f32 to vector<16xf32>
    %add3A_1892 = arith.addf %gather3A_1863, %add3A_1891 : vector<16xf32>
    %swap3A_1893 = arith.constant 14 : i32
    %swap3A_1894 = arith.index_cast %swap3A_1893 : i32 to index
    %swap3A_1895 = arith.constant 48 : index
    %swap3A_1896 = tpu.vector_load %arg7[%swap3A_1894, %swap3A_1895] {strides = array<i32>} : memref<24x256xf32, #tpu.memory_space<vmem>>, vector<16xf32>,
    tpu.vector_store %arg7[%swap3A_1894, %swap3A_1895], %add3A_1892 {strides = array<i32>} : memref<24x256xf32, #tpu.memory_space<vmem>>, vector<16xf32>,
    %slice3A_1897 = vector.extract_strided_slice %gather3A_1864 {offsets = [4], sizes = [1], strides = [1]} : vector<16xf32> to vector<1xf32>
    %squeeze3A_1898 = vector.extract %slice3A_1897[0] : f32 from vector<1xf32>
    %add3A_1899 = vector.broadcast %squeeze3A_1898 : f32 to vector<16xf32>
    %add3A_1900 = arith.addf %gather3A_1863, %add3A_1899 : vector<16xf32>
    %swap3A_1901 = arith.constant 14 : i32
    %swap3A_1902 = arith.index_cast %swap3A_1901 : i32 to index
    %swap3A_1903 = arith.constant 64 : index
    %swap3A_1904 = tpu.vector_load %arg7[%swap3A_1902, %swap3A_1903] {strides = array<i32>} : memref<24x256xf32, #tpu.memory_space<vmem>>, vector<16xf32>,
    tpu.vector_store %arg7[%swap3A_1902, %swap3A_1903], %add3A_1900 {strides = array<i32>} : memref<24x256xf32, #tpu.memory_space<vmem>>, vector<16xf32>,
    %slice3A_1905 = vector.extract_strided_slice %gather3A_1864 {offsets = [5], sizes = [1], strides = [1]} : vector<16xf32> to vector<1xf32>
    %squeeze3A_1906 = vector.extract %slice3A_1905[0] : f32 from vector<1xf32>
    %add3A_1907 = vector.broadcast %squeeze3A_1906 : f32 to vector<16xf32>
    %add3A_1908 = arith.addf %gather3A_1863, %add3A_1907 : vector<16xf32>
    %swap3A_1909 = arith.constant 14 : i32
    %swap3A_1910 = arith.index_cast %swap3A_1909 : i32 to index
    %swap3A_1911 = arith.constant 80 : index
    %swap3A_1912 = tpu.vector_load %arg7[%swap3A_1910, %swap3A_1911] {strides = array<i32>} : memref<24x256xf32, #tpu.memory_space<vmem>>, vector<16xf32>,
    tpu.vector_store %arg7[%swap3A_1910, %swap3A_1911], %add3A_1908 {strides = array<i32>} : memref<24x256xf32, #tpu.memory_space<vmem>>, vector<16xf32>,
    %slice3A_1913 = vector.extract_strided_slice %gather3A_1864 {offsets = [6], sizes = [1], strides = [1]} : vector<16xf32> to vector<1xf32>
    %squeeze3A_1914 = vector.extract %slice3A_1913[0] : f32 from vector<1xf32>
    %add3A_1915 = vector.broadcast %squeeze3A_1914 : f32 to vector<16xf32>
    %add3A_1916 = arith.addf %gather3A_1863, %add3A_1915 : vector<16xf32>
    %swap3A_1917 = arith.constant 14 : i32
    %swap3A_1918 = arith.index_cast %swap3A_1917 : i32 to index
    %swap3A_1919 = arith.constant 96 : index
    %swap3A_1920 = tpu.vector_load %arg7[%swap3A_1918, %swap3A_1919] {strides = array<i32>} : memref<24x256xf32, #tpu.memory_space<vmem>>, vector<16xf32>,
    tpu.vector_store %arg7[%swap3A_1918, %swap3A_1919], %add3A_1916 {strides = array<i32>} : memref<24x256xf32, #tpu.memory_space<vmem>>, vector<16xf32>,
    %slice3A_1921 = vector.extract_strided_slice %gather3A_1864 {offsets = [7], sizes = [1], strides = [1]} : vector<16xf32> to vector<1xf32>
    %squeeze3A_1922 = vector.extract %slice3A_1921[0] : f32 from vector<1xf32>
    %add3A_1923 = vector.broadcast %squeeze3A_1922 : f32 to vector<16xf32>
    %add3A_1924 = arith.addf %gather3A_1863, %add3A_1923 : vector<16xf32>
    %swap3A_1925 = arith.constant 14 : i32
    %swap3A_1926 = arith.index_cast %swap3A_1925 : i32 to index
    %swap3A_1927 = arith.constant 112 : index
    %swap3A_1928 = tpu.vector_load %arg7[%swap3A_1926, %swap3A_1927] {strides = array<i32>} : memref<24x256xf32, #tpu.memory_space<vmem>>, vector<16xf32>,
    tpu.vector_store %arg7[%swap3A_1926, %swap3A_1927], %add3A_1924 {strides = array<i32>} : memref<24x256xf32, #tpu.memory_space<vmem>>, vector<16xf32>,
    %slice3A_1929 = vector.extract_strided_slice %gather3A_1864 {offsets = [8], sizes = [1], strides = [1]} : vector<16xf32> to vector<1xf32>
    %squeeze3A_1930 = vector.extract %slice3A_1929[0] : f32 from vector<1xf32>
    %add3A_1931 = vector.broadcast %squeeze3A_1930 : f32 to vector<16xf32>
    %add3A_1932 = arith.addf %gather3A_1863, %add3A_1931 : vector<16xf32>
    %swap3A_1933 = arith.constant 14 : i32
    %swap3A_1934 = arith.index_cast %swap3A_1933 : i32 to index
    %swap3A_1935 = arith.constant 128 : index
    %swap3A_1936 = tpu.vector_load %arg7[%swap3A_1934, %swap3A_1935] {strides = array<i32>} : memref<24x256xf32, #tpu.memory_space<vmem>>, vector<16xf32>,
    tpu.vector_store %arg7[%swap3A_1934, %swap3A_1935], %add3A_1932 {strides = array<i32>} : memref<24x256xf32, #tpu.memory_space<vmem>>, vector<16xf32>,
    %slice3A_1937 = vector.extract_strided_slice %gather3A_1864 {offsets = [9], sizes = [1], strides = [1]} : vector<16xf32> to vector<1xf32>
    %squeeze3A_1938 = vector.extract %slice3A_1937[0] : f32 from vector<1xf32>
    %add3A_1939 = vector.broadcast %squeeze3A_1938 : f32 to vector<16xf32>
    %add3A_1940 = arith.addf %gather3A_1863, %add3A_1939 : vector<16xf32>
    %swap3A_1941 = arith.constant 14 : i32
    %swap3A_1942 = arith.index_cast %swap3A_1941 : i32 to index
    %swap3A_1943 = arith.constant 144 : index
    %swap3A_1944 = tpu.vector_load %arg7[%swap3A_1942, %swap3A_1943] {strides = array<i32>} : memref<24x256xf32, #tpu.memory_space<vmem>>, vector<16xf32>,
    tpu.vector_store %arg7[%swap3A_1942, %swap3A_1943], %add3A_1940 {strides = array<i32>} : memref<24x256xf32, #tpu.memory_space<vmem>>, vector<16xf32>,
    %slice3A_1945 = vector.extract_strided_slice %gather3A_1864 {offsets = [10], sizes = [1], strides = [1]} : vector<16xf32> to vector<1xf32>
    %squeeze3A_1946 = vector.extract %slice3A_1945[0] : f32 from vector<1xf32>
    %add3A_1947 = vector.broadcast %squeeze3A_1946 : f32 to vector<16xf32>
    %add3A_1948 = arith.addf %gather3A_1863, %add3A_1947 : vector<16xf32>
    %swap3A_1949 = arith.constant 14 : i32
    %swap3A_1950 = arith.index_cast %swap3A_1949 : i32 to index
    %swap3A_1951 = arith.constant 160 : index
    %swap3A_1952 = tpu.vector_load %arg7[%swap3A_1950, %swap3A_1951] {strides = array<i32>} : memref<24x256xf32, #tpu.memory_space<vmem>>, vector<16xf32>,
    tpu.vector_store %arg7[%swap3A_1950, %swap3A_1951], %add3A_1948 {strides = array<i32>} : memref<24x256xf32, #tpu.memory_space<vmem>>, vector<16xf32>,
    %slice3A_1953 = vector.extract_strided_slice %gather3A_1864 {offsets = [11], sizes = [1], strides = [1]} : vector<16xf32> to vector<1xf32>
    %squeeze3A_1954 = vector.extract %slice3A_1953[0] : f32 from vector<1xf32>
    %add3A_1955 = vector.broadcast %squeeze3A_1954 : f32 to vector<16xf32>
    %add3A_1956 = arith.addf %gather3A_1863, %add3A_1955 : vector<16xf32>
    %swap3A_1957 = arith.constant 14 : i32
    %swap3A_1958 = arith.index_cast %swap3A_1957 : i32 to index
    %swap3A_1959 = arith.constant 176 : index
    %swap3A_1960 = tpu.vector_load %arg7[%swap3A_1958, %swap3A_1959] {strides = array<i32>} : memref<24x256xf32, #tpu.memory_space<vmem>>, vector<16xf32>,
    tpu.vector_store %arg7[%swap3A_1958, %swap3A_1959], %add3A_1956 {strides = array<i32>} : memref<24x256xf32, #tpu.memory_space<vmem>>, vector<16xf32>,
    %slice3A_1961 = vector.extract_strided_slice %gather3A_1864 {offsets = [12], sizes = [1], strides = [1]} : vector<16xf32> to vector<1xf32>
    %squeeze3A_1962 = vector.extract %slice3A_1961[0] : f32 from vector<1xf32>
    %add3A_1963 = vector.broadcast %squeeze3A_1962 : f32 to vector<16xf32>
    %add3A_1964 = arith.addf %gather3A_1863, %add3A_1963 : vector<16xf32>
    %swap3A_1965 = arith.constant 14 : i32
    %swap3A_1966 = arith.index_cast %swap3A_1965 : i32 to index
    %swap3A_1967 = arith.constant 192 : index
    %swap3A_1968 = tpu.vector_load %arg7[%swap3A_1966, %swap3A_1967] {strides = array<i32>} : memref<24x256xf32, #tpu.memory_space<vmem>>, vector<16xf32>,
    tpu.vector_store %arg7[%swap3A_1966, %swap3A_1967], %add3A_1964 {strides = array<i32>} : memref<24x256xf32, #tpu.memory_space<vmem>>, vector<16xf32>,
    %slice3A_1969 = vector.extract_strided_slice %gather3A_1864 {offsets = [13], sizes = [1], strides = [1]} : vector<16xf32> to vector<1xf32>
    %squeeze3A_1970 = vector.extract %slice3A_1969[0] : f32 from vector<1xf32>
    %add3A_1971 = vector.broadcast %squeeze3A_1970 : f32 to vector<16xf32>
    %add3A_1972 = arith.addf %gather3A_1863, %add3A_1971 : vector<16xf32>
    %swap3A_1973 = arith.constant 14 : i32
    %swap3A_1974 = arith.index_cast %swap3A_1973 : i32 to index
    %swap3A_1975 = arith.constant 208 : index
    %swap3A_1976 = tpu.vector_load %arg7[%swap3A_1974, %swap3A_1975] {strides = array<i32>} : memref<24x256xf32, #tpu.memory_space<vmem>>, vector<16xf32>,
    tpu.vector_store %arg7[%swap3A_1974, %swap3A_1975], %add3A_1972 {strides = array<i32>} : memref<24x256xf32, #tpu.memory_space<vmem>>, vector<16xf32>,
    %slice3A_1977 = vector.extract_strided_slice %gather3A_1864 {offsets = [14], sizes = [1], strides = [1]} : vector<16xf32> to vector<1xf32>
    %squeeze3A_1978 = vector.extract %slice3A_1977[0] : f32 from vector<1xf32>
    %add3A_1979 = vector.broadcast %squeeze3A_1978 : f32 to vector<16xf32>
    %add3A_1980 = arith.addf %gather3A_1863, %add3A_1979 : vector<16xf32>
    %swap3A_1981 = arith.constant 14 : i32
    %swap3A_1982 = arith.index_cast %swap3A_1981 : i32 to index
    %swap3A_1983 = arith.constant 224 : index
    %swap3A_1984 = tpu.vector_load %arg7[%swap3A_1982, %swap3A_1983] {strides = array<i32>} : memref<24x256xf32, #tpu.memory_space<vmem>>, vector<16xf32>,
    tpu.vector_store %arg7[%swap3A_1982, %swap3A_1983], %add3A_1980 {strides = array<i32>} : memref<24x256xf32, #tpu.memory_space<vmem>>, vector<16xf32>,
    %slice3A_1985 = vector.extract_strided_slice %gather3A_1864 {offsets = [15], sizes = [1], strides = [1]} : vector<16xf32> to vector<1xf32>
    %squeeze3A_1986 = vector.extract %slice3A_1985[0] : f32 from vector<1xf32>
    %add3A_1987 = vector.broadcast %squeeze3A_1986 : f32 to vector<16xf32>
    %add3A_1988 = arith.addf %gather3A_1863, %add3A_1987 : vector<16xf32>
    %swap3A_1989 = arith.constant 14 : i32
    %swap3A_1990 = arith.index_cast %swap3A_1989 : i32 to index
    %swap3A_1991 = arith.constant 240 : index
    %swap3A_1992 = tpu.vector_load %arg7[%swap3A_1990, %swap3A_1991] {strides = array<i32>} : memref<24x256xf32, #tpu.memory_space<vmem>>, vector<16xf32>,
    tpu.vector_store %arg7[%swap3A_1990, %swap3A_1991], %add3A_1988 {strides = array<i32>} : memref<24x256xf32, #tpu.memory_space<vmem>>, vector<16xf32>,
    %add3A_1993 = arith.constant 15 : i32
    %add3A_1994 = arith.addi %mul3A_2, %add3A_1993 : i32
    %broadcast_in_dim3A_1995 = vector.broadcast %add3A_1994 : i32 to vector<16xi32>
    %gather3A_1996 = tpu.vector_load_idx %arg6[%iota3A, %broadcast_in_dim3A_1995] : memref<16x768xf32, #tpu.memory_space<vmem>>[vector<16xi32>, vector<16xi32>], vector<16xf32>,
    %gather3A_1997 = tpu.vector_load_idx %arg5[%iota3A, %broadcast_in_dim3A_1995] : memref<16x768xf32, #tpu.memory_space<vmem>>[vector<16xi32>, vector<16xi32>], vector<16xf32>,
    %slice3A_1998 = vector.extract_strided_slice %gather3A_1997 {offsets = [0], sizes = [1], strides = [1]} : vector<16xf32> to vector<1xf32>
    %squeeze3A_1999 = vector.extract %slice3A_1998[0] : f32 from vector<1xf32>
    %add3A_2000 = vector.broadcast %squeeze3A_1999 : f32 to vector<16xf32>
    %add3A_2001 = arith.addf %gather3A_1996, %add3A_2000 : vector<16xf32>
    %swap3A_2002 = arith.constant 15 : i32
    %swap3A_2003 = arith.index_cast %swap3A_2002 : i32 to index
    %swap3A_2004 = arith.constant 0 : index
    %swap3A_2005 = tpu.vector_load %arg7[%swap3A_2003, %swap3A_2004] {strides = array<i32>} : memref<24x256xf32, #tpu.memory_space<vmem>>, vector<16xf32>,
    tpu.vector_store %arg7[%swap3A_2003, %swap3A_2004], %add3A_2001 {strides = array<i32>} : memref<24x256xf32, #tpu.memory_space<vmem>>, vector<16xf32>,
    %slice3A_2006 = vector.extract_strided_slice %gather3A_1997 {offsets = [1], sizes = [1], strides = [1]} : vector<16xf32> to vector<1xf32>
    %squeeze3A_2007 = vector.extract %slice3A_2006[0] : f32 from vector<1xf32>
    %add3A_2008 = vector.broadcast %squeeze3A_2007 : f32 to vector<16xf32>
    %add3A_2009 = arith.addf %gather3A_1996, %add3A_2008 : vector<16xf32>
    %swap3A_2010 = arith.constant 15 : i32
    %swap3A_2011 = arith.index_cast %swap3A_2010 : i32 to index
    %swap3A_2012 = arith.constant 16 : index
    %swap3A_2013 = tpu.vector_load %arg7[%swap3A_2011, %swap3A_2012] {strides = array<i32>} : memref<24x256xf32, #tpu.memory_space<vmem>>, vector<16xf32>,
    tpu.vector_store %arg7[%swap3A_2011, %swap3A_2012], %add3A_2009 {strides = array<i32>} : memref<24x256xf32, #tpu.memory_space<vmem>>, vector<16xf32>,
    %slice3A_2014 = vector.extract_strided_slice %gather3A_1997 {offsets = [2], sizes = [1], strides = [1]} : vector<16xf32> to vector<1xf32>
    %squeeze3A_2015 = vector.extract %slice3A_2014[0] : f32 from vector<1xf32>
    %add3A_2016 = vector.broadcast %squeeze3A_2015 : f32 to vector<16xf32>
    %add3A_2017 = arith.addf %gather3A_1996, %add3A_2016 : vector<16xf32>
    %swap3A_2018 = arith.constant 15 : i32
    %swap3A_2019 = arith.index_cast %swap3A_2018 : i32 to index
    %swap3A_2020 = arith.constant 32 : index
    %swap3A_2021 = tpu.vector_load %arg7[%swap3A_2019, %swap3A_2020] {strides = array<i32>} : memref<24x256xf32, #tpu.memory_space<vmem>>, vector<16xf32>,
    tpu.vector_store %arg7[%swap3A_2019, %swap3A_2020], %add3A_2017 {strides = array<i32>} : memref<24x256xf32, #tpu.memory_space<vmem>>, vector<16xf32>,
    %slice3A_2022 = vector.extract_strided_slice %gather3A_1997 {offsets = [3], sizes = [1], strides = [1]} : vector<16xf32> to vector<1xf32>
    %squeeze3A_2023 = vector.extract %slice3A_2022[0] : f32 from vector<1xf32>
    %add3A_2024 = vector.broadcast %squeeze3A_2023 : f32 to vector<16xf32>
    %add3A_2025 = arith.addf %gather3A_1996, %add3A_2024 : vector<16xf32>
    %swap3A_2026 = arith.constant 15 : i32
    %swap3A_2027 = arith.index_cast %swap3A_2026 : i32 to index
    %swap3A_2028 = arith.constant 48 : index
    %swap3A_2029 = tpu.vector_load %arg7[%swap3A_2027, %swap3A_2028] {strides = array<i32>} : memref<24x256xf32, #tpu.memory_space<vmem>>, vector<16xf32>,
    tpu.vector_store %arg7[%swap3A_2027, %swap3A_2028], %add3A_2025 {strides = array<i32>} : memref<24x256xf32, #tpu.memory_space<vmem>>, vector<16xf32>,
    %slice3A_2030 = vector.extract_strided_slice %gather3A_1997 {offsets = [4], sizes = [1], strides = [1]} : vector<16xf32> to vector<1xf32>
    %squeeze3A_2031 = vector.extract %slice3A_2030[0] : f32 from vector<1xf32>
    %add3A_2032 = vector.broadcast %squeeze3A_2031 : f32 to vector<16xf32>
    %add3A_2033 = arith.addf %gather3A_1996, %add3A_2032 : vector<16xf32>
    %swap3A_2034 = arith.constant 15 : i32
    %swap3A_2035 = arith.index_cast %swap3A_2034 : i32 to index
    %swap3A_2036 = arith.constant 64 : index
    %swap3A_2037 = tpu.vector_load %arg7[%swap3A_2035, %swap3A_2036] {strides = array<i32>} : memref<24x256xf32, #tpu.memory_space<vmem>>, vector<16xf32>,
    tpu.vector_store %arg7[%swap3A_2035, %swap3A_2036], %add3A_2033 {strides = array<i32>} : memref<24x256xf32, #tpu.memory_space<vmem>>, vector<16xf32>,
    %slice3A_2038 = vector.extract_strided_slice %gather3A_1997 {offsets = [5], sizes = [1], strides = [1]} : vector<16xf32> to vector<1xf32>
    %squeeze3A_2039 = vector.extract %slice3A_2038[0] : f32 from vector<1xf32>
    %add3A_2040 = vector.broadcast %squeeze3A_2039 : f32 to vector<16xf32>
    %add3A_2041 = arith.addf %gather3A_1996, %add3A_2040 : vector<16xf32>
    %swap3A_2042 = arith.constant 15 : i32
    %swap3A_2043 = arith.index_cast %swap3A_2042 : i32 to index
    %swap3A_2044 = arith.constant 80 : index
    %swap3A_2045 = tpu.vector_load %arg7[%swap3A_2043, %swap3A_2044] {strides = array<i32>} : memref<24x256xf32, #tpu.memory_space<vmem>>, vector<16xf32>,
    tpu.vector_store %arg7[%swap3A_2043, %swap3A_2044], %add3A_2041 {strides = array<i32>} : memref<24x256xf32, #tpu.memory_space<vmem>>, vector<16xf32>,
    %slice3A_2046 = vector.extract_strided_slice %gather3A_1997 {offsets = [6], sizes = [1], strides = [1]} : vector<16xf32> to vector<1xf32>
    %squeeze3A_2047 = vector.extract %slice3A_2046[0] : f32 from vector<1xf32>
    %add3A_2048 = vector.broadcast %squeeze3A_2047 : f32 to vector<16xf32>
    %add3A_2049 = arith.addf %gather3A_1996, %add3A_2048 : vector<16xf32>
    %swap3A_2050 = arith.constant 15 : i32
    %swap3A_2051 = arith.index_cast %swap3A_2050 : i32 to index
    %swap3A_2052 = arith.constant 96 : index
    %swap3A_2053 = tpu.vector_load %arg7[%swap3A_2051, %swap3A_2052] {strides = array<i32>} : memref<24x256xf32, #tpu.memory_space<vmem>>, vector<16xf32>,
    tpu.vector_store %arg7[%swap3A_2051, %swap3A_2052], %add3A_2049 {strides = array<i32>} : memref<24x256xf32, #tpu.memory_space<vmem>>, vector<16xf32>,
    %slice3A_2054 = vector.extract_strided_slice %gather3A_1997 {offsets = [7], sizes = [1], strides = [1]} : vector<16xf32> to vector<1xf32>
    %squeeze3A_2055 = vector.extract %slice3A_2054[0] : f32 from vector<1xf32>
    %add3A_2056 = vector.broadcast %squeeze3A_2055 : f32 to vector<16xf32>
    %add3A_2057 = arith.addf %gather3A_1996, %add3A_2056 : vector<16xf32>
    %swap3A_2058 = arith.constant 15 : i32
    %swap3A_2059 = arith.index_cast %swap3A_2058 : i32 to index
    %swap3A_2060 = arith.constant 112 : index
    %swap3A_2061 = tpu.vector_load %arg7[%swap3A_2059, %swap3A_2060] {strides = array<i32>} : memref<24x256xf32, #tpu.memory_space<vmem>>, vector<16xf32>,
    tpu.vector_store %arg7[%swap3A_2059, %swap3A_2060], %add3A_2057 {strides = array<i32>} : memref<24x256xf32, #tpu.memory_space<vmem>>, vector<16xf32>,
    %slice3A_2062 = vector.extract_strided_slice %gather3A_1997 {offsets = [8], sizes = [1], strides = [1]} : vector<16xf32> to vector<1xf32>
    %squeeze3A_2063 = vector.extract %slice3A_2062[0] : f32 from vector<1xf32>
    %add3A_2064 = vector.broadcast %squeeze3A_2063 : f32 to vector<16xf32>
    %add3A_2065 = arith.addf %gather3A_1996, %add3A_2064 : vector<16xf32>
    %swap3A_2066 = arith.constant 15 : i32
    %swap3A_2067 = arith.index_cast %swap3A_2066 : i32 to index
    %swap3A_2068 = arith.constant 128 : index
    %swap3A_2069 = tpu.vector_load %arg7[%swap3A_2067, %swap3A_2068] {strides = array<i32>} : memref<24x256xf32, #tpu.memory_space<vmem>>, vector<16xf32>,
    tpu.vector_store %arg7[%swap3A_2067, %swap3A_2068], %add3A_2065 {strides = array<i32>} : memref<24x256xf32, #tpu.memory_space<vmem>>, vector<16xf32>,
    %slice3A_2070 = vector.extract_strided_slice %gather3A_1997 {offsets = [9], sizes = [1], strides = [1]} : vector<16xf32> to vector<1xf32>
    %squeeze3A_2071 = vector.extract %slice3A_2070[0] : f32 from vector<1xf32>
    %add3A_2072 = vector.broadcast %squeeze3A_2071 : f32 to vector<16xf32>
    %add3A_2073 = arith.addf %gather3A_1996, %add3A_2072 : vector<16xf32>
    %swap3A_2074 = arith.constant 15 : i32
    %swap3A_2075 = arith.index_cast %swap3A_2074 : i32 to index
    %swap3A_2076 = arith.constant 144 : index
    %swap3A_2077 = tpu.vector_load %arg7[%swap3A_2075, %swap3A_2076] {strides = array<i32>} : memref<24x256xf32, #tpu.memory_space<vmem>>, vector<16xf32>,
    tpu.vector_store %arg7[%swap3A_2075, %swap3A_2076], %add3A_2073 {strides = array<i32>} : memref<24x256xf32, #tpu.memory_space<vmem>>, vector<16xf32>,
    %slice3A_2078 = vector.extract_strided_slice %gather3A_1997 {offsets = [10], sizes = [1], strides = [1]} : vector<16xf32> to vector<1xf32>
    %squeeze3A_2079 = vector.extract %slice3A_2078[0] : f32 from vector<1xf32>
    %add3A_2080 = vector.broadcast %squeeze3A_2079 : f32 to vector<16xf32>
    %add3A_2081 = arith.addf %gather3A_1996, %add3A_2080 : vector<16xf32>
    %swap3A_2082 = arith.constant 15 : i32
    %swap3A_2083 = arith.index_cast %swap3A_2082 : i32 to index
    %swap3A_2084 = arith.constant 160 : index
    %swap3A_2085 = tpu.vector_load %arg7[%swap3A_2083, %swap3A_2084] {strides = array<i32>} : memref<24x256xf32, #tpu.memory_space<vmem>>, vector<16xf32>,
    tpu.vector_store %arg7[%swap3A_2083, %swap3A_2084], %add3A_2081 {strides = array<i32>} : memref<24x256xf32, #tpu.memory_space<vmem>>, vector<16xf32>,
    %slice3A_2086 = vector.extract_strided_slice %gather3A_1997 {offsets = [11], sizes = [1], strides = [1]} : vector<16xf32> to vector<1xf32>
    %squeeze3A_2087 = vector.extract %slice3A_2086[0] : f32 from vector<1xf32>
    %add3A_2088 = vector.broadcast %squeeze3A_2087 : f32 to vector<16xf32>
    %add3A_2089 = arith.addf %gather3A_1996, %add3A_2088 : vector<16xf32>
    %swap3A_2090 = arith.constant 15 : i32
    %swap3A_2091 = arith.index_cast %swap3A_2090 : i32 to index
    %swap3A_2092 = arith.constant 176 : index
    %swap3A_2093 = tpu.vector_load %arg7[%swap3A_2091, %swap3A_2092] {strides = array<i32>} : memref<24x256xf32, #tpu.memory_space<vmem>>, vector<16xf32>,
    tpu.vector_store %arg7[%swap3A_2091, %swap3A_2092], %add3A_2089 {strides = array<i32>} : memref<24x256xf32, #tpu.memory_space<vmem>>, vector<16xf32>,
    %slice3A_2094 = vector.extract_strided_slice %gather3A_1997 {offsets = [12], sizes = [1], strides = [1]} : vector<16xf32> to vector<1xf32>
    %squeeze3A_2095 = vector.extract %slice3A_2094[0] : f32 from vector<1xf32>
    %add3A_2096 = vector.broadcast %squeeze3A_2095 : f32 to vector<16xf32>
    %add3A_2097 = arith.addf %gather3A_1996, %add3A_2096 : vector<16xf32>
    %swap3A_2098 = arith.constant 15 : i32
    %swap3A_2099 = arith.index_cast %swap3A_2098 : i32 to index
    %swap3A_2100 = arith.constant 192 : index
    %swap3A_2101 = tpu.vector_load %arg7[%swap3A_2099, %swap3A_2100] {strides = array<i32>} : memref<24x256xf32, #tpu.memory_space<vmem>>, vector<16xf32>,
    tpu.vector_store %arg7[%swap3A_2099, %swap3A_2100], %add3A_2097 {strides = array<i32>} : memref<24x256xf32, #tpu.memory_space<vmem>>, vector<16xf32>,
    %slice3A_2102 = vector.extract_strided_slice %gather3A_1997 {offsets = [13], sizes = [1], strides = [1]} : vector<16xf32> to vector<1xf32>
    %squeeze3A_2103 = vector.extract %slice3A_2102[0] : f32 from vector<1xf32>
    %add3A_2104 = vector.broadcast %squeeze3A_2103 : f32 to vector<16xf32>
    %add3A_2105 = arith.addf %gather3A_1996, %add3A_2104 : vector<16xf32>
    %swap3A_2106 = arith.constant 15 : i32
    %swap3A_2107 = arith.index_cast %swap3A_2106 : i32 to index
    %swap3A_2108 = arith.constant 208 : index
    %swap3A_2109 = tpu.vector_load %arg7[%swap3A_2107, %swap3A_2108] {strides = array<i32>} : memref<24x256xf32, #tpu.memory_space<vmem>>, vector<16xf32>,
    tpu.vector_store %arg7[%swap3A_2107, %swap3A_2108], %add3A_2105 {strides = array<i32>} : memref<24x256xf32, #tpu.memory_space<vmem>>, vector<16xf32>,
    %slice3A_2110 = vector.extract_strided_slice %gather3A_1997 {offsets = [14], sizes = [1], strides = [1]} : vector<16xf32> to vector<1xf32>
    %squeeze3A_2111 = vector.extract %slice3A_2110[0] : f32 from vector<1xf32>
    %add3A_2112 = vector.broadcast %squeeze3A_2111 : f32 to vector<16xf32>
    %add3A_2113 = arith.addf %gather3A_1996, %add3A_2112 : vector<16xf32>
    %swap3A_2114 = arith.constant 15 : i32
    %swap3A_2115 = arith.index_cast %swap3A_2114 : i32 to index
    %swap3A_2116 = arith.constant 224 : index
    %swap3A_2117 = tpu.vector_load %arg7[%swap3A_2115, %swap3A_2116] {strides = array<i32>} : memref<24x256xf32, #tpu.memory_space<vmem>>, vector<16xf32>,
    tpu.vector_store %arg7[%swap3A_2115, %swap3A_2116], %add3A_2113 {strides = array<i32>} : memref<24x256xf32, #tpu.memory_space<vmem>>, vector<16xf32>,
    %slice3A_2118 = vector.extract_strided_slice %gather3A_1997 {offsets = [15], sizes = [1], strides = [1]} : vector<16xf32> to vector<1xf32>
    %squeeze3A_2119 = vector.extract %slice3A_2118[0] : f32 from vector<1xf32>
    %add3A_2120 = vector.broadcast %squeeze3A_2119 : f32 to vector<16xf32>
    %add3A_2121 = arith.addf %gather3A_1996, %add3A_2120 : vector<16xf32>
    %swap3A_2122 = arith.constant 15 : i32
    %swap3A_2123 = arith.index_cast %swap3A_2122 : i32 to index
    %swap3A_2124 = arith.constant 240 : index
    %swap3A_2125 = tpu.vector_load %arg7[%swap3A_2123, %swap3A_2124] {strides = array<i32>} : memref<24x256xf32, #tpu.memory_space<vmem>>, vector<16xf32>,
    tpu.vector_store %arg7[%swap3A_2123, %swap3A_2124], %add3A_2121 {strides = array<i32>} : memref<24x256xf32, #tpu.memory_space<vmem>>, vector<16xf32>,
    %add3A_2126 = arith.constant 16 : i32
    %add3A_2127 = arith.addi %mul3A_2, %add3A_2126 : i32
    %broadcast_in_dim3A_2128 = vector.broadcast %add3A_2127 : i32 to vector<16xi32>
    %gather3A_2129 = tpu.vector_load_idx %arg6[%iota3A, %broadcast_in_dim3A_2128] : memref<16x768xf32, #tpu.memory_space<vmem>>[vector<16xi32>, vector<16xi32>], vector<16xf32>,
    %gather3A_2130 = tpu.vector_load_idx %arg5[%iota3A, %broadcast_in_dim3A_2128] : memref<16x768xf32, #tpu.memory_space<vmem>>[vector<16xi32>, vector<16xi32>], vector<16xf32>,
    %slice3A_2131 = vector.extract_strided_slice %gather3A_2130 {offsets = [0], sizes = [1], strides = [1]} : vector<16xf32> to vector<1xf32>
    %squeeze3A_2132 = vector.extract %slice3A_2131[0] : f32 from vector<1xf32>
    %add3A_2133 = vector.broadcast %squeeze3A_2132 : f32 to vector<16xf32>
    %add3A_2134 = arith.addf %gather3A_2129, %add3A_2133 : vector<16xf32>
    %swap3A_2135 = arith.constant 16 : i32
    %swap3A_2136 = arith.index_cast %swap3A_2135 : i32 to index
    %swap3A_2137 = arith.constant 0 : index
    %swap3A_2138 = tpu.vector_load %arg7[%swap3A_2136, %swap3A_2137] {strides = array<i32>} : memref<24x256xf32, #tpu.memory_space<vmem>>, vector<16xf32>,
    tpu.vector_store %arg7[%swap3A_2136, %swap3A_2137], %add3A_2134 {strides = array<i32>} : memref<24x256xf32, #tpu.memory_space<vmem>>, vector<16xf32>,
    %slice3A_2139 = vector.extract_strided_slice %gather3A_2130 {offsets = [1], sizes = [1], strides = [1]} : vector<16xf32> to vector<1xf32>
    %squeeze3A_2140 = vector.extract %slice3A_2139[0] : f32 from vector<1xf32>
    %add3A_2141 = vector.broadcast %squeeze3A_2140 : f32 to vector<16xf32>
    %add3A_2142 = arith.addf %gather3A_2129, %add3A_2141 : vector<16xf32>
    %swap3A_2143 = arith.constant 16 : i32
    %swap3A_2144 = arith.index_cast %swap3A_2143 : i32 to index
    %swap3A_2145 = arith.constant 16 : index
    %swap3A_2146 = tpu.vector_load %arg7[%swap3A_2144, %swap3A_2145] {strides = array<i32>} : memref<24x256xf32, #tpu.memory_space<vmem>>, vector<16xf32>,
    tpu.vector_store %arg7[%swap3A_2144, %swap3A_2145], %add3A_2142 {strides = array<i32>} : memref<24x256xf32, #tpu.memory_space<vmem>>, vector<16xf32>,
    %slice3A_2147 = vector.extract_strided_slice %gather3A_2130 {offsets = [2], sizes = [1], strides = [1]} : vector<16xf32> to vector<1xf32>
    %squeeze3A_2148 = vector.extract %slice3A_2147[0] : f32 from vector<1xf32>
    %add3A_2149 = vector.broadcast %squeeze3A_2148 : f32 to vector<16xf32>
    %add3A_2150 = arith.addf %gather3A_2129, %add3A_2149 : vector<16xf32>
    %swap3A_2151 = arith.constant 16 : i32
    %swap3A_2152 = arith.index_cast %swap3A_2151 : i32 to index
    %swap3A_2153 = arith.constant 32 : index
    %swap3A_2154 = tpu.vector_load %arg7[%swap3A_2152, %swap3A_2153] {strides = array<i32>} : memref<24x256xf32, #tpu.memory_space<vmem>>, vector<16xf32>,
    tpu.vector_store %arg7[%swap3A_2152, %swap3A_2153], %add3A_2150 {strides = array<i32>} : memref<24x256xf32, #tpu.memory_space<vmem>>, vector<16xf32>,
    %slice3A_2155 = vector.extract_strided_slice %gather3A_2130 {offsets = [3], sizes = [1], strides = [1]} : vector<16xf32> to vector<1xf32>
    %squeeze3A_2156 = vector.extract %slice3A_2155[0] : f32 from vector<1xf32>
    %add3A_2157 = vector.broadcast %squeeze3A_2156 : f32 to vector<16xf32>
    %add3A_2158 = arith.addf %gather3A_2129, %add3A_2157 : vector<16xf32>
    %swap3A_2159 = arith.constant 16 : i32
    %swap3A_2160 = arith.index_cast %swap3A_2159 : i32 to index
    %swap3A_2161 = arith.constant 48 : index
    %swap3A_2162 = tpu.vector_load %arg7[%swap3A_2160, %swap3A_2161] {strides = array<i32>} : memref<24x256xf32, #tpu.memory_space<vmem>>, vector<16xf32>,
    tpu.vector_store %arg7[%swap3A_2160, %swap3A_2161], %add3A_2158 {strides = array<i32>} : memref<24x256xf32, #tpu.memory_space<vmem>>, vector<16xf32>,
    %slice3A_2163 = vector.extract_strided_slice %gather3A_2130 {offsets = [4], sizes = [1], strides = [1]} : vector<16xf32> to vector<1xf32>
    %squeeze3A_2164 = vector.extract %slice3A_2163[0] : f32 from vector<1xf32>
    %add3A_2165 = vector.broadcast %squeeze3A_2164 : f32 to vector<16xf32>
    %add3A_2166 = arith.addf %gather3A_2129, %add3A_2165 : vector<16xf32>
    %swap3A_2167 = arith.constant 16 : i32
    %swap3A_2168 = arith.index_cast %swap3A_2167 : i32 to index
    %swap3A_2169 = arith.constant 64 : index
    %swap3A_2170 = tpu.vector_load %arg7[%swap3A_2168, %swap3A_2169] {strides = array<i32>} : memref<24x256xf32, #tpu.memory_space<vmem>>, vector<16xf32>,
    tpu.vector_store %arg7[%swap3A_2168, %swap3A_2169], %add3A_2166 {strides = array<i32>} : memref<24x256xf32, #tpu.memory_space<vmem>>, vector<16xf32>,
    %slice3A_2171 = vector.extract_strided_slice %gather3A_2130 {offsets = [5], sizes = [1], strides = [1]} : vector<16xf32> to vector<1xf32>
    %squeeze3A_2172 = vector.extract %slice3A_2171[0] : f32 from vector<1xf32>
    %add3A_2173 = vector.broadcast %squeeze3A_2172 : f32 to vector<16xf32>
    %add3A_2174 = arith.addf %gather3A_2129, %add3A_2173 : vector<16xf32>
    %swap3A_2175 = arith.constant 16 : i32
    %swap3A_2176 = arith.index_cast %swap3A_2175 : i32 to index
    %swap3A_2177 = arith.constant 80 : index
    %swap3A_2178 = tpu.vector_load %arg7[%swap3A_2176, %swap3A_2177] {strides = array<i32>} : memref<24x256xf32, #tpu.memory_space<vmem>>, vector<16xf32>,
    tpu.vector_store %arg7[%swap3A_2176, %swap3A_2177], %add3A_2174 {strides = array<i32>} : memref<24x256xf32, #tpu.memory_space<vmem>>, vector<16xf32>,
    %slice3A_2179 = vector.extract_strided_slice %gather3A_2130 {offsets = [6], sizes = [1], strides = [1]} : vector<16xf32> to vector<1xf32>
    %squeeze3A_2180 = vector.extract %slice3A_2179[0] : f32 from vector<1xf32>
    %add3A_2181 = vector.broadcast %squeeze3A_2180 : f32 to vector<16xf32>
    %add3A_2182 = arith.addf %gather3A_2129, %add3A_2181 : vector<16xf32>
    %swap3A_2183 = arith.constant 16 : i32
    %swap3A_2184 = arith.index_cast %swap3A_2183 : i32 to index
    %swap3A_2185 = arith.constant 96 : index
    %swap3A_2186 = tpu.vector_load %arg7[%swap3A_2184, %swap3A_2185] {strides = array<i32>} : memref<24x256xf32, #tpu.memory_space<vmem>>, vector<16xf32>,
    tpu.vector_store %arg7[%swap3A_2184, %swap3A_2185], %add3A_2182 {strides = array<i32>} : memref<24x256xf32, #tpu.memory_space<vmem>>, vector<16xf32>,
    %slice3A_2187 = vector.extract_strided_slice %gather3A_2130 {offsets = [7], sizes = [1], strides = [1]} : vector<16xf32> to vector<1xf32>
    %squeeze3A_2188 = vector.extract %slice3A_2187[0] : f32 from vector<1xf32>
    %add3A_2189 = vector.broadcast %squeeze3A_2188 : f32 to vector<16xf32>
    %add3A_2190 = arith.addf %gather3A_2129, %add3A_2189 : vector<16xf32>
    %swap3A_2191 = arith.constant 16 : i32
    %swap3A_2192 = arith.index_cast %swap3A_2191 : i32 to index
    %swap3A_2193 = arith.constant 112 : index
    %swap3A_2194 = tpu.vector_load %arg7[%swap3A_2192, %swap3A_2193] {strides = array<i32>} : memref<24x256xf32, #tpu.memory_space<vmem>>, vector<16xf32>,
    tpu.vector_store %arg7[%swap3A_2192, %swap3A_2193], %add3A_2190 {strides = array<i32>} : memref<24x256xf32, #tpu.memory_space<vmem>>, vector<16xf32>,
    %slice3A_2195 = vector.extract_strided_slice %gather3A_2130 {offsets = [8], sizes = [1], strides = [1]} : vector<16xf32> to vector<1xf32>
    %squeeze3A_2196 = vector.extract %slice3A_2195[0] : f32 from vector<1xf32>
    %add3A_2197 = vector.broadcast %squeeze3A_2196 : f32 to vector<16xf32>
    %add3A_2198 = arith.addf %gather3A_2129, %add3A_2197 : vector<16xf32>
    %swap3A_2199 = arith.constant 16 : i32
    %swap3A_2200 = arith.index_cast %swap3A_2199 : i32 to index
    %swap3A_2201 = arith.constant 128 : index
    %swap3A_2202 = tpu.vector_load %arg7[%swap3A_2200, %swap3A_2201] {strides = array<i32>} : memref<24x256xf32, #tpu.memory_space<vmem>>, vector<16xf32>,
    tpu.vector_store %arg7[%swap3A_2200, %swap3A_2201], %add3A_2198 {strides = array<i32>} : memref<24x256xf32, #tpu.memory_space<vmem>>, vector<16xf32>,
    %slice3A_2203 = vector.extract_strided_slice %gather3A_2130 {offsets = [9], sizes = [1], strides = [1]} : vector<16xf32> to vector<1xf32>
    %squeeze3A_2204 = vector.extract %slice3A_2203[0] : f32 from vector<1xf32>
    %add3A_2205 = vector.broadcast %squeeze3A_2204 : f32 to vector<16xf32>
    %add3A_2206 = arith.addf %gather3A_2129, %add3A_2205 : vector<16xf32>
    %swap3A_2207 = arith.constant 16 : i32
    %swap3A_2208 = arith.index_cast %swap3A_2207 : i32 to index
    %swap3A_2209 = arith.constant 144 : index
    %swap3A_2210 = tpu.vector_load %arg7[%swap3A_2208, %swap3A_2209] {strides = array<i32>} : memref<24x256xf32, #tpu.memory_space<vmem>>, vector<16xf32>,
    tpu.vector_store %arg7[%swap3A_2208, %swap3A_2209], %add3A_2206 {strides = array<i32>} : memref<24x256xf32, #tpu.memory_space<vmem>>, vector<16xf32>,
    %slice3A_2211 = vector.extract_strided_slice %gather3A_2130 {offsets = [10], sizes = [1], strides = [1]} : vector<16xf32> to vector<1xf32>
    %squeeze3A_2212 = vector.extract %slice3A_2211[0] : f32 from vector<1xf32>
    %add3A_2213 = vector.broadcast %squeeze3A_2212 : f32 to vector<16xf32>
    %add3A_2214 = arith.addf %gather3A_2129, %add3A_2213 : vector<16xf32>
    %swap3A_2215 = arith.constant 16 : i32
    %swap3A_2216 = arith.index_cast %swap3A_2215 : i32 to index
    %swap3A_2217 = arith.constant 160 : index
    %swap3A_2218 = tpu.vector_load %arg7[%swap3A_2216, %swap3A_2217] {strides = array<i32>} : memref<24x256xf32, #tpu.memory_space<vmem>>, vector<16xf32>,
    tpu.vector_store %arg7[%swap3A_2216, %swap3A_2217], %add3A_2214 {strides = array<i32>} : memref<24x256xf32, #tpu.memory_space<vmem>>, vector<16xf32>,
    %slice3A_2219 = vector.extract_strided_slice %gather3A_2130 {offsets = [11], sizes = [1], strides = [1]} : vector<16xf32> to vector<1xf32>
    %squeeze3A_2220 = vector.extract %slice3A_2219[0] : f32 from vector<1xf32>
    %add3A_2221 = vector.broadcast %squeeze3A_2220 : f32 to vector<16xf32>
    %add3A_2222 = arith.addf %gather3A_2129, %add3A_2221 : vector<16xf32>
    %swap3A_2223 = arith.constant 16 : i32
    %swap3A_2224 = arith.index_cast %swap3A_2223 : i32 to index
    %swap3A_2225 = arith.constant 176 : index
    %swap3A_2226 = tpu.vector_load %arg7[%swap3A_2224, %swap3A_2225] {strides = array<i32>} : memref<24x256xf32, #tpu.memory_space<vmem>>, vector<16xf32>,
    tpu.vector_store %arg7[%swap3A_2224, %swap3A_2225], %add3A_2222 {strides = array<i32>} : memref<24x256xf32, #tpu.memory_space<vmem>>, vector<16xf32>,
    %slice3A_2227 = vector.extract_strided_slice %gather3A_2130 {offsets = [12], sizes = [1], strides = [1]} : vector<16xf32> to vector<1xf32>
    %squeeze3A_2228 = vector.extract %slice3A_2227[0] : f32 from vector<1xf32>
    %add3A_2229 = vector.broadcast %squeeze3A_2228 : f32 to vector<16xf32>
    %add3A_2230 = arith.addf %gather3A_2129, %add3A_2229 : vector<16xf32>
    %swap3A_2231 = arith.constant 16 : i32
    %swap3A_2232 = arith.index_cast %swap3A_2231 : i32 to index
    %swap3A_2233 = arith.constant 192 : index
    %swap3A_2234 = tpu.vector_load %arg7[%swap3A_2232, %swap3A_2233] {strides = array<i32>} : memref<24x256xf32, #tpu.memory_space<vmem>>, vector<16xf32>,
    tpu.vector_store %arg7[%swap3A_2232, %swap3A_2233], %add3A_2230 {strides = array<i32>} : memref<24x256xf32, #tpu.memory_space<vmem>>, vector<16xf32>,
    %slice3A_2235 = vector.extract_strided_slice %gather3A_2130 {offsets = [13], sizes = [1], strides = [1]} : vector<16xf32> to vector<1xf32>
    %squeeze3A_2236 = vector.extract %slice3A_2235[0] : f32 from vector<1xf32>
    %add3A_2237 = vector.broadcast %squeeze3A_2236 : f32 to vector<16xf32>
    %add3A_2238 = arith.addf %gather3A_2129, %add3A_2237 : vector<16xf32>
    %swap3A_2239 = arith.constant 16 : i32
    %swap3A_2240 = arith.index_cast %swap3A_2239 : i32 to index
    %swap3A_2241 = arith.constant 208 : index
    %swap3A_2242 = tpu.vector_load %arg7[%swap3A_2240, %swap3A_2241] {strides = array<i32>} : memref<24x256xf32, #tpu.memory_space<vmem>>, vector<16xf32>,
    tpu.vector_store %arg7[%swap3A_2240, %swap3A_2241], %add3A_2238 {strides = array<i32>} : memref<24x256xf32, #tpu.memory_space<vmem>>, vector<16xf32>,
    %slice3A_2243 = vector.extract_strided_slice %gather3A_2130 {offsets = [14], sizes = [1], strides = [1]} : vector<16xf32> to vector<1xf32>
    %squeeze3A_2244 = vector.extract %slice3A_2243[0] : f32 from vector<1xf32>
    %add3A_2245 = vector.broadcast %squeeze3A_2244 : f32 to vector<16xf32>
    %add3A_2246 = arith.addf %gather3A_2129, %add3A_2245 : vector<16xf32>
    %swap3A_2247 = arith.constant 16 : i32
    %swap3A_2248 = arith.index_cast %swap3A_2247 : i32 to index
    %swap3A_2249 = arith.constant 224 : index
    %swap3A_2250 = tpu.vector_load %arg7[%swap3A_2248, %swap3A_2249] {strides = array<i32>} : memref<24x256xf32, #tpu.memory_space<vmem>>, vector<16xf32>,
    tpu.vector_store %arg7[%swap3A_2248, %swap3A_2249], %add3A_2246 {strides = array<i32>} : memref<24x256xf32, #tpu.memory_space<vmem>>, vector<16xf32>,
    %slice3A_2251 = vector.extract_strided_slice %gather3A_2130 {offsets = [15], sizes = [1], strides = [1]} : vector<16xf32> to vector<1xf32>
    %squeeze3A_2252 = vector.extract %slice3A_2251[0] : f32 from vector<1xf32>
    %add3A_2253 = vector.broadcast %squeeze3A_2252 : f32 to vector<16xf32>
    %add3A_2254 = arith.addf %gather3A_2129, %add3A_2253 : vector<16xf32>
    %swap3A_2255 = arith.constant 16 : i32
    %swap3A_2256 = arith.index_cast %swap3A_2255 : i32 to index
    %swap3A_2257 = arith.constant 240 : index
    %swap3A_2258 = tpu.vector_load %arg7[%swap3A_2256, %swap3A_2257] {strides = array<i32>} : memref<24x256xf32, #tpu.memory_space<vmem>>, vector<16xf32>,
    tpu.vector_store %arg7[%swap3A_2256, %swap3A_2257], %add3A_2254 {strides = array<i32>} : memref<24x256xf32, #tpu.memory_space<vmem>>, vector<16xf32>,
    %add3A_2259 = arith.constant 17 : i32
    %add3A_2260 = arith.addi %mul3A_2, %add3A_2259 : i32
    %broadcast_in_dim3A_2261 = vector.broadcast %add3A_2260 : i32 to vector<16xi32>
    %gather3A_2262 = tpu.vector_load_idx %arg6[%iota3A, %broadcast_in_dim3A_2261] : memref<16x768xf32, #tpu.memory_space<vmem>>[vector<16xi32>, vector<16xi32>], vector<16xf32>,
    %gather3A_2263 = tpu.vector_load_idx %arg5[%iota3A, %broadcast_in_dim3A_2261] : memref<16x768xf32, #tpu.memory_space<vmem>>[vector<16xi32>, vector<16xi32>], vector<16xf32>,
    %slice3A_2264 = vector.extract_strided_slice %gather3A_2263 {offsets = [0], sizes = [1], strides = [1]} : vector<16xf32> to vector<1xf32>
    %squeeze3A_2265 = vector.extract %slice3A_2264[0] : f32 from vector<1xf32>
    %add3A_2266 = vector.broadcast %squeeze3A_2265 : f32 to vector<16xf32>
    %add3A_2267 = arith.addf %gather3A_2262, %add3A_2266 : vector<16xf32>
    %swap3A_2268 = arith.constant 17 : i32
    %swap3A_2269 = arith.index_cast %swap3A_2268 : i32 to index
    %swap3A_2270 = arith.constant 0 : index
    %swap3A_2271 = tpu.vector_load %arg7[%swap3A_2269, %swap3A_2270] {strides = array<i32>} : memref<24x256xf32, #tpu.memory_space<vmem>>, vector<16xf32>,
    tpu.vector_store %arg7[%swap3A_2269, %swap3A_2270], %add3A_2267 {strides = array<i32>} : memref<24x256xf32, #tpu.memory_space<vmem>>, vector<16xf32>,
    %slice3A_2272 = vector.extract_strided_slice %gather3A_2263 {offsets = [1], sizes = [1], strides = [1]} : vector<16xf32> to vector<1xf32>
    %squeeze3A_2273 = vector.extract %slice3A_2272[0] : f32 from vector<1xf32>
    %add3A_2274 = vector.broadcast %squeeze3A_2273 : f32 to vector<16xf32>
    %add3A_2275 = arith.addf %gather3A_2262, %add3A_2274 : vector<16xf32>
    %swap3A_2276 = arith.constant 17 : i32
    %swap3A_2277 = arith.index_cast %swap3A_2276 : i32 to index
    %swap3A_2278 = arith.constant 16 : index
    %swap3A_2279 = tpu.vector_load %arg7[%swap3A_2277, %swap3A_2278] {strides = array<i32>} : memref<24x256xf32, #tpu.memory_space<vmem>>, vector<16xf32>,
    tpu.vector_store %arg7[%swap3A_2277, %swap3A_2278], %add3A_2275 {strides = array<i32>} : memref<24x256xf32, #tpu.memory_space<vmem>>, vector<16xf32>,
    %slice3A_2280 = vector.extract_strided_slice %gather3A_2263 {offsets = [2], sizes = [1], strides = [1]} : vector<16xf32> to vector<1xf32>
    %squeeze3A_2281 = vector.extract %slice3A_2280[0] : f32 from vector<1xf32>
    %add3A_2282 = vector.broadcast %squeeze3A_2281 : f32 to vector<16xf32>
    %add3A_2283 = arith.addf %gather3A_2262, %add3A_2282 : vector<16xf32>
    %swap3A_2284 = arith.constant 17 : i32
    %swap3A_2285 = arith.index_cast %swap3A_2284 : i32 to index
    %swap3A_2286 = arith.constant 32 : index
    %swap3A_2287 = tpu.vector_load %arg7[%swap3A_2285, %swap3A_2286] {strides = array<i32>} : memref<24x256xf32, #tpu.memory_space<vmem>>, vector<16xf32>,
    tpu.vector_store %arg7[%swap3A_2285, %swap3A_2286], %add3A_2283 {strides = array<i32>} : memref<24x256xf32, #tpu.memory_space<vmem>>, vector<16xf32>,
    %slice3A_2288 = vector.extract_strided_slice %gather3A_2263 {offsets = [3], sizes = [1], strides = [1]} : vector<16xf32> to vector<1xf32>
    %squeeze3A_2289 = vector.extract %slice3A_2288[0] : f32 from vector<1xf32>
    %add3A_2290 = vector.broadcast %squeeze3A_2289 : f32 to vector<16xf32>
    %add3A_2291 = arith.addf %gather3A_2262, %add3A_2290 : vector<16xf32>
    %swap3A_2292 = arith.constant 17 : i32
    %swap3A_2293 = arith.index_cast %swap3A_2292 : i32 to index
    %swap3A_2294 = arith.constant 48 : index
    %swap3A_2295 = tpu.vector_load %arg7[%swap3A_2293, %swap3A_2294] {strides = array<i32>} : memref<24x256xf32, #tpu.memory_space<vmem>>, vector<16xf32>,
    tpu.vector_store %arg7[%swap3A_2293, %swap3A_2294], %add3A_2291 {strides = array<i32>} : memref<24x256xf32, #tpu.memory_space<vmem>>, vector<16xf32>,
    %slice3A_2296 = vector.extract_strided_slice %gather3A_2263 {offsets = [4], sizes = [1], strides = [1]} : vector<16xf32> to vector<1xf32>
    %squeeze3A_2297 = vector.extract %slice3A_2296[0] : f32 from vector<1xf32>
    %add3A_2298 = vector.broadcast %squeeze3A_2297 : f32 to vector<16xf32>
    %add3A_2299 = arith.addf %gather3A_2262, %add3A_2298 : vector<16xf32>
    %swap3A_2300 = arith.constant 17 : i32
    %swap3A_2301 = arith.index_cast %swap3A_2300 : i32 to index
    %swap3A_2302 = arith.constant 64 : index
    %swap3A_2303 = tpu.vector_load %arg7[%swap3A_2301, %swap3A_2302] {strides = array<i32>} : memref<24x256xf32, #tpu.memory_space<vmem>>, vector<16xf32>,
    tpu.vector_store %arg7[%swap3A_2301, %swap3A_2302], %add3A_2299 {strides = array<i32>} : memref<24x256xf32, #tpu.memory_space<vmem>>, vector<16xf32>,
    %slice3A_2304 = vector.extract_strided_slice %gather3A_2263 {offsets = [5], sizes = [1], strides = [1]} : vector<16xf32> to vector<1xf32>
    %squeeze3A_2305 = vector.extract %slice3A_2304[0] : f32 from vector<1xf32>
    %add3A_2306 = vector.broadcast %squeeze3A_2305 : f32 to vector<16xf32>
    %add3A_2307 = arith.addf %gather3A_2262, %add3A_2306 : vector<16xf32>
    %swap3A_2308 = arith.constant 17 : i32
    %swap3A_2309 = arith.index_cast %swap3A_2308 : i32 to index
    %swap3A_2310 = arith.constant 80 : index
    %swap3A_2311 = tpu.vector_load %arg7[%swap3A_2309, %swap3A_2310] {strides = array<i32>} : memref<24x256xf32, #tpu.memory_space<vmem>>, vector<16xf32>,
    tpu.vector_store %arg7[%swap3A_2309, %swap3A_2310], %add3A_2307 {strides = array<i32>} : memref<24x256xf32, #tpu.memory_space<vmem>>, vector<16xf32>,
    %slice3A_2312 = vector.extract_strided_slice %gather3A_2263 {offsets = [6], sizes = [1], strides = [1]} : vector<16xf32> to vector<1xf32>
    %squeeze3A_2313 = vector.extract %slice3A_2312[0] : f32 from vector<1xf32>
    %add3A_2314 = vector.broadcast %squeeze3A_2313 : f32 to vector<16xf32>
    %add3A_2315 = arith.addf %gather3A_2262, %add3A_2314 : vector<16xf32>
    %swap3A_2316 = arith.constant 17 : i32
    %swap3A_2317 = arith.index_cast %swap3A_2316 : i32 to index
    %swap3A_2318 = arith.constant 96 : index
    %swap3A_2319 = tpu.vector_load %arg7[%swap3A_2317, %swap3A_2318] {strides = array<i32>} : memref<24x256xf32, #tpu.memory_space<vmem>>, vector<16xf32>,
    tpu.vector_store %arg7[%swap3A_2317, %swap3A_2318], %add3A_2315 {strides = array<i32>} : memref<24x256xf32, #tpu.memory_space<vmem>>, vector<16xf32>,
    %slice3A_2320 = vector.extract_strided_slice %gather3A_2263 {offsets = [7], sizes = [1], strides = [1]} : vector<16xf32> to vector<1xf32>
    %squeeze3A_2321 = vector.extract %slice3A_2320[0] : f32 from vector<1xf32>
    %add3A_2322 = vector.broadcast %squeeze3A_2321 : f32 to vector<16xf32>
    %add3A_2323 = arith.addf %gather3A_2262, %add3A_2322 : vector<16xf32>
    %swap3A_2324 = arith.constant 17 : i32
    %swap3A_2325 = arith.index_cast %swap3A_2324 : i32 to index
    %swap3A_2326 = arith.constant 112 : index
    %swap3A_2327 = tpu.vector_load %arg7[%swap3A_2325, %swap3A_2326] {strides = array<i32>} : memref<24x256xf32, #tpu.memory_space<vmem>>, vector<16xf32>,
    tpu.vector_store %arg7[%swap3A_2325, %swap3A_2326], %add3A_2323 {strides = array<i32>} : memref<24x256xf32, #tpu.memory_space<vmem>>, vector<16xf32>,
    %slice3A_2328 = vector.extract_strided_slice %gather3A_2263 {offsets = [8], sizes = [1], strides = [1]} : vector<16xf32> to vector<1xf32>
    %squeeze3A_2329 = vector.extract %slice3A_2328[0] : f32 from vector<1xf32>
    %add3A_2330 = vector.broadcast %squeeze3A_2329 : f32 to vector<16xf32>
    %add3A_2331 = arith.addf %gather3A_2262, %add3A_2330 : vector<16xf32>
    %swap3A_2332 = arith.constant 17 : i32
    %swap3A_2333 = arith.index_cast %swap3A_2332 : i32 to index
    %swap3A_2334 = arith.constant 128 : index
    %swap3A_2335 = tpu.vector_load %arg7[%swap3A_2333, %swap3A_2334] {strides = array<i32>} : memref<24x256xf32, #tpu.memory_space<vmem>>, vector<16xf32>,
    tpu.vector_store %arg7[%swap3A_2333, %swap3A_2334], %add3A_2331 {strides = array<i32>} : memref<24x256xf32, #tpu.memory_space<vmem>>, vector<16xf32>,
    %slice3A_2336 = vector.extract_strided_slice %gather3A_2263 {offsets = [9], sizes = [1], strides = [1]} : vector<16xf32> to vector<1xf32>
    %squeeze3A_2337 = vector.extract %slice3A_2336[0] : f32 from vector<1xf32>
    %add3A_2338 = vector.broadcast %squeeze3A_2337 : f32 to vector<16xf32>
    %add3A_2339 = arith.addf %gather3A_2262, %add3A_2338 : vector<16xf32>
    %swap3A_2340 = arith.constant 17 : i32
    %swap3A_2341 = arith.index_cast %swap3A_2340 : i32 to index
    %swap3A_2342 = arith.constant 144 : index
    %swap3A_2343 = tpu.vector_load %arg7[%swap3A_2341, %swap3A_2342] {strides = array<i32>} : memref<24x256xf32, #tpu.memory_space<vmem>>, vector<16xf32>,
    tpu.vector_store %arg7[%swap3A_2341, %swap3A_2342], %add3A_2339 {strides = array<i32>} : memref<24x256xf32, #tpu.memory_space<vmem>>, vector<16xf32>,
    %slice3A_2344 = vector.extract_strided_slice %gather3A_2263 {offsets = [10], sizes = [1], strides = [1]} : vector<16xf32> to vector<1xf32>
    %squeeze3A_2345 = vector.extract %slice3A_2344[0] : f32 from vector<1xf32>
    %add3A_2346 = vector.broadcast %squeeze3A_2345 : f32 to vector<16xf32>
    %add3A_2347 = arith.addf %gather3A_2262, %add3A_2346 : vector<16xf32>
    %swap3A_2348 = arith.constant 17 : i32
    %swap3A_2349 = arith.index_cast %swap3A_2348 : i32 to index
    %swap3A_2350 = arith.constant 160 : index
    %swap3A_2351 = tpu.vector_load %arg7[%swap3A_2349, %swap3A_2350] {strides = array<i32>} : memref<24x256xf32, #tpu.memory_space<vmem>>, vector<16xf32>,
    tpu.vector_store %arg7[%swap3A_2349, %swap3A_2350], %add3A_2347 {strides = array<i32>} : memref<24x256xf32, #tpu.memory_space<vmem>>, vector<16xf32>,
    %slice3A_2352 = vector.extract_strided_slice %gather3A_2263 {offsets = [11], sizes = [1], strides = [1]} : vector<16xf32> to vector<1xf32>
    %squeeze3A_2353 = vector.extract %slice3A_2352[0] : f32 from vector<1xf32>
    %add3A_2354 = vector.broadcast %squeeze3A_2353 : f32 to vector<16xf32>
    %add3A_2355 = arith.addf %gather3A_2262, %add3A_2354 : vector<16xf32>
    %swap3A_2356 = arith.constant 17 : i32
    %swap3A_2357 = arith.index_cast %swap3A_2356 : i32 to index
    %swap3A_2358 = arith.constant 176 : index
    %swap3A_2359 = tpu.vector_load %arg7[%swap3A_2357, %swap3A_2358] {strides = array<i32>} : memref<24x256xf32, #tpu.memory_space<vmem>>, vector<16xf32>,
    tpu.vector_store %arg7[%swap3A_2357, %swap3A_2358], %add3A_2355 {strides = array<i32>} : memref<24x256xf32, #tpu.memory_space<vmem>>, vector<16xf32>,
    %slice3A_2360 = vector.extract_strided_slice %gather3A_2263 {offsets = [12], sizes = [1], strides = [1]} : vector<16xf32> to vector<1xf32>
    %squeeze3A_2361 = vector.extract %slice3A_2360[0] : f32 from vector<1xf32>
    %add3A_2362 = vector.broadcast %squeeze3A_2361 : f32 to vector<16xf32>
    %add3A_2363 = arith.addf %gather3A_2262, %add3A_2362 : vector<16xf32>
    %swap3A_2364 = arith.constant 17 : i32
    %swap3A_2365 = arith.index_cast %swap3A_2364 : i32 to index
    %swap3A_2366 = arith.constant 192 : index
    %swap3A_2367 = tpu.vector_load %arg7[%swap3A_2365, %swap3A_2366] {strides = array<i32>} : memref<24x256xf32, #tpu.memory_space<vmem>>, vector<16xf32>,
    tpu.vector_store %arg7[%swap3A_2365, %swap3A_2366], %add3A_2363 {strides = array<i32>} : memref<24x256xf32, #tpu.memory_space<vmem>>, vector<16xf32>,
    %slice3A_2368 = vector.extract_strided_slice %gather3A_2263 {offsets = [13], sizes = [1], strides = [1]} : vector<16xf32> to vector<1xf32>
    %squeeze3A_2369 = vector.extract %slice3A_2368[0] : f32 from vector<1xf32>
    %add3A_2370 = vector.broadcast %squeeze3A_2369 : f32 to vector<16xf32>
    %add3A_2371 = arith.addf %gather3A_2262, %add3A_2370 : vector<16xf32>
    %swap3A_2372 = arith.constant 17 : i32
    %swap3A_2373 = arith.index_cast %swap3A_2372 : i32 to index
    %swap3A_2374 = arith.constant 208 : index
    %swap3A_2375 = tpu.vector_load %arg7[%swap3A_2373, %swap3A_2374] {strides = array<i32>} : memref<24x256xf32, #tpu.memory_space<vmem>>, vector<16xf32>,
    tpu.vector_store %arg7[%swap3A_2373, %swap3A_2374], %add3A_2371 {strides = array<i32>} : memref<24x256xf32, #tpu.memory_space<vmem>>, vector<16xf32>,
    %slice3A_2376 = vector.extract_strided_slice %gather3A_2263 {offsets = [14], sizes = [1], strides = [1]} : vector<16xf32> to vector<1xf32>
    %squeeze3A_2377 = vector.extract %slice3A_2376[0] : f32 from vector<1xf32>
    %add3A_2378 = vector.broadcast %squeeze3A_2377 : f32 to vector<16xf32>
    %add3A_2379 = arith.addf %gather3A_2262, %add3A_2378 : vector<16xf32>
    %swap3A_2380 = arith.constant 17 : i32
    %swap3A_2381 = arith.index_cast %swap3A_2380 : i32 to index
    %swap3A_2382 = arith.constant 224 : index
    %swap3A_2383 = tpu.vector_load %arg7[%swap3A_2381, %swap3A_2382] {strides = array<i32>} : memref<24x256xf32, #tpu.memory_space<vmem>>, vector<16xf32>,
    tpu.vector_store %arg7[%swap3A_2381, %swap3A_2382], %add3A_2379 {strides = array<i32>} : memref<24x256xf32, #tpu.memory_space<vmem>>, vector<16xf32>,
    %slice3A_2384 = vector.extract_strided_slice %gather3A_2263 {offsets = [15], sizes = [1], strides = [1]} : vector<16xf32> to vector<1xf32>
    %squeeze3A_2385 = vector.extract %slice3A_2384[0] : f32 from vector<1xf32>
    %add3A_2386 = vector.broadcast %squeeze3A_2385 : f32 to vector<16xf32>
    %add3A_2387 = arith.addf %gather3A_2262, %add3A_2386 : vector<16xf32>
    %swap3A_2388 = arith.constant 17 : i32
    %swap3A_2389 = arith.index_cast %swap3A_2388 : i32 to index
    %swap3A_2390 = arith.constant 240 : index
    %swap3A_2391 = tpu.vector_load %arg7[%swap3A_2389, %swap3A_2390] {strides = array<i32>} : memref<24x256xf32, #tpu.memory_space<vmem>>, vector<16xf32>,
    tpu.vector_store %arg7[%swap3A_2389, %swap3A_2390], %add3A_2387 {strides = array<i32>} : memref<24x256xf32, #tpu.memory_space<vmem>>, vector<16xf32>,
    %add3A_2392 = arith.constant 18 : i32
    %add3A_2393 = arith.addi %mul3A_2, %add3A_2392 : i32
    %broadcast_in_dim3A_2394 = vector.broadcast %add3A_2393 : i32 to vector<16xi32>
    %gather3A_2395 = tpu.vector_load_idx %arg6[%iota3A, %broadcast_in_dim3A_2394] : memref<16x768xf32, #tpu.memory_space<vmem>>[vector<16xi32>, vector<16xi32>], vector<16xf32>,
    %gather3A_2396 = tpu.vector_load_idx %arg5[%iota3A, %broadcast_in_dim3A_2394] : memref<16x768xf32, #tpu.memory_space<vmem>>[vector<16xi32>, vector<16xi32>], vector<16xf32>,
    %slice3A_2397 = vector.extract_strided_slice %gather3A_2396 {offsets = [0], sizes = [1], strides = [1]} : vector<16xf32> to vector<1xf32>
    %squeeze3A_2398 = vector.extract %slice3A_2397[0] : f32 from vector<1xf32>
    %add3A_2399 = vector.broadcast %squeeze3A_2398 : f32 to vector<16xf32>
    %add3A_2400 = arith.addf %gather3A_2395, %add3A_2399 : vector<16xf32>
    %swap3A_2401 = arith.constant 18 : i32
    %swap3A_2402 = arith.index_cast %swap3A_2401 : i32 to index
    %swap3A_2403 = arith.constant 0 : index
    %swap3A_2404 = tpu.vector_load %arg7[%swap3A_2402, %swap3A_2403] {strides = array<i32>} : memref<24x256xf32, #tpu.memory_space<vmem>>, vector<16xf32>,
    tpu.vector_store %arg7[%swap3A_2402, %swap3A_2403], %add3A_2400 {strides = array<i32>} : memref<24x256xf32, #tpu.memory_space<vmem>>, vector<16xf32>,
    %slice3A_2405 = vector.extract_strided_slice %gather3A_2396 {offsets = [1], sizes = [1], strides = [1]} : vector<16xf32> to vector<1xf32>
    %squeeze3A_2406 = vector.extract %slice3A_2405[0] : f32 from vector<1xf32>
    %add3A_2407 = vector.broadcast %squeeze3A_2406 : f32 to vector<16xf32>
    %add3A_2408 = arith.addf %gather3A_2395, %add3A_2407 : vector<16xf32>
    %swap3A_2409 = arith.constant 18 : i32
    %swap3A_2410 = arith.index_cast %swap3A_2409 : i32 to index
    %swap3A_2411 = arith.constant 16 : index
    %swap3A_2412 = tpu.vector_load %arg7[%swap3A_2410, %swap3A_2411] {strides = array<i32>} : memref<24x256xf32, #tpu.memory_space<vmem>>, vector<16xf32>,
    tpu.vector_store %arg7[%swap3A_2410, %swap3A_2411], %add3A_2408 {strides = array<i32>} : memref<24x256xf32, #tpu.memory_space<vmem>>, vector<16xf32>,
    %slice3A_2413 = vector.extract_strided_slice %gather3A_2396 {offsets = [2], sizes = [1], strides = [1]} : vector<16xf32> to vector<1xf32>
    %squeeze3A_2414 = vector.extract %slice3A_2413[0] : f32 from vector<1xf32>
    %add3A_2415 = vector.broadcast %squeeze3A_2414 : f32 to vector<16xf32>
    %add3A_2416 = arith.addf %gather3A_2395, %add3A_2415 : vector<16xf32>
    %swap3A_2417 = arith.constant 18 : i32
    %swap3A_2418 = arith.index_cast %swap3A_2417 : i32 to index
    %swap3A_2419 = arith.constant 32 : index
    %swap3A_2420 = tpu.vector_load %arg7[%swap3A_2418, %swap3A_2419] {strides = array<i32>} : memref<24x256xf32, #tpu.memory_space<vmem>>, vector<16xf32>,
    tpu.vector_store %arg7[%swap3A_2418, %swap3A_2419], %add3A_2416 {strides = array<i32>} : memref<24x256xf32, #tpu.memory_space<vmem>>, vector<16xf32>,
    %slice3A_2421 = vector.extract_strided_slice %gather3A_2396 {offsets = [3], sizes = [1], strides = [1]} : vector<16xf32> to vector<1xf32>
    %squeeze3A_2422 = vector.extract %slice3A_2421[0] : f32 from vector<1xf32>
    %add3A_2423 = vector.broadcast %squeeze3A_2422 : f32 to vector<16xf32>
    %add3A_2424 = arith.addf %gather3A_2395, %add3A_2423 : vector<16xf32>
    %swap3A_2425 = arith.constant 18 : i32
    %swap3A_2426 = arith.index_cast %swap3A_2425 : i32 to index
    %swap3A_2427 = arith.constant 48 : index
    %swap3A_2428 = tpu.vector_load %arg7[%swap3A_2426, %swap3A_2427] {strides = array<i32>} : memref<24x256xf32, #tpu.memory_space<vmem>>, vector<16xf32>,
    tpu.vector_store %arg7[%swap3A_2426, %swap3A_2427], %add3A_2424 {strides = array<i32>} : memref<24x256xf32, #tpu.memory_space<vmem>>, vector<16xf32>,
    %slice3A_2429 = vector.extract_strided_slice %gather3A_2396 {offsets = [4], sizes = [1], strides = [1]} : vector<16xf32> to vector<1xf32>
    %squeeze3A_2430 = vector.extract %slice3A_2429[0] : f32 from vector<1xf32>
    %add3A_2431 = vector.broadcast %squeeze3A_2430 : f32 to vector<16xf32>
    %add3A_2432 = arith.addf %gather3A_2395, %add3A_2431 : vector<16xf32>
    %swap3A_2433 = arith.constant 18 : i32
    %swap3A_2434 = arith.index_cast %swap3A_2433 : i32 to index
    %swap3A_2435 = arith.constant 64 : index
    %swap3A_2436 = tpu.vector_load %arg7[%swap3A_2434, %swap3A_2435] {strides = array<i32>} : memref<24x256xf32, #tpu.memory_space<vmem>>, vector<16xf32>,
    tpu.vector_store %arg7[%swap3A_2434, %swap3A_2435], %add3A_2432 {strides = array<i32>} : memref<24x256xf32, #tpu.memory_space<vmem>>, vector<16xf32>,
    %slice3A_2437 = vector.extract_strided_slice %gather3A_2396 {offsets = [5], sizes = [1], strides = [1]} : vector<16xf32> to vector<1xf32>
    %squeeze3A_2438 = vector.extract %slice3A_2437[0] : f32 from vector<1xf32>
    %add3A_2439 = vector.broadcast %squeeze3A_2438 : f32 to vector<16xf32>
    %add3A_2440 = arith.addf %gather3A_2395, %add3A_2439 : vector<16xf32>
    %swap3A_2441 = arith.constant 18 : i32
    %swap3A_2442 = arith.index_cast %swap3A_2441 : i32 to index
    %swap3A_2443 = arith.constant 80 : index
    %swap3A_2444 = tpu.vector_load %arg7[%swap3A_2442, %swap3A_2443] {strides = array<i32>} : memref<24x256xf32, #tpu.memory_space<vmem>>, vector<16xf32>,
    tpu.vector_store %arg7[%swap3A_2442, %swap3A_2443], %add3A_2440 {strides = array<i32>} : memref<24x256xf32, #tpu.memory_space<vmem>>, vector<16xf32>,
    %slice3A_2445 = vector.extract_strided_slice %gather3A_2396 {offsets = [6], sizes = [1], strides = [1]} : vector<16xf32> to vector<1xf32>
    %squeeze3A_2446 = vector.extract %slice3A_2445[0] : f32 from vector<1xf32>
    %add3A_2447 = vector.broadcast %squeeze3A_2446 : f32 to vector<16xf32>
    %add3A_2448 = arith.addf %gather3A_2395, %add3A_2447 : vector<16xf32>
    %swap3A_2449 = arith.constant 18 : i32
    %swap3A_2450 = arith.index_cast %swap3A_2449 : i32 to index
    %swap3A_2451 = arith.constant 96 : index
    %swap3A_2452 = tpu.vector_load %arg7[%swap3A_2450, %swap3A_2451] {strides = array<i32>} : memref<24x256xf32, #tpu.memory_space<vmem>>, vector<16xf32>,
    tpu.vector_store %arg7[%swap3A_2450, %swap3A_2451], %add3A_2448 {strides = array<i32>} : memref<24x256xf32, #tpu.memory_space<vmem>>, vector<16xf32>,
    %slice3A_2453 = vector.extract_strided_slice %gather3A_2396 {offsets = [7], sizes = [1], strides = [1]} : vector<16xf32> to vector<1xf32>
    %squeeze3A_2454 = vector.extract %slice3A_2453[0] : f32 from vector<1xf32>
    %add3A_2455 = vector.broadcast %squeeze3A_2454 : f32 to vector<16xf32>
    %add3A_2456 = arith.addf %gather3A_2395, %add3A_2455 : vector<16xf32>
    %swap3A_2457 = arith.constant 18 : i32
    %swap3A_2458 = arith.index_cast %swap3A_2457 : i32 to index
    %swap3A_2459 = arith.constant 112 : index
    %swap3A_2460 = tpu.vector_load %arg7[%swap3A_2458, %swap3A_2459] {strides = array<i32>} : memref<24x256xf32, #tpu.memory_space<vmem>>, vector<16xf32>,
    tpu.vector_store %arg7[%swap3A_2458, %swap3A_2459], %add3A_2456 {strides = array<i32>} : memref<24x256xf32, #tpu.memory_space<vmem>>, vector<16xf32>,
    %slice3A_2461 = vector.extract_strided_slice %gather3A_2396 {offsets = [8], sizes = [1], strides = [1]} : vector<16xf32> to vector<1xf32>
    %squeeze3A_2462 = vector.extract %slice3A_2461[0] : f32 from vector<1xf32>
    %add3A_2463 = vector.broadcast %squeeze3A_2462 : f32 to vector<16xf32>
    %add3A_2464 = arith.addf %gather3A_2395, %add3A_2463 : vector<16xf32>
    %swap3A_2465 = arith.constant 18 : i32
    %swap3A_2466 = arith.index_cast %swap3A_2465 : i32 to index
    %swap3A_2467 = arith.constant 128 : index
    %swap3A_2468 = tpu.vector_load %arg7[%swap3A_2466, %swap3A_2467] {strides = array<i32>} : memref<24x256xf32, #tpu.memory_space<vmem>>, vector<16xf32>,
    tpu.vector_store %arg7[%swap3A_2466, %swap3A_2467], %add3A_2464 {strides = array<i32>} : memref<24x256xf32, #tpu.memory_space<vmem>>, vector<16xf32>,
    %slice3A_2469 = vector.extract_strided_slice %gather3A_2396 {offsets = [9], sizes = [1], strides = [1]} : vector<16xf32> to vector<1xf32>
    %squeeze3A_2470 = vector.extract %slice3A_2469[0] : f32 from vector<1xf32>
    %add3A_2471 = vector.broadcast %squeeze3A_2470 : f32 to vector<16xf32>
    %add3A_2472 = arith.addf %gather3A_2395, %add3A_2471 : vector<16xf32>
    %swap3A_2473 = arith.constant 18 : i32
    %swap3A_2474 = arith.index_cast %swap3A_2473 : i32 to index
    %swap3A_2475 = arith.constant 144 : index
    %swap3A_2476 = tpu.vector_load %arg7[%swap3A_2474, %swap3A_2475] {strides = array<i32>} : memref<24x256xf32, #tpu.memory_space<vmem>>, vector<16xf32>,
    tpu.vector_store %arg7[%swap3A_2474, %swap3A_2475], %add3A_2472 {strides = array<i32>} : memref<24x256xf32, #tpu.memory_space<vmem>>, vector<16xf32>,
    %slice3A_2477 = vector.extract_strided_slice %gather3A_2396 {offsets = [10], sizes = [1], strides = [1]} : vector<16xf32> to vector<1xf32>
    %squeeze3A_2478 = vector.extract %slice3A_2477[0] : f32 from vector<1xf32>
    %add3A_2479 = vector.broadcast %squeeze3A_2478 : f32 to vector<16xf32>
    %add3A_2480 = arith.addf %gather3A_2395, %add3A_2479 : vector<16xf32>
    %swap3A_2481 = arith.constant 18 : i32
    %swap3A_2482 = arith.index_cast %swap3A_2481 : i32 to index
    %swap3A_2483 = arith.constant 160 : index
    %swap3A_2484 = tpu.vector_load %arg7[%swap3A_2482, %swap3A_2483] {strides = array<i32>} : memref<24x256xf32, #tpu.memory_space<vmem>>, vector<16xf32>,
    tpu.vector_store %arg7[%swap3A_2482, %swap3A_2483], %add3A_2480 {strides = array<i32>} : memref<24x256xf32, #tpu.memory_space<vmem>>, vector<16xf32>,
    %slice3A_2485 = vector.extract_strided_slice %gather3A_2396 {offsets = [11], sizes = [1], strides = [1]} : vector<16xf32> to vector<1xf32>
    %squeeze3A_2486 = vector.extract %slice3A_2485[0] : f32 from vector<1xf32>
    %add3A_2487 = vector.broadcast %squeeze3A_2486 : f32 to vector<16xf32>
    %add3A_2488 = arith.addf %gather3A_2395, %add3A_2487 : vector<16xf32>
    %swap3A_2489 = arith.constant 18 : i32
    %swap3A_2490 = arith.index_cast %swap3A_2489 : i32 to index
    %swap3A_2491 = arith.constant 176 : index
    %swap3A_2492 = tpu.vector_load %arg7[%swap3A_2490, %swap3A_2491] {strides = array<i32>} : memref<24x256xf32, #tpu.memory_space<vmem>>, vector<16xf32>,
    tpu.vector_store %arg7[%swap3A_2490, %swap3A_2491], %add3A_2488 {strides = array<i32>} : memref<24x256xf32, #tpu.memory_space<vmem>>, vector<16xf32>,
    %slice3A_2493 = vector.extract_strided_slice %gather3A_2396 {offsets = [12], sizes = [1], strides = [1]} : vector<16xf32> to vector<1xf32>
    %squeeze3A_2494 = vector.extract %slice3A_2493[0] : f32 from vector<1xf32>
    %add3A_2495 = vector.broadcast %squeeze3A_2494 : f32 to vector<16xf32>
    %add3A_2496 = arith.addf %gather3A_2395, %add3A_2495 : vector<16xf32>
    %swap3A_2497 = arith.constant 18 : i32
    %swap3A_2498 = arith.index_cast %swap3A_2497 : i32 to index
    %swap3A_2499 = arith.constant 192 : index
    %swap3A_2500 = tpu.vector_load %arg7[%swap3A_2498, %swap3A_2499] {strides = array<i32>} : memref<24x256xf32, #tpu.memory_space<vmem>>, vector<16xf32>,
    tpu.vector_store %arg7[%swap3A_2498, %swap3A_2499], %add3A_2496 {strides = array<i32>} : memref<24x256xf32, #tpu.memory_space<vmem>>, vector<16xf32>,
    %slice3A_2501 = vector.extract_strided_slice %gather3A_2396 {offsets = [13], sizes = [1], strides = [1]} : vector<16xf32> to vector<1xf32>
    %squeeze3A_2502 = vector.extract %slice3A_2501[0] : f32 from vector<1xf32>
    %add3A_2503 = vector.broadcast %squeeze3A_2502 : f32 to vector<16xf32>
    %add3A_2504 = arith.addf %gather3A_2395, %add3A_2503 : vector<16xf32>
    %swap3A_2505 = arith.constant 18 : i32
    %swap3A_2506 = arith.index_cast %swap3A_2505 : i32 to index
    %swap3A_2507 = arith.constant 208 : index
    %swap3A_2508 = tpu.vector_load %arg7[%swap3A_2506, %swap3A_2507] {strides = array<i32>} : memref<24x256xf32, #tpu.memory_space<vmem>>, vector<16xf32>,
    tpu.vector_store %arg7[%swap3A_2506, %swap3A_2507], %add3A_2504 {strides = array<i32>} : memref<24x256xf32, #tpu.memory_space<vmem>>, vector<16xf32>,
    %slice3A_2509 = vector.extract_strided_slice %gather3A_2396 {offsets = [14], sizes = [1], strides = [1]} : vector<16xf32> to vector<1xf32>
    %squeeze3A_2510 = vector.extract %slice3A_2509[0] : f32 from vector<1xf32>
    %add3A_2511 = vector.broadcast %squeeze3A_2510 : f32 to vector<16xf32>
    %add3A_2512 = arith.addf %gather3A_2395, %add3A_2511 : vector<16xf32>
    %swap3A_2513 = arith.constant 18 : i32
    %swap3A_2514 = arith.index_cast %swap3A_2513 : i32 to index
    %swap3A_2515 = arith.constant 224 : index
    %swap3A_2516 = tpu.vector_load %arg7[%swap3A_2514, %swap3A_2515] {strides = array<i32>} : memref<24x256xf32, #tpu.memory_space<vmem>>, vector<16xf32>,
    tpu.vector_store %arg7[%swap3A_2514, %swap3A_2515], %add3A_2512 {strides = array<i32>} : memref<24x256xf32, #tpu.memory_space<vmem>>, vector<16xf32>,
    %slice3A_2517 = vector.extract_strided_slice %gather3A_2396 {offsets = [15], sizes = [1], strides = [1]} : vector<16xf32> to vector<1xf32>
    %squeeze3A_2518 = vector.extract %slice3A_2517[0] : f32 from vector<1xf32>
    %add3A_2519 = vector.broadcast %squeeze3A_2518 : f32 to vector<16xf32>
    %add3A_2520 = arith.addf %gather3A_2395, %add3A_2519 : vector<16xf32>
    %swap3A_2521 = arith.constant 18 : i32
    %swap3A_2522 = arith.index_cast %swap3A_2521 : i32 to index
    %swap3A_2523 = arith.constant 240 : index
    %swap3A_2524 = tpu.vector_load %arg7[%swap3A_2522, %swap3A_2523] {strides = array<i32>} : memref<24x256xf32, #tpu.memory_space<vmem>>, vector<16xf32>,
    tpu.vector_store %arg7[%swap3A_2522, %swap3A_2523], %add3A_2520 {strides = array<i32>} : memref<24x256xf32, #tpu.memory_space<vmem>>, vector<16xf32>,
    %add3A_2525 = arith.constant 19 : i32
    %add3A_2526 = arith.addi %mul3A_2, %add3A_2525 : i32
    %broadcast_in_dim3A_2527 = vector.broadcast %add3A_2526 : i32 to vector<16xi32>
    %gather3A_2528 = tpu.vector_load_idx %arg6[%iota3A, %broadcast_in_dim3A_2527] : memref<16x768xf32, #tpu.memory_space<vmem>>[vector<16xi32>, vector<16xi32>], vector<16xf32>,
    %gather3A_2529 = tpu.vector_load_idx %arg5[%iota3A, %broadcast_in_dim3A_2527] : memref<16x768xf32, #tpu.memory_space<vmem>>[vector<16xi32>, vector<16xi32>], vector<16xf32>,
    %slice3A_2530 = vector.extract_strided_slice %gather3A_2529 {offsets = [0], sizes = [1], strides = [1]} : vector<16xf32> to vector<1xf32>
    %squeeze3A_2531 = vector.extract %slice3A_2530[0] : f32 from vector<1xf32>
    %add3A_2532 = vector.broadcast %squeeze3A_2531 : f32 to vector<16xf32>
    %add3A_2533 = arith.addf %gather3A_2528, %add3A_2532 : vector<16xf32>
    %swap3A_2534 = arith.constant 19 : i32
    %swap3A_2535 = arith.index_cast %swap3A_2534 : i32 to index
    %swap3A_2536 = arith.constant 0 : index
    %swap3A_2537 = tpu.vector_load %arg7[%swap3A_2535, %swap3A_2536] {strides = array<i32>} : memref<24x256xf32, #tpu.memory_space<vmem>>, vector<16xf32>,
    tpu.vector_store %arg7[%swap3A_2535, %swap3A_2536], %add3A_2533 {strides = array<i32>} : memref<24x256xf32, #tpu.memory_space<vmem>>, vector<16xf32>,
    %slice3A_2538 = vector.extract_strided_slice %gather3A_2529 {offsets = [1], sizes = [1], strides = [1]} : vector<16xf32> to vector<1xf32>
    %squeeze3A_2539 = vector.extract %slice3A_2538[0] : f32 from vector<1xf32>
    %add3A_2540 = vector.broadcast %squeeze3A_2539 : f32 to vector<16xf32>
    %add3A_2541 = arith.addf %gather3A_2528, %add3A_2540 : vector<16xf32>
    %swap3A_2542 = arith.constant 19 : i32
    %swap3A_2543 = arith.index_cast %swap3A_2542 : i32 to index
    %swap3A_2544 = arith.constant 16 : index
    %swap3A_2545 = tpu.vector_load %arg7[%swap3A_2543, %swap3A_2544] {strides = array<i32>} : memref<24x256xf32, #tpu.memory_space<vmem>>, vector<16xf32>,
    tpu.vector_store %arg7[%swap3A_2543, %swap3A_2544], %add3A_2541 {strides = array<i32>} : memref<24x256xf32, #tpu.memory_space<vmem>>, vector<16xf32>,
    %slice3A_2546 = vector.extract_strided_slice %gather3A_2529 {offsets = [2], sizes = [1], strides = [1]} : vector<16xf32> to vector<1xf32>
    %squeeze3A_2547 = vector.extract %slice3A_2546[0] : f32 from vector<1xf32>
    %add3A_2548 = vector.broadcast %squeeze3A_2547 : f32 to vector<16xf32>
    %add3A_2549 = arith.addf %gather3A_2528, %add3A_2548 : vector<16xf32>
    %swap3A_2550 = arith.constant 19 : i32
    %swap3A_2551 = arith.index_cast %swap3A_2550 : i32 to index
    %swap3A_2552 = arith.constant 32 : index
    %swap3A_2553 = tpu.vector_load %arg7[%swap3A_2551, %swap3A_2552] {strides = array<i32>} : memref<24x256xf32, #tpu.memory_space<vmem>>, vector<16xf32>,
    tpu.vector_store %arg7[%swap3A_2551, %swap3A_2552], %add3A_2549 {strides = array<i32>} : memref<24x256xf32, #tpu.memory_space<vmem>>, vector<16xf32>,
    %slice3A_2554 = vector.extract_strided_slice %gather3A_2529 {offsets = [3], sizes = [1], strides = [1]} : vector<16xf32> to vector<1xf32>
    %squeeze3A_2555 = vector.extract %slice3A_2554[0] : f32 from vector<1xf32>
    %add3A_2556 = vector.broadcast %squeeze3A_2555 : f32 to vector<16xf32>
    %add3A_2557 = arith.addf %gather3A_2528, %add3A_2556 : vector<16xf32>
    %swap3A_2558 = arith.constant 19 : i32
    %swap3A_2559 = arith.index_cast %swap3A_2558 : i32 to index
    %swap3A_2560 = arith.constant 48 : index
    %swap3A_2561 = tpu.vector_load %arg7[%swap3A_2559, %swap3A_2560] {strides = array<i32>} : memref<24x256xf32, #tpu.memory_space<vmem>>, vector<16xf32>,
    tpu.vector_store %arg7[%swap3A_2559, %swap3A_2560], %add3A_2557 {strides = array<i32>} : memref<24x256xf32, #tpu.memory_space<vmem>>, vector<16xf32>,
    %slice3A_2562 = vector.extract_strided_slice %gather3A_2529 {offsets = [4], sizes = [1], strides = [1]} : vector<16xf32> to vector<1xf32>
    %squeeze3A_2563 = vector.extract %slice3A_2562[0] : f32 from vector<1xf32>
    %add3A_2564 = vector.broadcast %squeeze3A_2563 : f32 to vector<16xf32>
    %add3A_2565 = arith.addf %gather3A_2528, %add3A_2564 : vector<16xf32>
    %swap3A_2566 = arith.constant 19 : i32
    %swap3A_2567 = arith.index_cast %swap3A_2566 : i32 to index
    %swap3A_2568 = arith.constant 64 : index
    %swap3A_2569 = tpu.vector_load %arg7[%swap3A_2567, %swap3A_2568] {strides = array<i32>} : memref<24x256xf32, #tpu.memory_space<vmem>>, vector<16xf32>,
    tpu.vector_store %arg7[%swap3A_2567, %swap3A_2568], %add3A_2565 {strides = array<i32>} : memref<24x256xf32, #tpu.memory_space<vmem>>, vector<16xf32>,
    %slice3A_2570 = vector.extract_strided_slice %gather3A_2529 {offsets = [5], sizes = [1], strides = [1]} : vector<16xf32> to vector<1xf32>
    %squeeze3A_2571 = vector.extract %slice3A_2570[0] : f32 from vector<1xf32>
    %add3A_2572 = vector.broadcast %squeeze3A_2571 : f32 to vector<16xf32>
    %add3A_2573 = arith.addf %gather3A_2528, %add3A_2572 : vector<16xf32>
    %swap3A_2574 = arith.constant 19 : i32
    %swap3A_2575 = arith.index_cast %swap3A_2574 : i32 to index
    %swap3A_2576 = arith.constant 80 : index
    %swap3A_2577 = tpu.vector_load %arg7[%swap3A_2575, %swap3A_2576] {strides = array<i32>} : memref<24x256xf32, #tpu.memory_space<vmem>>, vector<16xf32>,
    tpu.vector_store %arg7[%swap3A_2575, %swap3A_2576], %add3A_2573 {strides = array<i32>} : memref<24x256xf32, #tpu.memory_space<vmem>>, vector<16xf32>,
    %slice3A_2578 = vector.extract_strided_slice %gather3A_2529 {offsets = [6], sizes = [1], strides = [1]} : vector<16xf32> to vector<1xf32>
    %squeeze3A_2579 = vector.extract %slice3A_2578[0] : f32 from vector<1xf32>
    %add3A_2580 = vector.broadcast %squeeze3A_2579 : f32 to vector<16xf32>
    %add3A_2581 = arith.addf %gather3A_2528, %add3A_2580 : vector<16xf32>
    %swap3A_2582 = arith.constant 19 : i32
    %swap3A_2583 = arith.index_cast %swap3A_2582 : i32 to index
    %swap3A_2584 = arith.constant 96 : index
    %swap3A_2585 = tpu.vector_load %arg7[%swap3A_2583, %swap3A_2584] {strides = array<i32>} : memref<24x256xf32, #tpu.memory_space<vmem>>, vector<16xf32>,
    tpu.vector_store %arg7[%swap3A_2583, %swap3A_2584], %add3A_2581 {strides = array<i32>} : memref<24x256xf32, #tpu.memory_space<vmem>>, vector<16xf32>,
    %slice3A_2586 = vector.extract_strided_slice %gather3A_2529 {offsets = [7], sizes = [1], strides = [1]} : vector<16xf32> to vector<1xf32>
    %squeeze3A_2587 = vector.extract %slice3A_2586[0] : f32 from vector<1xf32>
    %add3A_2588 = vector.broadcast %squeeze3A_2587 : f32 to vector<16xf32>
    %add3A_2589 = arith.addf %gather3A_2528, %add3A_2588 : vector<16xf32>
    %swap3A_2590 = arith.constant 19 : i32
    %swap3A_2591 = arith.index_cast %swap3A_2590 : i32 to index
    %swap3A_2592 = arith.constant 112 : index
    %swap3A_2593 = tpu.vector_load %arg7[%swap3A_2591, %swap3A_2592] {strides = array<i32>} : memref<24x256xf32, #tpu.memory_space<vmem>>, vector<16xf32>,
    tpu.vector_store %arg7[%swap3A_2591, %swap3A_2592], %add3A_2589 {strides = array<i32>} : memref<24x256xf32, #tpu.memory_space<vmem>>, vector<16xf32>,
    %slice3A_2594 = vector.extract_strided_slice %gather3A_2529 {offsets = [8], sizes = [1], strides = [1]} : vector<16xf32> to vector<1xf32>
    %squeeze3A_2595 = vector.extract %slice3A_2594[0] : f32 from vector<1xf32>
    %add3A_2596 = vector.broadcast %squeeze3A_2595 : f32 to vector<16xf32>
    %add3A_2597 = arith.addf %gather3A_2528, %add3A_2596 : vector<16xf32>
    %swap3A_2598 = arith.constant 19 : i32
    %swap3A_2599 = arith.index_cast %swap3A_2598 : i32 to index
    %swap3A_2600 = arith.constant 128 : index
    %swap3A_2601 = tpu.vector_load %arg7[%swap3A_2599, %swap3A_2600] {strides = array<i32>} : memref<24x256xf32, #tpu.memory_space<vmem>>, vector<16xf32>,
    tpu.vector_store %arg7[%swap3A_2599, %swap3A_2600], %add3A_2597 {strides = array<i32>} : memref<24x256xf32, #tpu.memory_space<vmem>>, vector<16xf32>,
    %slice3A_2602 = vector.extract_strided_slice %gather3A_2529 {offsets = [9], sizes = [1], strides = [1]} : vector<16xf32> to vector<1xf32>
    %squeeze3A_2603 = vector.extract %slice3A_2602[0] : f32 from vector<1xf32>
    %add3A_2604 = vector.broadcast %squeeze3A_2603 : f32 to vector<16xf32>
    %add3A_2605 = arith.addf %gather3A_2528, %add3A_2604 : vector<16xf32>
    %swap3A_2606 = arith.constant 19 : i32
    %swap3A_2607 = arith.index_cast %swap3A_2606 : i32 to index
    %swap3A_2608 = arith.constant 144 : index
    %swap3A_2609 = tpu.vector_load %arg7[%swap3A_2607, %swap3A_2608] {strides = array<i32>} : memref<24x256xf32, #tpu.memory_space<vmem>>, vector<16xf32>,
    tpu.vector_store %arg7[%swap3A_2607, %swap3A_2608], %add3A_2605 {strides = array<i32>} : memref<24x256xf32, #tpu.memory_space<vmem>>, vector<16xf32>,
    %slice3A_2610 = vector.extract_strided_slice %gather3A_2529 {offsets = [10], sizes = [1], strides = [1]} : vector<16xf32> to vector<1xf32>
    %squeeze3A_2611 = vector.extract %slice3A_2610[0] : f32 from vector<1xf32>
    %add3A_2612 = vector.broadcast %squeeze3A_2611 : f32 to vector<16xf32>
    %add3A_2613 = arith.addf %gather3A_2528, %add3A_2612 : vector<16xf32>
    %swap3A_2614 = arith.constant 19 : i32
    %swap3A_2615 = arith.index_cast %swap3A_2614 : i32 to index
    %swap3A_2616 = arith.constant 160 : index
    %swap3A_2617 = tpu.vector_load %arg7[%swap3A_2615, %swap3A_2616] {strides = array<i32>} : memref<24x256xf32, #tpu.memory_space<vmem>>, vector<16xf32>,
    tpu.vector_store %arg7[%swap3A_2615, %swap3A_2616], %add3A_2613 {strides = array<i32>} : memref<24x256xf32, #tpu.memory_space<vmem>>, vector<16xf32>,
    %slice3A_2618 = vector.extract_strided_slice %gather3A_2529 {offsets = [11], sizes = [1], strides = [1]} : vector<16xf32> to vector<1xf32>
    %squeeze3A_2619 = vector.extract %slice3A_2618[0] : f32 from vector<1xf32>
    %add3A_2620 = vector.broadcast %squeeze3A_2619 : f32 to vector<16xf32>
    %add3A_2621 = arith.addf %gather3A_2528, %add3A_2620 : vector<16xf32>
    %swap3A_2622 = arith.constant 19 : i32
    %swap3A_2623 = arith.index_cast %swap3A_2622 : i32 to index
    %swap3A_2624 = arith.constant 176 : index
    %swap3A_2625 = tpu.vector_load %arg7[%swap3A_2623, %swap3A_2624] {strides = array<i32>} : memref<24x256xf32, #tpu.memory_space<vmem>>, vector<16xf32>,
    tpu.vector_store %arg7[%swap3A_2623, %swap3A_2624], %add3A_2621 {strides = array<i32>} : memref<24x256xf32, #tpu.memory_space<vmem>>, vector<16xf32>,
    %slice3A_2626 = vector.extract_strided_slice %gather3A_2529 {offsets = [12], sizes = [1], strides = [1]} : vector<16xf32> to vector<1xf32>
    %squeeze3A_2627 = vector.extract %slice3A_2626[0] : f32 from vector<1xf32>
    %add3A_2628 = vector.broadcast %squeeze3A_2627 : f32 to vector<16xf32>
    %add3A_2629 = arith.addf %gather3A_2528, %add3A_2628 : vector<16xf32>
    %swap3A_2630 = arith.constant 19 : i32
    %swap3A_2631 = arith.index_cast %swap3A_2630 : i32 to index
    %swap3A_2632 = arith.constant 192 : index
    %swap3A_2633 = tpu.vector_load %arg7[%swap3A_2631, %swap3A_2632] {strides = array<i32>} : memref<24x256xf32, #tpu.memory_space<vmem>>, vector<16xf32>,
    tpu.vector_store %arg7[%swap3A_2631, %swap3A_2632], %add3A_2629 {strides = array<i32>} : memref<24x256xf32, #tpu.memory_space<vmem>>, vector<16xf32>,
    %slice3A_2634 = vector.extract_strided_slice %gather3A_2529 {offsets = [13], sizes = [1], strides = [1]} : vector<16xf32> to vector<1xf32>
    %squeeze3A_2635 = vector.extract %slice3A_2634[0] : f32 from vector<1xf32>
    %add3A_2636 = vector.broadcast %squeeze3A_2635 : f32 to vector<16xf32>
    %add3A_2637 = arith.addf %gather3A_2528, %add3A_2636 : vector<16xf32>
    %swap3A_2638 = arith.constant 19 : i32
    %swap3A_2639 = arith.index_cast %swap3A_2638 : i32 to index
    %swap3A_2640 = arith.constant 208 : index
    %swap3A_2641 = tpu.vector_load %arg7[%swap3A_2639, %swap3A_2640] {strides = array<i32>} : memref<24x256xf32, #tpu.memory_space<vmem>>, vector<16xf32>,
    tpu.vector_store %arg7[%swap3A_2639, %swap3A_2640], %add3A_2637 {strides = array<i32>} : memref<24x256xf32, #tpu.memory_space<vmem>>, vector<16xf32>,
    %slice3A_2642 = vector.extract_strided_slice %gather3A_2529 {offsets = [14], sizes = [1], strides = [1]} : vector<16xf32> to vector<1xf32>
    %squeeze3A_2643 = vector.extract %slice3A_2642[0] : f32 from vector<1xf32>
    %add3A_2644 = vector.broadcast %squeeze3A_2643 : f32 to vector<16xf32>
    %add3A_2645 = arith.addf %gather3A_2528, %add3A_2644 : vector<16xf32>
    %swap3A_2646 = arith.constant 19 : i32
    %swap3A_2647 = arith.index_cast %swap3A_2646 : i32 to index
    %swap3A_2648 = arith.constant 224 : index
    %swap3A_2649 = tpu.vector_load %arg7[%swap3A_2647, %swap3A_2648] {strides = array<i32>} : memref<24x256xf32, #tpu.memory_space<vmem>>, vector<16xf32>,
    tpu.vector_store %arg7[%swap3A_2647, %swap3A_2648], %add3A_2645 {strides = array<i32>} : memref<24x256xf32, #tpu.memory_space<vmem>>, vector<16xf32>,
    %slice3A_2650 = vector.extract_strided_slice %gather3A_2529 {offsets = [15], sizes = [1], strides = [1]} : vector<16xf32> to vector<1xf32>
    %squeeze3A_2651 = vector.extract %slice3A_2650[0] : f32 from vector<1xf32>
    %add3A_2652 = vector.broadcast %squeeze3A_2651 : f32 to vector<16xf32>
    %add3A_2653 = arith.addf %gather3A_2528, %add3A_2652 : vector<16xf32>
    %swap3A_2654 = arith.constant 19 : i32
    %swap3A_2655 = arith.index_cast %swap3A_2654 : i32 to index
    %swap3A_2656 = arith.constant 240 : index
    %swap3A_2657 = tpu.vector_load %arg7[%swap3A_2655, %swap3A_2656] {strides = array<i32>} : memref<24x256xf32, #tpu.memory_space<vmem>>, vector<16xf32>,
    tpu.vector_store %arg7[%swap3A_2655, %swap3A_2656], %add3A_2653 {strides = array<i32>} : memref<24x256xf32, #tpu.memory_space<vmem>>, vector<16xf32>,
    %add3A_2658 = arith.constant 20 : i32
    %add3A_2659 = arith.addi %mul3A_2, %add3A_2658 : i32
    %broadcast_in_dim3A_2660 = vector.broadcast %add3A_2659 : i32 to vector<16xi32>
    %gather3A_2661 = tpu.vector_load_idx %arg6[%iota3A, %broadcast_in_dim3A_2660] : memref<16x768xf32, #tpu.memory_space<vmem>>[vector<16xi32>, vector<16xi32>], vector<16xf32>,
    %gather3A_2662 = tpu.vector_load_idx %arg5[%iota3A, %broadcast_in_dim3A_2660] : memref<16x768xf32, #tpu.memory_space<vmem>>[vector<16xi32>, vector<16xi32>], vector<16xf32>,
    %slice3A_2663 = vector.extract_strided_slice %gather3A_2662 {offsets = [0], sizes = [1], strides = [1]} : vector<16xf32> to vector<1xf32>
    %squeeze3A_2664 = vector.extract %slice3A_2663[0] : f32 from vector<1xf32>
    %add3A_2665 = vector.broadcast %squeeze3A_2664 : f32 to vector<16xf32>
    %add3A_2666 = arith.addf %gather3A_2661, %add3A_2665 : vector<16xf32>
    %swap3A_2667 = arith.constant 20 : i32
    %swap3A_2668 = arith.index_cast %swap3A_2667 : i32 to index
    %swap3A_2669 = arith.constant 0 : index
    %swap3A_2670 = tpu.vector_load %arg7[%swap3A_2668, %swap3A_2669] {strides = array<i32>} : memref<24x256xf32, #tpu.memory_space<vmem>>, vector<16xf32>,
    tpu.vector_store %arg7[%swap3A_2668, %swap3A_2669], %add3A_2666 {strides = array<i32>} : memref<24x256xf32, #tpu.memory_space<vmem>>, vector<16xf32>,
    %slice3A_2671 = vector.extract_strided_slice %gather3A_2662 {offsets = [1], sizes = [1], strides = [1]} : vector<16xf32> to vector<1xf32>
    %squeeze3A_2672 = vector.extract %slice3A_2671[0] : f32 from vector<1xf32>
    %add3A_2673 = vector.broadcast %squeeze3A_2672 : f32 to vector<16xf32>
    %add3A_2674 = arith.addf %gather3A_2661, %add3A_2673 : vector<16xf32>
    %swap3A_2675 = arith.constant 20 : i32
    %swap3A_2676 = arith.index_cast %swap3A_2675 : i32 to index
    %swap3A_2677 = arith.constant 16 : index
    %swap3A_2678 = tpu.vector_load %arg7[%swap3A_2676, %swap3A_2677] {strides = array<i32>} : memref<24x256xf32, #tpu.memory_space<vmem>>, vector<16xf32>,
    tpu.vector_store %arg7[%swap3A_2676, %swap3A_2677], %add3A_2674 {strides = array<i32>} : memref<24x256xf32, #tpu.memory_space<vmem>>, vector<16xf32>,
    %slice3A_2679 = vector.extract_strided_slice %gather3A_2662 {offsets = [2], sizes = [1], strides = [1]} : vector<16xf32> to vector<1xf32>
    %squeeze3A_2680 = vector.extract %slice3A_2679[0] : f32 from vector<1xf32>
    %add3A_2681 = vector.broadcast %squeeze3A_2680 : f32 to vector<16xf32>
    %add3A_2682 = arith.addf %gather3A_2661, %add3A_2681 : vector<16xf32>
    %swap3A_2683 = arith.constant 20 : i32
    %swap3A_2684 = arith.index_cast %swap3A_2683 : i32 to index
    %swap3A_2685 = arith.constant 32 : index
    %swap3A_2686 = tpu.vector_load %arg7[%swap3A_2684, %swap3A_2685] {strides = array<i32>} : memref<24x256xf32, #tpu.memory_space<vmem>>, vector<16xf32>,
    tpu.vector_store %arg7[%swap3A_2684, %swap3A_2685], %add3A_2682 {strides = array<i32>} : memref<24x256xf32, #tpu.memory_space<vmem>>, vector<16xf32>,
    %slice3A_2687 = vector.extract_strided_slice %gather3A_2662 {offsets = [3], sizes = [1], strides = [1]} : vector<16xf32> to vector<1xf32>
    %squeeze3A_2688 = vector.extract %slice3A_2687[0] : f32 from vector<1xf32>
    %add3A_2689 = vector.broadcast %squeeze3A_2688 : f32 to vector<16xf32>
    %add3A_2690 = arith.addf %gather3A_2661, %add3A_2689 : vector<16xf32>
    %swap3A_2691 = arith.constant 20 : i32
    %swap3A_2692 = arith.index_cast %swap3A_2691 : i32 to index
    %swap3A_2693 = arith.constant 48 : index
    %swap3A_2694 = tpu.vector_load %arg7[%swap3A_2692, %swap3A_2693] {strides = array<i32>} : memref<24x256xf32, #tpu.memory_space<vmem>>, vector<16xf32>,
    tpu.vector_store %arg7[%swap3A_2692, %swap3A_2693], %add3A_2690 {strides = array<i32>} : memref<24x256xf32, #tpu.memory_space<vmem>>, vector<16xf32>,
    %slice3A_2695 = vector.extract_strided_slice %gather3A_2662 {offsets = [4], sizes = [1], strides = [1]} : vector<16xf32> to vector<1xf32>
    %squeeze3A_2696 = vector.extract %slice3A_2695[0] : f32 from vector<1xf32>
    %add3A_2697 = vector.broadcast %squeeze3A_2696 : f32 to vector<16xf32>
    %add3A_2698 = arith.addf %gather3A_2661, %add3A_2697 : vector<16xf32>
    %swap3A_2699 = arith.constant 20 : i32
    %swap3A_2700 = arith.index_cast %swap3A_2699 : i32 to index
    %swap3A_2701 = arith.constant 64 : index
    %swap3A_2702 = tpu.vector_load %arg7[%swap3A_2700, %swap3A_2701] {strides = array<i32>} : memref<24x256xf32, #tpu.memory_space<vmem>>, vector<16xf32>,
    tpu.vector_store %arg7[%swap3A_2700, %swap3A_2701], %add3A_2698 {strides = array<i32>} : memref<24x256xf32, #tpu.memory_space<vmem>>, vector<16xf32>,
    %slice3A_2703 = vector.extract_strided_slice %gather3A_2662 {offsets = [5], sizes = [1], strides = [1]} : vector<16xf32> to vector<1xf32>
    %squeeze3A_2704 = vector.extract %slice3A_2703[0] : f32 from vector<1xf32>
    %add3A_2705 = vector.broadcast %squeeze3A_2704 : f32 to vector<16xf32>
    %add3A_2706 = arith.addf %gather3A_2661, %add3A_2705 : vector<16xf32>
    %swap3A_2707 = arith.constant 20 : i32
    %swap3A_2708 = arith.index_cast %swap3A_2707 : i32 to index
    %swap3A_2709 = arith.constant 80 : index
    %swap3A_2710 = tpu.vector_load %arg7[%swap3A_2708, %swap3A_2709] {strides = array<i32>} : memref<24x256xf32, #tpu.memory_space<vmem>>, vector<16xf32>,
    tpu.vector_store %arg7[%swap3A_2708, %swap3A_2709], %add3A_2706 {strides = array<i32>} : memref<24x256xf32, #tpu.memory_space<vmem>>, vector<16xf32>,
    %slice3A_2711 = vector.extract_strided_slice %gather3A_2662 {offsets = [6], sizes = [1], strides = [1]} : vector<16xf32> to vector<1xf32>
    %squeeze3A_2712 = vector.extract %slice3A_2711[0] : f32 from vector<1xf32>
    %add3A_2713 = vector.broadcast %squeeze3A_2712 : f32 to vector<16xf32>
    %add3A_2714 = arith.addf %gather3A_2661, %add3A_2713 : vector<16xf32>
    %swap3A_2715 = arith.constant 20 : i32
    %swap3A_2716 = arith.index_cast %swap3A_2715 : i32 to index
    %swap3A_2717 = arith.constant 96 : index
    %swap3A_2718 = tpu.vector_load %arg7[%swap3A_2716, %swap3A_2717] {strides = array<i32>} : memref<24x256xf32, #tpu.memory_space<vmem>>, vector<16xf32>,
    tpu.vector_store %arg7[%swap3A_2716, %swap3A_2717], %add3A_2714 {strides = array<i32>} : memref<24x256xf32, #tpu.memory_space<vmem>>, vector<16xf32>,
    %slice3A_2719 = vector.extract_strided_slice %gather3A_2662 {offsets = [7], sizes = [1], strides = [1]} : vector<16xf32> to vector<1xf32>
    %squeeze3A_2720 = vector.extract %slice3A_2719[0] : f32 from vector<1xf32>
    %add3A_2721 = vector.broadcast %squeeze3A_2720 : f32 to vector<16xf32>
    %add3A_2722 = arith.addf %gather3A_2661, %add3A_2721 : vector<16xf32>
    %swap3A_2723 = arith.constant 20 : i32
    %swap3A_2724 = arith.index_cast %swap3A_2723 : i32 to index
    %swap3A_2725 = arith.constant 112 : index
    %swap3A_2726 = tpu.vector_load %arg7[%swap3A_2724, %swap3A_2725] {strides = array<i32>} : memref<24x256xf32, #tpu.memory_space<vmem>>, vector<16xf32>,
    tpu.vector_store %arg7[%swap3A_2724, %swap3A_2725], %add3A_2722 {strides = array<i32>} : memref<24x256xf32, #tpu.memory_space<vmem>>, vector<16xf32>,
    %slice3A_2727 = vector.extract_strided_slice %gather3A_2662 {offsets = [8], sizes = [1], strides = [1]} : vector<16xf32> to vector<1xf32>
    %squeeze3A_2728 = vector.extract %slice3A_2727[0] : f32 from vector<1xf32>
    %add3A_2729 = vector.broadcast %squeeze3A_2728 : f32 to vector<16xf32>
    %add3A_2730 = arith.addf %gather3A_2661, %add3A_2729 : vector<16xf32>
    %swap3A_2731 = arith.constant 20 : i32
    %swap3A_2732 = arith.index_cast %swap3A_2731 : i32 to index
    %swap3A_2733 = arith.constant 128 : index
    %swap3A_2734 = tpu.vector_load %arg7[%swap3A_2732, %swap3A_2733] {strides = array<i32>} : memref<24x256xf32, #tpu.memory_space<vmem>>, vector<16xf32>,
    tpu.vector_store %arg7[%swap3A_2732, %swap3A_2733], %add3A_2730 {strides = array<i32>} : memref<24x256xf32, #tpu.memory_space<vmem>>, vector<16xf32>,
    %slice3A_2735 = vector.extract_strided_slice %gather3A_2662 {offsets = [9], sizes = [1], strides = [1]} : vector<16xf32> to vector<1xf32>
    %squeeze3A_2736 = vector.extract %slice3A_2735[0] : f32 from vector<1xf32>
    %add3A_2737 = vector.broadcast %squeeze3A_2736 : f32 to vector<16xf32>
    %add3A_2738 = arith.addf %gather3A_2661, %add3A_2737 : vector<16xf32>
    %swap3A_2739 = arith.constant 20 : i32
    %swap3A_2740 = arith.index_cast %swap3A_2739 : i32 to index
    %swap3A_2741 = arith.constant 144 : index
    %swap3A_2742 = tpu.vector_load %arg7[%swap3A_2740, %swap3A_2741] {strides = array<i32>} : memref<24x256xf32, #tpu.memory_space<vmem>>, vector<16xf32>,
    tpu.vector_store %arg7[%swap3A_2740, %swap3A_2741], %add3A_2738 {strides = array<i32>} : memref<24x256xf32, #tpu.memory_space<vmem>>, vector<16xf32>,
    %slice3A_2743 = vector.extract_strided_slice %gather3A_2662 {offsets = [10], sizes = [1], strides = [1]} : vector<16xf32> to vector<1xf32>
    %squeeze3A_2744 = vector.extract %slice3A_2743[0] : f32 from vector<1xf32>
    %add3A_2745 = vector.broadcast %squeeze3A_2744 : f32 to vector<16xf32>
    %add3A_2746 = arith.addf %gather3A_2661, %add3A_2745 : vector<16xf32>
    %swap3A_2747 = arith.constant 20 : i32
    %swap3A_2748 = arith.index_cast %swap3A_2747 : i32 to index
    %swap3A_2749 = arith.constant 160 : index
    %swap3A_2750 = tpu.vector_load %arg7[%swap3A_2748, %swap3A_2749] {strides = array<i32>} : memref<24x256xf32, #tpu.memory_space<vmem>>, vector<16xf32>,
    tpu.vector_store %arg7[%swap3A_2748, %swap3A_2749], %add3A_2746 {strides = array<i32>} : memref<24x256xf32, #tpu.memory_space<vmem>>, vector<16xf32>,
    %slice3A_2751 = vector.extract_strided_slice %gather3A_2662 {offsets = [11], sizes = [1], strides = [1]} : vector<16xf32> to vector<1xf32>
    %squeeze3A_2752 = vector.extract %slice3A_2751[0] : f32 from vector<1xf32>
    %add3A_2753 = vector.broadcast %squeeze3A_2752 : f32 to vector<16xf32>
    %add3A_2754 = arith.addf %gather3A_2661, %add3A_2753 : vector<16xf32>
    %swap3A_2755 = arith.constant 20 : i32
    %swap3A_2756 = arith.index_cast %swap3A_2755 : i32 to index
    %swap3A_2757 = arith.constant 176 : index
    %swap3A_2758 = tpu.vector_load %arg7[%swap3A_2756, %swap3A_2757] {strides = array<i32>} : memref<24x256xf32, #tpu.memory_space<vmem>>, vector<16xf32>,
    tpu.vector_store %arg7[%swap3A_2756, %swap3A_2757], %add3A_2754 {strides = array<i32>} : memref<24x256xf32, #tpu.memory_space<vmem>>, vector<16xf32>,
    %slice3A_2759 = vector.extract_strided_slice %gather3A_2662 {offsets = [12], sizes = [1], strides = [1]} : vector<16xf32> to vector<1xf32>
    %squeeze3A_2760 = vector.extract %slice3A_2759[0] : f32 from vector<1xf32>
    %add3A_2761 = vector.broadcast %squeeze3A_2760 : f32 to vector<16xf32>
    %add3A_2762 = arith.addf %gather3A_2661, %add3A_2761 : vector<16xf32>
    %swap3A_2763 = arith.constant 20 : i32
    %swap3A_2764 = arith.index_cast %swap3A_2763 : i32 to index
    %swap3A_2765 = arith.constant 192 : index
    %swap3A_2766 = tpu.vector_load %arg7[%swap3A_2764, %swap3A_2765] {strides = array<i32>} : memref<24x256xf32, #tpu.memory_space<vmem>>, vector<16xf32>,
    tpu.vector_store %arg7[%swap3A_2764, %swap3A_2765], %add3A_2762 {strides = array<i32>} : memref<24x256xf32, #tpu.memory_space<vmem>>, vector<16xf32>,
    %slice3A_2767 = vector.extract_strided_slice %gather3A_2662 {offsets = [13], sizes = [1], strides = [1]} : vector<16xf32> to vector<1xf32>
    %squeeze3A_2768 = vector.extract %slice3A_2767[0] : f32 from vector<1xf32>
    %add3A_2769 = vector.broadcast %squeeze3A_2768 : f32 to vector<16xf32>
    %add3A_2770 = arith.addf %gather3A_2661, %add3A_2769 : vector<16xf32>
    %swap3A_2771 = arith.constant 20 : i32
    %swap3A_2772 = arith.index_cast %swap3A_2771 : i32 to index
    %swap3A_2773 = arith.constant 208 : index
    %swap3A_2774 = tpu.vector_load %arg7[%swap3A_2772, %swap3A_2773] {strides = array<i32>} : memref<24x256xf32, #tpu.memory_space<vmem>>, vector<16xf32>,
    tpu.vector_store %arg7[%swap3A_2772, %swap3A_2773], %add3A_2770 {strides = array<i32>} : memref<24x256xf32, #tpu.memory_space<vmem>>, vector<16xf32>,
    %slice3A_2775 = vector.extract_strided_slice %gather3A_2662 {offsets = [14], sizes = [1], strides = [1]} : vector<16xf32> to vector<1xf32>
    %squeeze3A_2776 = vector.extract %slice3A_2775[0] : f32 from vector<1xf32>
    %add3A_2777 = vector.broadcast %squeeze3A_2776 : f32 to vector<16xf32>
    %add3A_2778 = arith.addf %gather3A_2661, %add3A_2777 : vector<16xf32>
    %swap3A_2779 = arith.constant 20 : i32
    %swap3A_2780 = arith.index_cast %swap3A_2779 : i32 to index
    %swap3A_2781 = arith.constant 224 : index
    %swap3A_2782 = tpu.vector_load %arg7[%swap3A_2780, %swap3A_2781] {strides = array<i32>} : memref<24x256xf32, #tpu.memory_space<vmem>>, vector<16xf32>,
    tpu.vector_store %arg7[%swap3A_2780, %swap3A_2781], %add3A_2778 {strides = array<i32>} : memref<24x256xf32, #tpu.memory_space<vmem>>, vector<16xf32>,
    %slice3A_2783 = vector.extract_strided_slice %gather3A_2662 {offsets = [15], sizes = [1], strides = [1]} : vector<16xf32> to vector<1xf32>
    %squeeze3A_2784 = vector.extract %slice3A_2783[0] : f32 from vector<1xf32>
    %add3A_2785 = vector.broadcast %squeeze3A_2784 : f32 to vector<16xf32>
    %add3A_2786 = arith.addf %gather3A_2661, %add3A_2785 : vector<16xf32>
    %swap3A_2787 = arith.constant 20 : i32
    %swap3A_2788 = arith.index_cast %swap3A_2787 : i32 to index
    %swap3A_2789 = arith.constant 240 : index
    %swap3A_2790 = tpu.vector_load %arg7[%swap3A_2788, %swap3A_2789] {strides = array<i32>} : memref<24x256xf32, #tpu.memory_space<vmem>>, vector<16xf32>,
    tpu.vector_store %arg7[%swap3A_2788, %swap3A_2789], %add3A_2786 {strides = array<i32>} : memref<24x256xf32, #tpu.memory_space<vmem>>, vector<16xf32>,
    %add3A_2791 = arith.constant 21 : i32
    %add3A_2792 = arith.addi %mul3A_2, %add3A_2791 : i32
    %broadcast_in_dim3A_2793 = vector.broadcast %add3A_2792 : i32 to vector<16xi32>
    %gather3A_2794 = tpu.vector_load_idx %arg6[%iota3A, %broadcast_in_dim3A_2793] : memref<16x768xf32, #tpu.memory_space<vmem>>[vector<16xi32>, vector<16xi32>], vector<16xf32>,
    %gather3A_2795 = tpu.vector_load_idx %arg5[%iota3A, %broadcast_in_dim3A_2793] : memref<16x768xf32, #tpu.memory_space<vmem>>[vector<16xi32>, vector<16xi32>], vector<16xf32>,
    %slice3A_2796 = vector.extract_strided_slice %gather3A_2795 {offsets = [0], sizes = [1], strides = [1]} : vector<16xf32> to vector<1xf32>
    %squeeze3A_2797 = vector.extract %slice3A_2796[0] : f32 from vector<1xf32>
    %add3A_2798 = vector.broadcast %squeeze3A_2797 : f32 to vector<16xf32>
    %add3A_2799 = arith.addf %gather3A_2794, %add3A_2798 : vector<16xf32>
    %swap3A_2800 = arith.constant 21 : i32
    %swap3A_2801 = arith.index_cast %swap3A_2800 : i32 to index
    %swap3A_2802 = arith.constant 0 : index
    %swap3A_2803 = tpu.vector_load %arg7[%swap3A_2801, %swap3A_2802] {strides = array<i32>} : memref<24x256xf32, #tpu.memory_space<vmem>>, vector<16xf32>,
    tpu.vector_store %arg7[%swap3A_2801, %swap3A_2802], %add3A_2799 {strides = array<i32>} : memref<24x256xf32, #tpu.memory_space<vmem>>, vector<16xf32>,
    %slice3A_2804 = vector.extract_strided_slice %gather3A_2795 {offsets = [1], sizes = [1], strides = [1]} : vector<16xf32> to vector<1xf32>
    %squeeze3A_2805 = vector.extract %slice3A_2804[0] : f32 from vector<1xf32>
    %add3A_2806 = vector.broadcast %squeeze3A_2805 : f32 to vector<16xf32>
    %add3A_2807 = arith.addf %gather3A_2794, %add3A_2806 : vector<16xf32>
    %swap3A_2808 = arith.constant 21 : i32
    %swap3A_2809 = arith.index_cast %swap3A_2808 : i32 to index
    %swap3A_2810 = arith.constant 16 : index
    %swap3A_2811 = tpu.vector_load %arg7[%swap3A_2809, %swap3A_2810] {strides = array<i32>} : memref<24x256xf32, #tpu.memory_space<vmem>>, vector<16xf32>,
    tpu.vector_store %arg7[%swap3A_2809, %swap3A_2810], %add3A_2807 {strides = array<i32>} : memref<24x256xf32, #tpu.memory_space<vmem>>, vector<16xf32>,
    %slice3A_2812 = vector.extract_strided_slice %gather3A_2795 {offsets = [2], sizes = [1], strides = [1]} : vector<16xf32> to vector<1xf32>
    %squeeze3A_2813 = vector.extract %slice3A_2812[0] : f32 from vector<1xf32>
    %add3A_2814 = vector.broadcast %squeeze3A_2813 : f32 to vector<16xf32>
    %add3A_2815 = arith.addf %gather3A_2794, %add3A_2814 : vector<16xf32>
    %swap3A_2816 = arith.constant 21 : i32
    %swap3A_2817 = arith.index_cast %swap3A_2816 : i32 to index
    %swap3A_2818 = arith.constant 32 : index
    %swap3A_2819 = tpu.vector_load %arg7[%swap3A_2817, %swap3A_2818] {strides = array<i32>} : memref<24x256xf32, #tpu.memory_space<vmem>>, vector<16xf32>,
    tpu.vector_store %arg7[%swap3A_2817, %swap3A_2818], %add3A_2815 {strides = array<i32>} : memref<24x256xf32, #tpu.memory_space<vmem>>, vector<16xf32>,
    %slice3A_2820 = vector.extract_strided_slice %gather3A_2795 {offsets = [3], sizes = [1], strides = [1]} : vector<16xf32> to vector<1xf32>
    %squeeze3A_2821 = vector.extract %slice3A_2820[0] : f32 from vector<1xf32>
    %add3A_2822 = vector.broadcast %squeeze3A_2821 : f32 to vector<16xf32>
    %add3A_2823 = arith.addf %gather3A_2794, %add3A_2822 : vector<16xf32>
    %swap3A_2824 = arith.constant 21 : i32
    %swap3A_2825 = arith.index_cast %swap3A_2824 : i32 to index
    %swap3A_2826 = arith.constant 48 : index
    %swap3A_2827 = tpu.vector_load %arg7[%swap3A_2825, %swap3A_2826] {strides = array<i32>} : memref<24x256xf32, #tpu.memory_space<vmem>>, vector<16xf32>,
    tpu.vector_store %arg7[%swap3A_2825, %swap3A_2826], %add3A_2823 {strides = array<i32>} : memref<24x256xf32, #tpu.memory_space<vmem>>, vector<16xf32>,
    %slice3A_2828 = vector.extract_strided_slice %gather3A_2795 {offsets = [4], sizes = [1], strides = [1]} : vector<16xf32> to vector<1xf32>
    %squeeze3A_2829 = vector.extract %slice3A_2828[0] : f32 from vector<1xf32>
    %add3A_2830 = vector.broadcast %squeeze3A_2829 : f32 to vector<16xf32>
    %add3A_2831 = arith.addf %gather3A_2794, %add3A_2830 : vector<16xf32>
    %swap3A_2832 = arith.constant 21 : i32
    %swap3A_2833 = arith.index_cast %swap3A_2832 : i32 to index
    %swap3A_2834 = arith.constant 64 : index
    %swap3A_2835 = tpu.vector_load %arg7[%swap3A_2833, %swap3A_2834] {strides = array<i32>} : memref<24x256xf32, #tpu.memory_space<vmem>>, vector<16xf32>,
    tpu.vector_store %arg7[%swap3A_2833, %swap3A_2834], %add3A_2831 {strides = array<i32>} : memref<24x256xf32, #tpu.memory_space<vmem>>, vector<16xf32>,
    %slice3A_2836 = vector.extract_strided_slice %gather3A_2795 {offsets = [5], sizes = [1], strides = [1]} : vector<16xf32> to vector<1xf32>
    %squeeze3A_2837 = vector.extract %slice3A_2836[0] : f32 from vector<1xf32>
    %add3A_2838 = vector.broadcast %squeeze3A_2837 : f32 to vector<16xf32>
    %add3A_2839 = arith.addf %gather3A_2794, %add3A_2838 : vector<16xf32>
    %swap3A_2840 = arith.constant 21 : i32
    %swap3A_2841 = arith.index_cast %swap3A_2840 : i32 to index
    %swap3A_2842 = arith.constant 80 : index
    %swap3A_2843 = tpu.vector_load %arg7[%swap3A_2841, %swap3A_2842] {strides = array<i32>} : memref<24x256xf32, #tpu.memory_space<vmem>>, vector<16xf32>,
    tpu.vector_store %arg7[%swap3A_2841, %swap3A_2842], %add3A_2839 {strides = array<i32>} : memref<24x256xf32, #tpu.memory_space<vmem>>, vector<16xf32>,
    %slice3A_2844 = vector.extract_strided_slice %gather3A_2795 {offsets = [6], sizes = [1], strides = [1]} : vector<16xf32> to vector<1xf32>
    %squeeze3A_2845 = vector.extract %slice3A_2844[0] : f32 from vector<1xf32>
    %add3A_2846 = vector.broadcast %squeeze3A_2845 : f32 to vector<16xf32>
    %add3A_2847 = arith.addf %gather3A_2794, %add3A_2846 : vector<16xf32>
    %swap3A_2848 = arith.constant 21 : i32
    %swap3A_2849 = arith.index_cast %swap3A_2848 : i32 to index
    %swap3A_2850 = arith.constant 96 : index
    %swap3A_2851 = tpu.vector_load %arg7[%swap3A_2849, %swap3A_2850] {strides = array<i32>} : memref<24x256xf32, #tpu.memory_space<vmem>>, vector<16xf32>,
    tpu.vector_store %arg7[%swap3A_2849, %swap3A_2850], %add3A_2847 {strides = array<i32>} : memref<24x256xf32, #tpu.memory_space<vmem>>, vector<16xf32>,
    %slice3A_2852 = vector.extract_strided_slice %gather3A_2795 {offsets = [7], sizes = [1], strides = [1]} : vector<16xf32> to vector<1xf32>
    %squeeze3A_2853 = vector.extract %slice3A_2852[0] : f32 from vector<1xf32>
    %add3A_2854 = vector.broadcast %squeeze3A_2853 : f32 to vector<16xf32>
    %add3A_2855 = arith.addf %gather3A_2794, %add3A_2854 : vector<16xf32>
    %swap3A_2856 = arith.constant 21 : i32
    %swap3A_2857 = arith.index_cast %swap3A_2856 : i32 to index
    %swap3A_2858 = arith.constant 112 : index
    %swap3A_2859 = tpu.vector_load %arg7[%swap3A_2857, %swap3A_2858] {strides = array<i32>} : memref<24x256xf32, #tpu.memory_space<vmem>>, vector<16xf32>,
    tpu.vector_store %arg7[%swap3A_2857, %swap3A_2858], %add3A_2855 {strides = array<i32>} : memref<24x256xf32, #tpu.memory_space<vmem>>, vector<16xf32>,
    %slice3A_2860 = vector.extract_strided_slice %gather3A_2795 {offsets = [8], sizes = [1], strides = [1]} : vector<16xf32> to vector<1xf32>
    %squeeze3A_2861 = vector.extract %slice3A_2860[0] : f32 from vector<1xf32>
    %add3A_2862 = vector.broadcast %squeeze3A_2861 : f32 to vector<16xf32>
    %add3A_2863 = arith.addf %gather3A_2794, %add3A_2862 : vector<16xf32>
    %swap3A_2864 = arith.constant 21 : i32
    %swap3A_2865 = arith.index_cast %swap3A_2864 : i32 to index
    %swap3A_2866 = arith.constant 128 : index
    %swap3A_2867 = tpu.vector_load %arg7[%swap3A_2865, %swap3A_2866] {strides = array<i32>} : memref<24x256xf32, #tpu.memory_space<vmem>>, vector<16xf32>,
    tpu.vector_store %arg7[%swap3A_2865, %swap3A_2866], %add3A_2863 {strides = array<i32>} : memref<24x256xf32, #tpu.memory_space<vmem>>, vector<16xf32>,
    %slice3A_2868 = vector.extract_strided_slice %gather3A_2795 {offsets = [9], sizes = [1], strides = [1]} : vector<16xf32> to vector<1xf32>
    %squeeze3A_2869 = vector.extract %slice3A_2868[0] : f32 from vector<1xf32>
    %add3A_2870 = vector.broadcast %squeeze3A_2869 : f32 to vector<16xf32>
    %add3A_2871 = arith.addf %gather3A_2794, %add3A_2870 : vector<16xf32>
    %swap3A_2872 = arith.constant 21 : i32
    %swap3A_2873 = arith.index_cast %swap3A_2872 : i32 to index
    %swap3A_2874 = arith.constant 144 : index
    %swap3A_2875 = tpu.vector_load %arg7[%swap3A_2873, %swap3A_2874] {strides = array<i32>} : memref<24x256xf32, #tpu.memory_space<vmem>>, vector<16xf32>,
    tpu.vector_store %arg7[%swap3A_2873, %swap3A_2874], %add3A_2871 {strides = array<i32>} : memref<24x256xf32, #tpu.memory_space<vmem>>, vector<16xf32>,
    %slice3A_2876 = vector.extract_strided_slice %gather3A_2795 {offsets = [10], sizes = [1], strides = [1]} : vector<16xf32> to vector<1xf32>
    %squeeze3A_2877 = vector.extract %slice3A_2876[0] : f32 from vector<1xf32>
    %add3A_2878 = vector.broadcast %squeeze3A_2877 : f32 to vector<16xf32>
    %add3A_2879 = arith.addf %gather3A_2794, %add3A_2878 : vector<16xf32>
    %swap3A_2880 = arith.constant 21 : i32
    %swap3A_2881 = arith.index_cast %swap3A_2880 : i32 to index
    %swap3A_2882 = arith.constant 160 : index
    %swap3A_2883 = tpu.vector_load %arg7[%swap3A_2881, %swap3A_2882] {strides = array<i32>} : memref<24x256xf32, #tpu.memory_space<vmem>>, vector<16xf32>,
    tpu.vector_store %arg7[%swap3A_2881, %swap3A_2882], %add3A_2879 {strides = array<i32>} : memref<24x256xf32, #tpu.memory_space<vmem>>, vector<16xf32>,
    %slice3A_2884 = vector.extract_strided_slice %gather3A_2795 {offsets = [11], sizes = [1], strides = [1]} : vector<16xf32> to vector<1xf32>
    %squeeze3A_2885 = vector.extract %slice3A_2884[0] : f32 from vector<1xf32>
    %add3A_2886 = vector.broadcast %squeeze3A_2885 : f32 to vector<16xf32>
    %add3A_2887 = arith.addf %gather3A_2794, %add3A_2886 : vector<16xf32>
    %swap3A_2888 = arith.constant 21 : i32
    %swap3A_2889 = arith.index_cast %swap3A_2888 : i32 to index
    %swap3A_2890 = arith.constant 176 : index
    %swap3A_2891 = tpu.vector_load %arg7[%swap3A_2889, %swap3A_2890] {strides = array<i32>} : memref<24x256xf32, #tpu.memory_space<vmem>>, vector<16xf32>,
    tpu.vector_store %arg7[%swap3A_2889, %swap3A_2890], %add3A_2887 {strides = array<i32>} : memref<24x256xf32, #tpu.memory_space<vmem>>, vector<16xf32>,
    %slice3A_2892 = vector.extract_strided_slice %gather3A_2795 {offsets = [12], sizes = [1], strides = [1]} : vector<16xf32> to vector<1xf32>
    %squeeze3A_2893 = vector.extract %slice3A_2892[0] : f32 from vector<1xf32>
    %add3A_2894 = vector.broadcast %squeeze3A_2893 : f32 to vector<16xf32>
    %add3A_2895 = arith.addf %gather3A_2794, %add3A_2894 : vector<16xf32>
    %swap3A_2896 = arith.constant 21 : i32
    %swap3A_2897 = arith.index_cast %swap3A_2896 : i32 to index
    %swap3A_2898 = arith.constant 192 : index
    %swap3A_2899 = tpu.vector_load %arg7[%swap3A_2897, %swap3A_2898] {strides = array<i32>} : memref<24x256xf32, #tpu.memory_space<vmem>>, vector<16xf32>,
    tpu.vector_store %arg7[%swap3A_2897, %swap3A_2898], %add3A_2895 {strides = array<i32>} : memref<24x256xf32, #tpu.memory_space<vmem>>, vector<16xf32>,
    %slice3A_2900 = vector.extract_strided_slice %gather3A_2795 {offsets = [13], sizes = [1], strides = [1]} : vector<16xf32> to vector<1xf32>
    %squeeze3A_2901 = vector.extract %slice3A_2900[0] : f32 from vector<1xf32>
    %add3A_2902 = vector.broadcast %squeeze3A_2901 : f32 to vector<16xf32>
    %add3A_2903 = arith.addf %gather3A_2794, %add3A_2902 : vector<16xf32>
    %swap3A_2904 = arith.constant 21 : i32
    %swap3A_2905 = arith.index_cast %swap3A_2904 : i32 to index
    %swap3A_2906 = arith.constant 208 : index
    %swap3A_2907 = tpu.vector_load %arg7[%swap3A_2905, %swap3A_2906] {strides = array<i32>} : memref<24x256xf32, #tpu.memory_space<vmem>>, vector<16xf32>,
    tpu.vector_store %arg7[%swap3A_2905, %swap3A_2906], %add3A_2903 {strides = array<i32>} : memref<24x256xf32, #tpu.memory_space<vmem>>, vector<16xf32>,
    %slice3A_2908 = vector.extract_strided_slice %gather3A_2795 {offsets = [14], sizes = [1], strides = [1]} : vector<16xf32> to vector<1xf32>
    %squeeze3A_2909 = vector.extract %slice3A_2908[0] : f32 from vector<1xf32>
    %add3A_2910 = vector.broadcast %squeeze3A_2909 : f32 to vector<16xf32>
    %add3A_2911 = arith.addf %gather3A_2794, %add3A_2910 : vector<16xf32>
    %swap3A_2912 = arith.constant 21 : i32
    %swap3A_2913 = arith.index_cast %swap3A_2912 : i32 to index
    %swap3A_2914 = arith.constant 224 : index
    %swap3A_2915 = tpu.vector_load %arg7[%swap3A_2913, %swap3A_2914] {strides = array<i32>} : memref<24x256xf32, #tpu.memory_space<vmem>>, vector<16xf32>,
    tpu.vector_store %arg7[%swap3A_2913, %swap3A_2914], %add3A_2911 {strides = array<i32>} : memref<24x256xf32, #tpu.memory_space<vmem>>, vector<16xf32>,
    %slice3A_2916 = vector.extract_strided_slice %gather3A_2795 {offsets = [15], sizes = [1], strides = [1]} : vector<16xf32> to vector<1xf32>
    %squeeze3A_2917 = vector.extract %slice3A_2916[0] : f32 from vector<1xf32>
    %add3A_2918 = vector.broadcast %squeeze3A_2917 : f32 to vector<16xf32>
    %add3A_2919 = arith.addf %gather3A_2794, %add3A_2918 : vector<16xf32>
    %swap3A_2920 = arith.constant 21 : i32
    %swap3A_2921 = arith.index_cast %swap3A_2920 : i32 to index
    %swap3A_2922 = arith.constant 240 : index
    %swap3A_2923 = tpu.vector_load %arg7[%swap3A_2921, %swap3A_2922] {strides = array<i32>} : memref<24x256xf32, #tpu.memory_space<vmem>>, vector<16xf32>,
    tpu.vector_store %arg7[%swap3A_2921, %swap3A_2922], %add3A_2919 {strides = array<i32>} : memref<24x256xf32, #tpu.memory_space<vmem>>, vector<16xf32>,
    %add3A_2924 = arith.constant 22 : i32
    %add3A_2925 = arith.addi %mul3A_2, %add3A_2924 : i32
    %broadcast_in_dim3A_2926 = vector.broadcast %add3A_2925 : i32 to vector<16xi32>
    %gather3A_2927 = tpu.vector_load_idx %arg6[%iota3A, %broadcast_in_dim3A_2926] : memref<16x768xf32, #tpu.memory_space<vmem>>[vector<16xi32>, vector<16xi32>], vector<16xf32>,
    %gather3A_2928 = tpu.vector_load_idx %arg5[%iota3A, %broadcast_in_dim3A_2926] : memref<16x768xf32, #tpu.memory_space<vmem>>[vector<16xi32>, vector<16xi32>], vector<16xf32>,
    %slice3A_2929 = vector.extract_strided_slice %gather3A_2928 {offsets = [0], sizes = [1], strides = [1]} : vector<16xf32> to vector<1xf32>
    %squeeze3A_2930 = vector.extract %slice3A_2929[0] : f32 from vector<1xf32>
    %add3A_2931 = vector.broadcast %squeeze3A_2930 : f32 to vector<16xf32>
    %add3A_2932 = arith.addf %gather3A_2927, %add3A_2931 : vector<16xf32>
    %swap3A_2933 = arith.constant 22 : i32
    %swap3A_2934 = arith.index_cast %swap3A_2933 : i32 to index
    %swap3A_2935 = arith.constant 0 : index
    %swap3A_2936 = tpu.vector_load %arg7[%swap3A_2934, %swap3A_2935] {strides = array<i32>} : memref<24x256xf32, #tpu.memory_space<vmem>>, vector<16xf32>,
    tpu.vector_store %arg7[%swap3A_2934, %swap3A_2935], %add3A_2932 {strides = array<i32>} : memref<24x256xf32, #tpu.memory_space<vmem>>, vector<16xf32>,
    %slice3A_2937 = vector.extract_strided_slice %gather3A_2928 {offsets = [1], sizes = [1], strides = [1]} : vector<16xf32> to vector<1xf32>
    %squeeze3A_2938 = vector.extract %slice3A_2937[0] : f32 from vector<1xf32>
    %add3A_2939 = vector.broadcast %squeeze3A_2938 : f32 to vector<16xf32>
    %add3A_2940 = arith.addf %gather3A_2927, %add3A_2939 : vector<16xf32>
    %swap3A_2941 = arith.constant 22 : i32
    %swap3A_2942 = arith.index_cast %swap3A_2941 : i32 to index
    %swap3A_2943 = arith.constant 16 : index
    %swap3A_2944 = tpu.vector_load %arg7[%swap3A_2942, %swap3A_2943] {strides = array<i32>} : memref<24x256xf32, #tpu.memory_space<vmem>>, vector<16xf32>,
    tpu.vector_store %arg7[%swap3A_2942, %swap3A_2943], %add3A_2940 {strides = array<i32>} : memref<24x256xf32, #tpu.memory_space<vmem>>, vector<16xf32>,
    %slice3A_2945 = vector.extract_strided_slice %gather3A_2928 {offsets = [2], sizes = [1], strides = [1]} : vector<16xf32> to vector<1xf32>
    %squeeze3A_2946 = vector.extract %slice3A_2945[0] : f32 from vector<1xf32>
    %add3A_2947 = vector.broadcast %squeeze3A_2946 : f32 to vector<16xf32>
    %add3A_2948 = arith.addf %gather3A_2927, %add3A_2947 : vector<16xf32>
    %swap3A_2949 = arith.constant 22 : i32
    %swap3A_2950 = arith.index_cast %swap3A_2949 : i32 to index
    %swap3A_2951 = arith.constant 32 : index
    %swap3A_2952 = tpu.vector_load %arg7[%swap3A_2950, %swap3A_2951] {strides = array<i32>} : memref<24x256xf32, #tpu.memory_space<vmem>>, vector<16xf32>,
    tpu.vector_store %arg7[%swap3A_2950, %swap3A_2951], %add3A_2948 {strides = array<i32>} : memref<24x256xf32, #tpu.memory_space<vmem>>, vector<16xf32>,
    %slice3A_2953 = vector.extract_strided_slice %gather3A_2928 {offsets = [3], sizes = [1], strides = [1]} : vector<16xf32> to vector<1xf32>
    %squeeze3A_2954 = vector.extract %slice3A_2953[0] : f32 from vector<1xf32>
    %add3A_2955 = vector.broadcast %squeeze3A_2954 : f32 to vector<16xf32>
    %add3A_2956 = arith.addf %gather3A_2927, %add3A_2955 : vector<16xf32>
    %swap3A_2957 = arith.constant 22 : i32
    %swap3A_2958 = arith.index_cast %swap3A_2957 : i32 to index
    %swap3A_2959 = arith.constant 48 : index
    %swap3A_2960 = tpu.vector_load %arg7[%swap3A_2958, %swap3A_2959] {strides = array<i32>} : memref<24x256xf32, #tpu.memory_space<vmem>>, vector<16xf32>,
    tpu.vector_store %arg7[%swap3A_2958, %swap3A_2959], %add3A_2956 {strides = array<i32>} : memref<24x256xf32, #tpu.memory_space<vmem>>, vector<16xf32>,
    %slice3A_2961 = vector.extract_strided_slice %gather3A_2928 {offsets = [4], sizes = [1], strides = [1]} : vector<16xf32> to vector<1xf32>
    %squeeze3A_2962 = vector.extract %slice3A_2961[0] : f32 from vector<1xf32>
    %add3A_2963 = vector.broadcast %squeeze3A_2962 : f32 to vector<16xf32>
    %add3A_2964 = arith.addf %gather3A_2927, %add3A_2963 : vector<16xf32>
    %swap3A_2965 = arith.constant 22 : i32
    %swap3A_2966 = arith.index_cast %swap3A_2965 : i32 to index
    %swap3A_2967 = arith.constant 64 : index
    %swap3A_2968 = tpu.vector_load %arg7[%swap3A_2966, %swap3A_2967] {strides = array<i32>} : memref<24x256xf32, #tpu.memory_space<vmem>>, vector<16xf32>,
    tpu.vector_store %arg7[%swap3A_2966, %swap3A_2967], %add3A_2964 {strides = array<i32>} : memref<24x256xf32, #tpu.memory_space<vmem>>, vector<16xf32>,
    %slice3A_2969 = vector.extract_strided_slice %gather3A_2928 {offsets = [5], sizes = [1], strides = [1]} : vector<16xf32> to vector<1xf32>
    %squeeze3A_2970 = vector.extract %slice3A_2969[0] : f32 from vector<1xf32>
    %add3A_2971 = vector.broadcast %squeeze3A_2970 : f32 to vector<16xf32>
    %add3A_2972 = arith.addf %gather3A_2927, %add3A_2971 : vector<16xf32>
    %swap3A_2973 = arith.constant 22 : i32
    %swap3A_2974 = arith.index_cast %swap3A_2973 : i32 to index
    %swap3A_2975 = arith.constant 80 : index
    %swap3A_2976 = tpu.vector_load %arg7[%swap3A_2974, %swap3A_2975] {strides = array<i32>} : memref<24x256xf32, #tpu.memory_space<vmem>>, vector<16xf32>,
    tpu.vector_store %arg7[%swap3A_2974, %swap3A_2975], %add3A_2972 {strides = array<i32>} : memref<24x256xf32, #tpu.memory_space<vmem>>, vector<16xf32>,
    %slice3A_2977 = vector.extract_strided_slice %gather3A_2928 {offsets = [6], sizes = [1], strides = [1]} : vector<16xf32> to vector<1xf32>
    %squeeze3A_2978 = vector.extract %slice3A_2977[0] : f32 from vector<1xf32>
    %add3A_2979 = vector.broadcast %squeeze3A_2978 : f32 to vector<16xf32>
    %add3A_2980 = arith.addf %gather3A_2927, %add3A_2979 : vector<16xf32>
    %swap3A_2981 = arith.constant 22 : i32
    %swap3A_2982 = arith.index_cast %swap3A_2981 : i32 to index
    %swap3A_2983 = arith.constant 96 : index
    %swap3A_2984 = tpu.vector_load %arg7[%swap3A_2982, %swap3A_2983] {strides = array<i32>} : memref<24x256xf32, #tpu.memory_space<vmem>>, vector<16xf32>,
    tpu.vector_store %arg7[%swap3A_2982, %swap3A_2983], %add3A_2980 {strides = array<i32>} : memref<24x256xf32, #tpu.memory_space<vmem>>, vector<16xf32>,
    %slice3A_2985 = vector.extract_strided_slice %gather3A_2928 {offsets = [7], sizes = [1], strides = [1]} : vector<16xf32> to vector<1xf32>
    %squeeze3A_2986 = vector.extract %slice3A_2985[0] : f32 from vector<1xf32>
    %add3A_2987 = vector.broadcast %squeeze3A_2986 : f32 to vector<16xf32>
    %add3A_2988 = arith.addf %gather3A_2927, %add3A_2987 : vector<16xf32>
    %swap3A_2989 = arith.constant 22 : i32
    %swap3A_2990 = arith.index_cast %swap3A_2989 : i32 to index
    %swap3A_2991 = arith.constant 112 : index
    %swap3A_2992 = tpu.vector_load %arg7[%swap3A_2990, %swap3A_2991] {strides = array<i32>} : memref<24x256xf32, #tpu.memory_space<vmem>>, vector<16xf32>,
    tpu.vector_store %arg7[%swap3A_2990, %swap3A_2991], %add3A_2988 {strides = array<i32>} : memref<24x256xf32, #tpu.memory_space<vmem>>, vector<16xf32>,
    %slice3A_2993 = vector.extract_strided_slice %gather3A_2928 {offsets = [8], sizes = [1], strides = [1]} : vector<16xf32> to vector<1xf32>
    %squeeze3A_2994 = vector.extract %slice3A_2993[0] : f32 from vector<1xf32>
    %add3A_2995 = vector.broadcast %squeeze3A_2994 : f32 to vector<16xf32>
    %add3A_2996 = arith.addf %gather3A_2927, %add3A_2995 : vector<16xf32>
    %swap3A_2997 = arith.constant 22 : i32
    %swap3A_2998 = arith.index_cast %swap3A_2997 : i32 to index
    %swap3A_2999 = arith.constant 128 : index
    %swap3A_3000 = tpu.vector_load %arg7[%swap3A_2998, %swap3A_2999] {strides = array<i32>} : memref<24x256xf32, #tpu.memory_space<vmem>>, vector<16xf32>,
    tpu.vector_store %arg7[%swap3A_2998, %swap3A_2999], %add3A_2996 {strides = array<i32>} : memref<24x256xf32, #tpu.memory_space<vmem>>, vector<16xf32>,
    %slice3A_3001 = vector.extract_strided_slice %gather3A_2928 {offsets = [9], sizes = [1], strides = [1]} : vector<16xf32> to vector<1xf32>
    %squeeze3A_3002 = vector.extract %slice3A_3001[0] : f32 from vector<1xf32>
    %add3A_3003 = vector.broadcast %squeeze3A_3002 : f32 to vector<16xf32>
    %add3A_3004 = arith.addf %gather3A_2927, %add3A_3003 : vector<16xf32>
    %swap3A_3005 = arith.constant 22 : i32
    %swap3A_3006 = arith.index_cast %swap3A_3005 : i32 to index
    %swap3A_3007 = arith.constant 144 : index
    %swap3A_3008 = tpu.vector_load %arg7[%swap3A_3006, %swap3A_3007] {strides = array<i32>} : memref<24x256xf32, #tpu.memory_space<vmem>>, vector<16xf32>,
    tpu.vector_store %arg7[%swap3A_3006, %swap3A_3007], %add3A_3004 {strides = array<i32>} : memref<24x256xf32, #tpu.memory_space<vmem>>, vector<16xf32>,
    %slice3A_3009 = vector.extract_strided_slice %gather3A_2928 {offsets = [10], sizes = [1], strides = [1]} : vector<16xf32> to vector<1xf32>
    %squeeze3A_3010 = vector.extract %slice3A_3009[0] : f32 from vector<1xf32>
    %add3A_3011 = vector.broadcast %squeeze3A_3010 : f32 to vector<16xf32>
    %add3A_3012 = arith.addf %gather3A_2927, %add3A_3011 : vector<16xf32>
    %swap3A_3013 = arith.constant 22 : i32
    %swap3A_3014 = arith.index_cast %swap3A_3013 : i32 to index
    %swap3A_3015 = arith.constant 160 : index
    %swap3A_3016 = tpu.vector_load %arg7[%swap3A_3014, %swap3A_3015] {strides = array<i32>} : memref<24x256xf32, #tpu.memory_space<vmem>>, vector<16xf32>,
    tpu.vector_store %arg7[%swap3A_3014, %swap3A_3015], %add3A_3012 {strides = array<i32>} : memref<24x256xf32, #tpu.memory_space<vmem>>, vector<16xf32>,
    %slice3A_3017 = vector.extract_strided_slice %gather3A_2928 {offsets = [11], sizes = [1], strides = [1]} : vector<16xf32> to vector<1xf32>
    %squeeze3A_3018 = vector.extract %slice3A_3017[0] : f32 from vector<1xf32>
    %add3A_3019 = vector.broadcast %squeeze3A_3018 : f32 to vector<16xf32>
    %add3A_3020 = arith.addf %gather3A_2927, %add3A_3019 : vector<16xf32>
    %swap3A_3021 = arith.constant 22 : i32
    %swap3A_3022 = arith.index_cast %swap3A_3021 : i32 to index
    %swap3A_3023 = arith.constant 176 : index
    %swap3A_3024 = tpu.vector_load %arg7[%swap3A_3022, %swap3A_3023] {strides = array<i32>} : memref<24x256xf32, #tpu.memory_space<vmem>>, vector<16xf32>,
    tpu.vector_store %arg7[%swap3A_3022, %swap3A_3023], %add3A_3020 {strides = array<i32>} : memref<24x256xf32, #tpu.memory_space<vmem>>, vector<16xf32>,
    %slice3A_3025 = vector.extract_strided_slice %gather3A_2928 {offsets = [12], sizes = [1], strides = [1]} : vector<16xf32> to vector<1xf32>
    %squeeze3A_3026 = vector.extract %slice3A_3025[0] : f32 from vector<1xf32>
    %add3A_3027 = vector.broadcast %squeeze3A_3026 : f32 to vector<16xf32>
    %add3A_3028 = arith.addf %gather3A_2927, %add3A_3027 : vector<16xf32>
    %swap3A_3029 = arith.constant 22 : i32
    %swap3A_3030 = arith.index_cast %swap3A_3029 : i32 to index
    %swap3A_3031 = arith.constant 192 : index
    %swap3A_3032 = tpu.vector_load %arg7[%swap3A_3030, %swap3A_3031] {strides = array<i32>} : memref<24x256xf32, #tpu.memory_space<vmem>>, vector<16xf32>,
    tpu.vector_store %arg7[%swap3A_3030, %swap3A_3031], %add3A_3028 {strides = array<i32>} : memref<24x256xf32, #tpu.memory_space<vmem>>, vector<16xf32>,
    %slice3A_3033 = vector.extract_strided_slice %gather3A_2928 {offsets = [13], sizes = [1], strides = [1]} : vector<16xf32> to vector<1xf32>
    %squeeze3A_3034 = vector.extract %slice3A_3033[0] : f32 from vector<1xf32>
    %add3A_3035 = vector.broadcast %squeeze3A_3034 : f32 to vector<16xf32>
    %add3A_3036 = arith.addf %gather3A_2927, %add3A_3035 : vector<16xf32>
    %swap3A_3037 = arith.constant 22 : i32
    %swap3A_3038 = arith.index_cast %swap3A_3037 : i32 to index
    %swap3A_3039 = arith.constant 208 : index
    %swap3A_3040 = tpu.vector_load %arg7[%swap3A_3038, %swap3A_3039] {strides = array<i32>} : memref<24x256xf32, #tpu.memory_space<vmem>>, vector<16xf32>,
    tpu.vector_store %arg7[%swap3A_3038, %swap3A_3039], %add3A_3036 {strides = array<i32>} : memref<24x256xf32, #tpu.memory_space<vmem>>, vector<16xf32>,
    %slice3A_3041 = vector.extract_strided_slice %gather3A_2928 {offsets = [14], sizes = [1], strides = [1]} : vector<16xf32> to vector<1xf32>
    %squeeze3A_3042 = vector.extract %slice3A_3041[0] : f32 from vector<1xf32>
    %add3A_3043 = vector.broadcast %squeeze3A_3042 : f32 to vector<16xf32>
    %add3A_3044 = arith.addf %gather3A_2927, %add3A_3043 : vector<16xf32>
    %swap3A_3045 = arith.constant 22 : i32
    %swap3A_3046 = arith.index_cast %swap3A_3045 : i32 to index
    %swap3A_3047 = arith.constant 224 : index
    %swap3A_3048 = tpu.vector_load %arg7[%swap3A_3046, %swap3A_3047] {strides = array<i32>} : memref<24x256xf32, #tpu.memory_space<vmem>>, vector<16xf32>,
    tpu.vector_store %arg7[%swap3A_3046, %swap3A_3047], %add3A_3044 {strides = array<i32>} : memref<24x256xf32, #tpu.memory_space<vmem>>, vector<16xf32>,
    %slice3A_3049 = vector.extract_strided_slice %gather3A_2928 {offsets = [15], sizes = [1], strides = [1]} : vector<16xf32> to vector<1xf32>
    %squeeze3A_3050 = vector.extract %slice3A_3049[0] : f32 from vector<1xf32>
    %add3A_3051 = vector.broadcast %squeeze3A_3050 : f32 to vector<16xf32>
    %add3A_3052 = arith.addf %gather3A_2927, %add3A_3051 : vector<16xf32>
    %swap3A_3053 = arith.constant 22 : i32
    %swap3A_3054 = arith.index_cast %swap3A_3053 : i32 to index
    %swap3A_3055 = arith.constant 240 : index
    %swap3A_3056 = tpu.vector_load %arg7[%swap3A_3054, %swap3A_3055] {strides = array<i32>} : memref<24x256xf32, #tpu.memory_space<vmem>>, vector<16xf32>,
    tpu.vector_store %arg7[%swap3A_3054, %swap3A_3055], %add3A_3052 {strides = array<i32>} : memref<24x256xf32, #tpu.memory_space<vmem>>, vector<16xf32>,
    %add3A_3057 = arith.constant 23 : i32
    %add3A_3058 = arith.addi %mul3A_2, %add3A_3057 : i32
    %broadcast_in_dim3A_3059 = vector.broadcast %add3A_3058 : i32 to vector<16xi32>
    %gather3A_3060 = tpu.vector_load_idx %arg6[%iota3A, %broadcast_in_dim3A_3059] : memref<16x768xf32, #tpu.memory_space<vmem>>[vector<16xi32>, vector<16xi32>], vector<16xf32>,
    %gather3A_3061 = tpu.vector_load_idx %arg5[%iota3A, %broadcast_in_dim3A_3059] : memref<16x768xf32, #tpu.memory_space<vmem>>[vector<16xi32>, vector<16xi32>], vector<16xf32>,
    %slice3A_3062 = vector.extract_strided_slice %gather3A_3061 {offsets = [0], sizes = [1], strides = [1]} : vector<16xf32> to vector<1xf32>
    %squeeze3A_3063 = vector.extract %slice3A_3062[0] : f32 from vector<1xf32>
    %add3A_3064 = vector.broadcast %squeeze3A_3063 : f32 to vector<16xf32>
    %add3A_3065 = arith.addf %gather3A_3060, %add3A_3064 : vector<16xf32>
    %swap3A_3066 = arith.constant 23 : i32
    %swap3A_3067 = arith.index_cast %swap3A_3066 : i32 to index
    %swap3A_3068 = arith.constant 0 : index
    %swap3A_3069 = tpu.vector_load %arg7[%swap3A_3067, %swap3A_3068] {strides = array<i32>} : memref<24x256xf32, #tpu.memory_space<vmem>>, vector<16xf32>,
    tpu.vector_store %arg7[%swap3A_3067, %swap3A_3068], %add3A_3065 {strides = array<i32>} : memref<24x256xf32, #tpu.memory_space<vmem>>, vector<16xf32>,
    %slice3A_3070 = vector.extract_strided_slice %gather3A_3061 {offsets = [1], sizes = [1], strides = [1]} : vector<16xf32> to vector<1xf32>
    %squeeze3A_3071 = vector.extract %slice3A_3070[0] : f32 from vector<1xf32>
    %add3A_3072 = vector.broadcast %squeeze3A_3071 : f32 to vector<16xf32>
    %add3A_3073 = arith.addf %gather3A_3060, %add3A_3072 : vector<16xf32>
    %swap3A_3074 = arith.constant 23 : i32
    %swap3A_3075 = arith.index_cast %swap3A_3074 : i32 to index
    %swap3A_3076 = arith.constant 16 : index
    %swap3A_3077 = tpu.vector_load %arg7[%swap3A_3075, %swap3A_3076] {strides = array<i32>} : memref<24x256xf32, #tpu.memory_space<vmem>>, vector<16xf32>,
    tpu.vector_store %arg7[%swap3A_3075, %swap3A_3076], %add3A_3073 {strides = array<i32>} : memref<24x256xf32, #tpu.memory_space<vmem>>, vector<16xf32>,
    %slice3A_3078 = vector.extract_strided_slice %gather3A_3061 {offsets = [2], sizes = [1], strides = [1]} : vector<16xf32> to vector<1xf32>
    %squeeze3A_3079 = vector.extract %slice3A_3078[0] : f32 from vector<1xf32>
    %add3A_3080 = vector.broadcast %squeeze3A_3079 : f32 to vector<16xf32>
    %add3A_3081 = arith.addf %gather3A_3060, %add3A_3080 : vector<16xf32>
    %swap3A_3082 = arith.constant 23 : i32
    %swap3A_3083 = arith.index_cast %swap3A_3082 : i32 to index
    %swap3A_3084 = arith.constant 32 : index
    %swap3A_3085 = tpu.vector_load %arg7[%swap3A_3083, %swap3A_3084] {strides = array<i32>} : memref<24x256xf32, #tpu.memory_space<vmem>>, vector<16xf32>,
    tpu.vector_store %arg7[%swap3A_3083, %swap3A_3084], %add3A_3081 {strides = array<i32>} : memref<24x256xf32, #tpu.memory_space<vmem>>, vector<16xf32>,
    %slice3A_3086 = vector.extract_strided_slice %gather3A_3061 {offsets = [3], sizes = [1], strides = [1]} : vector<16xf32> to vector<1xf32>
    %squeeze3A_3087 = vector.extract %slice3A_3086[0] : f32 from vector<1xf32>
    %add3A_3088 = vector.broadcast %squeeze3A_3087 : f32 to vector<16xf32>
    %add3A_3089 = arith.addf %gather3A_3060, %add3A_3088 : vector<16xf32>
    %swap3A_3090 = arith.constant 23 : i32
    %swap3A_3091 = arith.index_cast %swap3A_3090 : i32 to index
    %swap3A_3092 = arith.constant 48 : index
    %swap3A_3093 = tpu.vector_load %arg7[%swap3A_3091, %swap3A_3092] {strides = array<i32>} : memref<24x256xf32, #tpu.memory_space<vmem>>, vector<16xf32>,
    tpu.vector_store %arg7[%swap3A_3091, %swap3A_3092], %add3A_3089 {strides = array<i32>} : memref<24x256xf32, #tpu.memory_space<vmem>>, vector<16xf32>,
    %slice3A_3094 = vector.extract_strided_slice %gather3A_3061 {offsets = [4], sizes = [1], strides = [1]} : vector<16xf32> to vector<1xf32>
    %squeeze3A_3095 = vector.extract %slice3A_3094[0] : f32 from vector<1xf32>
    %add3A_3096 = vector.broadcast %squeeze3A_3095 : f32 to vector<16xf32>
    %add3A_3097 = arith.addf %gather3A_3060, %add3A_3096 : vector<16xf32>
    %swap3A_3098 = arith.constant 23 : i32
    %swap3A_3099 = arith.index_cast %swap3A_3098 : i32 to index
    %swap3A_3100 = arith.constant 64 : index
    %swap3A_3101 = tpu.vector_load %arg7[%swap3A_3099, %swap3A_3100] {strides = array<i32>} : memref<24x256xf32, #tpu.memory_space<vmem>>, vector<16xf32>,
    tpu.vector_store %arg7[%swap3A_3099, %swap3A_3100], %add3A_3097 {strides = array<i32>} : memref<24x256xf32, #tpu.memory_space<vmem>>, vector<16xf32>,
    %slice3A_3102 = vector.extract_strided_slice %gather3A_3061 {offsets = [5], sizes = [1], strides = [1]} : vector<16xf32> to vector<1xf32>
    %squeeze3A_3103 = vector.extract %slice3A_3102[0] : f32 from vector<1xf32>
    %add3A_3104 = vector.broadcast %squeeze3A_3103 : f32 to vector<16xf32>
    %add3A_3105 = arith.addf %gather3A_3060, %add3A_3104 : vector<16xf32>
    %swap3A_3106 = arith.constant 23 : i32
    %swap3A_3107 = arith.index_cast %swap3A_3106 : i32 to index
    %swap3A_3108 = arith.constant 80 : index
    %swap3A_3109 = tpu.vector_load %arg7[%swap3A_3107, %swap3A_3108] {strides = array<i32>} : memref<24x256xf32, #tpu.memory_space<vmem>>, vector<16xf32>,
    tpu.vector_store %arg7[%swap3A_3107, %swap3A_3108], %add3A_3105 {strides = array<i32>} : memref<24x256xf32, #tpu.memory_space<vmem>>, vector<16xf32>,
    %slice3A_3110 = vector.extract_strided_slice %gather3A_3061 {offsets = [6], sizes = [1], strides = [1]} : vector<16xf32> to vector<1xf32>
    %squeeze3A_3111 = vector.extract %slice3A_3110[0] : f32 from vector<1xf32>
    %add3A_3112 = vector.broadcast %squeeze3A_3111 : f32 to vector<16xf32>
    %add3A_3113 = arith.addf %gather3A_3060, %add3A_3112 : vector<16xf32>
    %swap3A_3114 = arith.constant 23 : i32
    %swap3A_3115 = arith.index_cast %swap3A_3114 : i32 to index
    %swap3A_3116 = arith.constant 96 : index
    %swap3A_3117 = tpu.vector_load %arg7[%swap3A_3115, %swap3A_3116] {strides = array<i32>} : memref<24x256xf32, #tpu.memory_space<vmem>>, vector<16xf32>,
    tpu.vector_store %arg7[%swap3A_3115, %swap3A_3116], %add3A_3113 {strides = array<i32>} : memref<24x256xf32, #tpu.memory_space<vmem>>, vector<16xf32>,
    %slice3A_3118 = vector.extract_strided_slice %gather3A_3061 {offsets = [7], sizes = [1], strides = [1]} : vector<16xf32> to vector<1xf32>
    %squeeze3A_3119 = vector.extract %slice3A_3118[0] : f32 from vector<1xf32>
    %add3A_3120 = vector.broadcast %squeeze3A_3119 : f32 to vector<16xf32>
    %add3A_3121 = arith.addf %gather3A_3060, %add3A_3120 : vector<16xf32>
    %swap3A_3122 = arith.constant 23 : i32
    %swap3A_3123 = arith.index_cast %swap3A_3122 : i32 to index
    %swap3A_3124 = arith.constant 112 : index
    %swap3A_3125 = tpu.vector_load %arg7[%swap3A_3123, %swap3A_3124] {strides = array<i32>} : memref<24x256xf32, #tpu.memory_space<vmem>>, vector<16xf32>,
    tpu.vector_store %arg7[%swap3A_3123, %swap3A_3124], %add3A_3121 {strides = array<i32>} : memref<24x256xf32, #tpu.memory_space<vmem>>, vector<16xf32>,
    %slice3A_3126 = vector.extract_strided_slice %gather3A_3061 {offsets = [8], sizes = [1], strides = [1]} : vector<16xf32> to vector<1xf32>
    %squeeze3A_3127 = vector.extract %slice3A_3126[0] : f32 from vector<1xf32>
    %add3A_3128 = vector.broadcast %squeeze3A_3127 : f32 to vector<16xf32>
    %add3A_3129 = arith.addf %gather3A_3060, %add3A_3128 : vector<16xf32>
    %swap3A_3130 = arith.constant 23 : i32
    %swap3A_3131 = arith.index_cast %swap3A_3130 : i32 to index
    %swap3A_3132 = arith.constant 128 : index
    %swap3A_3133 = tpu.vector_load %arg7[%swap3A_3131, %swap3A_3132] {strides = array<i32>} : memref<24x256xf32, #tpu.memory_space<vmem>>, vector<16xf32>,
    tpu.vector_store %arg7[%swap3A_3131, %swap3A_3132], %add3A_3129 {strides = array<i32>} : memref<24x256xf32, #tpu.memory_space<vmem>>, vector<16xf32>,
    %slice3A_3134 = vector.extract_strided_slice %gather3A_3061 {offsets = [9], sizes = [1], strides = [1]} : vector<16xf32> to vector<1xf32>
    %squeeze3A_3135 = vector.extract %slice3A_3134[0] : f32 from vector<1xf32>
    %add3A_3136 = vector.broadcast %squeeze3A_3135 : f32 to vector<16xf32>
    %add3A_3137 = arith.addf %gather3A_3060, %add3A_3136 : vector<16xf32>
    %swap3A_3138 = arith.constant 23 : i32
    %swap3A_3139 = arith.index_cast %swap3A_3138 : i32 to index
    %swap3A_3140 = arith.constant 144 : index
    %swap3A_3141 = tpu.vector_load %arg7[%swap3A_3139, %swap3A_3140] {strides = array<i32>} : memref<24x256xf32, #tpu.memory_space<vmem>>, vector<16xf32>,
    tpu.vector_store %arg7[%swap3A_3139, %swap3A_3140], %add3A_3137 {strides = array<i32>} : memref<24x256xf32, #tpu.memory_space<vmem>>, vector<16xf32>,
    %slice3A_3142 = vector.extract_strided_slice %gather3A_3061 {offsets = [10], sizes = [1], strides = [1]} : vector<16xf32> to vector<1xf32>
    %squeeze3A_3143 = vector.extract %slice3A_3142[0] : f32 from vector<1xf32>
    %add3A_3144 = vector.broadcast %squeeze3A_3143 : f32 to vector<16xf32>
    %add3A_3145 = arith.addf %gather3A_3060, %add3A_3144 : vector<16xf32>
    %swap3A_3146 = arith.constant 23 : i32
    %swap3A_3147 = arith.index_cast %swap3A_3146 : i32 to index
    %swap3A_3148 = arith.constant 160 : index
    %swap3A_3149 = tpu.vector_load %arg7[%swap3A_3147, %swap3A_3148] {strides = array<i32>} : memref<24x256xf32, #tpu.memory_space<vmem>>, vector<16xf32>,
    tpu.vector_store %arg7[%swap3A_3147, %swap3A_3148], %add3A_3145 {strides = array<i32>} : memref<24x256xf32, #tpu.memory_space<vmem>>, vector<16xf32>,
    %slice3A_3150 = vector.extract_strided_slice %gather3A_3061 {offsets = [11], sizes = [1], strides = [1]} : vector<16xf32> to vector<1xf32>
    %squeeze3A_3151 = vector.extract %slice3A_3150[0] : f32 from vector<1xf32>
    %add3A_3152 = vector.broadcast %squeeze3A_3151 : f32 to vector<16xf32>
    %add3A_3153 = arith.addf %gather3A_3060, %add3A_3152 : vector<16xf32>
    %swap3A_3154 = arith.constant 23 : i32
    %swap3A_3155 = arith.index_cast %swap3A_3154 : i32 to index
    %swap3A_3156 = arith.constant 176 : index
    %swap3A_3157 = tpu.vector_load %arg7[%swap3A_3155, %swap3A_3156] {strides = array<i32>} : memref<24x256xf32, #tpu.memory_space<vmem>>, vector<16xf32>,
    tpu.vector_store %arg7[%swap3A_3155, %swap3A_3156], %add3A_3153 {strides = array<i32>} : memref<24x256xf32, #tpu.memory_space<vmem>>, vector<16xf32>,
    %slice3A_3158 = vector.extract_strided_slice %gather3A_3061 {offsets = [12], sizes = [1], strides = [1]} : vector<16xf32> to vector<1xf32>
    %squeeze3A_3159 = vector.extract %slice3A_3158[0] : f32 from vector<1xf32>
    %add3A_3160 = vector.broadcast %squeeze3A_3159 : f32 to vector<16xf32>
    %add3A_3161 = arith.addf %gather3A_3060, %add3A_3160 : vector<16xf32>
    %swap3A_3162 = arith.constant 23 : i32
    %swap3A_3163 = arith.index_cast %swap3A_3162 : i32 to index
    %swap3A_3164 = arith.constant 192 : index
    %swap3A_3165 = tpu.vector_load %arg7[%swap3A_3163, %swap3A_3164] {strides = array<i32>} : memref<24x256xf32, #tpu.memory_space<vmem>>, vector<16xf32>,
    tpu.vector_store %arg7[%swap3A_3163, %swap3A_3164], %add3A_3161 {strides = array<i32>} : memref<24x256xf32, #tpu.memory_space<vmem>>, vector<16xf32>,
    %slice3A_3166 = vector.extract_strided_slice %gather3A_3061 {offsets = [13], sizes = [1], strides = [1]} : vector<16xf32> to vector<1xf32>
    %squeeze3A_3167 = vector.extract %slice3A_3166[0] : f32 from vector<1xf32>
    %add3A_3168 = vector.broadcast %squeeze3A_3167 : f32 to vector<16xf32>
    %add3A_3169 = arith.addf %gather3A_3060, %add3A_3168 : vector<16xf32>
    %swap3A_3170 = arith.constant 23 : i32
    %swap3A_3171 = arith.index_cast %swap3A_3170 : i32 to index
    %swap3A_3172 = arith.constant 208 : index
    %swap3A_3173 = tpu.vector_load %arg7[%swap3A_3171, %swap3A_3172] {strides = array<i32>} : memref<24x256xf32, #tpu.memory_space<vmem>>, vector<16xf32>,
    tpu.vector_store %arg7[%swap3A_3171, %swap3A_3172], %add3A_3169 {strides = array<i32>} : memref<24x256xf32, #tpu.memory_space<vmem>>, vector<16xf32>,
    %slice3A_3174 = vector.extract_strided_slice %gather3A_3061 {offsets = [14], sizes = [1], strides = [1]} : vector<16xf32> to vector<1xf32>
    %squeeze3A_3175 = vector.extract %slice3A_3174[0] : f32 from vector<1xf32>
    %add3A_3176 = vector.broadcast %squeeze3A_3175 : f32 to vector<16xf32>
    %add3A_3177 = arith.addf %gather3A_3060, %add3A_3176 : vector<16xf32>
    %swap3A_3178 = arith.constant 23 : i32
    %swap3A_3179 = arith.index_cast %swap3A_3178 : i32 to index
    %swap3A_3180 = arith.constant 224 : index
    %swap3A_3181 = tpu.vector_load %arg7[%swap3A_3179, %swap3A_3180] {strides = array<i32>} : memref<24x256xf32, #tpu.memory_space<vmem>>, vector<16xf32>,
    tpu.vector_store %arg7[%swap3A_3179, %swap3A_3180], %add3A_3177 {strides = array<i32>} : memref<24x256xf32, #tpu.memory_space<vmem>>, vector<16xf32>,
    %slice3A_3182 = vector.extract_strided_slice %gather3A_3061 {offsets = [15], sizes = [1], strides = [1]} : vector<16xf32> to vector<1xf32>
    %squeeze3A_3183 = vector.extract %slice3A_3182[0] : f32 from vector<1xf32>
    %add3A_3184 = vector.broadcast %squeeze3A_3183 : f32 to vector<16xf32>
    %add3A_3185 = arith.addf %gather3A_3060, %add3A_3184 : vector<16xf32>
    %swap3A_3186 = arith.constant 23 : i32
    %swap3A_3187 = arith.index_cast %swap3A_3186 : i32 to index
    %swap3A_3188 = arith.constant 240 : index
    %swap3A_3189 = tpu.vector_load %arg7[%swap3A_3187, %swap3A_3188] {strides = array<i32>} : memref<24x256xf32, #tpu.memory_space<vmem>>, vector<16xf32>,
    tpu.vector_store %arg7[%swap3A_3187, %swap3A_3188], %add3A_3185 {strides = array<i32>} : memref<24x256xf32, #tpu.memory_space<vmem>>, vector<16xf32>,
    %dma_start3A = arith.constant 0 : i32
    %dma_start3A_3190 = arith.constant 0 : i32
    %dma_start3A_3191 = tpu.memref_slice %arg4[%dma_start3A, %mul3A_2, %dma_start3A_3190] : memref<32x768x256xf32, #tpu.memory_space<hbm>> -> memref<1x24x256xf32, #tpu.memory_space<hbm>>
    %dma_start3A_3192 = tpu.memref_squeeze %dma_start3A_3191 : memref<1x24x256xf32, #tpu.memory_space<hbm>> -> memref<24x256xf32, #tpu.memory_space<hbm>>
    %dma_start3A_3193 = arith.constant 0 : i32
    %dma_start3A_3194 = tpu.memref_slice %arg4[%dma_start3A, %mul3A_2, %dma_start3A_3193] : memref<32x768x256xf32, #tpu.memory_space<hbm>> -> memref<1x24x256xf32, #tpu.memory_space<hbm>>
    %dma_start3A_3195 = tpu.memref_squeeze %dma_start3A_3194 : memref<1x24x256xf32, #tpu.memory_space<hbm>> -> memref<24x256xf32, #tpu.memory_space<hbm>>
    tpu.enqueue_dma source(%arg7 : memref<24x256xf32, #tpu.memory_space<vmem>>) target(%dma_start3A_3195 : memref<24x256xf32, #tpu.memory_space<hbm>>) target_semaphore(%arg8 : memref<!tpu.dma_semaphore, #tpu.memory_space<semaphore_mem>>)
    %dma_start3A_3196 = arith.constant 1 : i32
    %dma_start3A_3197 = arith.constant 0 : i32
    %dma_start3A_3198 = tpu.memref_slice %arg4[%dma_start3A_3196, %mul3A_2, %dma_start3A_3197] : memref<32x768x256xf32, #tpu.memory_space<hbm>> -> memref<1x24x256xf32, #tpu.memory_space<hbm>>
    %dma_start3A_3199 = tpu.memref_squeeze %dma_start3A_3198 : memref<1x24x256xf32, #tpu.memory_space<hbm>> -> memref<24x256xf32, #tpu.memory_space<hbm>>
    %dma_start3A_3200 = arith.constant 0 : i32
    %dma_start3A_3201 = tpu.memref_slice %arg4[%dma_start3A_3196, %mul3A_2, %dma_start3A_3200] : memref<32x768x256xf32, #tpu.memory_space<hbm>> -> memref<1x24x256xf32, #tpu.memory_space<hbm>>
    %dma_start3A_3202 = tpu.memref_squeeze %dma_start3A_3201 : memref<1x24x256xf32, #tpu.memory_space<hbm>> -> memref<24x256xf32, #tpu.memory_space<hbm>>
    tpu.enqueue_dma source(%arg7 : memref<24x256xf32, #tpu.memory_space<vmem>>) target(%dma_start3A_3202 : memref<24x256xf32, #tpu.memory_space<hbm>>) target_semaphore(%arg8 : memref<!tpu.dma_semaphore, #tpu.memory_space<semaphore_mem>>)
    %dma_start3A_3203 = arith.constant 2 : i32
    %dma_start3A_3204 = arith.constant 0 : i32
    %dma_start3A_3205 = tpu.memref_slice %arg4[%dma_start3A_3203, %mul3A_2, %dma_start3A_3204] : memref<32x768x256xf32, #tpu.memory_space<hbm>> -> memref<1x24x256xf32, #tpu.memory_space<hbm>>
    %dma_start3A_3206 = tpu.memref_squeeze %dma_start3A_3205 : memref<1x24x256xf32, #tpu.memory_space<hbm>> -> memref<24x256xf32, #tpu.memory_space<hbm>>
    %dma_start3A_3207 = arith.constant 0 : i32
    %dma_start3A_3208 = tpu.memref_slice %arg4[%dma_start3A_3203, %mul3A_2, %dma_start3A_3207] : memref<32x768x256xf32, #tpu.memory_space<hbm>> -> memref<1x24x256xf32, #tpu.memory_space<hbm>>
    %dma_start3A_3209 = tpu.memref_squeeze %dma_start3A_3208 : memref<1x24x256xf32, #tpu.memory_space<hbm>> -> memref<24x256xf32, #tpu.memory_space<hbm>>
    tpu.enqueue_dma source(%arg7 : memref<24x256xf32, #tpu.memory_space<vmem>>) target(%dma_start3A_3209 : memref<24x256xf32, #tpu.memory_space<hbm>>) target_semaphore(%arg8 : memref<!tpu.dma_semaphore, #tpu.memory_space<semaphore_mem>>)
    %dma_start3A_3210 = arith.constant 3 : i32
    %dma_start3A_3211 = arith.constant 0 : i32
    %dma_start3A_3212 = tpu.memref_slice %arg4[%dma_start3A_3210, %mul3A_2, %dma_start3A_3211] : memref<32x768x256xf32, #tpu.memory_space<hbm>> -> memref<1x24x256xf32, #tpu.memory_space<hbm>>
    %dma_start3A_3213 = tpu.memref_squeeze %dma_start3A_3212 : memref<1x24x256xf32, #tpu.memory_space<hbm>> -> memref<24x256xf32, #tpu.memory_space<hbm>>
    %dma_start3A_3214 = arith.constant 0 : i32
    %dma_start3A_3215 = tpu.memref_slice %arg4[%dma_start3A_3210, %mul3A_2, %dma_start3A_3214] : memref<32x768x256xf32, #tpu.memory_space<hbm>> -> memref<1x24x256xf32, #tpu.memory_space<hbm>>
    %dma_start3A_3216 = tpu.memref_squeeze %dma_start3A_3215 : memref<1x24x256xf32, #tpu.memory_space<hbm>> -> memref<24x256xf32, #tpu.memory_space<hbm>>
    tpu.enqueue_dma source(%arg7 : memref<24x256xf32, #tpu.memory_space<vmem>>) target(%dma_start3A_3216 : memref<24x256xf32, #tpu.memory_space<hbm>>) target_semaphore(%arg8 : memref<!tpu.dma_semaphore, #tpu.memory_space<semaphore_mem>>)
    %dma_start3A_3217 = arith.constant 4 : i32
    %dma_start3A_3218 = arith.constant 0 : i32
    %dma_start3A_3219 = tpu.memref_slice %arg4[%dma_start3A_3217, %mul3A_2, %dma_start3A_3218] : memref<32x768x256xf32, #tpu.memory_space<hbm>> -> memref<1x24x256xf32, #tpu.memory_space<hbm>>
    %dma_start3A_3220 = tpu.memref_squeeze %dma_start3A_3219 : memref<1x24x256xf32, #tpu.memory_space<hbm>> -> memref<24x256xf32, #tpu.memory_space<hbm>>
    %dma_start3A_3221 = arith.constant 0 : i32
    %dma_start3A_3222 = tpu.memref_slice %arg4[%dma_start3A_3217, %mul3A_2, %dma_start3A_3221] : memref<32x768x256xf32, #tpu.memory_space<hbm>> -> memref<1x24x256xf32, #tpu.memory_space<hbm>>
    %dma_start3A_3223 = tpu.memref_squeeze %dma_start3A_3222 : memref<1x24x256xf32, #tpu.memory_space<hbm>> -> memref<24x256xf32, #tpu.memory_space<hbm>>
    tpu.enqueue_dma source(%arg7 : memref<24x256xf32, #tpu.memory_space<vmem>>) target(%dma_start3A_3223 : memref<24x256xf32, #tpu.memory_space<hbm>>) target_semaphore(%arg8 : memref<!tpu.dma_semaphore, #tpu.memory_space<semaphore_mem>>)
    %dma_start3A_3224 = arith.constant 5 : i32
    %dma_start3A_3225 = arith.constant 0 : i32
    %dma_start3A_3226 = tpu.memref_slice %arg4[%dma_start3A_3224, %mul3A_2, %dma_start3A_3225] : memref<32x768x256xf32, #tpu.memory_space<hbm>> -> memref<1x24x256xf32, #tpu.memory_space<hbm>>
    %dma_start3A_3227 = tpu.memref_squeeze %dma_start3A_3226 : memref<1x24x256xf32, #tpu.memory_space<hbm>> -> memref<24x256xf32, #tpu.memory_space<hbm>>
    %dma_start3A_3228 = arith.constant 0 : i32
    %dma_start3A_3229 = tpu.memref_slice %arg4[%dma_start3A_3224, %mul3A_2, %dma_start3A_3228] : memref<32x768x256xf32, #tpu.memory_space<hbm>> -> memref<1x24x256xf32, #tpu.memory_space<hbm>>
    %dma_start3A_3230 = tpu.memref_squeeze %dma_start3A_3229 : memref<1x24x256xf32, #tpu.memory_space<hbm>> -> memref<24x256xf32, #tpu.memory_space<hbm>>
    tpu.enqueue_dma source(%arg7 : memref<24x256xf32, #tpu.memory_space<vmem>>) target(%dma_start3A_3230 : memref<24x256xf32, #tpu.memory_space<hbm>>) target_semaphore(%arg8 : memref<!tpu.dma_semaphore, #tpu.memory_space<semaphore_mem>>)
    %dma_start3A_3231 = arith.constant 6 : i32
    %dma_start3A_3232 = arith.constant 0 : i32
    %dma_start3A_3233 = tpu.memref_slice %arg4[%dma_start3A_3231, %mul3A_2, %dma_start3A_3232] : memref<32x768x256xf32, #tpu.memory_space<hbm>> -> memref<1x24x256xf32, #tpu.memory_space<hbm>>
    %dma_start3A_3234 = tpu.memref_squeeze %dma_start3A_3233 : memref<1x24x256xf32, #tpu.memory_space<hbm>> -> memref<24x256xf32, #tpu.memory_space<hbm>>
    %dma_start3A_3235 = arith.constant 0 : i32
    %dma_start3A_3236 = tpu.memref_slice %arg4[%dma_start3A_3231, %mul3A_2, %dma_start3A_3235] : memref<32x768x256xf32, #tpu.memory_space<hbm>> -> memref<1x24x256xf32, #tpu.memory_space<hbm>>
    %dma_start3A_3237 = tpu.memref_squeeze %dma_start3A_3236 : memref<1x24x256xf32, #tpu.memory_space<hbm>> -> memref<24x256xf32, #tpu.memory_space<hbm>>
    tpu.enqueue_dma source(%arg7 : memref<24x256xf32, #tpu.memory_space<vmem>>) target(%dma_start3A_3237 : memref<24x256xf32, #tpu.memory_space<hbm>>) target_semaphore(%arg8 : memref<!tpu.dma_semaphore, #tpu.memory_space<semaphore_mem>>)
    %dma_start3A_3238 = arith.constant 7 : i32
    %dma_start3A_3239 = arith.constant 0 : i32
    %dma_start3A_3240 = tpu.memref_slice %arg4[%dma_start3A_3238, %mul3A_2, %dma_start3A_3239] : memref<32x768x256xf32, #tpu.memory_space<hbm>> -> memref<1x24x256xf32, #tpu.memory_space<hbm>>
    %dma_start3A_3241 = tpu.memref_squeeze %dma_start3A_3240 : memref<1x24x256xf32, #tpu.memory_space<hbm>> -> memref<24x256xf32, #tpu.memory_space<hbm>>
    %dma_start3A_3242 = arith.constant 0 : i32
    %dma_start3A_3243 = tpu.memref_slice %arg4[%dma_start3A_3238, %mul3A_2, %dma_start3A_3242] : memref<32x768x256xf32, #tpu.memory_space<hbm>> -> memref<1x24x256xf32, #tpu.memory_space<hbm>>
    %dma_start3A_3244 = tpu.memref_squeeze %dma_start3A_3243 : memref<1x24x256xf32, #tpu.memory_space<hbm>> -> memref<24x256xf32, #tpu.memory_space<hbm>>
    tpu.enqueue_dma source(%arg7 : memref<24x256xf32, #tpu.memory_space<vmem>>) target(%dma_start3A_3244 : memref<24x256xf32, #tpu.memory_space<hbm>>) target_semaphore(%arg8 : memref<!tpu.dma_semaphore, #tpu.memory_space<semaphore_mem>>)
    %dma_start3A_3245 = arith.constant 8 : i32
    %dma_start3A_3246 = arith.constant 0 : i32
    %dma_start3A_3247 = tpu.memref_slice %arg4[%dma_start3A_3245, %mul3A_2, %dma_start3A_3246] : memref<32x768x256xf32, #tpu.memory_space<hbm>> -> memref<1x24x256xf32, #tpu.memory_space<hbm>>
    %dma_start3A_3248 = tpu.memref_squeeze %dma_start3A_3247 : memref<1x24x256xf32, #tpu.memory_space<hbm>> -> memref<24x256xf32, #tpu.memory_space<hbm>>
    %dma_start3A_3249 = arith.constant 0 : i32
    %dma_start3A_3250 = tpu.memref_slice %arg4[%dma_start3A_3245, %mul3A_2, %dma_start3A_3249] : memref<32x768x256xf32, #tpu.memory_space<hbm>> -> memref<1x24x256xf32, #tpu.memory_space<hbm>>
    %dma_start3A_3251 = tpu.memref_squeeze %dma_start3A_3250 : memref<1x24x256xf32, #tpu.memory_space<hbm>> -> memref<24x256xf32, #tpu.memory_space<hbm>>
    tpu.enqueue_dma source(%arg7 : memref<24x256xf32, #tpu.memory_space<vmem>>) target(%dma_start3A_3251 : memref<24x256xf32, #tpu.memory_space<hbm>>) target_semaphore(%arg8 : memref<!tpu.dma_semaphore, #tpu.memory_space<semaphore_mem>>)
    %dma_start3A_3252 = arith.constant 9 : i32
    %dma_start3A_3253 = arith.constant 0 : i32
    %dma_start3A_3254 = tpu.memref_slice %arg4[%dma_start3A_3252, %mul3A_2, %dma_start3A_3253] : memref<32x768x256xf32, #tpu.memory_space<hbm>> -> memref<1x24x256xf32, #tpu.memory_space<hbm>>
    %dma_start3A_3255 = tpu.memref_squeeze %dma_start3A_3254 : memref<1x24x256xf32, #tpu.memory_space<hbm>> -> memref<24x256xf32, #tpu.memory_space<hbm>>
    %dma_start3A_3256 = arith.constant 0 : i32
    %dma_start3A_3257 = tpu.memref_slice %arg4[%dma_start3A_3252, %mul3A_2, %dma_start3A_3256] : memref<32x768x256xf32, #tpu.memory_space<hbm>> -> memref<1x24x256xf32, #tpu.memory_space<hbm>>
    %dma_start3A_3258 = tpu.memref_squeeze %dma_start3A_3257 : memref<1x24x256xf32, #tpu.memory_space<hbm>> -> memref<24x256xf32, #tpu.memory_space<hbm>>
    tpu.enqueue_dma source(%arg7 : memref<24x256xf32, #tpu.memory_space<vmem>>) target(%dma_start3A_3258 : memref<24x256xf32, #tpu.memory_space<hbm>>) target_semaphore(%arg8 : memref<!tpu.dma_semaphore, #tpu.memory_space<semaphore_mem>>)
    %dma_start3A_3259 = arith.constant 10 : i32
    %dma_start3A_3260 = arith.constant 0 : i32
    %dma_start3A_3261 = tpu.memref_slice %arg4[%dma_start3A_3259, %mul3A_2, %dma_start3A_3260] : memref<32x768x256xf32, #tpu.memory_space<hbm>> -> memref<1x24x256xf32, #tpu.memory_space<hbm>>
    %dma_start3A_3262 = tpu.memref_squeeze %dma_start3A_3261 : memref<1x24x256xf32, #tpu.memory_space<hbm>> -> memref<24x256xf32, #tpu.memory_space<hbm>>
    %dma_start3A_3263 = arith.constant 0 : i32
    %dma_start3A_3264 = tpu.memref_slice %arg4[%dma_start3A_3259, %mul3A_2, %dma_start3A_3263] : memref<32x768x256xf32, #tpu.memory_space<hbm>> -> memref<1x24x256xf32, #tpu.memory_space<hbm>>
    %dma_start3A_3265 = tpu.memref_squeeze %dma_start3A_3264 : memref<1x24x256xf32, #tpu.memory_space<hbm>> -> memref<24x256xf32, #tpu.memory_space<hbm>>
    tpu.enqueue_dma source(%arg7 : memref<24x256xf32, #tpu.memory_space<vmem>>) target(%dma_start3A_3265 : memref<24x256xf32, #tpu.memory_space<hbm>>) target_semaphore(%arg8 : memref<!tpu.dma_semaphore, #tpu.memory_space<semaphore_mem>>)
    %dma_start3A_3266 = arith.constant 11 : i32
    %dma_start3A_3267 = arith.constant 0 : i32
    %dma_start3A_3268 = tpu.memref_slice %arg4[%dma_start3A_3266, %mul3A_2, %dma_start3A_3267] : memref<32x768x256xf32, #tpu.memory_space<hbm>> -> memref<1x24x256xf32, #tpu.memory_space<hbm>>
    %dma_start3A_3269 = tpu.memref_squeeze %dma_start3A_3268 : memref<1x24x256xf32, #tpu.memory_space<hbm>> -> memref<24x256xf32, #tpu.memory_space<hbm>>
    %dma_start3A_3270 = arith.constant 0 : i32
    %dma_start3A_3271 = tpu.memref_slice %arg4[%dma_start3A_3266, %mul3A_2, %dma_start3A_3270] : memref<32x768x256xf32, #tpu.memory_space<hbm>> -> memref<1x24x256xf32, #tpu.memory_space<hbm>>
    %dma_start3A_3272 = tpu.memref_squeeze %dma_start3A_3271 : memref<1x24x256xf32, #tpu.memory_space<hbm>> -> memref<24x256xf32, #tpu.memory_space<hbm>>
    tpu.enqueue_dma source(%arg7 : memref<24x256xf32, #tpu.memory_space<vmem>>) target(%dma_start3A_3272 : memref<24x256xf32, #tpu.memory_space<hbm>>) target_semaphore(%arg8 : memref<!tpu.dma_semaphore, #tpu.memory_space<semaphore_mem>>)
    %dma_start3A_3273 = arith.constant 12 : i32
    %dma_start3A_3274 = arith.constant 0 : i32
    %dma_start3A_3275 = tpu.memref_slice %arg4[%dma_start3A_3273, %mul3A_2, %dma_start3A_3274] : memref<32x768x256xf32, #tpu.memory_space<hbm>> -> memref<1x24x256xf32, #tpu.memory_space<hbm>>
    %dma_start3A_3276 = tpu.memref_squeeze %dma_start3A_3275 : memref<1x24x256xf32, #tpu.memory_space<hbm>> -> memref<24x256xf32, #tpu.memory_space<hbm>>
    %dma_start3A_3277 = arith.constant 0 : i32
    %dma_start3A_3278 = tpu.memref_slice %arg4[%dma_start3A_3273, %mul3A_2, %dma_start3A_3277] : memref<32x768x256xf32, #tpu.memory_space<hbm>> -> memref<1x24x256xf32, #tpu.memory_space<hbm>>
    %dma_start3A_3279 = tpu.memref_squeeze %dma_start3A_3278 : memref<1x24x256xf32, #tpu.memory_space<hbm>> -> memref<24x256xf32, #tpu.memory_space<hbm>>
    tpu.enqueue_dma source(%arg7 : memref<24x256xf32, #tpu.memory_space<vmem>>) target(%dma_start3A_3279 : memref<24x256xf32, #tpu.memory_space<hbm>>) target_semaphore(%arg8 : memref<!tpu.dma_semaphore, #tpu.memory_space<semaphore_mem>>)
    %dma_start3A_3280 = arith.constant 13 : i32
    %dma_start3A_3281 = arith.constant 0 : i32
    %dma_start3A_3282 = tpu.memref_slice %arg4[%dma_start3A_3280, %mul3A_2, %dma_start3A_3281] : memref<32x768x256xf32, #tpu.memory_space<hbm>> -> memref<1x24x256xf32, #tpu.memory_space<hbm>>
    %dma_start3A_3283 = tpu.memref_squeeze %dma_start3A_3282 : memref<1x24x256xf32, #tpu.memory_space<hbm>> -> memref<24x256xf32, #tpu.memory_space<hbm>>
    %dma_start3A_3284 = arith.constant 0 : i32
    %dma_start3A_3285 = tpu.memref_slice %arg4[%dma_start3A_3280, %mul3A_2, %dma_start3A_3284] : memref<32x768x256xf32, #tpu.memory_space<hbm>> -> memref<1x24x256xf32, #tpu.memory_space<hbm>>
    %dma_start3A_3286 = tpu.memref_squeeze %dma_start3A_3285 : memref<1x24x256xf32, #tpu.memory_space<hbm>> -> memref<24x256xf32, #tpu.memory_space<hbm>>
    tpu.enqueue_dma source(%arg7 : memref<24x256xf32, #tpu.memory_space<vmem>>) target(%dma_start3A_3286 : memref<24x256xf32, #tpu.memory_space<hbm>>) target_semaphore(%arg8 : memref<!tpu.dma_semaphore, #tpu.memory_space<semaphore_mem>>)
    %dma_start3A_3287 = arith.constant 14 : i32
    %dma_start3A_3288 = arith.constant 0 : i32
    %dma_start3A_3289 = tpu.memref_slice %arg4[%dma_start3A_3287, %mul3A_2, %dma_start3A_3288] : memref<32x768x256xf32, #tpu.memory_space<hbm>> -> memref<1x24x256xf32, #tpu.memory_space<hbm>>
    %dma_start3A_3290 = tpu.memref_squeeze %dma_start3A_3289 : memref<1x24x256xf32, #tpu.memory_space<hbm>> -> memref<24x256xf32, #tpu.memory_space<hbm>>
    %dma_start3A_3291 = arith.constant 0 : i32
    %dma_start3A_3292 = tpu.memref_slice %arg4[%dma_start3A_3287, %mul3A_2, %dma_start3A_3291] : memref<32x768x256xf32, #tpu.memory_space<hbm>> -> memref<1x24x256xf32, #tpu.memory_space<hbm>>
    %dma_start3A_3293 = tpu.memref_squeeze %dma_start3A_3292 : memref<1x24x256xf32, #tpu.memory_space<hbm>> -> memref<24x256xf32, #tpu.memory_space<hbm>>
    tpu.enqueue_dma source(%arg7 : memref<24x256xf32, #tpu.memory_space<vmem>>) target(%dma_start3A_3293 : memref<24x256xf32, #tpu.memory_space<hbm>>) target_semaphore(%arg8 : memref<!tpu.dma_semaphore, #tpu.memory_space<semaphore_mem>>)
    %dma_start3A_3294 = arith.constant 15 : i32
    %dma_start3A_3295 = arith.constant 0 : i32
    %dma_start3A_3296 = tpu.memref_slice %arg4[%dma_start3A_3294, %mul3A_2, %dma_start3A_3295] : memref<32x768x256xf32, #tpu.memory_space<hbm>> -> memref<1x24x256xf32, #tpu.memory_space<hbm>>
    %dma_start3A_3297 = tpu.memref_squeeze %dma_start3A_3296 : memref<1x24x256xf32, #tpu.memory_space<hbm>> -> memref<24x256xf32, #tpu.memory_space<hbm>>
    %dma_start3A_3298 = arith.constant 0 : i32
    %dma_start3A_3299 = tpu.memref_slice %arg4[%dma_start3A_3294, %mul3A_2, %dma_start3A_3298] : memref<32x768x256xf32, #tpu.memory_space<hbm>> -> memref<1x24x256xf32, #tpu.memory_space<hbm>>
    %dma_start3A_3300 = tpu.memref_squeeze %dma_start3A_3299 : memref<1x24x256xf32, #tpu.memory_space<hbm>> -> memref<24x256xf32, #tpu.memory_space<hbm>>
    tpu.enqueue_dma source(%arg7 : memref<24x256xf32, #tpu.memory_space<vmem>>) target(%dma_start3A_3300 : memref<24x256xf32, #tpu.memory_space<hbm>>) target_semaphore(%arg8 : memref<!tpu.dma_semaphore, #tpu.memory_space<semaphore_mem>>)
    %dma_start3A_3301 = arith.constant 16 : i32
    %dma_start3A_3302 = arith.constant 0 : i32
    %dma_start3A_3303 = tpu.memref_slice %arg4[%dma_start3A_3301, %mul3A_2, %dma_start3A_3302] : memref<32x768x256xf32, #tpu.memory_space<hbm>> -> memref<1x24x256xf32, #tpu.memory_space<hbm>>
    %dma_start3A_3304 = tpu.memref_squeeze %dma_start3A_3303 : memref<1x24x256xf32, #tpu.memory_space<hbm>> -> memref<24x256xf32, #tpu.memory_space<hbm>>
    %dma_start3A_3305 = arith.constant 0 : i32
    %dma_start3A_3306 = tpu.memref_slice %arg4[%dma_start3A_3301, %mul3A_2, %dma_start3A_3305] : memref<32x768x256xf32, #tpu.memory_space<hbm>> -> memref<1x24x256xf32, #tpu.memory_space<hbm>>
    %dma_start3A_3307 = tpu.memref_squeeze %dma_start3A_3306 : memref<1x24x256xf32, #tpu.memory_space<hbm>> -> memref<24x256xf32, #tpu.memory_space<hbm>>
    tpu.enqueue_dma source(%arg7 : memref<24x256xf32, #tpu.memory_space<vmem>>) target(%dma_start3A_3307 : memref<24x256xf32, #tpu.memory_space<hbm>>) target_semaphore(%arg8 : memref<!tpu.dma_semaphore, #tpu.memory_space<semaphore_mem>>)
    %dma_start3A_3308 = arith.constant 17 : i32
    %dma_start3A_3309 = arith.constant 0 : i32
    %dma_start3A_3310 = tpu.memref_slice %arg4[%dma_start3A_3308, %mul3A_2, %dma_start3A_3309] : memref<32x768x256xf32, #tpu.memory_space<hbm>> -> memref<1x24x256xf32, #tpu.memory_space<hbm>>
    %dma_start3A_3311 = tpu.memref_squeeze %dma_start3A_3310 : memref<1x24x256xf32, #tpu.memory_space<hbm>> -> memref<24x256xf32, #tpu.memory_space<hbm>>
    %dma_start3A_3312 = arith.constant 0 : i32
    %dma_start3A_3313 = tpu.memref_slice %arg4[%dma_start3A_3308, %mul3A_2, %dma_start3A_3312] : memref<32x768x256xf32, #tpu.memory_space<hbm>> -> memref<1x24x256xf32, #tpu.memory_space<hbm>>
    %dma_start3A_3314 = tpu.memref_squeeze %dma_start3A_3313 : memref<1x24x256xf32, #tpu.memory_space<hbm>> -> memref<24x256xf32, #tpu.memory_space<hbm>>
    tpu.enqueue_dma source(%arg7 : memref<24x256xf32, #tpu.memory_space<vmem>>) target(%dma_start3A_3314 : memref<24x256xf32, #tpu.memory_space<hbm>>) target_semaphore(%arg8 : memref<!tpu.dma_semaphore, #tpu.memory_space<semaphore_mem>>)
    %dma_start3A_3315 = arith.constant 18 : i32
    %dma_start3A_3316 = arith.constant 0 : i32
    %dma_start3A_3317 = tpu.memref_slice %arg4[%dma_start3A_3315, %mul3A_2, %dma_start3A_3316] : memref<32x768x256xf32, #tpu.memory_space<hbm>> -> memref<1x24x256xf32, #tpu.memory_space<hbm>>
    %dma_start3A_3318 = tpu.memref_squeeze %dma_start3A_3317 : memref<1x24x256xf32, #tpu.memory_space<hbm>> -> memref<24x256xf32, #tpu.memory_space<hbm>>
    %dma_start3A_3319 = arith.constant 0 : i32
    %dma_start3A_3320 = tpu.memref_slice %arg4[%dma_start3A_3315, %mul3A_2, %dma_start3A_3319] : memref<32x768x256xf32, #tpu.memory_space<hbm>> -> memref<1x24x256xf32, #tpu.memory_space<hbm>>
    %dma_start3A_3321 = tpu.memref_squeeze %dma_start3A_3320 : memref<1x24x256xf32, #tpu.memory_space<hbm>> -> memref<24x256xf32, #tpu.memory_space<hbm>>
    tpu.enqueue_dma source(%arg7 : memref<24x256xf32, #tpu.memory_space<vmem>>) target(%dma_start3A_3321 : memref<24x256xf32, #tpu.memory_space<hbm>>) target_semaphore(%arg8 : memref<!tpu.dma_semaphore, #tpu.memory_space<semaphore_mem>>)
    %dma_start3A_3322 = arith.constant 19 : i32
    %dma_start3A_3323 = arith.constant 0 : i32
    %dma_start3A_3324 = tpu.memref_slice %arg4[%dma_start3A_3322, %mul3A_2, %dma_start3A_3323] : memref<32x768x256xf32, #tpu.memory_space<hbm>> -> memref<1x24x256xf32, #tpu.memory_space<hbm>>
    %dma_start3A_3325 = tpu.memref_squeeze %dma_start3A_3324 : memref<1x24x256xf32, #tpu.memory_space<hbm>> -> memref<24x256xf32, #tpu.memory_space<hbm>>
    %dma_start3A_3326 = arith.constant 0 : i32
    %dma_start3A_3327 = tpu.memref_slice %arg4[%dma_start3A_3322, %mul3A_2, %dma_start3A_3326] : memref<32x768x256xf32, #tpu.memory_space<hbm>> -> memref<1x24x256xf32, #tpu.memory_space<hbm>>
    %dma_start3A_3328 = tpu.memref_squeeze %dma_start3A_3327 : memref<1x24x256xf32, #tpu.memory_space<hbm>> -> memref<24x256xf32, #tpu.memory_space<hbm>>
    tpu.enqueue_dma source(%arg7 : memref<24x256xf32, #tpu.memory_space<vmem>>) target(%dma_start3A_3328 : memref<24x256xf32, #tpu.memory_space<hbm>>) target_semaphore(%arg8 : memref<!tpu.dma_semaphore, #tpu.memory_space<semaphore_mem>>)
    %dma_start3A_3329 = arith.constant 20 : i32
    %dma_start3A_3330 = arith.constant 0 : i32
    %dma_start3A_3331 = tpu.memref_slice %arg4[%dma_start3A_3329, %mul3A_2, %dma_start3A_3330] : memref<32x768x256xf32, #tpu.memory_space<hbm>> -> memref<1x24x256xf32, #tpu.memory_space<hbm>>
    %dma_start3A_3332 = tpu.memref_squeeze %dma_start3A_3331 : memref<1x24x256xf32, #tpu.memory_space<hbm>> -> memref<24x256xf32, #tpu.memory_space<hbm>>
    %dma_start3A_3333 = arith.constant 0 : i32
    %dma_start3A_3334 = tpu.memref_slice %arg4[%dma_start3A_3329, %mul3A_2, %dma_start3A_3333] : memref<32x768x256xf32, #tpu.memory_space<hbm>> -> memref<1x24x256xf32, #tpu.memory_space<hbm>>
    %dma_start3A_3335 = tpu.memref_squeeze %dma_start3A_3334 : memref<1x24x256xf32, #tpu.memory_space<hbm>> -> memref<24x256xf32, #tpu.memory_space<hbm>>
    tpu.enqueue_dma source(%arg7 : memref<24x256xf32, #tpu.memory_space<vmem>>) target(%dma_start3A_3335 : memref<24x256xf32, #tpu.memory_space<hbm>>) target_semaphore(%arg8 : memref<!tpu.dma_semaphore, #tpu.memory_space<semaphore_mem>>)
    %dma_start3A_3336 = arith.constant 21 : i32
    %dma_start3A_3337 = arith.constant 0 : i32
    %dma_start3A_3338 = tpu.memref_slice %arg4[%dma_start3A_3336, %mul3A_2, %dma_start3A_3337] : memref<32x768x256xf32, #tpu.memory_space<hbm>> -> memref<1x24x256xf32, #tpu.memory_space<hbm>>
    %dma_start3A_3339 = tpu.memref_squeeze %dma_start3A_3338 : memref<1x24x256xf32, #tpu.memory_space<hbm>> -> memref<24x256xf32, #tpu.memory_space<hbm>>
    %dma_start3A_3340 = arith.constant 0 : i32
    %dma_start3A_3341 = tpu.memref_slice %arg4[%dma_start3A_3336, %mul3A_2, %dma_start3A_3340] : memref<32x768x256xf32, #tpu.memory_space<hbm>> -> memref<1x24x256xf32, #tpu.memory_space<hbm>>
    %dma_start3A_3342 = tpu.memref_squeeze %dma_start3A_3341 : memref<1x24x256xf32, #tpu.memory_space<hbm>> -> memref<24x256xf32, #tpu.memory_space<hbm>>
    tpu.enqueue_dma source(%arg7 : memref<24x256xf32, #tpu.memory_space<vmem>>) target(%dma_start3A_3342 : memref<24x256xf32, #tpu.memory_space<hbm>>) target_semaphore(%arg8 : memref<!tpu.dma_semaphore, #tpu.memory_space<semaphore_mem>>)
    %dma_start3A_3343 = arith.constant 22 : i32
    %dma_start3A_3344 = arith.constant 0 : i32
    %dma_start3A_3345 = tpu.memref_slice %arg4[%dma_start3A_3343, %mul3A_2, %dma_start3A_3344] : memref<32x768x256xf32, #tpu.memory_space<hbm>> -> memref<1x24x256xf32, #tpu.memory_space<hbm>>
    %dma_start3A_3346 = tpu.memref_squeeze %dma_start3A_3345 : memref<1x24x256xf32, #tpu.memory_space<hbm>> -> memref<24x256xf32, #tpu.memory_space<hbm>>
    %dma_start3A_3347 = arith.constant 0 : i32
    %dma_start3A_3348 = tpu.memref_slice %arg4[%dma_start3A_3343, %mul3A_2, %dma_start3A_3347] : memref<32x768x256xf32, #tpu.memory_space<hbm>> -> memref<1x24x256xf32, #tpu.memory_space<hbm>>
    %dma_start3A_3349 = tpu.memref_squeeze %dma_start3A_3348 : memref<1x24x256xf32, #tpu.memory_space<hbm>> -> memref<24x256xf32, #tpu.memory_space<hbm>>
    tpu.enqueue_dma source(%arg7 : memref<24x256xf32, #tpu.memory_space<vmem>>) target(%dma_start3A_3349 : memref<24x256xf32, #tpu.memory_space<hbm>>) target_semaphore(%arg8 : memref<!tpu.dma_semaphore, #tpu.memory_space<semaphore_mem>>)
    %dma_start3A_3350 = arith.constant 23 : i32
    %dma_start3A_3351 = arith.constant 0 : i32
    %dma_start3A_3352 = tpu.memref_slice %arg4[%dma_start3A_3350, %mul3A_2, %dma_start3A_3351] : memref<32x768x256xf32, #tpu.memory_space<hbm>> -> memref<1x24x256xf32, #tpu.memory_space<hbm>>
    %dma_start3A_3353 = tpu.memref_squeeze %dma_start3A_3352 : memref<1x24x256xf32, #tpu.memory_space<hbm>> -> memref<24x256xf32, #tpu.memory_space<hbm>>
    %dma_start3A_3354 = arith.constant 0 : i32
    %dma_start3A_3355 = tpu.memref_slice %arg4[%dma_start3A_3350, %mul3A_2, %dma_start3A_3354] : memref<32x768x256xf32, #tpu.memory_space<hbm>> -> memref<1x24x256xf32, #tpu.memory_space<hbm>>
    %dma_start3A_3356 = tpu.memref_squeeze %dma_start3A_3355 : memref<1x24x256xf32, #tpu.memory_space<hbm>> -> memref<24x256xf32, #tpu.memory_space<hbm>>
    tpu.enqueue_dma source(%arg7 : memref<24x256xf32, #tpu.memory_space<vmem>>) target(%dma_start3A_3356 : memref<24x256xf32, #tpu.memory_space<hbm>>) target_semaphore(%arg8 : memref<!tpu.dma_semaphore, #tpu.memory_space<semaphore_mem>>)
    %dma_start3A_3357 = arith.constant 24 : i32
    %dma_start3A_3358 = arith.constant 0 : i32
    %dma_start3A_3359 = tpu.memref_slice %arg4[%dma_start3A_3357, %mul3A_2, %dma_start3A_3358] : memref<32x768x256xf32, #tpu.memory_space<hbm>> -> memref<1x24x256xf32, #tpu.memory_space<hbm>>
    %dma_start3A_3360 = tpu.memref_squeeze %dma_start3A_3359 : memref<1x24x256xf32, #tpu.memory_space<hbm>> -> memref<24x256xf32, #tpu.memory_space<hbm>>
    %dma_start3A_3361 = arith.constant 0 : i32
    %dma_start3A_3362 = tpu.memref_slice %arg4[%dma_start3A_3357, %mul3A_2, %dma_start3A_3361] : memref<32x768x256xf32, #tpu.memory_space<hbm>> -> memref<1x24x256xf32, #tpu.memory_space<hbm>>
    %dma_start3A_3363 = tpu.memref_squeeze %dma_start3A_3362 : memref<1x24x256xf32, #tpu.memory_space<hbm>> -> memref<24x256xf32, #tpu.memory_space<hbm>>
    tpu.enqueue_dma source(%arg7 : memref<24x256xf32, #tpu.memory_space<vmem>>) target(%dma_start3A_3363 : memref<24x256xf32, #tpu.memory_space<hbm>>) target_semaphore(%arg8 : memref<!tpu.dma_semaphore, #tpu.memory_space<semaphore_mem>>)
    %dma_start3A_3364 = arith.constant 25 : i32
    %dma_start3A_3365 = arith.constant 0 : i32
    %dma_start3A_3366 = tpu.memref_slice %arg4[%dma_start3A_3364, %mul3A_2, %dma_start3A_3365] : memref<32x768x256xf32, #tpu.memory_space<hbm>> -> memref<1x24x256xf32, #tpu.memory_space<hbm>>
    %dma_start3A_3367 = tpu.memref_squeeze %dma_start3A_3366 : memref<1x24x256xf32, #tpu.memory_space<hbm>> -> memref<24x256xf32, #tpu.memory_space<hbm>>
    %dma_start3A_3368 = arith.constant 0 : i32
    %dma_start3A_3369 = tpu.memref_slice %arg4[%dma_start3A_3364, %mul3A_2, %dma_start3A_3368] : memref<32x768x256xf32, #tpu.memory_space<hbm>> -> memref<1x24x256xf32, #tpu.memory_space<hbm>>
    %dma_start3A_3370 = tpu.memref_squeeze %dma_start3A_3369 : memref<1x24x256xf32, #tpu.memory_space<hbm>> -> memref<24x256xf32, #tpu.memory_space<hbm>>
    tpu.enqueue_dma source(%arg7 : memref<24x256xf32, #tpu.memory_space<vmem>>) target(%dma_start3A_3370 : memref<24x256xf32, #tpu.memory_space<hbm>>) target_semaphore(%arg8 : memref<!tpu.dma_semaphore, #tpu.memory_space<semaphore_mem>>)
    %dma_start3A_3371 = arith.constant 26 : i32
    %dma_start3A_3372 = arith.constant 0 : i32
    %dma_start3A_3373 = tpu.memref_slice %arg4[%dma_start3A_3371, %mul3A_2, %dma_start3A_3372] : memref<32x768x256xf32, #tpu.memory_space<hbm>> -> memref<1x24x256xf32, #tpu.memory_space<hbm>>
    %dma_start3A_3374 = tpu.memref_squeeze %dma_start3A_3373 : memref<1x24x256xf32, #tpu.memory_space<hbm>> -> memref<24x256xf32, #tpu.memory_space<hbm>>
    %dma_start3A_3375 = arith.constant 0 : i32
    %dma_start3A_3376 = tpu.memref_slice %arg4[%dma_start3A_3371, %mul3A_2, %dma_start3A_3375] : memref<32x768x256xf32, #tpu.memory_space<hbm>> -> memref<1x24x256xf32, #tpu.memory_space<hbm>>
    %dma_start3A_3377 = tpu.memref_squeeze %dma_start3A_3376 : memref<1x24x256xf32, #tpu.memory_space<hbm>> -> memref<24x256xf32, #tpu.memory_space<hbm>>
    tpu.enqueue_dma source(%arg7 : memref<24x256xf32, #tpu.memory_space<vmem>>) target(%dma_start3A_3377 : memref<24x256xf32, #tpu.memory_space<hbm>>) target_semaphore(%arg8 : memref<!tpu.dma_semaphore, #tpu.memory_space<semaphore_mem>>)
    %dma_start3A_3378 = arith.constant 27 : i32
    %dma_start3A_3379 = arith.constant 0 : i32
    %dma_start3A_3380 = tpu.memref_slice %arg4[%dma_start3A_3378, %mul3A_2, %dma_start3A_3379] : memref<32x768x256xf32, #tpu.memory_space<hbm>> -> memref<1x24x256xf32, #tpu.memory_space<hbm>>
    %dma_start3A_3381 = tpu.memref_squeeze %dma_start3A_3380 : memref<1x24x256xf32, #tpu.memory_space<hbm>> -> memref<24x256xf32, #tpu.memory_space<hbm>>
    %dma_start3A_3382 = arith.constant 0 : i32
    %dma_start3A_3383 = tpu.memref_slice %arg4[%dma_start3A_3378, %mul3A_2, %dma_start3A_3382] : memref<32x768x256xf32, #tpu.memory_space<hbm>> -> memref<1x24x256xf32, #tpu.memory_space<hbm>>
    %dma_start3A_3384 = tpu.memref_squeeze %dma_start3A_3383 : memref<1x24x256xf32, #tpu.memory_space<hbm>> -> memref<24x256xf32, #tpu.memory_space<hbm>>
    tpu.enqueue_dma source(%arg7 : memref<24x256xf32, #tpu.memory_space<vmem>>) target(%dma_start3A_3384 : memref<24x256xf32, #tpu.memory_space<hbm>>) target_semaphore(%arg8 : memref<!tpu.dma_semaphore, #tpu.memory_space<semaphore_mem>>)
    %dma_start3A_3385 = arith.constant 28 : i32
    %dma_start3A_3386 = arith.constant 0 : i32
    %dma_start3A_3387 = tpu.memref_slice %arg4[%dma_start3A_3385, %mul3A_2, %dma_start3A_3386] : memref<32x768x256xf32, #tpu.memory_space<hbm>> -> memref<1x24x256xf32, #tpu.memory_space<hbm>>
    %dma_start3A_3388 = tpu.memref_squeeze %dma_start3A_3387 : memref<1x24x256xf32, #tpu.memory_space<hbm>> -> memref<24x256xf32, #tpu.memory_space<hbm>>
    %dma_start3A_3389 = arith.constant 0 : i32
    %dma_start3A_3390 = tpu.memref_slice %arg4[%dma_start3A_3385, %mul3A_2, %dma_start3A_3389] : memref<32x768x256xf32, #tpu.memory_space<hbm>> -> memref<1x24x256xf32, #tpu.memory_space<hbm>>
    %dma_start3A_3391 = tpu.memref_squeeze %dma_start3A_3390 : memref<1x24x256xf32, #tpu.memory_space<hbm>> -> memref<24x256xf32, #tpu.memory_space<hbm>>
    tpu.enqueue_dma source(%arg7 : memref<24x256xf32, #tpu.memory_space<vmem>>) target(%dma_start3A_3391 : memref<24x256xf32, #tpu.memory_space<hbm>>) target_semaphore(%arg8 : memref<!tpu.dma_semaphore, #tpu.memory_space<semaphore_mem>>)
    %dma_start3A_3392 = arith.constant 29 : i32
    %dma_start3A_3393 = arith.constant 0 : i32
    %dma_start3A_3394 = tpu.memref_slice %arg4[%dma_start3A_3392, %mul3A_2, %dma_start3A_3393] : memref<32x768x256xf32, #tpu.memory_space<hbm>> -> memref<1x24x256xf32, #tpu.memory_space<hbm>>
    %dma_start3A_3395 = tpu.memref_squeeze %dma_start3A_3394 : memref<1x24x256xf32, #tpu.memory_space<hbm>> -> memref<24x256xf32, #tpu.memory_space<hbm>>
    %dma_start3A_3396 = arith.constant 0 : i32
    %dma_start3A_3397 = tpu.memref_slice %arg4[%dma_start3A_3392, %mul3A_2, %dma_start3A_3396] : memref<32x768x256xf32, #tpu.memory_space<hbm>> -> memref<1x24x256xf32, #tpu.memory_space<hbm>>
    %dma_start3A_3398 = tpu.memref_squeeze %dma_start3A_3397 : memref<1x24x256xf32, #tpu.memory_space<hbm>> -> memref<24x256xf32, #tpu.memory_space<hbm>>
    tpu.enqueue_dma source(%arg7 : memref<24x256xf32, #tpu.memory_space<vmem>>) target(%dma_start3A_3398 : memref<24x256xf32, #tpu.memory_space<hbm>>) target_semaphore(%arg8 : memref<!tpu.dma_semaphore, #tpu.memory_space<semaphore_mem>>)
    %dma_start3A_3399 = arith.constant 30 : i32
    %dma_start3A_3400 = arith.constant 0 : i32
    %dma_start3A_3401 = tpu.memref_slice %arg4[%dma_start3A_3399, %mul3A_2, %dma_start3A_3400] : memref<32x768x256xf32, #tpu.memory_space<hbm>> -> memref<1x24x256xf32, #tpu.memory_space<hbm>>
    %dma_start3A_3402 = tpu.memref_squeeze %dma_start3A_3401 : memref<1x24x256xf32, #tpu.memory_space<hbm>> -> memref<24x256xf32, #tpu.memory_space<hbm>>
    %dma_start3A_3403 = arith.constant 0 : i32
    %dma_start3A_3404 = tpu.memref_slice %arg4[%dma_start3A_3399, %mul3A_2, %dma_start3A_3403] : memref<32x768x256xf32, #tpu.memory_space<hbm>> -> memref<1x24x256xf32, #tpu.memory_space<hbm>>
    %dma_start3A_3405 = tpu.memref_squeeze %dma_start3A_3404 : memref<1x24x256xf32, #tpu.memory_space<hbm>> -> memref<24x256xf32, #tpu.memory_space<hbm>>
    tpu.enqueue_dma source(%arg7 : memref<24x256xf32, #tpu.memory_space<vmem>>) target(%dma_start3A_3405 : memref<24x256xf32, #tpu.memory_space<hbm>>) target_semaphore(%arg8 : memref<!tpu.dma_semaphore, #tpu.memory_space<semaphore_mem>>)
    %dma_start3A_3406 = arith.constant 31 : i32
    %dma_start3A_3407 = arith.constant 0 : i32
    %dma_start3A_3408 = tpu.memref_slice %arg4[%dma_start3A_3406, %mul3A_2, %dma_start3A_3407] : memref<32x768x256xf32, #tpu.memory_space<hbm>> -> memref<1x24x256xf32, #tpu.memory_space<hbm>>
    %dma_start3A_3409 = tpu.memref_squeeze %dma_start3A_3408 : memref<1x24x256xf32, #tpu.memory_space<hbm>> -> memref<24x256xf32, #tpu.memory_space<hbm>>
    %dma_start3A_3410 = arith.constant 0 : i32
    %dma_start3A_3411 = tpu.memref_slice %arg4[%dma_start3A_3406, %mul3A_2, %dma_start3A_3410] : memref<32x768x256xf32, #tpu.memory_space<hbm>> -> memref<1x24x256xf32, #tpu.memory_space<hbm>>
    %dma_start3A_3412 = tpu.memref_squeeze %dma_start3A_3411 : memref<1x24x256xf32, #tpu.memory_space<hbm>> -> memref<24x256xf32, #tpu.memory_space<hbm>>
    tpu.enqueue_dma source(%arg7 : memref<24x256xf32, #tpu.memory_space<vmem>>) target(%dma_start3A_3412 : memref<24x256xf32, #tpu.memory_space<hbm>>) target_semaphore(%arg8 : memref<!tpu.dma_semaphore, #tpu.memory_space<semaphore_mem>>)
    %dma_wait3A = arith.constant 0 : i32
    %dma_wait3A_3413 = arith.constant 0 : i32
    %dma_wait3A_3414 = tpu.memref_slice %arg4[%dma_wait3A, %mul3A_2, %dma_wait3A_3413] : memref<32x768x256xf32, #tpu.memory_space<hbm>> -> memref<1x24x256xf32, #tpu.memory_space<hbm>>
    %dma_wait3A_3415 = tpu.memref_squeeze %dma_wait3A_3414 : memref<1x24x256xf32, #tpu.memory_space<hbm>> -> memref<24x256xf32, #tpu.memory_space<hbm>>
    %dma_wait3A_3416 = arith.constant 0 : i32
    %dma_wait3A_3417 = tpu.memref_slice %arg4[%dma_wait3A, %mul3A_2, %dma_wait3A_3416] : memref<32x768x256xf32, #tpu.memory_space<hbm>> -> memref<1x24x256xf32, #tpu.memory_space<hbm>>
    %dma_wait3A_3418 = tpu.memref_squeeze %dma_wait3A_3417 : memref<1x24x256xf32, #tpu.memory_space<hbm>> -> memref<24x256xf32, #tpu.memory_space<hbm>>
    tpu.wait_dma2 semaphore(%arg8 : memref<!tpu.dma_semaphore, #tpu.memory_space<semaphore_mem>>) src(%arg7 : memref<24x256xf32, #tpu.memory_space<vmem>>) dst(%dma_wait3A_3418 : memref<24x256xf32, #tpu.memory_space<hbm>>)
    %dma_wait3A_3419 = arith.constant 1 : i32
    %dma_wait3A_3420 = arith.constant 0 : i32
    %dma_wait3A_3421 = tpu.memref_slice %arg4[%dma_wait3A_3419, %mul3A_2, %dma_wait3A_3420] : memref<32x768x256xf32, #tpu.memory_space<hbm>> -> memref<1x24x256xf32, #tpu.memory_space<hbm>>
    %dma_wait3A_3422 = tpu.memref_squeeze %dma_wait3A_3421 : memref<1x24x256xf32, #tpu.memory_space<hbm>> -> memref<24x256xf32, #tpu.memory_space<hbm>>
    %dma_wait3A_3423 = arith.constant 0 : i32
    %dma_wait3A_3424 = tpu.memref_slice %arg4[%dma_wait3A_3419, %mul3A_2, %dma_wait3A_3423] : memref<32x768x256xf32, #tpu.memory_space<hbm>> -> memref<1x24x256xf32, #tpu.memory_space<hbm>>
    %dma_wait3A_3425 = tpu.memref_squeeze %dma_wait3A_3424 : memref<1x24x256xf32, #tpu.memory_space<hbm>> -> memref<24x256xf32, #tpu.memory_space<hbm>>
    tpu.wait_dma2 semaphore(%arg8 : memref<!tpu.dma_semaphore, #tpu.memory_space<semaphore_mem>>) src(%arg7 : memref<24x256xf32, #tpu.memory_space<vmem>>) dst(%dma_wait3A_3425 : memref<24x256xf32, #tpu.memory_space<hbm>>)
    %dma_wait3A_3426 = arith.constant 2 : i32
    %dma_wait3A_3427 = arith.constant 0 : i32
    %dma_wait3A_3428 = tpu.memref_slice %arg4[%dma_wait3A_3426, %mul3A_2, %dma_wait3A_3427] : memref<32x768x256xf32, #tpu.memory_space<hbm>> -> memref<1x24x256xf32, #tpu.memory_space<hbm>>
    %dma_wait3A_3429 = tpu.memref_squeeze %dma_wait3A_3428 : memref<1x24x256xf32, #tpu.memory_space<hbm>> -> memref<24x256xf32, #tpu.memory_space<hbm>>
    %dma_wait3A_3430 = arith.constant 0 : i32
    %dma_wait3A_3431 = tpu.memref_slice %arg4[%dma_wait3A_3426, %mul3A_2, %dma_wait3A_3430] : memref<32x768x256xf32, #tpu.memory_space<hbm>> -> memref<1x24x256xf32, #tpu.memory_space<hbm>>
    %dma_wait3A_3432 = tpu.memref_squeeze %dma_wait3A_3431 : memref<1x24x256xf32, #tpu.memory_space<hbm>> -> memref<24x256xf32, #tpu.memory_space<hbm>>
    tpu.wait_dma2 semaphore(%arg8 : memref<!tpu.dma_semaphore, #tpu.memory_space<semaphore_mem>>) src(%arg7 : memref<24x256xf32, #tpu.memory_space<vmem>>) dst(%dma_wait3A_3432 : memref<24x256xf32, #tpu.memory_space<hbm>>)
    %dma_wait3A_3433 = arith.constant 3 : i32
    %dma_wait3A_3434 = arith.constant 0 : i32
    %dma_wait3A_3435 = tpu.memref_slice %arg4[%dma_wait3A_3433, %mul3A_2, %dma_wait3A_3434] : memref<32x768x256xf32, #tpu.memory_space<hbm>> -> memref<1x24x256xf32, #tpu.memory_space<hbm>>
    %dma_wait3A_3436 = tpu.memref_squeeze %dma_wait3A_3435 : memref<1x24x256xf32, #tpu.memory_space<hbm>> -> memref<24x256xf32, #tpu.memory_space<hbm>>
    %dma_wait3A_3437 = arith.constant 0 : i32
    %dma_wait3A_3438 = tpu.memref_slice %arg4[%dma_wait3A_3433, %mul3A_2, %dma_wait3A_3437] : memref<32x768x256xf32, #tpu.memory_space<hbm>> -> memref<1x24x256xf32, #tpu.memory_space<hbm>>
    %dma_wait3A_3439 = tpu.memref_squeeze %dma_wait3A_3438 : memref<1x24x256xf32, #tpu.memory_space<hbm>> -> memref<24x256xf32, #tpu.memory_space<hbm>>
    tpu.wait_dma2 semaphore(%arg8 : memref<!tpu.dma_semaphore, #tpu.memory_space<semaphore_mem>>) src(%arg7 : memref<24x256xf32, #tpu.memory_space<vmem>>) dst(%dma_wait3A_3439 : memref<24x256xf32, #tpu.memory_space<hbm>>)
    %dma_wait3A_3440 = arith.constant 4 : i32
    %dma_wait3A_3441 = arith.constant 0 : i32
    %dma_wait3A_3442 = tpu.memref_slice %arg4[%dma_wait3A_3440, %mul3A_2, %dma_wait3A_3441] : memref<32x768x256xf32, #tpu.memory_space<hbm>> -> memref<1x24x256xf32, #tpu.memory_space<hbm>>
    %dma_wait3A_3443 = tpu.memref_squeeze %dma_wait3A_3442 : memref<1x24x256xf32, #tpu.memory_space<hbm>> -> memref<24x256xf32, #tpu.memory_space<hbm>>
    %dma_wait3A_3444 = arith.constant 0 : i32
    %dma_wait3A_3445 = tpu.memref_slice %arg4[%dma_wait3A_3440, %mul3A_2, %dma_wait3A_3444] : memref<32x768x256xf32, #tpu.memory_space<hbm>> -> memref<1x24x256xf32, #tpu.memory_space<hbm>>
    %dma_wait3A_3446 = tpu.memref_squeeze %dma_wait3A_3445 : memref<1x24x256xf32, #tpu.memory_space<hbm>> -> memref<24x256xf32, #tpu.memory_space<hbm>>
    tpu.wait_dma2 semaphore(%arg8 : memref<!tpu.dma_semaphore, #tpu.memory_space<semaphore_mem>>) src(%arg7 : memref<24x256xf32, #tpu.memory_space<vmem>>) dst(%dma_wait3A_3446 : memref<24x256xf32, #tpu.memory_space<hbm>>)
    %dma_wait3A_3447 = arith.constant 5 : i32
    %dma_wait3A_3448 = arith.constant 0 : i32
    %dma_wait3A_3449 = tpu.memref_slice %arg4[%dma_wait3A_3447, %mul3A_2, %dma_wait3A_3448] : memref<32x768x256xf32, #tpu.memory_space<hbm>> -> memref<1x24x256xf32, #tpu.memory_space<hbm>>
    %dma_wait3A_3450 = tpu.memref_squeeze %dma_wait3A_3449 : memref<1x24x256xf32, #tpu.memory_space<hbm>> -> memref<24x256xf32, #tpu.memory_space<hbm>>
    %dma_wait3A_3451 = arith.constant 0 : i32
    %dma_wait3A_3452 = tpu.memref_slice %arg4[%dma_wait3A_3447, %mul3A_2, %dma_wait3A_3451] : memref<32x768x256xf32, #tpu.memory_space<hbm>> -> memref<1x24x256xf32, #tpu.memory_space<hbm>>
    %dma_wait3A_3453 = tpu.memref_squeeze %dma_wait3A_3452 : memref<1x24x256xf32, #tpu.memory_space<hbm>> -> memref<24x256xf32, #tpu.memory_space<hbm>>
    tpu.wait_dma2 semaphore(%arg8 : memref<!tpu.dma_semaphore, #tpu.memory_space<semaphore_mem>>) src(%arg7 : memref<24x256xf32, #tpu.memory_space<vmem>>) dst(%dma_wait3A_3453 : memref<24x256xf32, #tpu.memory_space<hbm>>)
    %dma_wait3A_3454 = arith.constant 6 : i32
    %dma_wait3A_3455 = arith.constant 0 : i32
    %dma_wait3A_3456 = tpu.memref_slice %arg4[%dma_wait3A_3454, %mul3A_2, %dma_wait3A_3455] : memref<32x768x256xf32, #tpu.memory_space<hbm>> -> memref<1x24x256xf32, #tpu.memory_space<hbm>>
    %dma_wait3A_3457 = tpu.memref_squeeze %dma_wait3A_3456 : memref<1x24x256xf32, #tpu.memory_space<hbm>> -> memref<24x256xf32, #tpu.memory_space<hbm>>
    %dma_wait3A_3458 = arith.constant 0 : i32
    %dma_wait3A_3459 = tpu.memref_slice %arg4[%dma_wait3A_3454, %mul3A_2, %dma_wait3A_3458] : memref<32x768x256xf32, #tpu.memory_space<hbm>> -> memref<1x24x256xf32, #tpu.memory_space<hbm>>
    %dma_wait3A_3460 = tpu.memref_squeeze %dma_wait3A_3459 : memref<1x24x256xf32, #tpu.memory_space<hbm>> -> memref<24x256xf32, #tpu.memory_space<hbm>>
    tpu.wait_dma2 semaphore(%arg8 : memref<!tpu.dma_semaphore, #tpu.memory_space<semaphore_mem>>) src(%arg7 : memref<24x256xf32, #tpu.memory_space<vmem>>) dst(%dma_wait3A_3460 : memref<24x256xf32, #tpu.memory_space<hbm>>)
    %dma_wait3A_3461 = arith.constant 7 : i32
    %dma_wait3A_3462 = arith.constant 0 : i32
    %dma_wait3A_3463 = tpu.memref_slice %arg4[%dma_wait3A_3461, %mul3A_2, %dma_wait3A_3462] : memref<32x768x256xf32, #tpu.memory_space<hbm>> -> memref<1x24x256xf32, #tpu.memory_space<hbm>>
    %dma_wait3A_3464 = tpu.memref_squeeze %dma_wait3A_3463 : memref<1x24x256xf32, #tpu.memory_space<hbm>> -> memref<24x256xf32, #tpu.memory_space<hbm>>
    %dma_wait3A_3465 = arith.constant 0 : i32
    %dma_wait3A_3466 = tpu.memref_slice %arg4[%dma_wait3A_3461, %mul3A_2, %dma_wait3A_3465] : memref<32x768x256xf32, #tpu.memory_space<hbm>> -> memref<1x24x256xf32, #tpu.memory_space<hbm>>
    %dma_wait3A_3467 = tpu.memref_squeeze %dma_wait3A_3466 : memref<1x24x256xf32, #tpu.memory_space<hbm>> -> memref<24x256xf32, #tpu.memory_space<hbm>>
    tpu.wait_dma2 semaphore(%arg8 : memref<!tpu.dma_semaphore, #tpu.memory_space<semaphore_mem>>) src(%arg7 : memref<24x256xf32, #tpu.memory_space<vmem>>) dst(%dma_wait3A_3467 : memref<24x256xf32, #tpu.memory_space<hbm>>)
    %dma_wait3A_3468 = arith.constant 8 : i32
    %dma_wait3A_3469 = arith.constant 0 : i32
    %dma_wait3A_3470 = tpu.memref_slice %arg4[%dma_wait3A_3468, %mul3A_2, %dma_wait3A_3469] : memref<32x768x256xf32, #tpu.memory_space<hbm>> -> memref<1x24x256xf32, #tpu.memory_space<hbm>>
    %dma_wait3A_3471 = tpu.memref_squeeze %dma_wait3A_3470 : memref<1x24x256xf32, #tpu.memory_space<hbm>> -> memref<24x256xf32, #tpu.memory_space<hbm>>
    %dma_wait3A_3472 = arith.constant 0 : i32
    %dma_wait3A_3473 = tpu.memref_slice %arg4[%dma_wait3A_3468, %mul3A_2, %dma_wait3A_3472] : memref<32x768x256xf32, #tpu.memory_space<hbm>> -> memref<1x24x256xf32, #tpu.memory_space<hbm>>
    %dma_wait3A_3474 = tpu.memref_squeeze %dma_wait3A_3473 : memref<1x24x256xf32, #tpu.memory_space<hbm>> -> memref<24x256xf32, #tpu.memory_space<hbm>>
    tpu.wait_dma2 semaphore(%arg8 : memref<!tpu.dma_semaphore, #tpu.memory_space<semaphore_mem>>) src(%arg7 : memref<24x256xf32, #tpu.memory_space<vmem>>) dst(%dma_wait3A_3474 : memref<24x256xf32, #tpu.memory_space<hbm>>)
    %dma_wait3A_3475 = arith.constant 9 : i32
    %dma_wait3A_3476 = arith.constant 0 : i32
    %dma_wait3A_3477 = tpu.memref_slice %arg4[%dma_wait3A_3475, %mul3A_2, %dma_wait3A_3476] : memref<32x768x256xf32, #tpu.memory_space<hbm>> -> memref<1x24x256xf32, #tpu.memory_space<hbm>>
    %dma_wait3A_3478 = tpu.memref_squeeze %dma_wait3A_3477 : memref<1x24x256xf32, #tpu.memory_space<hbm>> -> memref<24x256xf32, #tpu.memory_space<hbm>>
    %dma_wait3A_3479 = arith.constant 0 : i32
    %dma_wait3A_3480 = tpu.memref_slice %arg4[%dma_wait3A_3475, %mul3A_2, %dma_wait3A_3479] : memref<32x768x256xf32, #tpu.memory_space<hbm>> -> memref<1x24x256xf32, #tpu.memory_space<hbm>>
    %dma_wait3A_3481 = tpu.memref_squeeze %dma_wait3A_3480 : memref<1x24x256xf32, #tpu.memory_space<hbm>> -> memref<24x256xf32, #tpu.memory_space<hbm>>
    tpu.wait_dma2 semaphore(%arg8 : memref<!tpu.dma_semaphore, #tpu.memory_space<semaphore_mem>>) src(%arg7 : memref<24x256xf32, #tpu.memory_space<vmem>>) dst(%dma_wait3A_3481 : memref<24x256xf32, #tpu.memory_space<hbm>>)
    %dma_wait3A_3482 = arith.constant 10 : i32
    %dma_wait3A_3483 = arith.constant 0 : i32
    %dma_wait3A_3484 = tpu.memref_slice %arg4[%dma_wait3A_3482, %mul3A_2, %dma_wait3A_3483] : memref<32x768x256xf32, #tpu.memory_space<hbm>> -> memref<1x24x256xf32, #tpu.memory_space<hbm>>
    %dma_wait3A_3485 = tpu.memref_squeeze %dma_wait3A_3484 : memref<1x24x256xf32, #tpu.memory_space<hbm>> -> memref<24x256xf32, #tpu.memory_space<hbm>>
    %dma_wait3A_3486 = arith.constant 0 : i32
    %dma_wait3A_3487 = tpu.memref_slice %arg4[%dma_wait3A_3482, %mul3A_2, %dma_wait3A_3486] : memref<32x768x256xf32, #tpu.memory_space<hbm>> -> memref<1x24x256xf32, #tpu.memory_space<hbm>>
    %dma_wait3A_3488 = tpu.memref_squeeze %dma_wait3A_3487 : memref<1x24x256xf32, #tpu.memory_space<hbm>> -> memref<24x256xf32, #tpu.memory_space<hbm>>
    tpu.wait_dma2 semaphore(%arg8 : memref<!tpu.dma_semaphore, #tpu.memory_space<semaphore_mem>>) src(%arg7 : memref<24x256xf32, #tpu.memory_space<vmem>>) dst(%dma_wait3A_3488 : memref<24x256xf32, #tpu.memory_space<hbm>>)
    %dma_wait3A_3489 = arith.constant 11 : i32
    %dma_wait3A_3490 = arith.constant 0 : i32
    %dma_wait3A_3491 = tpu.memref_slice %arg4[%dma_wait3A_3489, %mul3A_2, %dma_wait3A_3490] : memref<32x768x256xf32, #tpu.memory_space<hbm>> -> memref<1x24x256xf32, #tpu.memory_space<hbm>>
    %dma_wait3A_3492 = tpu.memref_squeeze %dma_wait3A_3491 : memref<1x24x256xf32, #tpu.memory_space<hbm>> -> memref<24x256xf32, #tpu.memory_space<hbm>>
    %dma_wait3A_3493 = arith.constant 0 : i32
    %dma_wait3A_3494 = tpu.memref_slice %arg4[%dma_wait3A_3489, %mul3A_2, %dma_wait3A_3493] : memref<32x768x256xf32, #tpu.memory_space<hbm>> -> memref<1x24x256xf32, #tpu.memory_space<hbm>>
    %dma_wait3A_3495 = tpu.memref_squeeze %dma_wait3A_3494 : memref<1x24x256xf32, #tpu.memory_space<hbm>> -> memref<24x256xf32, #tpu.memory_space<hbm>>
    tpu.wait_dma2 semaphore(%arg8 : memref<!tpu.dma_semaphore, #tpu.memory_space<semaphore_mem>>) src(%arg7 : memref<24x256xf32, #tpu.memory_space<vmem>>) dst(%dma_wait3A_3495 : memref<24x256xf32, #tpu.memory_space<hbm>>)
    %dma_wait3A_3496 = arith.constant 12 : i32
    %dma_wait3A_3497 = arith.constant 0 : i32
    %dma_wait3A_3498 = tpu.memref_slice %arg4[%dma_wait3A_3496, %mul3A_2, %dma_wait3A_3497] : memref<32x768x256xf32, #tpu.memory_space<hbm>> -> memref<1x24x256xf32, #tpu.memory_space<hbm>>
    %dma_wait3A_3499 = tpu.memref_squeeze %dma_wait3A_3498 : memref<1x24x256xf32, #tpu.memory_space<hbm>> -> memref<24x256xf32, #tpu.memory_space<hbm>>
    %dma_wait3A_3500 = arith.constant 0 : i32
    %dma_wait3A_3501 = tpu.memref_slice %arg4[%dma_wait3A_3496, %mul3A_2, %dma_wait3A_3500] : memref<32x768x256xf32, #tpu.memory_space<hbm>> -> memref<1x24x256xf32, #tpu.memory_space<hbm>>
    %dma_wait3A_3502 = tpu.memref_squeeze %dma_wait3A_3501 : memref<1x24x256xf32, #tpu.memory_space<hbm>> -> memref<24x256xf32, #tpu.memory_space<hbm>>
    tpu.wait_dma2 semaphore(%arg8 : memref<!tpu.dma_semaphore, #tpu.memory_space<semaphore_mem>>) src(%arg7 : memref<24x256xf32, #tpu.memory_space<vmem>>) dst(%dma_wait3A_3502 : memref<24x256xf32, #tpu.memory_space<hbm>>)
    %dma_wait3A_3503 = arith.constant 13 : i32
    %dma_wait3A_3504 = arith.constant 0 : i32
    %dma_wait3A_3505 = tpu.memref_slice %arg4[%dma_wait3A_3503, %mul3A_2, %dma_wait3A_3504] : memref<32x768x256xf32, #tpu.memory_space<hbm>> -> memref<1x24x256xf32, #tpu.memory_space<hbm>>
    %dma_wait3A_3506 = tpu.memref_squeeze %dma_wait3A_3505 : memref<1x24x256xf32, #tpu.memory_space<hbm>> -> memref<24x256xf32, #tpu.memory_space<hbm>>
    %dma_wait3A_3507 = arith.constant 0 : i32
    %dma_wait3A_3508 = tpu.memref_slice %arg4[%dma_wait3A_3503, %mul3A_2, %dma_wait3A_3507] : memref<32x768x256xf32, #tpu.memory_space<hbm>> -> memref<1x24x256xf32, #tpu.memory_space<hbm>>
    %dma_wait3A_3509 = tpu.memref_squeeze %dma_wait3A_3508 : memref<1x24x256xf32, #tpu.memory_space<hbm>> -> memref<24x256xf32, #tpu.memory_space<hbm>>
    tpu.wait_dma2 semaphore(%arg8 : memref<!tpu.dma_semaphore, #tpu.memory_space<semaphore_mem>>) src(%arg7 : memref<24x256xf32, #tpu.memory_space<vmem>>) dst(%dma_wait3A_3509 : memref<24x256xf32, #tpu.memory_space<hbm>>)
    %dma_wait3A_3510 = arith.constant 14 : i32
    %dma_wait3A_3511 = arith.constant 0 : i32
    %dma_wait3A_3512 = tpu.memref_slice %arg4[%dma_wait3A_3510, %mul3A_2, %dma_wait3A_3511] : memref<32x768x256xf32, #tpu.memory_space<hbm>> -> memref<1x24x256xf32, #tpu.memory_space<hbm>>
    %dma_wait3A_3513 = tpu.memref_squeeze %dma_wait3A_3512 : memref<1x24x256xf32, #tpu.memory_space<hbm>> -> memref<24x256xf32, #tpu.memory_space<hbm>>
    %dma_wait3A_3514 = arith.constant 0 : i32
    %dma_wait3A_3515 = tpu.memref_slice %arg4[%dma_wait3A_3510, %mul3A_2, %dma_wait3A_3514] : memref<32x768x256xf32, #tpu.memory_space<hbm>> -> memref<1x24x256xf32, #tpu.memory_space<hbm>>
    %dma_wait3A_3516 = tpu.memref_squeeze %dma_wait3A_3515 : memref<1x24x256xf32, #tpu.memory_space<hbm>> -> memref<24x256xf32, #tpu.memory_space<hbm>>
    tpu.wait_dma2 semaphore(%arg8 : memref<!tpu.dma_semaphore, #tpu.memory_space<semaphore_mem>>) src(%arg7 : memref<24x256xf32, #tpu.memory_space<vmem>>) dst(%dma_wait3A_3516 : memref<24x256xf32, #tpu.memory_space<hbm>>)
    %dma_wait3A_3517 = arith.constant 15 : i32
    %dma_wait3A_3518 = arith.constant 0 : i32
    %dma_wait3A_3519 = tpu.memref_slice %arg4[%dma_wait3A_3517, %mul3A_2, %dma_wait3A_3518] : memref<32x768x256xf32, #tpu.memory_space<hbm>> -> memref<1x24x256xf32, #tpu.memory_space<hbm>>
    %dma_wait3A_3520 = tpu.memref_squeeze %dma_wait3A_3519 : memref<1x24x256xf32, #tpu.memory_space<hbm>> -> memref<24x256xf32, #tpu.memory_space<hbm>>
    %dma_wait3A_3521 = arith.constant 0 : i32
    %dma_wait3A_3522 = tpu.memref_slice %arg4[%dma_wait3A_3517, %mul3A_2, %dma_wait3A_3521] : memref<32x768x256xf32, #tpu.memory_space<hbm>> -> memref<1x24x256xf32, #tpu.memory_space<hbm>>
    %dma_wait3A_3523 = tpu.memref_squeeze %dma_wait3A_3522 : memref<1x24x256xf32, #tpu.memory_space<hbm>> -> memref<24x256xf32, #tpu.memory_space<hbm>>
    tpu.wait_dma2 semaphore(%arg8 : memref<!tpu.dma_semaphore, #tpu.memory_space<semaphore_mem>>) src(%arg7 : memref<24x256xf32, #tpu.memory_space<vmem>>) dst(%dma_wait3A_3523 : memref<24x256xf32, #tpu.memory_space<hbm>>)
    %dma_wait3A_3524 = arith.constant 16 : i32
    %dma_wait3A_3525 = arith.constant 0 : i32
    %dma_wait3A_3526 = tpu.memref_slice %arg4[%dma_wait3A_3524, %mul3A_2, %dma_wait3A_3525] : memref<32x768x256xf32, #tpu.memory_space<hbm>> -> memref<1x24x256xf32, #tpu.memory_space<hbm>>
    %dma_wait3A_3527 = tpu.memref_squeeze %dma_wait3A_3526 : memref<1x24x256xf32, #tpu.memory_space<hbm>> -> memref<24x256xf32, #tpu.memory_space<hbm>>
    %dma_wait3A_3528 = arith.constant 0 : i32
    %dma_wait3A_3529 = tpu.memref_slice %arg4[%dma_wait3A_3524, %mul3A_2, %dma_wait3A_3528] : memref<32x768x256xf32, #tpu.memory_space<hbm>> -> memref<1x24x256xf32, #tpu.memory_space<hbm>>
    %dma_wait3A_3530 = tpu.memref_squeeze %dma_wait3A_3529 : memref<1x24x256xf32, #tpu.memory_space<hbm>> -> memref<24x256xf32, #tpu.memory_space<hbm>>
    tpu.wait_dma2 semaphore(%arg8 : memref<!tpu.dma_semaphore, #tpu.memory_space<semaphore_mem>>) src(%arg7 : memref<24x256xf32, #tpu.memory_space<vmem>>) dst(%dma_wait3A_3530 : memref<24x256xf32, #tpu.memory_space<hbm>>)
    %dma_wait3A_3531 = arith.constant 17 : i32
    %dma_wait3A_3532 = arith.constant 0 : i32
    %dma_wait3A_3533 = tpu.memref_slice %arg4[%dma_wait3A_3531, %mul3A_2, %dma_wait3A_3532] : memref<32x768x256xf32, #tpu.memory_space<hbm>> -> memref<1x24x256xf32, #tpu.memory_space<hbm>>
    %dma_wait3A_3534 = tpu.memref_squeeze %dma_wait3A_3533 : memref<1x24x256xf32, #tpu.memory_space<hbm>> -> memref<24x256xf32, #tpu.memory_space<hbm>>
    %dma_wait3A_3535 = arith.constant 0 : i32
    %dma_wait3A_3536 = tpu.memref_slice %arg4[%dma_wait3A_3531, %mul3A_2, %dma_wait3A_3535] : memref<32x768x256xf32, #tpu.memory_space<hbm>> -> memref<1x24x256xf32, #tpu.memory_space<hbm>>
    %dma_wait3A_3537 = tpu.memref_squeeze %dma_wait3A_3536 : memref<1x24x256xf32, #tpu.memory_space<hbm>> -> memref<24x256xf32, #tpu.memory_space<hbm>>
    tpu.wait_dma2 semaphore(%arg8 : memref<!tpu.dma_semaphore, #tpu.memory_space<semaphore_mem>>) src(%arg7 : memref<24x256xf32, #tpu.memory_space<vmem>>) dst(%dma_wait3A_3537 : memref<24x256xf32, #tpu.memory_space<hbm>>)
    %dma_wait3A_3538 = arith.constant 18 : i32
    %dma_wait3A_3539 = arith.constant 0 : i32
    %dma_wait3A_3540 = tpu.memref_slice %arg4[%dma_wait3A_3538, %mul3A_2, %dma_wait3A_3539] : memref<32x768x256xf32, #tpu.memory_space<hbm>> -> memref<1x24x256xf32, #tpu.memory_space<hbm>>
    %dma_wait3A_3541 = tpu.memref_squeeze %dma_wait3A_3540 : memref<1x24x256xf32, #tpu.memory_space<hbm>> -> memref<24x256xf32, #tpu.memory_space<hbm>>
    %dma_wait3A_3542 = arith.constant 0 : i32
    %dma_wait3A_3543 = tpu.memref_slice %arg4[%dma_wait3A_3538, %mul3A_2, %dma_wait3A_3542] : memref<32x768x256xf32, #tpu.memory_space<hbm>> -> memref<1x24x256xf32, #tpu.memory_space<hbm>>
    %dma_wait3A_3544 = tpu.memref_squeeze %dma_wait3A_3543 : memref<1x24x256xf32, #tpu.memory_space<hbm>> -> memref<24x256xf32, #tpu.memory_space<hbm>>
    tpu.wait_dma2 semaphore(%arg8 : memref<!tpu.dma_semaphore, #tpu.memory_space<semaphore_mem>>) src(%arg7 : memref<24x256xf32, #tpu.memory_space<vmem>>) dst(%dma_wait3A_3544 : memref<24x256xf32, #tpu.memory_space<hbm>>)
    %dma_wait3A_3545 = arith.constant 19 : i32
    %dma_wait3A_3546 = arith.constant 0 : i32
    %dma_wait3A_3547 = tpu.memref_slice %arg4[%dma_wait3A_3545, %mul3A_2, %dma_wait3A_3546] : memref<32x768x256xf32, #tpu.memory_space<hbm>> -> memref<1x24x256xf32, #tpu.memory_space<hbm>>
    %dma_wait3A_3548 = tpu.memref_squeeze %dma_wait3A_3547 : memref<1x24x256xf32, #tpu.memory_space<hbm>> -> memref<24x256xf32, #tpu.memory_space<hbm>>
    %dma_wait3A_3549 = arith.constant 0 : i32
    %dma_wait3A_3550 = tpu.memref_slice %arg4[%dma_wait3A_3545, %mul3A_2, %dma_wait3A_3549] : memref<32x768x256xf32, #tpu.memory_space<hbm>> -> memref<1x24x256xf32, #tpu.memory_space<hbm>>
    %dma_wait3A_3551 = tpu.memref_squeeze %dma_wait3A_3550 : memref<1x24x256xf32, #tpu.memory_space<hbm>> -> memref<24x256xf32, #tpu.memory_space<hbm>>
    tpu.wait_dma2 semaphore(%arg8 : memref<!tpu.dma_semaphore, #tpu.memory_space<semaphore_mem>>) src(%arg7 : memref<24x256xf32, #tpu.memory_space<vmem>>) dst(%dma_wait3A_3551 : memref<24x256xf32, #tpu.memory_space<hbm>>)
    %dma_wait3A_3552 = arith.constant 20 : i32
    %dma_wait3A_3553 = arith.constant 0 : i32
    %dma_wait3A_3554 = tpu.memref_slice %arg4[%dma_wait3A_3552, %mul3A_2, %dma_wait3A_3553] : memref<32x768x256xf32, #tpu.memory_space<hbm>> -> memref<1x24x256xf32, #tpu.memory_space<hbm>>
    %dma_wait3A_3555 = tpu.memref_squeeze %dma_wait3A_3554 : memref<1x24x256xf32, #tpu.memory_space<hbm>> -> memref<24x256xf32, #tpu.memory_space<hbm>>
    %dma_wait3A_3556 = arith.constant 0 : i32
    %dma_wait3A_3557 = tpu.memref_slice %arg4[%dma_wait3A_3552, %mul3A_2, %dma_wait3A_3556] : memref<32x768x256xf32, #tpu.memory_space<hbm>> -> memref<1x24x256xf32, #tpu.memory_space<hbm>>
    %dma_wait3A_3558 = tpu.memref_squeeze %dma_wait3A_3557 : memref<1x24x256xf32, #tpu.memory_space<hbm>> -> memref<24x256xf32, #tpu.memory_space<hbm>>
    tpu.wait_dma2 semaphore(%arg8 : memref<!tpu.dma_semaphore, #tpu.memory_space<semaphore_mem>>) src(%arg7 : memref<24x256xf32, #tpu.memory_space<vmem>>) dst(%dma_wait3A_3558 : memref<24x256xf32, #tpu.memory_space<hbm>>)
    %dma_wait3A_3559 = arith.constant 21 : i32
    %dma_wait3A_3560 = arith.constant 0 : i32
    %dma_wait3A_3561 = tpu.memref_slice %arg4[%dma_wait3A_3559, %mul3A_2, %dma_wait3A_3560] : memref<32x768x256xf32, #tpu.memory_space<hbm>> -> memref<1x24x256xf32, #tpu.memory_space<hbm>>
    %dma_wait3A_3562 = tpu.memref_squeeze %dma_wait3A_3561 : memref<1x24x256xf32, #tpu.memory_space<hbm>> -> memref<24x256xf32, #tpu.memory_space<hbm>>
    %dma_wait3A_3563 = arith.constant 0 : i32
    %dma_wait3A_3564 = tpu.memref_slice %arg4[%dma_wait3A_3559, %mul3A_2, %dma_wait3A_3563] : memref<32x768x256xf32, #tpu.memory_space<hbm>> -> memref<1x24x256xf32, #tpu.memory_space<hbm>>
    %dma_wait3A_3565 = tpu.memref_squeeze %dma_wait3A_3564 : memref<1x24x256xf32, #tpu.memory_space<hbm>> -> memref<24x256xf32, #tpu.memory_space<hbm>>
    tpu.wait_dma2 semaphore(%arg8 : memref<!tpu.dma_semaphore, #tpu.memory_space<semaphore_mem>>) src(%arg7 : memref<24x256xf32, #tpu.memory_space<vmem>>) dst(%dma_wait3A_3565 : memref<24x256xf32, #tpu.memory_space<hbm>>)
    %dma_wait3A_3566 = arith.constant 22 : i32
    %dma_wait3A_3567 = arith.constant 0 : i32
    %dma_wait3A_3568 = tpu.memref_slice %arg4[%dma_wait3A_3566, %mul3A_2, %dma_wait3A_3567] : memref<32x768x256xf32, #tpu.memory_space<hbm>> -> memref<1x24x256xf32, #tpu.memory_space<hbm>>
    %dma_wait3A_3569 = tpu.memref_squeeze %dma_wait3A_3568 : memref<1x24x256xf32, #tpu.memory_space<hbm>> -> memref<24x256xf32, #tpu.memory_space<hbm>>
    %dma_wait3A_3570 = arith.constant 0 : i32
    %dma_wait3A_3571 = tpu.memref_slice %arg4[%dma_wait3A_3566, %mul3A_2, %dma_wait3A_3570] : memref<32x768x256xf32, #tpu.memory_space<hbm>> -> memref<1x24x256xf32, #tpu.memory_space<hbm>>
    %dma_wait3A_3572 = tpu.memref_squeeze %dma_wait3A_3571 : memref<1x24x256xf32, #tpu.memory_space<hbm>> -> memref<24x256xf32, #tpu.memory_space<hbm>>
    tpu.wait_dma2 semaphore(%arg8 : memref<!tpu.dma_semaphore, #tpu.memory_space<semaphore_mem>>) src(%arg7 : memref<24x256xf32, #tpu.memory_space<vmem>>) dst(%dma_wait3A_3572 : memref<24x256xf32, #tpu.memory_space<hbm>>)
    %dma_wait3A_3573 = arith.constant 23 : i32
    %dma_wait3A_3574 = arith.constant 0 : i32
    %dma_wait3A_3575 = tpu.memref_slice %arg4[%dma_wait3A_3573, %mul3A_2, %dma_wait3A_3574] : memref<32x768x256xf32, #tpu.memory_space<hbm>> -> memref<1x24x256xf32, #tpu.memory_space<hbm>>
    %dma_wait3A_3576 = tpu.memref_squeeze %dma_wait3A_3575 : memref<1x24x256xf32, #tpu.memory_space<hbm>> -> memref<24x256xf32, #tpu.memory_space<hbm>>
    %dma_wait3A_3577 = arith.constant 0 : i32
    %dma_wait3A_3578 = tpu.memref_slice %arg4[%dma_wait3A_3573, %mul3A_2, %dma_wait3A_3577] : memref<32x768x256xf32, #tpu.memory_space<hbm>> -> memref<1x24x256xf32, #tpu.memory_space<hbm>>
    %dma_wait3A_3579 = tpu.memref_squeeze %dma_wait3A_3578 : memref<1x24x256xf32, #tpu.memory_space<hbm>> -> memref<24x256xf32, #tpu.memory_space<hbm>>
    tpu.wait_dma2 semaphore(%arg8 : memref<!tpu.dma_semaphore, #tpu.memory_space<semaphore_mem>>) src(%arg7 : memref<24x256xf32, #tpu.memory_space<vmem>>) dst(%dma_wait3A_3579 : memref<24x256xf32, #tpu.memory_space<hbm>>)
    %dma_wait3A_3580 = arith.constant 24 : i32
    %dma_wait3A_3581 = arith.constant 0 : i32
    %dma_wait3A_3582 = tpu.memref_slice %arg4[%dma_wait3A_3580, %mul3A_2, %dma_wait3A_3581] : memref<32x768x256xf32, #tpu.memory_space<hbm>> -> memref<1x24x256xf32, #tpu.memory_space<hbm>>
    %dma_wait3A_3583 = tpu.memref_squeeze %dma_wait3A_3582 : memref<1x24x256xf32, #tpu.memory_space<hbm>> -> memref<24x256xf32, #tpu.memory_space<hbm>>
    %dma_wait3A_3584 = arith.constant 0 : i32
    %dma_wait3A_3585 = tpu.memref_slice %arg4[%dma_wait3A_3580, %mul3A_2, %dma_wait3A_3584] : memref<32x768x256xf32, #tpu.memory_space<hbm>> -> memref<1x24x256xf32, #tpu.memory_space<hbm>>
    %dma_wait3A_3586 = tpu.memref_squeeze %dma_wait3A_3585 : memref<1x24x256xf32, #tpu.memory_space<hbm>> -> memref<24x256xf32, #tpu.memory_space<hbm>>
    tpu.wait_dma2 semaphore(%arg8 : memref<!tpu.dma_semaphore, #tpu.memory_space<semaphore_mem>>) src(%arg7 : memref<24x256xf32, #tpu.memory_space<vmem>>) dst(%dma_wait3A_3586 : memref<24x256xf32, #tpu.memory_space<hbm>>)
    %dma_wait3A_3587 = arith.constant 25 : i32
    %dma_wait3A_3588 = arith.constant 0 : i32
    %dma_wait3A_3589 = tpu.memref_slice %arg4[%dma_wait3A_3587, %mul3A_2, %dma_wait3A_3588] : memref<32x768x256xf32, #tpu.memory_space<hbm>> -> memref<1x24x256xf32, #tpu.memory_space<hbm>>
    %dma_wait3A_3590 = tpu.memref_squeeze %dma_wait3A_3589 : memref<1x24x256xf32, #tpu.memory_space<hbm>> -> memref<24x256xf32, #tpu.memory_space<hbm>>
    %dma_wait3A_3591 = arith.constant 0 : i32
    %dma_wait3A_3592 = tpu.memref_slice %arg4[%dma_wait3A_3587, %mul3A_2, %dma_wait3A_3591] : memref<32x768x256xf32, #tpu.memory_space<hbm>> -> memref<1x24x256xf32, #tpu.memory_space<hbm>>
    %dma_wait3A_3593 = tpu.memref_squeeze %dma_wait3A_3592 : memref<1x24x256xf32, #tpu.memory_space<hbm>> -> memref<24x256xf32, #tpu.memory_space<hbm>>
    tpu.wait_dma2 semaphore(%arg8 : memref<!tpu.dma_semaphore, #tpu.memory_space<semaphore_mem>>) src(%arg7 : memref<24x256xf32, #tpu.memory_space<vmem>>) dst(%dma_wait3A_3593 : memref<24x256xf32, #tpu.memory_space<hbm>>)
    %dma_wait3A_3594 = arith.constant 26 : i32
    %dma_wait3A_3595 = arith.constant 0 : i32
    %dma_wait3A_3596 = tpu.memref_slice %arg4[%dma_wait3A_3594, %mul3A_2, %dma_wait3A_3595] : memref<32x768x256xf32, #tpu.memory_space<hbm>> -> memref<1x24x256xf32, #tpu.memory_space<hbm>>
    %dma_wait3A_3597 = tpu.memref_squeeze %dma_wait3A_3596 : memref<1x24x256xf32, #tpu.memory_space<hbm>> -> memref<24x256xf32, #tpu.memory_space<hbm>>
    %dma_wait3A_3598 = arith.constant 0 : i32
    %dma_wait3A_3599 = tpu.memref_slice %arg4[%dma_wait3A_3594, %mul3A_2, %dma_wait3A_3598] : memref<32x768x256xf32, #tpu.memory_space<hbm>> -> memref<1x24x256xf32, #tpu.memory_space<hbm>>
    %dma_wait3A_3600 = tpu.memref_squeeze %dma_wait3A_3599 : memref<1x24x256xf32, #tpu.memory_space<hbm>> -> memref<24x256xf32, #tpu.memory_space<hbm>>
    tpu.wait_dma2 semaphore(%arg8 : memref<!tpu.dma_semaphore, #tpu.memory_space<semaphore_mem>>) src(%arg7 : memref<24x256xf32, #tpu.memory_space<vmem>>) dst(%dma_wait3A_3600 : memref<24x256xf32, #tpu.memory_space<hbm>>)
    %dma_wait3A_3601 = arith.constant 27 : i32
    %dma_wait3A_3602 = arith.constant 0 : i32
    %dma_wait3A_3603 = tpu.memref_slice %arg4[%dma_wait3A_3601, %mul3A_2, %dma_wait3A_3602] : memref<32x768x256xf32, #tpu.memory_space<hbm>> -> memref<1x24x256xf32, #tpu.memory_space<hbm>>
    %dma_wait3A_3604 = tpu.memref_squeeze %dma_wait3A_3603 : memref<1x24x256xf32, #tpu.memory_space<hbm>> -> memref<24x256xf32, #tpu.memory_space<hbm>>
    %dma_wait3A_3605 = arith.constant 0 : i32
    %dma_wait3A_3606 = tpu.memref_slice %arg4[%dma_wait3A_3601, %mul3A_2, %dma_wait3A_3605] : memref<32x768x256xf32, #tpu.memory_space<hbm>> -> memref<1x24x256xf32, #tpu.memory_space<hbm>>
    %dma_wait3A_3607 = tpu.memref_squeeze %dma_wait3A_3606 : memref<1x24x256xf32, #tpu.memory_space<hbm>> -> memref<24x256xf32, #tpu.memory_space<hbm>>
    tpu.wait_dma2 semaphore(%arg8 : memref<!tpu.dma_semaphore, #tpu.memory_space<semaphore_mem>>) src(%arg7 : memref<24x256xf32, #tpu.memory_space<vmem>>) dst(%dma_wait3A_3607 : memref<24x256xf32, #tpu.memory_space<hbm>>)
    %dma_wait3A_3608 = arith.constant 28 : i32
    %dma_wait3A_3609 = arith.constant 0 : i32
    %dma_wait3A_3610 = tpu.memref_slice %arg4[%dma_wait3A_3608, %mul3A_2, %dma_wait3A_3609] : memref<32x768x256xf32, #tpu.memory_space<hbm>> -> memref<1x24x256xf32, #tpu.memory_space<hbm>>
    %dma_wait3A_3611 = tpu.memref_squeeze %dma_wait3A_3610 : memref<1x24x256xf32, #tpu.memory_space<hbm>> -> memref<24x256xf32, #tpu.memory_space<hbm>>
    %dma_wait3A_3612 = arith.constant 0 : i32
    %dma_wait3A_3613 = tpu.memref_slice %arg4[%dma_wait3A_3608, %mul3A_2, %dma_wait3A_3612] : memref<32x768x256xf32, #tpu.memory_space<hbm>> -> memref<1x24x256xf32, #tpu.memory_space<hbm>>
    %dma_wait3A_3614 = tpu.memref_squeeze %dma_wait3A_3613 : memref<1x24x256xf32, #tpu.memory_space<hbm>> -> memref<24x256xf32, #tpu.memory_space<hbm>>
    tpu.wait_dma2 semaphore(%arg8 : memref<!tpu.dma_semaphore, #tpu.memory_space<semaphore_mem>>) src(%arg7 : memref<24x256xf32, #tpu.memory_space<vmem>>) dst(%dma_wait3A_3614 : memref<24x256xf32, #tpu.memory_space<hbm>>)
    %dma_wait3A_3615 = arith.constant 29 : i32
    %dma_wait3A_3616 = arith.constant 0 : i32
    %dma_wait3A_3617 = tpu.memref_slice %arg4[%dma_wait3A_3615, %mul3A_2, %dma_wait3A_3616] : memref<32x768x256xf32, #tpu.memory_space<hbm>> -> memref<1x24x256xf32, #tpu.memory_space<hbm>>
    %dma_wait3A_3618 = tpu.memref_squeeze %dma_wait3A_3617 : memref<1x24x256xf32, #tpu.memory_space<hbm>> -> memref<24x256xf32, #tpu.memory_space<hbm>>
    %dma_wait3A_3619 = arith.constant 0 : i32
    %dma_wait3A_3620 = tpu.memref_slice %arg4[%dma_wait3A_3615, %mul3A_2, %dma_wait3A_3619] : memref<32x768x256xf32, #tpu.memory_space<hbm>> -> memref<1x24x256xf32, #tpu.memory_space<hbm>>
    %dma_wait3A_3621 = tpu.memref_squeeze %dma_wait3A_3620 : memref<1x24x256xf32, #tpu.memory_space<hbm>> -> memref<24x256xf32, #tpu.memory_space<hbm>>
    tpu.wait_dma2 semaphore(%arg8 : memref<!tpu.dma_semaphore, #tpu.memory_space<semaphore_mem>>) src(%arg7 : memref<24x256xf32, #tpu.memory_space<vmem>>) dst(%dma_wait3A_3621 : memref<24x256xf32, #tpu.memory_space<hbm>>)
    %dma_wait3A_3622 = arith.constant 30 : i32
    %dma_wait3A_3623 = arith.constant 0 : i32
    %dma_wait3A_3624 = tpu.memref_slice %arg4[%dma_wait3A_3622, %mul3A_2, %dma_wait3A_3623] : memref<32x768x256xf32, #tpu.memory_space<hbm>> -> memref<1x24x256xf32, #tpu.memory_space<hbm>>
    %dma_wait3A_3625 = tpu.memref_squeeze %dma_wait3A_3624 : memref<1x24x256xf32, #tpu.memory_space<hbm>> -> memref<24x256xf32, #tpu.memory_space<hbm>>
    %dma_wait3A_3626 = arith.constant 0 : i32
    %dma_wait3A_3627 = tpu.memref_slice %arg4[%dma_wait3A_3622, %mul3A_2, %dma_wait3A_3626] : memref<32x768x256xf32, #tpu.memory_space<hbm>> -> memref<1x24x256xf32, #tpu.memory_space<hbm>>
    %dma_wait3A_3628 = tpu.memref_squeeze %dma_wait3A_3627 : memref<1x24x256xf32, #tpu.memory_space<hbm>> -> memref<24x256xf32, #tpu.memory_space<hbm>>
    tpu.wait_dma2 semaphore(%arg8 : memref<!tpu.dma_semaphore, #tpu.memory_space<semaphore_mem>>) src(%arg7 : memref<24x256xf32, #tpu.memory_space<vmem>>) dst(%dma_wait3A_3628 : memref<24x256xf32, #tpu.memory_space<hbm>>)
    %dma_wait3A_3629 = arith.constant 31 : i32
    %dma_wait3A_3630 = arith.constant 0 : i32
    %dma_wait3A_3631 = tpu.memref_slice %arg4[%dma_wait3A_3629, %mul3A_2, %dma_wait3A_3630] : memref<32x768x256xf32, #tpu.memory_space<hbm>> -> memref<1x24x256xf32, #tpu.memory_space<hbm>>
    %dma_wait3A_3632 = tpu.memref_squeeze %dma_wait3A_3631 : memref<1x24x256xf32, #tpu.memory_space<hbm>> -> memref<24x256xf32, #tpu.memory_space<hbm>>
    %dma_wait3A_3633 = arith.constant 0 : i32
    %dma_wait3A_3634 = tpu.memref_slice %arg4[%dma_wait3A_3629, %mul3A_2, %dma_wait3A_3633] : memref<32x768x256xf32, #tpu.memory_space<hbm>> -> memref<1x24x256xf32, #tpu.memory_space<hbm>>
    %dma_wait3A_3635 = tpu.memref_squeeze %dma_wait3A_3634 : memref<1x24x256xf32, #tpu.memory_space<hbm>> -> memref<24x256xf32, #tpu.memory_space<hbm>>
    tpu.wait_dma2 semaphore(%arg8 : memref<!tpu.dma_semaphore, #tpu.memory_space<semaphore_mem>>) src(%arg7 : memref<24x256xf32, #tpu.memory_space<vmem>>) dst(%dma_wait3A_3635 : memref<24x256xf32, #tpu.memory_space<hbm>>)
    return
  }
}

</mosaic_0001>

<sc_bundles>
// kernel: kernel.3.cloned.1.call-start
scs
__scs_entry_jumppad:
0x0: {  	(pc) =	sbr.rel $0x88, $3  }
0x1: {  	(tag) =	ssettag $0x0;
	lr =	simm.s32 $0x1  }
0x2: {  	[smem:$0x3F9F] =	sst lr;
	_ =	strace $0xD0000000  }
0x3: {  	_ = 	snop  }
0x4: {  	_ = 	snop  }
0x5: {  	_ = 	snop  }
0x6: {  	_ = 	snop  }
0x7: {  	_ = 	snop  }
__scs_overlays_trampoline_lowered:
0x8: {  	[smem:$0x3FAE] =	sst s0  }
0x9: {  	[smem:$0x3FAF] =	sst s1  }
0xa: {  	[smem:$0x3FB0] =	sst s2  }
0xb: {  	[smem:$0x3FB1] =	sst s3  }
0xc: {  	[smem:$0x3FB2] =	sst s4  }
0xd: {  	[smem:$0x3FB3] =	sst s5  }
0xe: {  	[smem:$0x3FB4] =	sst s6  }
0xf: {  	[smem:$0x3FB5] =	sst s7  }
0x10: {  	[smem:$0x3FB6] =	sst s8  }
0x11: {  	[smem:$0x3FB7] =	sst s9;
	s0 =	simm.s32 @!p0 $0x0  }
0x12: {  	s1 =	sld [smem:$0x3F9D];
	s0 =	simm.s32 @p0 $0x1  }
0x13: {  	[smem:$0x3FB8] =	sst s0;
	s0 =	simm.s32 @!p1 $0x0  }
0x14: {  	s2 =	sld [smem:$0x3F9C];
	s0 =	simm.s32 @p1 $0x1  }
0x15: {  	[smem:$0x3FB9] =	sst s0;
	s0 =	simm.s32 @!p2 $0x0  }
0x16: {  	s3 =	sld [smem:$0x3FDB];
	s0 =	simm.s32 @p2 $0x1  }
0x17: {  	s4 =	simm.s32 $0x1BF5;
	[smem:$0x3FBB] =	sst s0  }
0x18: {  	s0 =	sld [smem:$0x3F9E];
	_ =	swait.ge [sflag:s4], $0x0  }
0x19: {  	s7 =	sld [smem:$0x3F9F]  }
0x1a: {  	s8 =	sadd.s32 $0xFFFFE003, lr  }
0x1b: {  	s9 =	sadd.s32 $0xFFFFFEF7, lr;
	s5 =	simm.s32 $0xFFFFFFFF;
	p2 =	slt.u32 s8, $0xFFFFF086  }
0x1c: {  	p1 =	slt.u32 s9, $0xF7A;
	s5 =	simm.s32 @!p2 $0x0  }
0x1d: {  	s5 =	simm.s32 @p1 $0x1;
	p0 =	seq.s32 s7, s2  }
0x1e: {  	s7 =	smul.u32 @!p0 $0xF7A, s2;
	p2 =	seq.s32 @!p0 s5, $0x0  }
0x1f: {  	s9 =	smul.u32 $0xF7A, s1;
	s8 =	simm.s32 @!p0 $0x1BF5;
	p2 =	por !p2, p0  }
0x20: {  	[sflag:s8] =	ssyncset.s32 @!p0 $0xFFFFF086;
	s6 =	sadd.s32 @!p0 s3, s7;
	s7 =	simm.s32 @!p0 $0x108  }
0x21: {  	s3 =	sadd.s32 s3, s9;
	s6 =	sadd.s32 @!p0 $0x88, s6;
	s7 =	simm.s32 @p2 $0x1082  }
0x22: {  	[simem:s7], [sflag:s8] =	dma.local @!p0 [hbm:s6], $0xF7A  }
0x23: {  	s9 =	sor.u32 $0xD0000000, s2;
	s6 =	simm.s32 $0x108;
	_ =	swait.ge @!p0 [sflag:s8], $0x0  }
0x24: {  	s3 =	sadd.s32 $0x88, s3;
	s6 =	simm.s32 @!p1 $0x1082;
	[sflag:s4] =	ssyncset.s32 $0xFFFFF086  }
0x25: {  	[simem:s6], [sflag:s4] =	dma.local [hbm:s3], $0xF7A  }
0x26: {  	[smem:$0x3F9F] =	sst s1;
	(tag) =	ssettag s2;
	_ =	strace s9  }
0x27: {  	s1 =	sld [smem:$0x3FAF]  }
0x28: {  	s2 =	sld [smem:$0x3FB0]  }
0x29: {  	s4 =	sld [smem:$0x3FB2]  }
0x2a: {  	p0 =	seq.s32 s5, $0x0;
	s5 =	sld [smem:$0x3FB3]  }
0x2b: {  	s6 =	sld [smem:$0x3FB4]  }
0x2c: {  	s7 =	sld [smem:$0x3FB5]  }
0x2d: {  	s3 =	simm.s32 $0x108;
	s8 =	sld [smem:$0x3FB6]  }
0x2e: {  	s3 =	simm.s32 @!p0 $0x1082;
	s9 =	sld [smem:$0x3FB7]  }
0x2f: {  	lr =	sadd.s32 s0, s3;
	s0 =	sld [smem:$0x3FAE]  }
0x30: {  	s3 =	sld [smem:$0x3FB1]  }
0x31: {  	[smem:$0x3FBA] =	sst s10  }
0x32: {  	s10 =	sld [smem:$0x3FB8];
	_ =	sdelay $0x3  }
0x33: {  	p0 =	seq.s32 s10, $0x1;
	s10 =	sld [smem:$0x3FBA];
	_ =	sdelay $0x3  }
0x34: {  	[smem:$0x3FBA] =	sst s10  }
0x35: {  	s10 =	sld [smem:$0x3FB9];
	_ =	sdelay $0x3  }
0x36: {  	p1 =	seq.s32 s10, $0x1;
	s10 =	sld [smem:$0x3FBA];
	_ =	sdelay $0x3  }
0x37: {  	[smem:$0x3FBA] =	sst s10  }
0x38: {  	s10 =	sld [smem:$0x3FBB]  }
0x39: {  	_ = 	snop;
	(pc) =	sbr.ind lr, $3  }
0x3a: {  	_ = 	snop  }
0x3b: {  	_ = 	snop  }
0x3c: {  	p2 =	seq.s32 s10, $0x1;
	s10 =	sld [smem:$0x3FBA]  }
0x3d: {  	_ =	shalt  }
0x3e: {  	_ =	shalt  }
0x3f: {  	_ =	shalt  }
0x40: {  	_ =	shalt  }
0x41: {  	_ =	shalt  }
0x42: {  	_ =	shalt  }
0x43: {  	_ =	shalt  }
0x44: {  	_ =	shalt  }
0x45: {  	_ =	shalt  }
0x46: {  	_ =	shalt  }
0x47: {  	_ =	shalt  }
0x48: {  	_ =	shalt  }
0x49: {  	_ =	shalt  }
0x4a: {  	_ =	shalt  }
0x4b: {  	_ =	shalt  }
0x4c: {  	_ =	shalt  }
0x4d: {  	_ =	shalt  }
0x4e: {  	_ =	shalt  }
0x4f: {  	_ =	shalt  }
0x50: {  	_ =	shalt  }
0x51: {  	_ =	shalt  }
0x52: {  	_ =	shalt  }
0x53: {  	_ =	shalt  }
0x54: {  	_ =	shalt  }
0x55: {  	_ =	shalt  }
0x56: {  	_ =	shalt  }
0x57: {  	_ =	shalt  }
0x58: {  	_ =	shalt  }
0x59: {  	_ =	shalt  }
0x5a: {  	_ =	shalt  }
0x5b: {  	_ =	shalt  }
0x5c: {  	_ =	shalt  }
0x5d: {  	_ =	shalt  }
0x5e: {  	_ =	shalt  }
0x5f: {  	_ =	shalt  }
0x60: {  	_ =	shalt  }
0x61: {  	_ =	shalt  }
0x62: {  	_ =	shalt  }
0x63: {  	_ =	shalt  }
0x64: {  	_ =	shalt  }
0x65: {  	_ =	shalt  }
0x66: {  	_ =	shalt  }
0x67: {  	_ =	shalt  }
0x68: {  	_ =	shalt  }
0x69: {  	_ =	shalt  }
0x6a: {  	_ =	shalt  }
0x6b: {  	_ =	shalt  }
0x6c: {  	_ =	shalt  }
0x6d: {  	_ =	shalt  }
0x6e: {  	_ =	shalt  }
0x6f: {  	_ =	shalt  }
0x70: {  	_ =	shalt  }
0x71: {  	_ =	shalt  }
0x72: {  	_ =	shalt  }
0x73: {  	_ =	shalt  }
0x74: {  	_ =	shalt  }
0x75: {  	_ =	shalt  }
0x76: {  	_ =	shalt  }
0x77: {  	_ =	shalt  }
0x78: {  	_ =	shalt  }
0x79: {  	_ =	shalt  }
0x7a: {  	_ =	shalt  }
0x7b: {  	_ =	shalt  }
0x7c: {  	_ =	shalt  }
0x7d: {  	_ =	shalt  }
0x7e: {  	_ =	shalt  }
0x7f: {  	_ =	shalt  }
0x80: {  	_ =	shalt  }
0x81: {  	_ =	shalt  }
0x82: {  	_ =	shalt  }
0x83: {  	_ =	shalt  }
0x84: {  	_ =	shalt  }
0x85: {  	_ =	shalt  }
0x86: {  	_ =	shalt  }
0x87: {  	_ =	shalt  }
.Lfunc_end0:
.L_simem_size_0:
called_computation_lowered:
.L_overlay_start_0:
0x88: {  	s2 =	sld [smem:$0x3FD9]  }
0x89: {  	s3 =	sld [smem:$0x3FFE];
	_ =	sdelay $0x1  }
0x8a: {  	s1 =	srdreg.scid  }
0x8b: {  	s0 =	sand.u32 $0x1, s1  }
0x8c: {  	s17 =	sshll.u32 s0, $0xA;
	s2 =	sadd.s32 s3, s2  }
0x8d: {  	s2 =	sadd.s32 s2, s17  }
0x8e: {  	[smem:$0x3FC6] =	sst s2  }
0x8f: {  	_ = 	snop  }
0x90: {  	s2 =	sld [smem:$0x3FD0];
	(tm) =	ssettm $0x1  }
0x91: {  	s18 =	sld [smem:$0x3FFB];
	_ =	sdelay $0x3  }
0x92: {  	_ =	strace s18  }
0x93: {  	s3 =	sld [smem:$0x3FFC];
	_ =	sdelay $0x3  }
0x94: {  	_ =	strace s3  }
0x95: {  	s3 =	sld [smem:$0x3FFD];
	_ =	sdelay $0x3  }
0x96: {  	_ =	strace s3  }
0x97: {  	_ =	strace $0x8FFFFFFF  }
0x98: {  	s19 =	sld [smem:$0x3FDB];
	_ =	sdelay $0x1  }
0x99: {  	s4 =	simm.s32 $_scs_section_size  }
0x9a: {  	s5 =	simm.s32 $_size__tile_overlayer_lowered;
	s6 =	simm.s32 $_tile_overlayer_lowered  }
0x9b: {  	s22 =	simm.s32 $0x1BFF;
	s21 =	sshll.u32 s6, $0x1;
	s3 =	sadd.s32 s4, s19  }
0x9c: {  	s7 =	simm.s32 $0x0;
	s20 =	sshll.u32 s5, $0x1;
	s5 =	sadd.s32 s21, s3  }
0x9d: {  	[timem:s7], [sflag:s22] =	dma.local [hbm:s5], s20  }
0x9e: {  	_ =	swait.ge [sflag:s22], s20  }
0x9f: {  	s4 =	ssub.s32 $0x0, s20;
	[sflag:s22] =	ssyncset.done $0x0  }
0xa0: {  	[sflag:s22] =	ssyncadd.s32 s4;
	_ =	sdelay $0x1  }
0xa1: {  	s23 =	simm.s32 $0x1B8B  }
0xa2: {  	_ =	swait.ge [sflag:s23], $0x1  }
0xa3: {  	[sflag:s23] =	ssyncset.done $0x0  }
0xa4: {  	s25 =	simm.s32 $0x1B8E;
	s24 =	sld [smem:$0x3FFE];
	[sflag:s23] =	ssyncadd.s32 $0xFFFFFFFF  }
0xa5: {  	s26 =	simm.s32 $execute0_lowered;
	[smem:$0x3FD2] =	sst s25  }
0xa6: {  	s5 =	sshll.u32 s26, $0x1;
	_ =	strace $0x80000046;
	[dreg:$0x1] =	wrdreg $0xFFFFFFFF  }
0xa7: {  	s28 =	simm.s32 $_size_execute0_lowered;
	s3 =	sadd.s32 s3, s5;
	[dreg:$0x0] =	wrdreg $0x0  }
0xa8: {  	s5 =	sshll.u32 s28, $0x1;
	[dreg:$0x2] =	wrdreg s3  }
0xa9: {  	[dreg:$0x3] =	wrdreg s5  }
0xaa: {  	[dreg:$0x4] =	wrdreg $0xC0  }
0xab: {  	_ =	task [dreg:s7], $0x5FFFF  }
0xac: {  	[dreg:$0x1] =	wrdreg $0xFFFFFFFF  }
0xad: {  	[dreg:$0x0] =	wrdreg $0x60  }
0xae: {  	[dreg:$0x2] =	wrdreg s24  }
0xaf: {  	[dreg:$0x3] =	wrdreg s2  }
0xb0: {  	[dreg:$0x4] =	wrdreg $0x9  }
0xb1: {  	_ =	task.clear_ibuf [dreg:s7], $0x5FFFF;
	_ =	strace $0x90000046  }
0xb2: {  	s29 =	simm.s32 $0x9;
	_ =	strace $0x80000048  }
0xb3: {  	_ =	swait.ge [sflag:s29], $0x1  }
0xb4: {  	[sflag:s29] =	ssyncadd.s32 $0xFFFFFFFF  }
0xb5: {  	_ =	strace $0x90000048  }
0xb6: {  	_ =	sfence  }
0xb7: {  	s30 =	sld [smem:$0x0];
	_ =	sdelay $0x2  }
0xb8: {  	s31 =	sshll.u32 s1, $0xD;
	s1 =	sshrl.u32 s1, $0x2  }
0xb9: {  	s3 =	sand.u32 $0x4000, s31;
	s1 =	sadd.s32 s1, s30  }
0xba: {  	s0 =	sor.u32 s3, s0;
	s1 =	sshll.u32 s1, $0x11  }
0xbb: {  	s0 =	sor.u32 s1, s0  }
0xbc: {  	s0 =	sadd.s32 $0x8F2B, s0  }
0xbd: {  	[sflag:s0] =	ssyncadd.remote.s32 $0x1  }
0xbe: {  	_ =	sfence.sel $0xFFFF  }
0xbf: {  	[dreg:$0x0] =	wrdreg $0xFFFFFFFF;
	(pc) =	sbr.abs _section_cstart, $3  }
0xc0: {  	[dreg:$0x1] =	wrdreg $0xFFFFFFFF  }
0xc1: {  	_ =	task.clear_ibuf [dreg:s7], $0x2FFFF;
	_ =	strace $0x9FFFFFFF  }
0xc2: {  	(tm) =	ssettm $0x7FFFFFFF  }
0xc3: {  	_ =	shalt  }
tec
execute0_lowered:
.L_overlay_start_1:
0x0: {  	(tag) =	ssettag $0x1  }
0x1: {  	s1 =	srdreg.scid;
	s0 =	stileid.u32;
	v1 =	vimm.s32 $0x0;
	vm0 =	vcmask $0x300  }
0x2: {  	s4 =	sand.u32 $0x1, s1;
	s23 =	sshll.u32 s0, $0x1;
	v14 =	vsel vm0, $0x3, v1;
	v1 =	vlaneseq.u32  }
0x3: {  	s3 =	sor.u32 s4, s23;
	v16 =	vmul.u32 $0x300, v1  }
0x4: {  	s1 =	smul.u32 $0x18, s3  }
0x5: {  	v10 =	vor.u32 $0x1, v16;
	v11 =	vor.u32 $0x2, v16;
	v12 =	vor.u32 $0x3, v16  }
0x6: {  	v13 =	vor.u32 $0x4, v16;
	v17 =	vor.u32 $0x5, v16;
	v0 =	vmov s1;
	s2 =	sadd.s32 $0x8, s1  }
0x7: {  	v26 =	vor.u32 $0x6, v16;
	s24 =	sadd.s32 $0x9, s1;
	s25 =	sadd.s32 $0xA, s1;
	s26 =	sadd.s32 $0xC, s1;
	v0 =	vshrl.u32 v0, $0x3;
	v6 =	vmov s2  }
0x8: {  	s8 =	sadd.s32 $0xD, s1;
	s9 =	sadd.s32 $0x11, s1;
	s10 =	sadd.s32 $0x10, s1;
	v7 =	vmov s24;
	v8 =	vmov s25;
	v9 =	vmov s26  }
0x9: {  	s13 =	sadd.s32 $0x13, s1;
	s15 =	sadd.s32 $0x14, s1;
	s23 =	sadd.s32 $0x16, s1;
	v18 =	vmov s8;
	v20 =	vmov s9;
	v23 =	vmov s10  }
0xa: {  	v24 =	vmov s13;
	v25 =	vmov s15;
	v62 =	vmov s23  }
0xb: {  	v0 =	vshll.u32 v0, v14;
	v6 =	vshrl.u32 v6, $0x3;
	v7 =	vshrl.u32 v7, $0x3  }
0xc: {  	s7 =	sadd.s32 $0xB, s1;
	s8 =	sadd.s32 $0xE, s1;
	s9 =	sadd.s32 $0xF, s1;
	v9 =	vshrl.u32 v9, $0x3;
	v18 =	vshrl.u32 v18, $0x3;
	v20 =	vshrl.u32 v20, $0x3  }
0xd: {  	s11 =	sadd.s32 $0x12, s1;
	s21 =	sadd.s32 $0x15, s1;
	s1 =	sadd.s32 $0x17, s1;
	v21 =	vmov s8;
	v22 =	vmov s9;
	v23 =	vshrl.u32 v23, $0x3  }
0xe: {  	v24 =	vshrl.u32 v24, $0x3;
	v25 =	vshrl.u32 v25, $0x3;
	v63 =	vmov s1  }
0xf: {  	v19 =	vbroadcast v0, $0x0;
	v6 =	vshll.u32 v6, v14;
	v9 =	vshll.u32 v9, v14  }
0x10: {  	v18 =	vshll.u32 v18, v14;
	v20 =	vshll.u32 v20, v14;
	v21 =	vshrl.u32 v21, $0x3  }
0x11: {  	s5 =	rddreg [dreg:$0x0];
	v22 =	vshrl.u32 v22, $0x3;
	v24 =	vshll.u32 v24, v14;
	v25 =	vshll.u32 v25, v14  }
0x12: {  	s6 =	rddreg [dreg:$0x1];
	s29 =	simm.s32 $0x2;
	v23 =	vshll.u32 v23, v14;
	v15 =	vbroadcast v6, $0x0;
	v6 =	vshll.u32 v7, v14  }
0x13: {  	s30 =	simm.s32 $0x3000;
	s31 =	simm.s32 $0x6000;
	s3 =	smul.u32 $0x1800, s3;
	v7 =	vshrl.u32 v8, $0x3;
	v9 =	vbroadcast v9, $0x0;
	v20 =	vbroadcast v20, $0x0  }
0x14: {  	s0 =	sadd.s32 $0x400, s5;
	s5 =	sadd.s32 $0x6400, s5;
	s4 =	ssub.s32 $0x2, s4;
	v8 =	vmov s7;
	v24 =	vbroadcast v24, $0x0;
	v25 =	vbroadcast v25, $0x0  }
0x15: {  	s18 =	sshrl.u32 s4, $0x1;
	s3 =	sshrl.u32 s3, $0x3;
	s2 =	simm.s32 $0x0;
	v21 =	vshll.u32 v21, v14;
	v22 =	vshll.u32 v22, v14;
	v23 =	vbroadcast v23, $0x0  }
0x16: {  	s3 =	sadd.s32 s6, s3;
	s25 =	ssub.s32 s4, s18;
	[smem:$0x7FF] =	sst s2;
	v18 =	vbroadcast v18, $0x0;
	v0 =	vadd.s32 v16, v19;
	v1 =	vadd.s32 v10, v19  }
0x17: {  	s12 =	sadd.s32 $0x6000, s3;
	_ =	strace $0x80000047;
	[dreg:$0x3] =	wrdreg s0;
	v2 =	vadd.s32 v11, v19;
	v3 =	vadd.s32 v12, v19;
	v4 =	vadd.s32 v13, v19  }
0x18: {  	s14 =	sadd.s32 $0xC000, s3;
	s16 =	sadd.s32 $0x12000, s3;
	[dreg:$0x4] =	wrdreg s5;
	v5 =	vadd.s32 v17, v19;
	v6 =	vbroadcast v6, $0x0;
	v7 =	vshll.u32 v7, v14  }
0x19: {  	s17 =	sadd.s32 $0x18000, s3;
	s19 =	sadd.s32 $0x1E000, s3;
	[dreg:$0x5] =	wrdreg s12;
	v8 =	vshrl.u32 v8, $0x3;
	v21 =	vbroadcast v21, $0x0;
	v22 =	vbroadcast v22, $0x0  }
0x1a: {  	s20 =	sadd.s32 $0x24000, s3;
	s22 =	sadd.s32 $0x2A000, s3;
	[dreg:$0x6] =	wrdreg s14;
	v6 =	vadd.s32 v10, v6;
	v10 =	vadd.s32 v10, v20;
	v20 =	vmov s11  }
0x1b: {  	s24 =	sadd.s32 $0x30000, s3;
	s26 =	sadd.s32 $0x36000, s3;
	[dreg:$0x7] =	wrdreg s16;
	v7 =	vbroadcast v7, $0x0;
	v8 =	vshll.u32 v8, v14;
	v20 =	vshrl.u32 v20, $0x3  }
0x1c: {  	s6 =	sadd.s32 $0x42000, s3;
	s8 =	sadd.s32 $0x4E000, s3;
	[dreg:$0x8] =	wrdreg s17;
	v9 =	vadd.s32 v13, v9;
	v8 =	vbroadcast v8, $0x0;
	v20 =	vshll.u32 v20, v14  }
0x1d: {  	s9 =	sadd.s32 $0x54000, s3;
	s10 =	sadd.s32 $0x5A000, s3;
	[dreg:$0x9] =	wrdreg s19;
	v13 =	vadd.s32 v13, v25;
	v25 =	vshrl.u32 v63, $0x3;
	v20 =	vbroadcast v20, $0x0  }
0x1e: {  	s13 =	sadd.s32 $0x6C000, s3;
	s15 =	sadd.s32 $0x78000, s3;
	[dreg:$0xa] =	wrdreg s20;
	v7 =	vadd.s32 v11, v7;
	v8 =	vadd.s32 v12, v8;
	v12 =	vadd.s32 v12, v24  }
0x1f: {  	s18 =	sadd.s32 $0x8A000, s3;
	s23 =	sadd.s32 $0xA8000, s3;
	[dreg:$0xb] =	wrdreg s22;
	v24 =	vshrl.u32 v62, $0x3;
	v11 =	vadd.s32 v11, v20;
	v20 =	vmov s21  }
0x20: {  	s25 =	smax.u32 s25, $0x1;
	s28 =	sadd.s32 $0xBA000, s3;
	[dreg:$0xc] =	wrdreg s24;
	v25 =	vshll.u32 v25, v14;
	v24 =	vshll.u32 v24, v14;
	v20 =	vshrl.u32 v20, $0x3  }
0x21: {  	s1 =	simm.s32 $0x1;
	[dreg:$0xd] =	wrdreg s26;
	s5 =	sadd.s32 $0x3C000, s3;
	v25 =	vbroadcast v25, $0x0;
	v24 =	vbroadcast v24, $0x0;
	v20 =	vshll.u32 v20, v14  }
0x22: {  	s12 =	sadd.s32 $0x66000, s3;
	s14 =	sadd.s32 $0x72000, s3;
	s16 =	sadd.s32 $0x7E000, s3;
	v14 =	vadd.s32 v16, v15;
	v15 =	vadd.s32 v16, v23;
	v20 =	vbroadcast v20, $0x0  }
0x23: {  	s17 =	sadd.s32 $0x84000, s3;
	s19 =	sadd.s32 $0x90000, s3;
	s20 =	sadd.s32 $0x96000, s3;
	v23 =	vor.u32 $0x7, v16;
	v16 =	vadd.s32 v17, v18;
	v18 =	vadd.s32 v26, v19  }
0x24: {  	s22 =	sadd.s32 $0xA2000, s3;
	s24 =	sadd.s32 $0xAE000, s3;
	s26 =	sadd.s32 $0xB4000, s3;
	v19 =	vadd.s32 v23, v19;
	v17 =	vadd.s32 v17, v20;
	v20 =	vadd.s32 v26, v21  }
0x25: {  	s7 =	sadd.s32 $0x48000, s3;
	s11 =	sadd.s32 $0x60000, s3;
	s21 =	sadd.s32 $0x9C000, s3;
	v21 =	vadd.s32 v23, v22;
	v22 =	vadd.s32 v26, v24;
	v23 =	vadd.s32 v23, v25  }
.LBB2_1:
0x26: {  	s0 =	rddreg [dreg:$0x3]  }
0x27: {  	[tilespmem:s2], [sflag:$0x2] =	stream.linear.gather [hbm4b:s0+s2], $0x3000, $0x38;
	[tilespmem:$0x7800] =	vst v63  }
0x28: {  	_ =	swait.ge [sflag:s29], $0x3000  }
0x29: {  	[sflag:s29] =	ssyncset.done $0x0  }
0x2a: {  	s4 =	rddreg [dreg:$0x4];
	[sflag:s29] =	ssyncadd.s32 $0xFFFFD000  }
0x2b: {  	[tilespmem:s30], [sflag:$0x2] =	stream.linear.gather [hbm4b:s4+s2], $0x3000, $0x38;
	[tilespmem:$0x7800] =	vst v63  }
0x2c: {  	_ =	swait.ge [sflag:s29], $0x3000  }
0x2d: {  	[sflag:s29] =	ssyncset.done $0x0  }
0x2e: {  	[sflag:s29] =	ssyncadd.s32 $0xFFFFD000  }
0x2f: {  	v24 =	vld.idx.msk [tilespmem:v0+s2+$0x0], $0xffff;
	_ =	sdelay $0x1  }
0x30: {  	v25 =	vld.idx.msk [tilespmem:v0+s30+$0x0], $0xffff;
	_ =	sdelay $0x2  }
0x31: {  	v26 =	vbroadcast v24, $0x0  }
0x32: {  	v27 =	vbroadcast v24, $0x1  }
0x33: {  	v28 =	vbroadcast v24, $0x2;
	v26 =	vadd.f32 v26, v25  }
0x34: {  	v29 =	vbroadcast v24, $0x3;
	v27 =	vadd.f32 v27, v25  }
0x35: {  	v49 =	vbroadcast v24, $0x4;
	v48 =	vadd.f32 v28, v25;
	[tilespmem:$0x6000] =	vst v26  }
0x36: {  	v51 =	vbroadcast v24, $0x5;
	v50 =	vadd.f32 v29, v25;
	[tilespmem:$0x6010] =	vst v27  }
0x37: {  	v53 =	vbroadcast v24, $0x6;
	v52 =	vadd.f32 v49, v25;
	[tilespmem:$0x6020] =	vst v48  }
0x38: {  	v55 =	vbroadcast v24, $0x7;
	v54 =	vadd.f32 v51, v25;
	[tilespmem:$0x6030] =	vst v50  }
0x39: {  	v57 =	vbroadcast v24, $0x8;
	v56 =	vadd.f32 v53, v25;
	[tilespmem:$0x6040] =	vst v52  }
0x3a: {  	v59 =	vbroadcast v24, $0x9;
	v58 =	vadd.f32 v55, v25;
	[tilespmem:$0x6050] =	vst v54  }
0x3b: {  	v61 =	vbroadcast v24, $0xA;
	v60 =	vadd.f32 v57, v25;
	[tilespmem:$0x6060] =	vst v56  }
0x3c: {  	v63 =	vbroadcast v24, $0xB;
	v62 =	vadd.f32 v59, v25;
	[tilespmem:$0x6070] =	vst v58  }
0x3d: {  	v33 =	vbroadcast v24, $0xC;
	v32 =	vadd.f32 v61, v25;
	[tilespmem:$0x6080] =	vst v60  }
0x3e: {  	v35 =	vbroadcast v24, $0xD;
	v34 =	vadd.f32 v63, v25;
	[tilespmem:$0x6090] =	vst v62  }
0x3f: {  	v37 =	vbroadcast v24, $0xE;
	v36 =	vadd.f32 v33, v25;
	[tilespmem:$0x60A0] =	vst v32  }
0x40: {  	v24 =	vbroadcast v24, $0xF;
	v38 =	vadd.f32 v35, v25;
	[tilespmem:$0x60B0] =	vst v34  }
0x41: {  	v39 =	vadd.f32 v37, v25;
	[tilespmem:$0x60C0] =	vst v36  }
0x42: {  	v24 =	vadd.f32 v24, v25;
	[tilespmem:$0x60D0] =	vst v38  }
0x43: {  	[tilespmem:$0x60E0] =	vst v39  }
0x44: {  	[tilespmem:$0x60F0] =	vst v24  }
0x45: {  	v24 =	vld.idx.msk [tilespmem:v1+s2+$0x0], $0xffff;
	_ =	sdelay $0x1  }
0x46: {  	v40 =	vld.idx.msk [tilespmem:v1+s30+$0x0], $0xffff;
	_ =	sdelay $0x2  }
0x47: {  	v41 =	vbroadcast v24, $0x0  }
0x48: {  	v42 =	vbroadcast v24, $0x1  }
0x49: {  	v43 =	vbroadcast v24, $0x2;
	v26 =	vadd.f32 v41, v40  }
0x4a: {  	v44 =	vbroadcast v24, $0x3;
	v27 =	vadd.f32 v42, v40  }
0x4b: {  	v46 =	vbroadcast v24, $0x4;
	v45 =	vadd.f32 v43, v40;
	[tilespmem:$0x6100] =	vst v26  }
0x4c: {  	v48 =	vbroadcast v24, $0x5;
	v47 =	vadd.f32 v44, v40;
	[tilespmem:$0x6110] =	vst v27  }
0x4d: {  	v50 =	vbroadcast v24, $0x6;
	v49 =	vadd.f32 v46, v40;
	[tilespmem:$0x6120] =	vst v45  }
0x4e: {  	v52 =	vbroadcast v24, $0x7;
	v51 =	vadd.f32 v48, v40;
	[tilespmem:$0x6130] =	vst v47  }
0x4f: {  	v54 =	vbroadcast v24, $0x8;
	v53 =	vadd.f32 v50, v40;
	[tilespmem:$0x6140] =	vst v49  }
0x50: {  	v56 =	vbroadcast v24, $0x9;
	v55 =	vadd.f32 v52, v40;
	[tilespmem:$0x6150] =	vst v51  }
0x51: {  	v58 =	vbroadcast v24, $0xA;
	v57 =	vadd.f32 v54, v40;
	[tilespmem:$0x6160] =	vst v53  }
0x52: {  	v60 =	vbroadcast v24, $0xB;
	v59 =	vadd.f32 v56, v40;
	[tilespmem:$0x6170] =	vst v55  }
0x53: {  	v62 =	vbroadcast v24, $0xC;
	v61 =	vadd.f32 v58, v40;
	[tilespmem:$0x6180] =	vst v57  }
0x54: {  	v32 =	vbroadcast v24, $0xD;
	v63 =	vadd.f32 v60, v40;
	[tilespmem:$0x6190] =	vst v59  }
0x55: {  	v34 =	vbroadcast v24, $0xE;
	v33 =	vadd.f32 v62, v40;
	[tilespmem:$0x61A0] =	vst v61  }
0x56: {  	v24 =	vbroadcast v24, $0xF;
	v35 =	vadd.f32 v32, v40;
	[tilespmem:$0x61B0] =	vst v63  }
0x57: {  	v36 =	vadd.f32 v34, v40;
	[tilespmem:$0x61C0] =	vst v33  }
0x58: {  	v24 =	vadd.f32 v24, v40;
	[tilespmem:$0x61D0] =	vst v35  }
0x59: {  	[tilespmem:$0x61E0] =	vst v36  }
0x5a: {  	[tilespmem:$0x61F0] =	vst v24  }
0x5b: {  	v24 =	vld.idx.msk [tilespmem:v2+s30+$0x0], $0xffff  }
0x5c: {  	v37 =	vld.idx.msk [tilespmem:v2+s2+$0x0], $0xffff;
	_ =	sdelay $0x4  }
0x5d: {  	v38 =	vbroadcast v37, $0x0  }
0x5e: {  	v39 =	vbroadcast v37, $0x1  }
0x5f: {  	v40 =	vbroadcast v37, $0x2;
	v26 =	vadd.f32 v38, v24  }
0x60: {  	v41 =	vbroadcast v37, $0x3;
	v27 =	vadd.f32 v39, v24  }
0x61: {  	v43 =	vbroadcast v37, $0x4;
	v42 =	vadd.f32 v40, v24;
	[tilespmem:$0x6200] =	vst v26  }
0x62: {  	v45 =	vbroadcast v37, $0x5;
	v44 =	vadd.f32 v41, v24;
	[tilespmem:$0x6210] =	vst v27  }
0x63: {  	v47 =	vbroadcast v37, $0x6;
	v46 =	vadd.f32 v43, v24;
	[tilespmem:$0x6220] =	vst v42  }
0x64: {  	v49 =	vbroadcast v37, $0x7;
	v48 =	vadd.f32 v45, v24;
	[tilespmem:$0x6230] =	vst v44  }
0x65: {  	v51 =	vbroadcast v37, $0x8;
	v50 =	vadd.f32 v47, v24;
	[tilespmem:$0x6240] =	vst v46  }
0x66: {  	v53 =	vbroadcast v37, $0x9;
	v52 =	vadd.f32 v49, v24;
	[tilespmem:$0x6250] =	vst v48  }
0x67: {  	v55 =	vbroadcast v37, $0xA;
	v54 =	vadd.f32 v51, v24;
	[tilespmem:$0x6260] =	vst v50  }
0x68: {  	v57 =	vbroadcast v37, $0xB;
	v56 =	vadd.f32 v53, v24;
	[tilespmem:$0x6270] =	vst v52  }
0x69: {  	v59 =	vbroadcast v37, $0xC;
	v58 =	vadd.f32 v55, v24;
	[tilespmem:$0x6280] =	vst v54  }
0x6a: {  	v61 =	vbroadcast v37, $0xD;
	v60 =	vadd.f32 v57, v24;
	[tilespmem:$0x6290] =	vst v56  }
0x6b: {  	v63 =	vbroadcast v37, $0xE;
	v62 =	vadd.f32 v59, v24;
	[tilespmem:$0x62A0] =	vst v58  }
0x6c: {  	v25 =	vbroadcast v37, $0xF;
	v30 =	vadd.f32 v61, v24;
	[tilespmem:$0x62B0] =	vst v60  }
0x6d: {  	v31 =	vadd.f32 v63, v24;
	[tilespmem:$0x62C0] =	vst v62  }
0x6e: {  	v24 =	vadd.f32 v25, v24;
	[tilespmem:$0x62D0] =	vst v30  }
0x6f: {  	[tilespmem:$0x62E0] =	vst v31  }
0x70: {  	[tilespmem:$0x62F0] =	vst v24  }
0x71: {  	v24 =	vld.idx.msk [tilespmem:v3+s2+$0x0], $0xffff;
	_ =	sdelay $0x1  }
0x72: {  	v32 =	vld.idx.msk [tilespmem:v3+s30+$0x0], $0xffff;
	_ =	sdelay $0x2  }
0x73: {  	v33 =	vbroadcast v24, $0x0  }
0x74: {  	v34 =	vbroadcast v24, $0x1  }
0x75: {  	v35 =	vbroadcast v24, $0x2;
	v26 =	vadd.f32 v33, v32  }
0x76: {  	v36 =	vbroadcast v24, $0x3;
	v27 =	vadd.f32 v34, v32  }
0x77: {  	v38 =	vbroadcast v24, $0x4;
	v37 =	vadd.f32 v35, v32;
	[tilespmem:$0x6300] =	vst v26  }
0x78: {  	v40 =	vbroadcast v24, $0x5;
	v39 =	vadd.f32 v36, v32;
	[tilespmem:$0x6310] =	vst v27  }
0x79: {  	v42 =	vbroadcast v24, $0x6;
	v41 =	vadd.f32 v38, v32;
	[tilespmem:$0x6320] =	vst v37  }
0x7a: {  	v44 =	vbroadcast v24, $0x7;
	v43 =	vadd.f32 v40, v32;
	[tilespmem:$0x6330] =	vst v39  }
0x7b: {  	v46 =	vbroadcast v24, $0x8;
	v45 =	vadd.f32 v42, v32;
	[tilespmem:$0x6340] =	vst v41  }
0x7c: {  	v48 =	vbroadcast v24, $0x9;
	v47 =	vadd.f32 v44, v32;
	[tilespmem:$0x6350] =	vst v43  }
0x7d: {  	v50 =	vbroadcast v24, $0xA;
	v49 =	vadd.f32 v46, v32;
	[tilespmem:$0x6360] =	vst v45  }
0x7e: {  	v52 =	vbroadcast v24, $0xB;
	v51 =	vadd.f32 v48, v32;
	[tilespmem:$0x6370] =	vst v47  }
0x7f: {  	v54 =	vbroadcast v24, $0xC;
	v53 =	vadd.f32 v50, v32;
	[tilespmem:$0x6380] =	vst v49  }
0x80: {  	v56 =	vbroadcast v24, $0xD;
	v55 =	vadd.f32 v52, v32;
	[tilespmem:$0x6390] =	vst v51  }
0x81: {  	v58 =	vbroadcast v24, $0xE;
	v57 =	vadd.f32 v54, v32;
	[tilespmem:$0x63A0] =	vst v53  }
0x82: {  	v24 =	vbroadcast v24, $0xF;
	v59 =	vadd.f32 v56, v32;
	[tilespmem:$0x63B0] =	vst v55  }
0x83: {  	v60 =	vadd.f32 v58, v32;
	[tilespmem:$0x63C0] =	vst v57  }
0x84: {  	v24 =	vadd.f32 v24, v32;
	[tilespmem:$0x63D0] =	vst v59  }
0x85: {  	[tilespmem:$0x63E0] =	vst v60  }
0x86: {  	[tilespmem:$0x63F0] =	vst v24  }
0x87: {  	v24 =	vld.idx.msk [tilespmem:v4+s2+$0x0], $0xffff;
	_ =	sdelay $0x1  }
0x88: {  	v61 =	vld.idx.msk [tilespmem:v4+s30+$0x0], $0xffff;
	_ =	sdelay $0x2  }
0x89: {  	v62 =	vbroadcast v24, $0x0  }
0x8a: {  	v63 =	vbroadcast v24, $0x1  }
0x8b: {  	v32 =	vbroadcast v24, $0x2;
	v26 =	vadd.f32 v62, v61  }
0x8c: {  	v33 =	vbroadcast v24, $0x3;
	v27 =	vadd.f32 v63, v61  }
0x8d: {  	v35 =	vbroadcast v24, $0x4;
	v34 =	vadd.f32 v32, v61;
	[tilespmem:$0x6400] =	vst v26  }
0x8e: {  	v37 =	vbroadcast v24, $0x5;
	v36 =	vadd.f32 v33, v61;
	[tilespmem:$0x6410] =	vst v27  }
0x8f: {  	v39 =	vbroadcast v24, $0x6;
	v38 =	vadd.f32 v35, v61;
	[tilespmem:$0x6420] =	vst v34  }
0x90: {  	v41 =	vbroadcast v24, $0x7;
	v40 =	vadd.f32 v37, v61;
	[tilespmem:$0x6430] =	vst v36  }
0x91: {  	v43 =	vbroadcast v24, $0x8;
	v42 =	vadd.f32 v39, v61;
	[tilespmem:$0x6440] =	vst v38  }
0x92: {  	v45 =	vbroadcast v24, $0x9;
	v44 =	vadd.f32 v41, v61;
	[tilespmem:$0x6450] =	vst v40  }
0x93: {  	v47 =	vbroadcast v24, $0xA;
	v46 =	vadd.f32 v43, v61;
	[tilespmem:$0x6460] =	vst v42  }
0x94: {  	v49 =	vbroadcast v24, $0xB;
	v48 =	vadd.f32 v45, v61;
	[tilespmem:$0x6470] =	vst v44  }
0x95: {  	v51 =	vbroadcast v24, $0xC;
	v50 =	vadd.f32 v47, v61;
	[tilespmem:$0x6480] =	vst v46  }
0x96: {  	v53 =	vbroadcast v24, $0xD;
	v52 =	vadd.f32 v49, v61;
	[tilespmem:$0x6490] =	vst v48  }
0x97: {  	v55 =	vbroadcast v24, $0xE;
	v54 =	vadd.f32 v51, v61;
	[tilespmem:$0x64A0] =	vst v50  }
0x98: {  	v24 =	vbroadcast v24, $0xF;
	v56 =	vadd.f32 v53, v61;
	[tilespmem:$0x64B0] =	vst v52  }
0x99: {  	v57 =	vadd.f32 v55, v61;
	[tilespmem:$0x64C0] =	vst v54  }
0x9a: {  	v24 =	vadd.f32 v24, v61;
	[tilespmem:$0x64D0] =	vst v56  }
0x9b: {  	[tilespmem:$0x64E0] =	vst v57  }
0x9c: {  	[tilespmem:$0x64F0] =	vst v24  }
0x9d: {  	v24 =	vld.idx.msk [tilespmem:v5+s2+$0x0], $0xffff;
	_ =	sdelay $0x1  }
0x9e: {  	v58 =	vld.idx.msk [tilespmem:v5+s30+$0x0], $0xffff;
	_ =	sdelay $0x2  }
0x9f: {  	v59 =	vbroadcast v24, $0x0  }
0xa0: {  	v60 =	vbroadcast v24, $0x1  }
0xa1: {  	v61 =	vbroadcast v24, $0x2;
	v26 =	vadd.f32 v59, v58  }
0xa2: {  	v62 =	vbroadcast v24, $0x3;
	v27 =	vadd.f32 v60, v58  }
0xa3: {  	v32 =	vbroadcast v24, $0x4;
	v63 =	vadd.f32 v61, v58;
	[tilespmem:$0x6500] =	vst v26  }
0xa4: {  	v34 =	vbroadcast v24, $0x5;
	v33 =	vadd.f32 v62, v58;
	[tilespmem:$0x6510] =	vst v27  }
0xa5: {  	v36 =	vbroadcast v24, $0x6;
	v35 =	vadd.f32 v32, v58;
	[tilespmem:$0x6520] =	vst v63  }
0xa6: {  	v38 =	vbroadcast v24, $0x7;
	v37 =	vadd.f32 v34, v58;
	[tilespmem:$0x6530] =	vst v33  }
0xa7: {  	v40 =	vbroadcast v24, $0x8;
	v39 =	vadd.f32 v36, v58;
	[tilespmem:$0x6540] =	vst v35  }
0xa8: {  	v42 =	vbroadcast v24, $0x9;
	v41 =	vadd.f32 v38, v58;
	[tilespmem:$0x6550] =	vst v37  }
0xa9: {  	v44 =	vbroadcast v24, $0xA;
	v43 =	vadd.f32 v40, v58;
	[tilespmem:$0x6560] =	vst v39  }
0xaa: {  	v46 =	vbroadcast v24, $0xB;
	v45 =	vadd.f32 v42, v58;
	[tilespmem:$0x6570] =	vst v41  }
0xab: {  	v48 =	vbroadcast v24, $0xC;
	v47 =	vadd.f32 v44, v58;
	[tilespmem:$0x6580] =	vst v43  }
0xac: {  	v50 =	vbroadcast v24, $0xD;
	v49 =	vadd.f32 v46, v58;
	[tilespmem:$0x6590] =	vst v45  }
0xad: {  	v52 =	vbroadcast v24, $0xE;
	v51 =	vadd.f32 v48, v58;
	[tilespmem:$0x65A0] =	vst v47  }
0xae: {  	v24 =	vbroadcast v24, $0xF;
	v53 =	vadd.f32 v50, v58;
	[tilespmem:$0x65B0] =	vst v49  }
0xaf: {  	v54 =	vadd.f32 v52, v58;
	[tilespmem:$0x65C0] =	vst v51  }
0xb0: {  	v24 =	vadd.f32 v24, v58;
	[tilespmem:$0x65D0] =	vst v53  }
0xb1: {  	[tilespmem:$0x65E0] =	vst v54  }
0xb2: {  	[tilespmem:$0x65F0] =	vst v24  }
0xb3: {  	v24 =	vld.idx.msk [tilespmem:v18+s2+$0x0], $0xffff;
	_ =	sdelay $0x1  }
0xb4: {  	v55 =	vld.idx.msk [tilespmem:v18+s30+$0x0], $0xffff;
	_ =	sdelay $0x2  }
0xb5: {  	v56 =	vbroadcast v24, $0x0  }
0xb6: {  	v57 =	vbroadcast v24, $0x1  }
0xb7: {  	v58 =	vbroadcast v24, $0x2;
	v26 =	vadd.f32 v56, v55  }
0xb8: {  	v59 =	vbroadcast v24, $0x3;
	v27 =	vadd.f32 v57, v55  }
0xb9: {  	v61 =	vbroadcast v24, $0x4;
	v60 =	vadd.f32 v58, v55;
	[tilespmem:$0x6600] =	vst v26  }
0xba: {  	v63 =	vbroadcast v24, $0x5;
	v62 =	vadd.f32 v59, v55;
	[tilespmem:$0x6610] =	vst v27  }
0xbb: {  	v33 =	vbroadcast v24, $0x6;
	v32 =	vadd.f32 v61, v55;
	[tilespmem:$0x6620] =	vst v60  }
0xbc: {  	v35 =	vbroadcast v24, $0x7;
	v34 =	vadd.f32 v63, v55;
	[tilespmem:$0x6630] =	vst v62  }
0xbd: {  	v37 =	vbroadcast v24, $0x8;
	v36 =	vadd.f32 v33, v55;
	[tilespmem:$0x6640] =	vst v32  }
0xbe: {  	v39 =	vbroadcast v24, $0x9;
	v38 =	vadd.f32 v35, v55;
	[tilespmem:$0x6650] =	vst v34  }
0xbf: {  	v41 =	vbroadcast v24, $0xA;
	v40 =	vadd.f32 v37, v55;
	[tilespmem:$0x6660] =	vst v36  }
0xc0: {  	v43 =	vbroadcast v24, $0xB;
	v42 =	vadd.f32 v39, v55;
	[tilespmem:$0x6670] =	vst v38  }
0xc1: {  	v45 =	vbroadcast v24, $0xC;
	v44 =	vadd.f32 v41, v55;
	[tilespmem:$0x6680] =	vst v40  }
0xc2: {  	v47 =	vbroadcast v24, $0xD;
	v46 =	vadd.f32 v43, v55;
	[tilespmem:$0x6690] =	vst v42  }
0xc3: {  	v49 =	vbroadcast v24, $0xE;
	v48 =	vadd.f32 v45, v55;
	[tilespmem:$0x66A0] =	vst v44  }
0xc4: {  	v24 =	vbroadcast v24, $0xF;
	v50 =	vadd.f32 v47, v55;
	[tilespmem:$0x66B0] =	vst v46  }
0xc5: {  	v51 =	vadd.f32 v49, v55;
	[tilespmem:$0x66C0] =	vst v48  }
0xc6: {  	v24 =	vadd.f32 v24, v55;
	[tilespmem:$0x66D0] =	vst v50  }
0xc7: {  	[tilespmem:$0x66E0] =	vst v51  }
0xc8: {  	[tilespmem:$0x66F0] =	vst v24  }
0xc9: {  	v24 =	vld.idx.msk [tilespmem:v19+s2+$0x0], $0xffff;
	_ =	sdelay $0x1  }
0xca: {  	v52 =	vld.idx.msk [tilespmem:v19+s30+$0x0], $0xffff;
	_ =	sdelay $0x2  }
0xcb: {  	v53 =	vbroadcast v24, $0x0  }
0xcc: {  	v54 =	vbroadcast v24, $0x1  }
0xcd: {  	v55 =	vbroadcast v24, $0x2;
	v26 =	vadd.f32 v53, v52  }
0xce: {  	v56 =	vbroadcast v24, $0x3;
	v27 =	vadd.f32 v54, v52  }
0xcf: {  	v58 =	vbroadcast v24, $0x4;
	v57 =	vadd.f32 v55, v52;
	[tilespmem:$0x6700] =	vst v26  }
0xd0: {  	v60 =	vbroadcast v24, $0x5;
	v59 =	vadd.f32 v56, v52;
	[tilespmem:$0x6710] =	vst v27  }
0xd1: {  	v62 =	vbroadcast v24, $0x6;
	v61 =	vadd.f32 v58, v52;
	[tilespmem:$0x6720] =	vst v57  }
0xd2: {  	v32 =	vbroadcast v24, $0x7;
	v63 =	vadd.f32 v60, v52;
	[tilespmem:$0x6730] =	vst v59  }
0xd3: {  	v34 =	vbroadcast v24, $0x8;
	v33 =	vadd.f32 v62, v52;
	[tilespmem:$0x6740] =	vst v61  }
0xd4: {  	v36 =	vbroadcast v24, $0x9;
	v35 =	vadd.f32 v32, v52;
	[tilespmem:$0x6750] =	vst v63  }
0xd5: {  	v38 =	vbroadcast v24, $0xA;
	v37 =	vadd.f32 v34, v52;
	[tilespmem:$0x6760] =	vst v33  }
0xd6: {  	v40 =	vbroadcast v24, $0xB;
	v39 =	vadd.f32 v36, v52;
	[tilespmem:$0x6770] =	vst v35  }
0xd7: {  	v42 =	vbroadcast v24, $0xC;
	v41 =	vadd.f32 v38, v52;
	[tilespmem:$0x6780] =	vst v37  }
0xd8: {  	v44 =	vbroadcast v24, $0xD;
	v43 =	vadd.f32 v40, v52;
	[tilespmem:$0x6790] =	vst v39  }
0xd9: {  	v46 =	vbroadcast v24, $0xE;
	v45 =	vadd.f32 v42, v52;
	[tilespmem:$0x67A0] =	vst v41  }
0xda: {  	v24 =	vbroadcast v24, $0xF;
	v47 =	vadd.f32 v44, v52;
	[tilespmem:$0x67B0] =	vst v43  }
0xdb: {  	v48 =	vadd.f32 v46, v52;
	[tilespmem:$0x67C0] =	vst v45  }
0xdc: {  	v24 =	vadd.f32 v24, v52;
	[tilespmem:$0x67D0] =	vst v47  }
0xdd: {  	[tilespmem:$0x67E0] =	vst v48  }
0xde: {  	[tilespmem:$0x67F0] =	vst v24  }
0xdf: {  	v24 =	vld.idx.msk [tilespmem:v14+s2+$0x0], $0xffff;
	_ =	sdelay $0x1  }
0xe0: {  	v49 =	vld.idx.msk [tilespmem:v14+s30+$0x0], $0xffff;
	_ =	sdelay $0x2  }
0xe1: {  	v50 =	vbroadcast v24, $0x0  }
0xe2: {  	v51 =	vbroadcast v24, $0x1  }
0xe3: {  	v52 =	vbroadcast v24, $0x2;
	v26 =	vadd.f32 v50, v49  }
0xe4: {  	v53 =	vbroadcast v24, $0x3;
	v27 =	vadd.f32 v51, v49  }
0xe5: {  	v55 =	vbroadcast v24, $0x4;
	v54 =	vadd.f32 v52, v49;
	[tilespmem:$0x6800] =	vst v26  }
0xe6: {  	v57 =	vbroadcast v24, $0x5;
	v56 =	vadd.f32 v53, v49;
	[tilespmem:$0x6810] =	vst v27  }
0xe7: {  	v59 =	vbroadcast v24, $0x6;
	v58 =	vadd.f32 v55, v49;
	[tilespmem:$0x6820] =	vst v54  }
0xe8: {  	v61 =	vbroadcast v24, $0x7;
	v60 =	vadd.f32 v57, v49;
	[tilespmem:$0x6830] =	vst v56  }
0xe9: {  	v63 =	vbroadcast v24, $0x8;
	v62 =	vadd.f32 v59, v49;
	[tilespmem:$0x6840] =	vst v58  }
0xea: {  	v33 =	vbroadcast v24, $0x9;
	v32 =	vadd.f32 v61, v49;
	[tilespmem:$0x6850] =	vst v60  }
0xeb: {  	v35 =	vbroadcast v24, $0xA;
	v34 =	vadd.f32 v63, v49;
	[tilespmem:$0x6860] =	vst v62  }
0xec: {  	v37 =	vbroadcast v24, $0xB;
	v36 =	vadd.f32 v33, v49;
	[tilespmem:$0x6870] =	vst v32  }
0xed: {  	v39 =	vbroadcast v24, $0xC;
	v38 =	vadd.f32 v35, v49;
	[tilespmem:$0x6880] =	vst v34  }
0xee: {  	v41 =	vbroadcast v24, $0xD;
	v40 =	vadd.f32 v37, v49;
	[tilespmem:$0x6890] =	vst v36  }
0xef: {  	v43 =	vbroadcast v24, $0xE;
	v42 =	vadd.f32 v39, v49;
	[tilespmem:$0x68A0] =	vst v38  }
0xf0: {  	v24 =	vbroadcast v24, $0xF;
	v44 =	vadd.f32 v41, v49;
	[tilespmem:$0x68B0] =	vst v40  }
0xf1: {  	v45 =	vadd.f32 v43, v49;
	[tilespmem:$0x68C0] =	vst v42  }
0xf2: {  	v24 =	vadd.f32 v24, v49;
	[tilespmem:$0x68D0] =	vst v44  }
0xf3: {  	[tilespmem:$0x68E0] =	vst v45  }
0xf4: {  	[tilespmem:$0x68F0] =	vst v24  }
0xf5: {  	v24 =	vld.idx.msk [tilespmem:v6+s2+$0x0], $0xffff;
	_ =	sdelay $0x1  }
0xf6: {  	v46 =	vld.idx.msk [tilespmem:v6+s30+$0x0], $0xffff;
	_ =	sdelay $0x2  }
0xf7: {  	v47 =	vbroadcast v24, $0x0  }
0xf8: {  	v48 =	vbroadcast v24, $0x1  }
0xf9: {  	v49 =	vbroadcast v24, $0x2;
	v26 =	vadd.f32 v47, v46  }
0xfa: {  	v50 =	vbroadcast v24, $0x3;
	v27 =	vadd.f32 v48, v46  }
0xfb: {  	v52 =	vbroadcast v24, $0x4;
	v51 =	vadd.f32 v49, v46;
	[tilespmem:$0x6900] =	vst v26  }
0xfc: {  	v54 =	vbroadcast v24, $0x5;
	v53 =	vadd.f32 v50, v46;
	[tilespmem:$0x6910] =	vst v27  }
0xfd: {  	v56 =	vbroadcast v24, $0x6;
	v55 =	vadd.f32 v52, v46;
	[tilespmem:$0x6920] =	vst v51  }
0xfe: {  	v58 =	vbroadcast v24, $0x7;
	v57 =	vadd.f32 v54, v46;
	[tilespmem:$0x6930] =	vst v53  }
0xff: {  	v60 =	vbroadcast v24, $0x8;
	v59 =	vadd.f32 v56, v46;
	[tilespmem:$0x6940] =	vst v55  }
0x100: {  	v62 =	vbroadcast v24, $0x9;
	v61 =	vadd.f32 v58, v46;
	[tilespmem:$0x6950] =	vst v57  }
0x101: {  	v32 =	vbroadcast v24, $0xA;
	v63 =	vadd.f32 v60, v46;
	[tilespmem:$0x6960] =	vst v59  }
0x102: {  	v34 =	vbroadcast v24, $0xB;
	v33 =	vadd.f32 v62, v46;
	[tilespmem:$0x6970] =	vst v61  }
0x103: {  	v36 =	vbroadcast v24, $0xC;
	v35 =	vadd.f32 v32, v46;
	[tilespmem:$0x6980] =	vst v63  }
0x104: {  	v38 =	vbroadcast v24, $0xD;
	v37 =	vadd.f32 v34, v46;
	[tilespmem:$0x6990] =	vst v33  }
0x105: {  	v40 =	vbroadcast v24, $0xE;
	v39 =	vadd.f32 v36, v46;
	[tilespmem:$0x69A0] =	vst v35  }
0x106: {  	v24 =	vbroadcast v24, $0xF;
	v41 =	vadd.f32 v38, v46;
	[tilespmem:$0x69B0] =	vst v37  }
0x107: {  	v42 =	vadd.f32 v40, v46;
	[tilespmem:$0x69C0] =	vst v39  }
0x108: {  	v24 =	vadd.f32 v24, v46;
	[tilespmem:$0x69D0] =	vst v41  }
0x109: {  	[tilespmem:$0x69E0] =	vst v42  }
0x10a: {  	[tilespmem:$0x69F0] =	vst v24  }
0x10b: {  	v24 =	vld.idx.msk [tilespmem:v7+s2+$0x0], $0xffff;
	_ =	sdelay $0x1  }
0x10c: {  	v43 =	vld.idx.msk [tilespmem:v7+s30+$0x0], $0xffff;
	_ =	sdelay $0x2  }
0x10d: {  	v44 =	vbroadcast v24, $0x0  }
0x10e: {  	v45 =	vbroadcast v24, $0x1  }
0x10f: {  	v46 =	vbroadcast v24, $0x2;
	v26 =	vadd.f32 v44, v43  }
0x110: {  	v47 =	vbroadcast v24, $0x3;
	v27 =	vadd.f32 v45, v43  }
0x111: {  	v49 =	vbroadcast v24, $0x4;
	v48 =	vadd.f32 v46, v43;
	[tilespmem:$0x6A00] =	vst v26  }
0x112: {  	v51 =	vbroadcast v24, $0x5;
	v50 =	vadd.f32 v47, v43;
	[tilespmem:$0x6A10] =	vst v27  }
0x113: {  	v53 =	vbroadcast v24, $0x6;
	v52 =	vadd.f32 v49, v43;
	[tilespmem:$0x6A20] =	vst v48  }
0x114: {  	v55 =	vbroadcast v24, $0x7;
	v54 =	vadd.f32 v51, v43;
	[tilespmem:$0x6A30] =	vst v50  }
0x115: {  	v57 =	vbroadcast v24, $0x8;
	v56 =	vadd.f32 v53, v43;
	[tilespmem:$0x6A40] =	vst v52  }
0x116: {  	v59 =	vbroadcast v24, $0x9;
	v58 =	vadd.f32 v55, v43;
	[tilespmem:$0x6A50] =	vst v54  }
0x117: {  	v61 =	vbroadcast v24, $0xA;
	v60 =	vadd.f32 v57, v43;
	[tilespmem:$0x6A60] =	vst v56  }
0x118: {  	v63 =	vbroadcast v24, $0xB;
	v62 =	vadd.f32 v59, v43;
	[tilespmem:$0x6A70] =	vst v58  }
0x119: {  	v33 =	vbroadcast v24, $0xC;
	v32 =	vadd.f32 v61, v43;
	[tilespmem:$0x6A80] =	vst v60  }
0x11a: {  	v35 =	vbroadcast v24, $0xD;
	v34 =	vadd.f32 v63, v43;
	[tilespmem:$0x6A90] =	vst v62  }
0x11b: {  	v37 =	vbroadcast v24, $0xE;
	v36 =	vadd.f32 v33, v43;
	[tilespmem:$0x6AA0] =	vst v32  }
0x11c: {  	v24 =	vbroadcast v24, $0xF;
	v38 =	vadd.f32 v35, v43;
	[tilespmem:$0x6AB0] =	vst v34  }
0x11d: {  	v39 =	vadd.f32 v37, v43;
	[tilespmem:$0x6AC0] =	vst v36  }
0x11e: {  	v24 =	vadd.f32 v24, v43;
	[tilespmem:$0x6AD0] =	vst v38  }
0x11f: {  	[tilespmem:$0x6AE0] =	vst v39  }
0x120: {  	[tilespmem:$0x6AF0] =	vst v24  }
0x121: {  	v24 =	vld.idx.msk [tilespmem:v8+s2+$0x0], $0xffff;
	_ =	sdelay $0x1  }
0x122: {  	v40 =	vld.idx.msk [tilespmem:v8+s30+$0x0], $0xffff;
	_ =	sdelay $0x2  }
0x123: {  	v41 =	vbroadcast v24, $0x0  }
0x124: {  	v42 =	vbroadcast v24, $0x1  }
0x125: {  	v43 =	vbroadcast v24, $0x2;
	v26 =	vadd.f32 v41, v40  }
0x126: {  	v44 =	vbroadcast v24, $0x3;
	v27 =	vadd.f32 v42, v40  }
0x127: {  	v46 =	vbroadcast v24, $0x4;
	v45 =	vadd.f32 v43, v40;
	[tilespmem:$0x6B00] =	vst v26  }
0x128: {  	v48 =	vbroadcast v24, $0x5;
	v47 =	vadd.f32 v44, v40;
	[tilespmem:$0x6B10] =	vst v27  }
0x129: {  	v50 =	vbroadcast v24, $0x6;
	v49 =	vadd.f32 v46, v40;
	[tilespmem:$0x6B20] =	vst v45  }
0x12a: {  	v52 =	vbroadcast v24, $0x7;
	v51 =	vadd.f32 v48, v40;
	[tilespmem:$0x6B30] =	vst v47  }
0x12b: {  	v54 =	vbroadcast v24, $0x8;
	v53 =	vadd.f32 v50, v40;
	[tilespmem:$0x6B40] =	vst v49  }
0x12c: {  	v56 =	vbroadcast v24, $0x9;
	v55 =	vadd.f32 v52, v40;
	[tilespmem:$0x6B50] =	vst v51  }
0x12d: {  	v58 =	vbroadcast v24, $0xA;
	v57 =	vadd.f32 v54, v40;
	[tilespmem:$0x6B60] =	vst v53  }
0x12e: {  	v60 =	vbroadcast v24, $0xB;
	v59 =	vadd.f32 v56, v40;
	[tilespmem:$0x6B70] =	vst v55  }
0x12f: {  	v62 =	vbroadcast v24, $0xC;
	v61 =	vadd.f32 v58, v40;
	[tilespmem:$0x6B80] =	vst v57  }
0x130: {  	v32 =	vbroadcast v24, $0xD;
	v63 =	vadd.f32 v60, v40;
	[tilespmem:$0x6B90] =	vst v59  }
0x131: {  	v34 =	vbroadcast v24, $0xE;
	v33 =	vadd.f32 v62, v40;
	[tilespmem:$0x6BA0] =	vst v61  }
0x132: {  	v24 =	vbroadcast v24, $0xF;
	v35 =	vadd.f32 v32, v40;
	[tilespmem:$0x6BB0] =	vst v63  }
0x133: {  	v36 =	vadd.f32 v34, v40;
	[tilespmem:$0x6BC0] =	vst v33  }
0x134: {  	v24 =	vadd.f32 v24, v40;
	[tilespmem:$0x6BD0] =	vst v35  }
0x135: {  	[tilespmem:$0x6BE0] =	vst v36  }
0x136: {  	[tilespmem:$0x6BF0] =	vst v24  }
0x137: {  	v24 =	vld.idx.msk [tilespmem:v9+s2+$0x0], $0xffff;
	_ =	sdelay $0x1  }
0x138: {  	v37 =	vld.idx.msk [tilespmem:v9+s30+$0x0], $0xffff;
	_ =	sdelay $0x2  }
0x139: {  	v38 =	vbroadcast v24, $0x0  }
0x13a: {  	v39 =	vbroadcast v24, $0x1  }
0x13b: {  	v40 =	vbroadcast v24, $0x2;
	v26 =	vadd.f32 v38, v37  }
0x13c: {  	v41 =	vbroadcast v24, $0x3;
	v27 =	vadd.f32 v39, v37  }
0x13d: {  	v43 =	vbroadcast v24, $0x4;
	v42 =	vadd.f32 v40, v37;
	[tilespmem:$0x6C00] =	vst v26  }
0x13e: {  	v45 =	vbroadcast v24, $0x5;
	v44 =	vadd.f32 v41, v37;
	[tilespmem:$0x6C10] =	vst v27  }
0x13f: {  	v47 =	vbroadcast v24, $0x6;
	v46 =	vadd.f32 v43, v37;
	[tilespmem:$0x6C20] =	vst v42  }
0x140: {  	v49 =	vbroadcast v24, $0x7;
	v48 =	vadd.f32 v45, v37;
	[tilespmem:$0x6C30] =	vst v44  }
0x141: {  	v51 =	vbroadcast v24, $0x8;
	v50 =	vadd.f32 v47, v37;
	[tilespmem:$0x6C40] =	vst v46  }
0x142: {  	v53 =	vbroadcast v24, $0x9;
	v52 =	vadd.f32 v49, v37;
	[tilespmem:$0x6C50] =	vst v48  }
0x143: {  	v55 =	vbroadcast v24, $0xA;
	v54 =	vadd.f32 v51, v37;
	[tilespmem:$0x6C60] =	vst v50  }
0x144: {  	v57 =	vbroadcast v24, $0xB;
	v56 =	vadd.f32 v53, v37;
	[tilespmem:$0x6C70] =	vst v52  }
0x145: {  	v59 =	vbroadcast v24, $0xC;
	v58 =	vadd.f32 v55, v37;
	[tilespmem:$0x6C80] =	vst v54  }
0x146: {  	v61 =	vbroadcast v24, $0xD;
	v60 =	vadd.f32 v57, v37;
	[tilespmem:$0x6C90] =	vst v56  }
0x147: {  	v63 =	vbroadcast v24, $0xE;
	v62 =	vadd.f32 v59, v37;
	[tilespmem:$0x6CA0] =	vst v58  }
0x148: {  	v24 =	vbroadcast v24, $0xF;
	v32 =	vadd.f32 v61, v37;
	[tilespmem:$0x6CB0] =	vst v60  }
0x149: {  	v33 =	vadd.f32 v63, v37;
	[tilespmem:$0x6CC0] =	vst v62  }
0x14a: {  	v24 =	vadd.f32 v24, v37;
	[tilespmem:$0x6CD0] =	vst v32  }
0x14b: {  	[tilespmem:$0x6CE0] =	vst v33  }
0x14c: {  	[tilespmem:$0x6CF0] =	vst v24  }
0x14d: {  	v24 =	vld.idx.msk [tilespmem:v16+s2+$0x0], $0xffff;
	_ =	sdelay $0x1  }
0x14e: {  	v34 =	vld.idx.msk [tilespmem:v16+s30+$0x0], $0xffff;
	_ =	sdelay $0x2  }
0x14f: {  	v35 =	vbroadcast v24, $0x0  }
0x150: {  	v36 =	vbroadcast v24, $0x1  }
0x151: {  	v37 =	vbroadcast v24, $0x2;
	v26 =	vadd.f32 v35, v34  }
0x152: {  	v38 =	vbroadcast v24, $0x3;
	v27 =	vadd.f32 v36, v34  }
0x153: {  	v40 =	vbroadcast v24, $0x4;
	v39 =	vadd.f32 v37, v34;
	[tilespmem:$0x6D00] =	vst v26  }
0x154: {  	v42 =	vbroadcast v24, $0x5;
	v41 =	vadd.f32 v38, v34;
	[tilespmem:$0x6D10] =	vst v27  }
0x155: {  	v44 =	vbroadcast v24, $0x6;
	v43 =	vadd.f32 v40, v34;
	[tilespmem:$0x6D20] =	vst v39  }
0x156: {  	v46 =	vbroadcast v24, $0x7;
	v45 =	vadd.f32 v42, v34;
	[tilespmem:$0x6D30] =	vst v41  }
0x157: {  	v48 =	vbroadcast v24, $0x8;
	v47 =	vadd.f32 v44, v34;
	[tilespmem:$0x6D40] =	vst v43  }
0x158: {  	v50 =	vbroadcast v24, $0x9;
	v49 =	vadd.f32 v46, v34;
	[tilespmem:$0x6D50] =	vst v45  }
0x159: {  	v52 =	vbroadcast v24, $0xA;
	v51 =	vadd.f32 v48, v34;
	[tilespmem:$0x6D60] =	vst v47  }
0x15a: {  	v54 =	vbroadcast v24, $0xB;
	v53 =	vadd.f32 v50, v34;
	[tilespmem:$0x6D70] =	vst v49  }
0x15b: {  	v56 =	vbroadcast v24, $0xC;
	v55 =	vadd.f32 v52, v34;
	[tilespmem:$0x6D80] =	vst v51  }
0x15c: {  	v58 =	vbroadcast v24, $0xD;
	v57 =	vadd.f32 v54, v34;
	[tilespmem:$0x6D90] =	vst v53  }
0x15d: {  	v60 =	vbroadcast v24, $0xE;
	v59 =	vadd.f32 v56, v34;
	[tilespmem:$0x6DA0] =	vst v55  }
0x15e: {  	v24 =	vbroadcast v24, $0xF;
	v61 =	vadd.f32 v58, v34;
	[tilespmem:$0x6DB0] =	vst v57  }
0x15f: {  	v62 =	vadd.f32 v60, v34;
	[tilespmem:$0x6DC0] =	vst v59  }
0x160: {  	v24 =	vadd.f32 v24, v34;
	[tilespmem:$0x6DD0] =	vst v61  }
0x161: {  	[tilespmem:$0x6DE0] =	vst v62  }
0x162: {  	[tilespmem:$0x6DF0] =	vst v24  }
0x163: {  	v24 =	vld.idx.msk [tilespmem:v20+s2+$0x0], $0xffff;
	_ =	sdelay $0x1  }
0x164: {  	v63 =	vld.idx.msk [tilespmem:v20+s30+$0x0], $0xffff;
	_ =	sdelay $0x2  }
0x165: {  	v31 =	vbroadcast v24, $0x0  }
0x166: {  	v32 =	vbroadcast v24, $0x1  }
0x167: {  	v33 =	vbroadcast v24, $0x2;
	v26 =	vadd.f32 v31, v63  }
0x168: {  	v34 =	vbroadcast v24, $0x3;
	v27 =	vadd.f32 v32, v63  }
0x169: {  	v36 =	vbroadcast v24, $0x4;
	v35 =	vadd.f32 v33, v63;
	[tilespmem:$0x6E00] =	vst v26  }
0x16a: {  	v38 =	vbroadcast v24, $0x5;
	v37 =	vadd.f32 v34, v63;
	[tilespmem:$0x6E10] =	vst v27  }
0x16b: {  	v40 =	vbroadcast v24, $0x6;
	v39 =	vadd.f32 v36, v63;
	[tilespmem:$0x6E20] =	vst v35  }
0x16c: {  	v42 =	vbroadcast v24, $0x7;
	v41 =	vadd.f32 v38, v63;
	[tilespmem:$0x6E30] =	vst v37  }
0x16d: {  	v44 =	vbroadcast v24, $0x8;
	v43 =	vadd.f32 v40, v63;
	[tilespmem:$0x6E40] =	vst v39  }
0x16e: {  	v46 =	vbroadcast v24, $0x9;
	v45 =	vadd.f32 v42, v63;
	[tilespmem:$0x6E50] =	vst v41  }
0x16f: {  	v48 =	vbroadcast v24, $0xA;
	v47 =	vadd.f32 v44, v63;
	[tilespmem:$0x6E60] =	vst v43  }
0x170: {  	v50 =	vbroadcast v24, $0xB;
	v49 =	vadd.f32 v46, v63;
	[tilespmem:$0x6E70] =	vst v45  }
0x171: {  	v52 =	vbroadcast v24, $0xC;
	v51 =	vadd.f32 v48, v63;
	[tilespmem:$0x6E80] =	vst v47  }
0x172: {  	v54 =	vbroadcast v24, $0xD;
	v53 =	vadd.f32 v50, v63;
	[tilespmem:$0x6E90] =	vst v49  }
0x173: {  	v56 =	vbroadcast v24, $0xE;
	v55 =	vadd.f32 v52, v63;
	[tilespmem:$0x6EA0] =	vst v51  }
0x174: {  	v24 =	vbroadcast v24, $0xF;
	v57 =	vadd.f32 v54, v63;
	[tilespmem:$0x6EB0] =	vst v53  }
0x175: {  	v58 =	vadd.f32 v56, v63;
	[tilespmem:$0x6EC0] =	vst v55  }
0x176: {  	v24 =	vadd.f32 v24, v63;
	[tilespmem:$0x6ED0] =	vst v57  }
0x177: {  	[tilespmem:$0x6EE0] =	vst v58  }
0x178: {  	[tilespmem:$0x6EF0] =	vst v24  }
0x179: {  	v24 =	vld.idx.msk [tilespmem:v21+s2+$0x0], $0xffff;
	_ =	sdelay $0x1  }
0x17a: {  	v59 =	vld.idx.msk [tilespmem:v21+s30+$0x0], $0xffff;
	_ =	sdelay $0x2  }
0x17b: {  	v60 =	vbroadcast v24, $0x0  }
0x17c: {  	v61 =	vbroadcast v24, $0x1  }
0x17d: {  	v62 =	vbroadcast v24, $0x2;
	v26 =	vadd.f32 v60, v59  }
0x17e: {  	v63 =	vbroadcast v24, $0x3;
	v27 =	vadd.f32 v61, v59  }
0x17f: {  	v33 =	vbroadcast v24, $0x4;
	v32 =	vadd.f32 v62, v59;
	[tilespmem:$0x6F00] =	vst v26  }
0x180: {  	v35 =	vbroadcast v24, $0x5;
	v34 =	vadd.f32 v63, v59;
	[tilespmem:$0x6F10] =	vst v27  }
0x181: {  	v37 =	vbroadcast v24, $0x6;
	v36 =	vadd.f32 v33, v59;
	[tilespmem:$0x6F20] =	vst v32  }
0x182: {  	v39 =	vbroadcast v24, $0x7;
	v38 =	vadd.f32 v35, v59;
	[tilespmem:$0x6F30] =	vst v34  }
0x183: {  	v41 =	vbroadcast v24, $0x8;
	v40 =	vadd.f32 v37, v59;
	[tilespmem:$0x6F40] =	vst v36  }
0x184: {  	v43 =	vbroadcast v24, $0x9;
	v42 =	vadd.f32 v39, v59;
	[tilespmem:$0x6F50] =	vst v38  }
0x185: {  	v45 =	vbroadcast v24, $0xA;
	v44 =	vadd.f32 v41, v59;
	[tilespmem:$0x6F60] =	vst v40  }
0x186: {  	v47 =	vbroadcast v24, $0xB;
	v46 =	vadd.f32 v43, v59;
	[tilespmem:$0x6F70] =	vst v42  }
0x187: {  	v49 =	vbroadcast v24, $0xC;
	v48 =	vadd.f32 v45, v59;
	[tilespmem:$0x6F80] =	vst v44  }
0x188: {  	v51 =	vbroadcast v24, $0xD;
	v50 =	vadd.f32 v47, v59;
	[tilespmem:$0x6F90] =	vst v46  }
0x189: {  	v53 =	vbroadcast v24, $0xE;
	v52 =	vadd.f32 v49, v59;
	[tilespmem:$0x6FA0] =	vst v48  }
0x18a: {  	v24 =	vbroadcast v24, $0xF;
	v54 =	vadd.f32 v51, v59;
	[tilespmem:$0x6FB0] =	vst v50  }
0x18b: {  	v55 =	vadd.f32 v53, v59;
	[tilespmem:$0x6FC0] =	vst v52  }
0x18c: {  	v24 =	vadd.f32 v24, v59;
	[tilespmem:$0x6FD0] =	vst v54  }
0x18d: {  	[tilespmem:$0x6FE0] =	vst v55  }
0x18e: {  	[tilespmem:$0x6FF0] =	vst v24  }
0x18f: {  	v24 =	vld.idx.msk [tilespmem:v15+s2+$0x0], $0xffff;
	_ =	sdelay $0x1  }
0x190: {  	v56 =	vld.idx.msk [tilespmem:v15+s30+$0x0], $0xffff;
	_ =	sdelay $0x2  }
0x191: {  	v57 =	vbroadcast v24, $0x0  }
0x192: {  	v58 =	vbroadcast v24, $0x1  }
0x193: {  	v59 =	vbroadcast v24, $0x2;
	v26 =	vadd.f32 v57, v56  }
0x194: {  	v60 =	vbroadcast v24, $0x3;
	v27 =	vadd.f32 v58, v56  }
0x195: {  	v62 =	vbroadcast v24, $0x4;
	v61 =	vadd.f32 v59, v56;
	[tilespmem:$0x7000] =	vst v26  }
0x196: {  	v32 =	vbroadcast v24, $0x5;
	v63 =	vadd.f32 v60, v56;
	[tilespmem:$0x7010] =	vst v27  }
0x197: {  	v34 =	vbroadcast v24, $0x6;
	v33 =	vadd.f32 v62, v56;
	[tilespmem:$0x7020] =	vst v61  }
0x198: {  	v36 =	vbroadcast v24, $0x7;
	v35 =	vadd.f32 v32, v56;
	[tilespmem:$0x7030] =	vst v63  }
0x199: {  	v38 =	vbroadcast v24, $0x8;
	v37 =	vadd.f32 v34, v56;
	[tilespmem:$0x7040] =	vst v33  }
0x19a: {  	v40 =	vbroadcast v24, $0x9;
	v39 =	vadd.f32 v36, v56;
	[tilespmem:$0x7050] =	vst v35  }
0x19b: {  	v42 =	vbroadcast v24, $0xA;
	v41 =	vadd.f32 v38, v56;
	[tilespmem:$0x7060] =	vst v37  }
0x19c: {  	v44 =	vbroadcast v24, $0xB;
	v43 =	vadd.f32 v40, v56;
	[tilespmem:$0x7070] =	vst v39  }
0x19d: {  	v46 =	vbroadcast v24, $0xC;
	v45 =	vadd.f32 v42, v56;
	[tilespmem:$0x7080] =	vst v41  }
0x19e: {  	v48 =	vbroadcast v24, $0xD;
	v47 =	vadd.f32 v44, v56;
	[tilespmem:$0x7090] =	vst v43  }
0x19f: {  	v50 =	vbroadcast v24, $0xE;
	v49 =	vadd.f32 v46, v56;
	[tilespmem:$0x70A0] =	vst v45  }
0x1a0: {  	v24 =	vbroadcast v24, $0xF;
	v51 =	vadd.f32 v48, v56;
	[tilespmem:$0x70B0] =	vst v47  }
0x1a1: {  	v52 =	vadd.f32 v50, v56;
	[tilespmem:$0x70C0] =	vst v49  }
0x1a2: {  	v24 =	vadd.f32 v24, v56;
	[tilespmem:$0x70D0] =	vst v51  }
0x1a3: {  	[tilespmem:$0x70E0] =	vst v52  }
0x1a4: {  	[tilespmem:$0x70F0] =	vst v24  }
0x1a5: {  	v24 =	vld.idx.msk [tilespmem:v10+s2+$0x0], $0xffff;
	_ =	sdelay $0x1  }
0x1a6: {  	v53 =	vld.idx.msk [tilespmem:v10+s30+$0x0], $0xffff;
	_ =	sdelay $0x2  }
0x1a7: {  	v54 =	vbroadcast v24, $0x0  }
0x1a8: {  	v55 =	vbroadcast v24, $0x1  }
0x1a9: {  	v56 =	vbroadcast v24, $0x2;
	v26 =	vadd.f32 v54, v53  }
0x1aa: {  	v57 =	vbroadcast v24, $0x3;
	v27 =	vadd.f32 v55, v53  }
0x1ab: {  	v59 =	vbroadcast v24, $0x4;
	v58 =	vadd.f32 v56, v53;
	[tilespmem:$0x7100] =	vst v26  }
0x1ac: {  	v61 =	vbroadcast v24, $0x5;
	v60 =	vadd.f32 v57, v53;
	[tilespmem:$0x7110] =	vst v27  }
0x1ad: {  	v63 =	vbroadcast v24, $0x6;
	v62 =	vadd.f32 v59, v53;
	[tilespmem:$0x7120] =	vst v58  }
0x1ae: {  	v33 =	vbroadcast v24, $0x7;
	v32 =	vadd.f32 v61, v53;
	[tilespmem:$0x7130] =	vst v60  }
0x1af: {  	v35 =	vbroadcast v24, $0x8;
	v34 =	vadd.f32 v63, v53;
	[tilespmem:$0x7140] =	vst v62  }
0x1b0: {  	v37 =	vbroadcast v24, $0x9;
	v36 =	vadd.f32 v33, v53;
	[tilespmem:$0x7150] =	vst v32  }
0x1b1: {  	v39 =	vbroadcast v24, $0xA;
	v38 =	vadd.f32 v35, v53;
	[tilespmem:$0x7160] =	vst v34  }
0x1b2: {  	v41 =	vbroadcast v24, $0xB;
	v40 =	vadd.f32 v37, v53;
	[tilespmem:$0x7170] =	vst v36  }
0x1b3: {  	v43 =	vbroadcast v24, $0xC;
	v42 =	vadd.f32 v39, v53;
	[tilespmem:$0x7180] =	vst v38  }
0x1b4: {  	v45 =	vbroadcast v24, $0xD;
	v44 =	vadd.f32 v41, v53;
	[tilespmem:$0x7190] =	vst v40  }
0x1b5: {  	v47 =	vbroadcast v24, $0xE;
	v46 =	vadd.f32 v43, v53;
	[tilespmem:$0x71A0] =	vst v42  }
0x1b6: {  	v24 =	vbroadcast v24, $0xF;
	v48 =	vadd.f32 v45, v53;
	[tilespmem:$0x71B0] =	vst v44  }
0x1b7: {  	v49 =	vadd.f32 v47, v53;
	[tilespmem:$0x71C0] =	vst v46  }
0x1b8: {  	v24 =	vadd.f32 v24, v53;
	[tilespmem:$0x71D0] =	vst v48  }
0x1b9: {  	[tilespmem:$0x71E0] =	vst v49  }
0x1ba: {  	[tilespmem:$0x71F0] =	vst v24  }
0x1bb: {  	v24 =	vld.idx.msk [tilespmem:v11+s2+$0x0], $0xffff;
	_ =	sdelay $0x1  }
0x1bc: {  	v50 =	vld.idx.msk [tilespmem:v11+s30+$0x0], $0xffff;
	_ =	sdelay $0x2  }
0x1bd: {  	v51 =	vbroadcast v24, $0x0  }
0x1be: {  	v52 =	vbroadcast v24, $0x1  }
0x1bf: {  	v53 =	vbroadcast v24, $0x2;
	v26 =	vadd.f32 v51, v50  }
0x1c0: {  	v54 =	vbroadcast v24, $0x3;
	v27 =	vadd.f32 v52, v50  }
0x1c1: {  	v56 =	vbroadcast v24, $0x4;
	v55 =	vadd.f32 v53, v50;
	[tilespmem:$0x7200] =	vst v26  }
0x1c2: {  	v58 =	vbroadcast v24, $0x5;
	v57 =	vadd.f32 v54, v50;
	[tilespmem:$0x7210] =	vst v27  }
0x1c3: {  	v60 =	vbroadcast v24, $0x6;
	v59 =	vadd.f32 v56, v50;
	[tilespmem:$0x7220] =	vst v55  }
0x1c4: {  	v62 =	vbroadcast v24, $0x7;
	v61 =	vadd.f32 v58, v50;
	[tilespmem:$0x7230] =	vst v57  }
0x1c5: {  	v32 =	vbroadcast v24, $0x8;
	v63 =	vadd.f32 v60, v50;
	[tilespmem:$0x7240] =	vst v59  }
0x1c6: {  	v34 =	vbroadcast v24, $0x9;
	v33 =	vadd.f32 v62, v50;
	[tilespmem:$0x7250] =	vst v61  }
0x1c7: {  	v36 =	vbroadcast v24, $0xA;
	v35 =	vadd.f32 v32, v50;
	[tilespmem:$0x7260] =	vst v63  }
0x1c8: {  	v38 =	vbroadcast v24, $0xB;
	v37 =	vadd.f32 v34, v50;
	[tilespmem:$0x7270] =	vst v33  }
0x1c9: {  	v40 =	vbroadcast v24, $0xC;
	v39 =	vadd.f32 v36, v50;
	[tilespmem:$0x7280] =	vst v35  }
0x1ca: {  	v42 =	vbroadcast v24, $0xD;
	v41 =	vadd.f32 v38, v50;
	[tilespmem:$0x7290] =	vst v37  }
0x1cb: {  	v44 =	vbroadcast v24, $0xE;
	v43 =	vadd.f32 v40, v50;
	[tilespmem:$0x72A0] =	vst v39  }
0x1cc: {  	v24 =	vbroadcast v24, $0xF;
	v45 =	vadd.f32 v42, v50;
	[tilespmem:$0x72B0] =	vst v41  }
0x1cd: {  	v46 =	vadd.f32 v44, v50;
	[tilespmem:$0x72C0] =	vst v43  }
0x1ce: {  	v24 =	vadd.f32 v24, v50;
	[tilespmem:$0x72D0] =	vst v45  }
0x1cf: {  	[tilespmem:$0x72E0] =	vst v46  }
0x1d0: {  	[tilespmem:$0x72F0] =	vst v24  }
0x1d1: {  	v24 =	vld.idx.msk [tilespmem:v12+s2+$0x0], $0xffff;
	_ =	sdelay $0x1  }
0x1d2: {  	v47 =	vld.idx.msk [tilespmem:v12+s30+$0x0], $0xffff;
	_ =	sdelay $0x2  }
0x1d3: {  	v48 =	vbroadcast v24, $0x0  }
0x1d4: {  	v49 =	vbroadcast v24, $0x1  }
0x1d5: {  	v50 =	vbroadcast v24, $0x2;
	v26 =	vadd.f32 v48, v47  }
0x1d6: {  	v51 =	vbroadcast v24, $0x3;
	v27 =	vadd.f32 v49, v47  }
0x1d7: {  	v53 =	vbroadcast v24, $0x4;
	v52 =	vadd.f32 v50, v47;
	[tilespmem:$0x7300] =	vst v26  }
0x1d8: {  	v55 =	vbroadcast v24, $0x5;
	v54 =	vadd.f32 v51, v47;
	[tilespmem:$0x7310] =	vst v27  }
0x1d9: {  	v57 =	vbroadcast v24, $0x6;
	v56 =	vadd.f32 v53, v47;
	[tilespmem:$0x7320] =	vst v52  }
0x1da: {  	v59 =	vbroadcast v24, $0x7;
	v58 =	vadd.f32 v55, v47;
	[tilespmem:$0x7330] =	vst v54  }
0x1db: {  	v61 =	vbroadcast v24, $0x8;
	v60 =	vadd.f32 v57, v47;
	[tilespmem:$0x7340] =	vst v56  }
0x1dc: {  	v63 =	vbroadcast v24, $0x9;
	v62 =	vadd.f32 v59, v47;
	[tilespmem:$0x7350] =	vst v58  }
0x1dd: {  	v33 =	vbroadcast v24, $0xA;
	v32 =	vadd.f32 v61, v47;
	[tilespmem:$0x7360] =	vst v60  }
0x1de: {  	v35 =	vbroadcast v24, $0xB;
	v34 =	vadd.f32 v63, v47;
	[tilespmem:$0x7370] =	vst v62  }
0x1df: {  	v37 =	vbroadcast v24, $0xC;
	v36 =	vadd.f32 v33, v47;
	[tilespmem:$0x7380] =	vst v32  }
0x1e0: {  	v39 =	vbroadcast v24, $0xD;
	v38 =	vadd.f32 v35, v47;
	[tilespmem:$0x7390] =	vst v34  }
0x1e1: {  	v41 =	vbroadcast v24, $0xE;
	v40 =	vadd.f32 v37, v47;
	[tilespmem:$0x73A0] =	vst v36  }
0x1e2: {  	v24 =	vbroadcast v24, $0xF;
	v42 =	vadd.f32 v39, v47;
	[tilespmem:$0x73B0] =	vst v38  }
0x1e3: {  	v43 =	vadd.f32 v41, v47;
	[tilespmem:$0x73C0] =	vst v40  }
0x1e4: {  	v24 =	vadd.f32 v24, v47;
	[tilespmem:$0x73D0] =	vst v42  }
0x1e5: {  	[tilespmem:$0x73E0] =	vst v43  }
0x1e6: {  	[tilespmem:$0x73F0] =	vst v24  }
0x1e7: {  	v24 =	vld.idx.msk [tilespmem:v13+s2+$0x0], $0xffff;
	_ =	sdelay $0x1  }
0x1e8: {  	v44 =	vld.idx.msk [tilespmem:v13+s30+$0x0], $0xffff;
	_ =	sdelay $0x2  }
0x1e9: {  	v45 =	vbroadcast v24, $0x0  }
0x1ea: {  	v46 =	vbroadcast v24, $0x1  }
0x1eb: {  	v47 =	vbroadcast v24, $0x2;
	v26 =	vadd.f32 v45, v44  }
0x1ec: {  	v48 =	vbroadcast v24, $0x3;
	v27 =	vadd.f32 v46, v44  }
0x1ed: {  	v50 =	vbroadcast v24, $0x4;
	v49 =	vadd.f32 v47, v44;
	[tilespmem:$0x7400] =	vst v26  }
0x1ee: {  	v52 =	vbroadcast v24, $0x5;
	v51 =	vadd.f32 v48, v44;
	[tilespmem:$0x7410] =	vst v27  }
0x1ef: {  	v54 =	vbroadcast v24, $0x6;
	v53 =	vadd.f32 v50, v44;
	[tilespmem:$0x7420] =	vst v49  }
0x1f0: {  	v56 =	vbroadcast v24, $0x7;
	v55 =	vadd.f32 v52, v44;
	[tilespmem:$0x7430] =	vst v51  }
0x1f1: {  	v58 =	vbroadcast v24, $0x8;
	v57 =	vadd.f32 v54, v44;
	[tilespmem:$0x7440] =	vst v53  }
0x1f2: {  	v60 =	vbroadcast v24, $0x9;
	v59 =	vadd.f32 v56, v44;
	[tilespmem:$0x7450] =	vst v55  }
0x1f3: {  	v62 =	vbroadcast v24, $0xA;
	v61 =	vadd.f32 v58, v44;
	[tilespmem:$0x7460] =	vst v57  }
0x1f4: {  	v32 =	vbroadcast v24, $0xB;
	v63 =	vadd.f32 v60, v44;
	[tilespmem:$0x7470] =	vst v59  }
0x1f5: {  	v34 =	vbroadcast v24, $0xC;
	v33 =	vadd.f32 v62, v44;
	[tilespmem:$0x7480] =	vst v61  }
0x1f6: {  	v36 =	vbroadcast v24, $0xD;
	v35 =	vadd.f32 v32, v44;
	[tilespmem:$0x7490] =	vst v63  }
0x1f7: {  	v38 =	vbroadcast v24, $0xE;
	v37 =	vadd.f32 v34, v44;
	[tilespmem:$0x74A0] =	vst v33  }
0x1f8: {  	v24 =	vbroadcast v24, $0xF;
	v39 =	vadd.f32 v36, v44;
	[tilespmem:$0x74B0] =	vst v35  }
0x1f9: {  	v40 =	vadd.f32 v38, v44;
	[tilespmem:$0x74C0] =	vst v37  }
0x1fa: {  	v24 =	vadd.f32 v24, v44;
	[tilespmem:$0x74D0] =	vst v39  }
0x1fb: {  	[tilespmem:$0x74E0] =	vst v40  }
0x1fc: {  	[tilespmem:$0x74F0] =	vst v24  }
0x1fd: {  	v24 =	vld.idx.msk [tilespmem:v17+s2+$0x0], $0xffff;
	_ =	sdelay $0x1  }
0x1fe: {  	v41 =	vld.idx.msk [tilespmem:v17+s30+$0x0], $0xffff;
	_ =	sdelay $0x2  }
0x1ff: {  	v42 =	vbroadcast v24, $0x0  }
0x200: {  	v43 =	vbroadcast v24, $0x1  }
0x201: {  	v44 =	vbroadcast v24, $0x2;
	v26 =	vadd.f32 v42, v41  }
0x202: {  	v45 =	vbroadcast v24, $0x3;
	v27 =	vadd.f32 v43, v41  }
0x203: {  	v47 =	vbroadcast v24, $0x4;
	v46 =	vadd.f32 v44, v41;
	[tilespmem:$0x7500] =	vst v26  }
0x204: {  	v49 =	vbroadcast v24, $0x5;
	v48 =	vadd.f32 v45, v41;
	[tilespmem:$0x7510] =	vst v27  }
0x205: {  	v51 =	vbroadcast v24, $0x6;
	v50 =	vadd.f32 v47, v41;
	[tilespmem:$0x7520] =	vst v46  }
0x206: {  	v53 =	vbroadcast v24, $0x7;
	v52 =	vadd.f32 v49, v41;
	[tilespmem:$0x7530] =	vst v48  }
0x207: {  	v55 =	vbroadcast v24, $0x8;
	v54 =	vadd.f32 v51, v41;
	[tilespmem:$0x7540] =	vst v50  }
0x208: {  	v57 =	vbroadcast v24, $0x9;
	v56 =	vadd.f32 v53, v41;
	[tilespmem:$0x7550] =	vst v52  }
0x209: {  	v59 =	vbroadcast v24, $0xA;
	v58 =	vadd.f32 v55, v41;
	[tilespmem:$0x7560] =	vst v54  }
0x20a: {  	v61 =	vbroadcast v24, $0xB;
	v60 =	vadd.f32 v57, v41;
	[tilespmem:$0x7570] =	vst v56  }
0x20b: {  	v63 =	vbroadcast v24, $0xC;
	v62 =	vadd.f32 v59, v41;
	[tilespmem:$0x7580] =	vst v58  }
0x20c: {  	v33 =	vbroadcast v24, $0xD;
	v32 =	vadd.f32 v61, v41;
	[tilespmem:$0x7590] =	vst v60  }
0x20d: {  	v35 =	vbroadcast v24, $0xE;
	v34 =	vadd.f32 v63, v41;
	[tilespmem:$0x75A0] =	vst v62  }
0x20e: {  	v24 =	vbroadcast v24, $0xF;
	v36 =	vadd.f32 v33, v41;
	[tilespmem:$0x75B0] =	vst v32  }
0x20f: {  	v37 =	vadd.f32 v35, v41;
	[tilespmem:$0x75C0] =	vst v34  }
0x210: {  	v24 =	vadd.f32 v24, v41;
	[tilespmem:$0x75D0] =	vst v36  }
0x211: {  	[tilespmem:$0x75E0] =	vst v37  }
0x212: {  	[tilespmem:$0x75F0] =	vst v24  }
0x213: {  	v24 =	vld.idx.msk [tilespmem:v22+s2+$0x0], $0xffff;
	_ =	sdelay $0x1  }
0x214: {  	v38 =	vld.idx.msk [tilespmem:v22+s30+$0x0], $0xffff;
	_ =	sdelay $0x2  }
0x215: {  	v39 =	vbroadcast v24, $0x0  }
0x216: {  	v40 =	vbroadcast v24, $0x1  }
0x217: {  	v41 =	vbroadcast v24, $0x2;
	v26 =	vadd.f32 v39, v38  }
0x218: {  	v42 =	vbroadcast v24, $0x3;
	v27 =	vadd.f32 v40, v38  }
0x219: {  	v44 =	vbroadcast v24, $0x4;
	v43 =	vadd.f32 v41, v38;
	[tilespmem:$0x7600] =	vst v26  }
0x21a: {  	v46 =	vbroadcast v24, $0x5;
	v45 =	vadd.f32 v42, v38;
	[tilespmem:$0x7610] =	vst v27  }
0x21b: {  	v48 =	vbroadcast v24, $0x6;
	v47 =	vadd.f32 v44, v38;
	[tilespmem:$0x7620] =	vst v43  }
0x21c: {  	v50 =	vbroadcast v24, $0x7;
	v49 =	vadd.f32 v46, v38;
	[tilespmem:$0x7630] =	vst v45  }
0x21d: {  	v52 =	vbroadcast v24, $0x8;
	v51 =	vadd.f32 v48, v38;
	[tilespmem:$0x7640] =	vst v47  }
0x21e: {  	v54 =	vbroadcast v24, $0x9;
	v53 =	vadd.f32 v50, v38;
	[tilespmem:$0x7650] =	vst v49  }
0x21f: {  	v56 =	vbroadcast v24, $0xA;
	v55 =	vadd.f32 v52, v38;
	[tilespmem:$0x7660] =	vst v51  }
0x220: {  	v58 =	vbroadcast v24, $0xB;
	v57 =	vadd.f32 v54, v38;
	[tilespmem:$0x7670] =	vst v53  }
0x221: {  	v60 =	vbroadcast v24, $0xC;
	v59 =	vadd.f32 v56, v38;
	[tilespmem:$0x7680] =	vst v55  }
0x222: {  	v62 =	vbroadcast v24, $0xD;
	v61 =	vadd.f32 v58, v38;
	[tilespmem:$0x7690] =	vst v57  }
0x223: {  	v32 =	vbroadcast v24, $0xE;
	v63 =	vadd.f32 v60, v38;
	[tilespmem:$0x76A0] =	vst v59  }
0x224: {  	v24 =	vbroadcast v24, $0xF;
	v33 =	vadd.f32 v62, v38;
	[tilespmem:$0x76B0] =	vst v61  }
0x225: {  	v34 =	vadd.f32 v32, v38;
	[tilespmem:$0x76C0] =	vst v63  }
0x226: {  	v24 =	vadd.f32 v24, v38;
	[tilespmem:$0x76D0] =	vst v33  }
0x227: {  	[tilespmem:$0x76E0] =	vst v34  }
0x228: {  	[tilespmem:$0x76F0] =	vst v24  }
0x229: {  	v24 =	vld.idx.msk [tilespmem:v23+s2+$0x0], $0xffff;
	_ =	sdelay $0x1  }
0x22a: {  	v35 =	vld.idx.msk [tilespmem:v23+s30+$0x0], $0xffff;
	_ =	sdelay $0x2  }
0x22b: {  	v36 =	vbroadcast v24, $0x0  }
0x22c: {  	v37 =	vbroadcast v24, $0x1  }
0x22d: {  	v38 =	vbroadcast v24, $0x2;
	v26 =	vadd.f32 v36, v35  }
0x22e: {  	v39 =	vbroadcast v24, $0x3;
	v27 =	vadd.f32 v37, v35  }
0x22f: {  	v41 =	vbroadcast v24, $0x4;
	v40 =	vadd.f32 v38, v35;
	[tilespmem:$0x7700] =	vst v26  }
0x230: {  	v43 =	vbroadcast v24, $0x5;
	v42 =	vadd.f32 v39, v35;
	[tilespmem:$0x7710] =	vst v27  }
0x231: {  	v45 =	vbroadcast v24, $0x6;
	v44 =	vadd.f32 v41, v35;
	[tilespmem:$0x7720] =	vst v40  }
0x232: {  	v47 =	vbroadcast v24, $0x7;
	v46 =	vadd.f32 v43, v35;
	[tilespmem:$0x7730] =	vst v42  }
0x233: {  	v49 =	vbroadcast v24, $0x8;
	v48 =	vadd.f32 v45, v35;
	[tilespmem:$0x7740] =	vst v44  }
0x234: {  	v51 =	vbroadcast v24, $0x9;
	v50 =	vadd.f32 v47, v35;
	[tilespmem:$0x7750] =	vst v46  }
0x235: {  	v53 =	vbroadcast v24, $0xA;
	v52 =	vadd.f32 v49, v35;
	[tilespmem:$0x7760] =	vst v48  }
0x236: {  	v55 =	vbroadcast v24, $0xB;
	v54 =	vadd.f32 v51, v35;
	[tilespmem:$0x7770] =	vst v50  }
0x237: {  	v57 =	vbroadcast v24, $0xC;
	v56 =	vadd.f32 v53, v35;
	[tilespmem:$0x7780] =	vst v52  }
0x238: {  	v59 =	vbroadcast v24, $0xD;
	v58 =	vadd.f32 v55, v35;
	[tilespmem:$0x7790] =	vst v54  }
0x239: {  	v61 =	vbroadcast v24, $0xE;
	v60 =	vadd.f32 v57, v35;
	[tilespmem:$0x77A0] =	vst v56  }
0x23a: {  	v24 =	vbroadcast v24, $0xF;
	v62 =	vadd.f32 v59, v35;
	[tilespmem:$0x77B0] =	vst v58  }
0x23b: {  	v63 =	vadd.f32 v61, v35;
	[tilespmem:$0x77C0] =	vst v60  }
0x23c: {  	v24 =	vadd.f32 v24, v35;
	[tilespmem:$0x77D0] =	vst v62  }
0x23d: {  	[tilespmem:$0x77E0] =	vst v63  }
0x23e: {  	[tilespmem:$0x77F0] =	vst v24  }
0x23f: {  	[hbm4b:s3+s2] =	stream.linear.scatter [tilespmem:s31], [sflag:$0x1], $0x1800, $0x38;
	[tilespmem:$0x7800] =	vst v63  }
0x240: {  	s0 =	rddreg [dreg:$0x5]  }
0x241: {  	[hbm4b:s0+s2] =	stream.linear.scatter [tilespmem:s31], [sflag:$0x1], $0x1800, $0x38;
	[tilespmem:$0x7800] =	vst v63  }
0x242: {  	s4 =	rddreg [dreg:$0x6]  }
0x243: {  	[hbm4b:s4+s2] =	stream.linear.scatter [tilespmem:s31], [sflag:$0x1], $0x1800, $0x38;
	[tilespmem:$0x7800] =	vst v63  }
0x244: {  	s0 =	rddreg [dreg:$0x7]  }
0x245: {  	[hbm4b:s0+s2] =	stream.linear.scatter [tilespmem:s31], [sflag:$0x1], $0x1800, $0x38;
	[tilespmem:$0x7800] =	vst v63  }
0x246: {  	s4 =	rddreg [dreg:$0x8]  }
0x247: {  	[hbm4b:s4+s2] =	stream.linear.scatter [tilespmem:s31], [sflag:$0x1], $0x1800, $0x38;
	[tilespmem:$0x7800] =	vst v63  }
0x248: {  	s0 =	rddreg [dreg:$0x9]  }
0x249: {  	[hbm4b:s0+s2] =	stream.linear.scatter [tilespmem:s31], [sflag:$0x1], $0x1800, $0x38;
	[tilespmem:$0x7800] =	vst v63  }
0x24a: {  	s4 =	rddreg [dreg:$0xa]  }
0x24b: {  	[hbm4b:s4+s2] =	stream.linear.scatter [tilespmem:s31], [sflag:$0x1], $0x1800, $0x38;
	[tilespmem:$0x7800] =	vst v63  }
0x24c: {  	s0 =	rddreg [dreg:$0xb]  }
0x24d: {  	[hbm4b:s0+s2] =	stream.linear.scatter [tilespmem:s31], [sflag:$0x1], $0x1800, $0x38;
	[tilespmem:$0x7800] =	vst v63  }
0x24e: {  	s4 =	rddreg [dreg:$0xc]  }
0x24f: {  	[hbm4b:s4+s2] =	stream.linear.scatter [tilespmem:s31], [sflag:$0x1], $0x1800, $0x38;
	[tilespmem:$0x7800] =	vst v63  }
0x250: {  	s4 =	rddreg [dreg:$0xd]  }
0x251: {  	[hbm4b:s4+s2] =	stream.linear.scatter [tilespmem:s31], [sflag:$0x1], $0x1800, $0x38;
	[tilespmem:$0x7800] =	vst v63  }
0x252: {  	_ = 	snop  }
0x253: {  	[hbm4b:s5+s2] =	stream.linear.scatter [tilespmem:s31], [sflag:$0x1], $0x1800, $0x38;
	[tilespmem:$0x7800] =	vst v63  }
0x254: {  	_ = 	snop  }
0x255: {  	[hbm4b:s6+s2] =	stream.linear.scatter [tilespmem:s31], [sflag:$0x1], $0x1800, $0x38;
	[tilespmem:$0x7800] =	vst v63  }
0x256: {  	_ = 	snop  }
0x257: {  	[hbm4b:s7+s2] =	stream.linear.scatter [tilespmem:s31], [sflag:$0x1], $0x1800, $0x38;
	[tilespmem:$0x7800] =	vst v63  }
0x258: {  	_ = 	snop  }
0x259: {  	[hbm4b:s8+s2] =	stream.linear.scatter [tilespmem:s31], [sflag:$0x1], $0x1800, $0x38;
	[tilespmem:$0x7800] =	vst v63  }
0x25a: {  	_ = 	snop  }
0x25b: {  	[hbm4b:s9+s2] =	stream.linear.scatter [tilespmem:s31], [sflag:$0x1], $0x1800, $0x38;
	[tilespmem:$0x7800] =	vst v63  }
0x25c: {  	_ = 	snop  }
0x25d: {  	[hbm4b:s10+s2] =	stream.linear.scatter [tilespmem:s31], [sflag:$0x1], $0x1800, $0x38;
	[tilespmem:$0x7800] =	vst v63  }
0x25e: {  	_ = 	snop  }
0x25f: {  	[hbm4b:s11+s2] =	stream.linear.scatter [tilespmem:s31], [sflag:$0x1], $0x1800, $0x38;
	[tilespmem:$0x7800] =	vst v63  }
0x260: {  	_ = 	snop  }
0x261: {  	[hbm4b:s12+s2] =	stream.linear.scatter [tilespmem:s31], [sflag:$0x1], $0x1800, $0x38;
	[tilespmem:$0x7800] =	vst v63  }
0x262: {  	_ = 	snop  }
0x263: {  	[hbm4b:s13+s2] =	stream.linear.scatter [tilespmem:s31], [sflag:$0x1], $0x1800, $0x38;
	[tilespmem:$0x7800] =	vst v63  }
0x264: {  	_ = 	snop  }
0x265: {  	[hbm4b:s14+s2] =	stream.linear.scatter [tilespmem:s31], [sflag:$0x1], $0x1800, $0x38;
	[tilespmem:$0x7800] =	vst v63  }
0x266: {  	_ = 	snop  }
0x267: {  	[hbm4b:s15+s2] =	stream.linear.scatter [tilespmem:s31], [sflag:$0x1], $0x1800, $0x38;
	[tilespmem:$0x7800] =	vst v63  }
0x268: {  	_ = 	snop  }
0x269: {  	[hbm4b:s16+s2] =	stream.linear.scatter [tilespmem:s31], [sflag:$0x1], $0x1800, $0x38;
	[tilespmem:$0x7800] =	vst v63  }
0x26a: {  	_ = 	snop  }
0x26b: {  	[hbm4b:s17+s2] =	stream.linear.scatter [tilespmem:s31], [sflag:$0x1], $0x1800, $0x38;
	[tilespmem:$0x7800] =	vst v63  }
0x26c: {  	_ = 	snop  }
0x26d: {  	[hbm4b:s18+s2] =	stream.linear.scatter [tilespmem:s31], [sflag:$0x1], $0x1800, $0x38;
	[tilespmem:$0x7800] =	vst v63  }
0x26e: {  	_ = 	snop  }
0x26f: {  	[hbm4b:s19+s2] =	stream.linear.scatter [tilespmem:s31], [sflag:$0x1], $0x1800, $0x38;
	[tilespmem:$0x7800] =	vst v63  }
0x270: {  	_ = 	snop  }
0x271: {  	[hbm4b:s20+s2] =	stream.linear.scatter [tilespmem:s31], [sflag:$0x1], $0x1800, $0x38;
	[tilespmem:$0x7800] =	vst v63  }
0x272: {  	_ = 	snop  }
0x273: {  	[hbm4b:s21+s2] =	stream.linear.scatter [tilespmem:s31], [sflag:$0x1], $0x1800, $0x38;
	[tilespmem:$0x7800] =	vst v63  }
0x274: {  	_ = 	snop  }
0x275: {  	[hbm4b:s22+s2] =	stream.linear.scatter [tilespmem:s31], [sflag:$0x1], $0x1800, $0x38;
	[tilespmem:$0x7800] =	vst v63  }
0x276: {  	_ = 	snop  }
0x277: {  	[hbm4b:s23+s2] =	stream.linear.scatter [tilespmem:s31], [sflag:$0x1], $0x1800, $0x38;
	[tilespmem:$0x7800] =	vst v63  }
0x278: {  	_ = 	snop  }
0x279: {  	[hbm4b:s24+s2] =	stream.linear.scatter [tilespmem:s31], [sflag:$0x1], $0x1800, $0x38;
	[tilespmem:$0x7800] =	vst v63  }
0x27a: {  	_ = 	snop  }
0x27b: {  	[hbm4b:s26+s2] =	stream.linear.scatter [tilespmem:s31], [sflag:$0x1], $0x1800, $0x38;
	[tilespmem:$0x7800] =	vst v63  }
0x27c: {  	_ = 	snop  }
0x27d: {  	[hbm4b:s28+s2] =	stream.linear.scatter [tilespmem:s31], [sflag:$0x1], $0x1800, $0x38;
	[tilespmem:$0x7800] =	vst v63  }
0x27e: {  	_ =	swait.ge [sflag:s1], $0x1800  }
0x27f: {  	[sflag:s1] =	ssyncset.done $0x0  }
0x280: {  	[sflag:s1] =	ssyncadd.s32 $0xFFFFE800  }
0x281: {  	_ =	swait.ge [sflag:s1], $0x1800  }
0x282: {  	[sflag:s1] =	ssyncset.done $0x0  }
0x283: {  	[sflag:s1] =	ssyncadd.s32 $0xFFFFE800  }
0x284: {  	_ =	swait.ge [sflag:s1], $0x1800  }
0x285: {  	[sflag:s1] =	ssyncset.done $0x0  }
0x286: {  	[sflag:s1] =	ssyncadd.s32 $0xFFFFE800  }
0x287: {  	_ =	swait.ge [sflag:s1], $0x1800  }
0x288: {  	[sflag:s1] =	ssyncset.done $0x0  }
0x289: {  	[sflag:s1] =	ssyncadd.s32 $0xFFFFE800  }
0x28a: {  	_ =	swait.ge [sflag:s1], $0x1800  }
0x28b: {  	[sflag:s1] =	ssyncset.done $0x0  }
0x28c: {  	[sflag:s1] =	ssyncadd.s32 $0xFFFFE800  }
0x28d: {  	_ =	swait.ge [sflag:s1], $0x1800  }
0x28e: {  	[sflag:s1] =	ssyncset.done $0x0  }
0x28f: {  	[sflag:s1] =	ssyncadd.s32 $0xFFFFE800  }
0x290: {  	_ =	swait.ge [sflag:s1], $0x1800  }
0x291: {  	[sflag:s1] =	ssyncset.done $0x0  }
0x292: {  	[sflag:s1] =	ssyncadd.s32 $0xFFFFE800  }
0x293: {  	_ =	swait.ge [sflag:s1], $0x1800  }
0x294: {  	[sflag:s1] =	ssyncset.done $0x0  }
0x295: {  	[sflag:s1] =	ssyncadd.s32 $0xFFFFE800  }
0x296: {  	_ =	swait.ge [sflag:s1], $0x1800  }
0x297: {  	[sflag:s1] =	ssyncset.done $0x0  }
0x298: {  	[sflag:s1] =	ssyncadd.s32 $0xFFFFE800  }
0x299: {  	_ =	swait.ge [sflag:s1], $0x1800  }
0x29a: {  	[sflag:s1] =	ssyncset.done $0x0  }
0x29b: {  	[sflag:s1] =	ssyncadd.s32 $0xFFFFE800  }
0x29c: {  	_ =	swait.ge [sflag:s1], $0x1800  }
0x29d: {  	[sflag:s1] =	ssyncset.done $0x0  }
0x29e: {  	[sflag:s1] =	ssyncadd.s32 $0xFFFFE800  }
0x29f: {  	_ =	swait.ge [sflag:s1], $0x1800  }
0x2a0: {  	[sflag:s1] =	ssyncset.done $0x0  }
0x2a1: {  	[sflag:s1] =	ssyncadd.s32 $0xFFFFE800  }
0x2a2: {  	_ =	swait.ge [sflag:s1], $0x1800  }
0x2a3: {  	[sflag:s1] =	ssyncset.done $0x0  }
0x2a4: {  	[sflag:s1] =	ssyncadd.s32 $0xFFFFE800  }
0x2a5: {  	_ =	swait.ge [sflag:s1], $0x1800  }
0x2a6: {  	[sflag:s1] =	ssyncset.done $0x0  }
0x2a7: {  	[sflag:s1] =	ssyncadd.s32 $0xFFFFE800  }
0x2a8: {  	_ =	swait.ge [sflag:s1], $0x1800  }
0x2a9: {  	[sflag:s1] =	ssyncset.done $0x0  }
0x2aa: {  	[sflag:s1] =	ssyncadd.s32 $0xFFFFE800  }
0x2ab: {  	_ =	swait.ge [sflag:s1], $0x1800  }
0x2ac: {  	[sflag:s1] =	ssyncset.done $0x0  }
0x2ad: {  	[sflag:s1] =	ssyncadd.s32 $0xFFFFE800  }
0x2ae: {  	_ =	swait.ge [sflag:s1], $0x1800  }
0x2af: {  	[sflag:s1] =	ssyncset.done $0x0  }
0x2b0: {  	[sflag:s1] =	ssyncadd.s32 $0xFFFFE800  }
0x2b1: {  	_ =	swait.ge [sflag:s1], $0x1800  }
0x2b2: {  	[sflag:s1] =	ssyncset.done $0x0  }
0x2b3: {  	[sflag:s1] =	ssyncadd.s32 $0xFFFFE800  }
0x2b4: {  	_ =	swait.ge [sflag:s1], $0x1800  }
0x2b5: {  	[sflag:s1] =	ssyncset.done $0x0  }
0x2b6: {  	[sflag:s1] =	ssyncadd.s32 $0xFFFFE800  }
0x2b7: {  	_ =	swait.ge [sflag:s1], $0x1800  }
0x2b8: {  	[sflag:s1] =	ssyncset.done $0x0  }
0x2b9: {  	[sflag:s1] =	ssyncadd.s32 $0xFFFFE800  }
0x2ba: {  	_ =	swait.ge [sflag:s1], $0x1800  }
0x2bb: {  	[sflag:s1] =	ssyncset.done $0x0  }
0x2bc: {  	[sflag:s1] =	ssyncadd.s32 $0xFFFFE800  }
0x2bd: {  	_ =	swait.ge [sflag:s1], $0x1800  }
0x2be: {  	[sflag:s1] =	ssyncset.done $0x0  }
0x2bf: {  	[sflag:s1] =	ssyncadd.s32 $0xFFFFE800  }
0x2c0: {  	_ =	swait.ge [sflag:s1], $0x1800  }
0x2c1: {  	[sflag:s1] =	ssyncset.done $0x0  }
0x2c2: {  	[sflag:s1] =	ssyncadd.s32 $0xFFFFE800  }
0x2c3: {  	_ =	swait.ge [sflag:s1], $0x1800  }
0x2c4: {  	[sflag:s1] =	ssyncset.done $0x0  }
0x2c5: {  	[sflag:s1] =	ssyncadd.s32 $0xFFFFE800  }
0x2c6: {  	_ =	swait.ge [sflag:s1], $0x1800  }
0x2c7: {  	[sflag:s1] =	ssyncset.done $0x0  }
0x2c8: {  	[sflag:s1] =	ssyncadd.s32 $0xFFFFE800  }
0x2c9: {  	_ =	swait.ge [sflag:s1], $0x1800  }
0x2ca: {  	[sflag:s1] =	ssyncset.done $0x0  }
0x2cb: {  	[sflag:s1] =	ssyncadd.s32 $0xFFFFE800  }
0x2cc: {  	_ =	swait.ge [sflag:s1], $0x1800  }
0x2cd: {  	[sflag:s1] =	ssyncset.done $0x0  }
0x2ce: {  	[sflag:s1] =	ssyncadd.s32 $0xFFFFE800  }
0x2cf: {  	_ =	swait.ge [sflag:s1], $0x1800  }
0x2d0: {  	[sflag:s1] =	ssyncset.done $0x0  }
0x2d1: {  	[sflag:s1] =	ssyncadd.s32 $0xFFFFE800  }
0x2d2: {  	_ =	swait.ge [sflag:s1], $0x1800  }
0x2d3: {  	[sflag:s1] =	ssyncset.done $0x0  }
0x2d4: {  	[sflag:s1] =	ssyncadd.s32 $0xFFFFE800  }
0x2d5: {  	_ =	swait.ge [sflag:s1], $0x1800  }
0x2d6: {  	[sflag:s1] =	ssyncset.done $0x0  }
0x2d7: {  	[sflag:s1] =	ssyncadd.s32 $0xFFFFE800  }
0x2d8: {  	p0 =	sne.s32 s25, $0x1;
	_ =	swait.ge [sflag:s1], $0x1800  }
.Ltmp0:
0x2d9: {  	[sflag:s1] =	ssyncset.done $0x0;
	(pc) =	sbr.rel @p0 .LBB2_1-.Ltmp0, $4  }
0x2da: {  	[sflag:s1] =	ssyncadd.s32 $0xFFFFE800  }
0x2db: {  	_ =	swait.ge [sflag:s1], $0x1800  }
0x2dc: {  	[sflag:s1] =	ssyncset.done $0x0  }
0x2dd: {  	s25 =	sadd.s32 $0xFFFFFFFF, s25;
	[sflag:s1] =	ssyncadd.s32 $0xFFFFE800  }
0x2de: {  	_ =	sfence.sel $0x180000  }
0x2df: {  	[bflag:$0x0] =	sbarrier.arrive $0xFFFF  }
0x2e0: {  	_ =	strace $0x90000047  }
0x2e1: {  	s0 =	stileid.u32;
	[bflag:$0x2] =	sbarrier.arrive $0xFFFF  }
0x2e2: {  	p0 =	sne.s32 s0, $0x0;
	s0 =	rddreg [dreg:$0x2]  }
0x2e3: {  	s0 =	sadd.s32 @!p0 $0x100000, s0  }
0x2e4: {  	[sflag:s0] =	ssyncadd.tile.s32 @!p0 $0x1;
	_ =	shalt  }
.Lfunc_end2:
_tile_overlayer_lowered:
.L_overlay_start_2:
0x2e5: {  	(tag) =	ssettag $0x2  }
0x2e6: {  	s0 =	rddreg [dreg:$0x0];
	s2 =	stileid.u32  }
0x2e7: {  	s1 =	rddreg [dreg:$0x1];
	p0 =	sne.s32 s2, $0x0  }
0x2e8: {  	s3 =	rddreg [dreg:$0x2];
	[bflag:$0x3] =	sbarrier.arrive $0xFFFF;
	s2 =	simm.s32 @!p0 $0x1C02  }
0x2e9: {  	[timem:s3], [sflag:s2] =	dma.local @!p0 [hbm:s0], s1  }
0x2ea: {  	s0 =	simm.s32 @!p0 $0x2  }
0x2eb: {  	_ =	swait.ge @!p0 [sflag:s0], s1  }
0x2ec: {  	s1 =	ssub.s32 @!p0 $0x0, s1;
	[sflag:s0] =	ssyncset.done @!p0 $0x0  }
0x2ed: {  	[sflag:s0] =	ssyncadd.s32 @!p0 s1  }
0x2ee: {  	[bflag:$0x3] =	sbarrier.arrive $0xFFFF  }
0x2ef: {  	_ =	shalt  }

</sc_bundles>
